<compile_context>
chip_gen: v7x
topology: tpu7x:2x2x1
jax: 0.10.2.dev20260603
libtpu: 0.0.44.dev20260713+nightly
codegen_flags: <defaults>
</compile_context>

<pallas_src>
import functools
import jax
import jax.numpy as jnp
from jax import lax
from jax.experimental import pallas as pl
from jax.experimental.pallas import tpu as pltpu
from jax.experimental.pallas import tpu_sc as plsc

N_NODES = 10000
N_EDGES = 320000
D = 128
N_GRAPHS = 64
N_CLASSES = 10

NC = 2
NS = 16
NW = NC * NS
EPW = N_EDGES // NW
CHUNK = 80
NIT = EPW // CHUNK
NBUF = 4
NPAD = 10112
RPS = NPAD // NS

def _mesh():
    return plsc.VectorSubcoreMesh(core_axis_name="c", subcore_axis_name="s")


def _zero_vmem_2d(ref, rows, cols):
    z = jnp.zeros((16,), jnp.float32)
    def body(r, _):
        for c in range(cols // 16):
            ref[r, pl.ds(c * 16, 16)] = z
        return _
    lax.fori_loop(0, rows, body, None)



def _deg_body(dst3_hbm, out_hbm, d0, d1, d2, ones_v, stage_v, deg_sh, sem_i):
    c = lax.axis_index("c")
    s = lax.axis_index("s")
    w = c * NS + s
    one = jnp.ones((16,), jnp.float32)
    dbufs = (d0, d1, d2)

    _zero_vmem_2d(stage_v, CHUNK, 16)
    for j in range(7):
        pltpu.sync_copy(stage_v, deg_sh.at[pl.ds(s * RPS + j * CHUNK, CHUNK)])
    pltpu.sync_copy(stage_v.at[pl.ds(0, RPS - 7 * CHUNK)],
                    deg_sh.at[pl.ds(s * RPS + 7 * CHUNK, RPS - 7 * CHUNK)])
    def fill(r, _):
        ones_v[r, pl.ds(0, 16)] = one
        return _
    lax.fori_loop(0, CHUNK, fill, None)
    plsc.subcore_barrier()

    pltpu.async_copy(dst3_hbm.at[w, 0], d0, sem_i)
    pltpu.async_copy(dst3_hbm.at[w, 1], d1, sem_i)

    def step(i, _):
        for k in range(3):
            @pl.when(lax.rem(i, 3) == k)
            def _(k=k):
                @pl.when(i + 2 < NIT)
                def _():
                    pltpu.async_copy(dst3_hbm.at[w, i + 2],
                                     dbufs[(k + 2) % 3], sem_i)
                pltpu.make_async_copy(dst3_hbm.at[w, i], dbufs[k],
                                      sem_i).wait()
                pltpu.sync_copy(ones_v, deg_sh.at[dbufs[k]], add=True)
        return _
    lax.fori_loop(0, NIT, step, None)
    plsc.subcore_barrier()

    pltpu.sync_copy(deg_sh.at[pl.ds(s * RPS, RPS)],
                    out_hbm.at[c, pl.ds(s * RPS, RPS)])



def _edge_body(src3_hbm, dst3_hbm, hs_hbm, out0_hbm, out1_hbm,
               s0, s1, s2, s3, d0, d1, d2, d3, r0, r1, r2, r3,
               acc_sh, sem_g, sem_i, sem_s):
    c = lax.axis_index("c")
    s = lax.axis_index("s")
    w = c * NS + s
    sbufs = (s0, s1, s2, s3)
    dbufs = (d0, d1, d2, d3)
    rows = (r0, r1, r2, r3)

    _zero_vmem_2d(r0, CHUNK, D)
    for j in range(7):
        pltpu.sync_copy(r0, acc_sh.at[pl.ds(s * RPS + j * CHUNK, CHUNK)])
    pltpu.sync_copy(r0.at[pl.ds(0, RPS - 7 * CHUNK)],
                    acc_sh.at[pl.ds(s * RPS + 7 * CHUNK, RPS - 7 * CHUNK)])
    plsc.subcore_barrier()

    for j in range(3):
        pltpu.async_copy(src3_hbm.at[w, j], sbufs[j], sem_i)
        pltpu.async_copy(dst3_hbm.at[w, j], dbufs[j], sem_i)
    pltpu.make_async_copy(src3_hbm.at[w, 0], s0, sem_i).wait()
    pltpu.make_async_copy(dst3_hbm.at[w, 0], d0, sem_i).wait()
    pltpu.async_copy(hs_hbm.at[s0], r0, sem_g)

    def step(i, _):
        for k in range(NBUF):
            @pl.when(lax.rem(i, NBUF) == k)
            def _(k=k):
                kn = (k + 1) % NBUF
                kp = (k + 3) % NBUF
                km = (k + 3) % NBUF
                pltpu.make_async_copy(hs_hbm.at[sbufs[k]], rows[k],
                                      sem_g).wait()
                @pl.when(i >= 1)
                def _():
                    pltpu.make_async_copy(rows[km], acc_sh.at[dbufs[km]],
                                          sem_s).wait()
                @pl.when(i + 3 < NIT)
                def _():
                    pltpu.async_copy(src3_hbm.at[w, i + 3], sbufs[kp], sem_i)
                    pltpu.async_copy(dst3_hbm.at[w, i + 3], dbufs[kp], sem_i)
                @pl.when(i + 1 < NIT)
                def _():
                    pltpu.make_async_copy(src3_hbm.at[w, i + 1], sbufs[kn],
                                          sem_i).wait()
                    pltpu.make_async_copy(dst3_hbm.at[w, i + 1], dbufs[kn],
                                          sem_i).wait()
                    pltpu.async_copy(hs_hbm.at[sbufs[kn]], rows[kn], sem_g)
                pltpu.async_copy(rows[k], acc_sh.at[dbufs[k]], sem_s,
                                 add=True)
        return _
    lax.fori_loop(0, NIT, step, None)
    kl = (NIT - 1) % NBUF
    pltpu.make_async_copy(rows[kl], acc_sh.at[dbufs[kl]], sem_s).wait()
    plsc.subcore_barrier()

    @pl.when(c == 0)
    def _():
        pltpu.sync_copy(acc_sh.at[pl.ds(s * RPS, RPS)],
                        out0_hbm.at[pl.ds(s * RPS, RPS)])
    @pl.when(c == 1)
    def _():
        pltpu.sync_copy(acc_sh.at[pl.ds(s * RPS, RPS)],
                        out1_hbm.at[pl.ds(s * RPS, RPS)])


@functools.cache
def _sc_kernels():
    deg = pl.kernel(
        _deg_body,
        out_type=jax.ShapeDtypeStruct((NC, NPAD, 16), jnp.float32),
        mesh=_mesh(),
        scratch_types=[
            pltpu.VMEM((CHUNK,), jnp.int32),
            pltpu.VMEM((CHUNK,), jnp.int32),
            pltpu.VMEM((CHUNK,), jnp.int32),
            pltpu.VMEM((CHUNK, 16), jnp.float32),
            pltpu.VMEM((CHUNK, 16), jnp.float32),
            pltpu.VMEM_SHARED((NPAD, 16), jnp.float32),
            pltpu.SemaphoreType.DMA,
        ],
    )
    edge = pl.kernel(
        _edge_body,
        out_type=[jax.ShapeDtypeStruct((NPAD, D), jnp.float32),
                  jax.ShapeDtypeStruct((NPAD, D), jnp.float32)],
        mesh=_mesh(),
        scratch_types=(
            [pltpu.VMEM((CHUNK,), jnp.int32)] * 8
            + [pltpu.VMEM((CHUNK, D), jnp.float32)] * 4
            + [pltpu.VMEM_SHARED((NPAD, D), jnp.float32),
               pltpu.SemaphoreType.DMA,
               pltpu.SemaphoreType.DMA,
               pltpu.SemaphoreType.DMA]
        ),
    )
    return deg, edge



BLK = 1000
NBLK = N_NODES // BLK
FBLK = 400
NFBLK = N_NODES // FBLK

_dot = functools.partial(jnp.dot, preferred_element_type=jnp.float32,
                         precision=lax.Precision.HIGHEST)


def _tc_pre_body(x_ref, w_ref, d0_ref, d1_ref, hs_ref, dinv_ref):
    deg = jnp.sum(d0_ref[0][:, :1] + d1_ref[0][:, :1], axis=1,
                  keepdims=True) + 1.0
    dinv = lax.rsqrt(deg)
    h = _dot(x_ref[...], w_ref[...])
    hs_ref[...] = dinv * h
    dinv_ref[...] = dinv


def _tc_pre(x, W1, dp):
    return pl.pallas_call(
        _tc_pre_body,
        grid=(NFBLK,),
        in_specs=[
            pl.BlockSpec((FBLK, D), lambda i: (i, 0)),
            pl.BlockSpec((D, D), lambda i: (0, 0)),
            pl.BlockSpec((1, FBLK, 16), lambda i: (0, i, 0)),
            pl.BlockSpec((1, FBLK, 16), lambda i: (1, i, 0)),
        ],
        out_specs=[
            pl.BlockSpec((FBLK, D), lambda i: (i, 0)),
            pl.BlockSpec((FBLK, 1), lambda i: (i, 0)),
        ],
        out_shape=[
            jax.ShapeDtypeStruct((N_NODES, D), jnp.float32),
            jax.ShapeDtypeStruct((N_NODES, 1), jnp.float32),
        ],
    )(x, W1, dp, dp)


def _tc_mid_body(a0_ref, a1_ref, hs_ref, dinv_ref, b_ref, w_ref, out_ref):
    dinv = dinv_ref[...]
    pre = dinv * (a0_ref[...] + a1_ref[...] + hs_ref[...]) + b_ref[...]
    x2 = jnp.maximum(pre, 0.0)
    out_ref[...] = dinv * _dot(x2, w_ref[...])


def _tc_mid(a0, a1, hs, dinv, b, W):
    return pl.pallas_call(
        _tc_mid_body,
        grid=(NBLK,),
        in_specs=[
            pl.BlockSpec((BLK, D), lambda i: (i, 0)),
            pl.BlockSpec((BLK, D), lambda i: (i, 0)),
            pl.BlockSpec((BLK, D), lambda i: (i, 0)),
            pl.BlockSpec((BLK, 1), lambda i: (i, 0)),
            pl.BlockSpec((1, D), lambda i: (0, 0)),
            pl.BlockSpec((D, D), lambda i: (0, 0)),
        ],
        out_specs=pl.BlockSpec((BLK, D), lambda i: (i, 0)),
        out_shape=jax.ShapeDtypeStruct((N_NODES, D), jnp.float32),
    )(a0, a1, hs, dinv, b, W)


def _tc_fin_body(a0_ref, a1_ref, hs_ref, dinv_ref, b_ref, brow_ref, bcol_ref,
                 wl_ref, bl_ref, out_ref, sum_ref, max_ref, cnt_ref):
    i = pl.program_id(0)

    @pl.when(i == 0)
    def _():
        sum_ref[...] = jnp.zeros((N_GRAPHS, D), jnp.float32)
        max_ref[...] = jnp.full((N_GRAPHS, D), -jnp.inf, jnp.float32)
        cnt_ref[...] = jnp.zeros((N_GRAPHS, 1), jnp.float32)

    h = dinv_ref[...] * (a0_ref[...] + a1_ref[...] + hs_ref[...]) + b_ref[...]

    ids_row = brow_ref[0]
    ids_col = bcol_ref[...]
    gi = lax.broadcasted_iota(jnp.int32, (N_GRAPHS, FBLK), 0)
    onehot = (ids_row == gi).astype(jnp.float32)

    sum_blk = _dot(onehot, h)
    cnt_blk = jnp.sum(onehot, axis=1, keepdims=True)

    v = h
    k = 1
    while k < FBLK:
        pv = jnp.concatenate(
            [jnp.full((k, D), -jnp.inf, jnp.float32), v[:-k]], axis=0)
        pid = jnp.concatenate(
            [jnp.full((k, 1), -1, jnp.int32), ids_col[:-k]], axis=0)
        v = jnp.where(pid == ids_col, jnp.maximum(v, pv), v)
        k *= 2
    nxt = jnp.concatenate(
        [ids_row[:, 1:], jnp.full((1, 1), -1, jnp.int32)], axis=1)
    last = (ids_row != nxt).astype(jnp.float32)
    maxseg = _dot(onehot * last, v)
    maxseg = jnp.where(cnt_blk > 0, maxseg, -jnp.inf)

    sum_ref[...] += sum_blk
    cnt_ref[...] += cnt_blk
    max_ref[...] = jnp.maximum(max_ref[...], maxseg)

    @pl.when(i == NFBLK - 1)
    def _():
        cnt = cnt_ref[...]
        mean = sum_ref[...] / jnp.maximum(cnt, 1.0)
        mx = jnp.where(cnt > 0, max_ref[...], 0.0)
        pooled = jnp.concatenate([mean, mx], axis=1)
        out_ref[...] = _dot(pooled, wl_ref[...]) + bl_ref[...]


def _tc_fin(a0, a1, hs, dinv, b, brow, bcol, Wl, bl):
    return pl.pallas_call(
        _tc_fin_body,
        grid=(NFBLK,),
        in_specs=[
            pl.BlockSpec((FBLK, D), lambda i: (i, 0)),
            pl.BlockSpec((FBLK, D), lambda i: (i, 0)),
            pl.BlockSpec((FBLK, D), lambda i: (i, 0)),
            pl.BlockSpec((FBLK, 1), lambda i: (i, 0)),
            pl.BlockSpec((1, D), lambda i: (0, 0)),
            pl.BlockSpec((1, 1, FBLK), lambda i: (i, 0, 0)),
            pl.BlockSpec((FBLK, 1), lambda i: (i, 0)),
            pl.BlockSpec((2 * D, N_CLASSES), lambda i: (0, 0)),
            pl.BlockSpec((1, N_CLASSES), lambda i: (0, 0)),
        ],
        out_specs=pl.BlockSpec((N_GRAPHS, N_CLASSES), lambda i: (0, 0)),
        out_shape=jax.ShapeDtypeStruct((N_GRAPHS, N_CLASSES), jnp.float32),
        scratch_shapes=[
            pltpu.VMEM((N_GRAPHS, D), jnp.float32),
            pltpu.VMEM((N_GRAPHS, D), jnp.float32),
            pltpu.VMEM((N_GRAPHS, 1), jnp.float32),
        ],
    )(a0, a1, hs, dinv, b, brow, bcol, Wl, bl)



def kernel(x, edge_index, batch, W1, b1, W2, b2, W3, b3, Wl, bl):
    src3 = edge_index[0].reshape(NW, NIT, CHUNK)
    dst3 = edge_index[1].reshape(NW, NIT, CHUNK)
    _deg_sc, _edge_sc = _sc_kernels()

    degp = _deg_sc(dst3)
    hs1, dinv = _tc_pre(x, W1, degp)
    a10, a11 = _edge_sc(src3, dst3, hs1)
    hs2 = _tc_mid(a10, a11, hs1, dinv, b1.reshape(1, D), W2)
    a20, a21 = _edge_sc(src3, dst3, hs2)
    hs3 = _tc_mid(a20, a21, hs2, dinv, b2.reshape(1, D), W3)
    a30, a31 = _edge_sc(src3, dst3, hs3)
    out = _tc_fin(a30, a31, hs3, dinv, b3.reshape(1, D),
                  batch.reshape(NFBLK, 1, FBLK), batch.reshape(N_NODES, 1),
                  Wl, bl.reshape(1, N_CLASSES))
    return out

# --- scband reference (transcript-rebuilt; emitter-appended) ---
"""Pipeline reference for scband-simple-gcn-48610439856174 (READ-ONLY COPY).

The authoritative reference and input builder live on the scoring server;
editing this copy changes nothing except your own understanding.
"""

import jax, jax.numpy as jnp
import numpy as np

N_NODES = 10000
N_EDGES = 320000
D_FEAT = 128
HIDDEN = 128
N_CLASSES = 10
N_GRAPHS = 64


def gcn_conv(x, edge_index, W, b):
    # PyG GCNConv: add self-loops, symmetric normalization D^-1/2 (A+I) D^-1/2 (X W) + b
    n = x.shape[0]
    loop = jnp.arange(n, dtype=edge_index.dtype)
    src = jnp.concatenate([edge_index[0], loop])
    dst = jnp.concatenate([edge_index[1], loop])
    deg = jnp.zeros((n,), x.dtype).at[dst].add(1.0)
    deg_inv_sqrt = jnp.where(deg > 0, jax.lax.rsqrt(jnp.maximum(deg, 1e-12)), 0.0)
    norm = deg_inv_sqrt[src] * deg_inv_sqrt[dst]
    h = x @ W
    msg = h[src] * norm[:, None]
    out = jnp.zeros_like(h).at[dst].add(msg)
    return out + b


def setup_inputs(seed: int = 0) -> dict:
    key = jax.random.key(seed)
    ks = jax.random.split(key, 12)
    x = jax.random.normal(ks[0], (N_NODES, D_FEAT), dtype=jnp.float32)
    edge_index = jax.random.randint(ks[1], (2, N_EDGES), 0, N_NODES, dtype=jnp.int64 if jax.config.read('jax_enable_x64') else jnp.int32).astype(jnp.int32)
    batch = jnp.sort(jax.random.randint(ks[2], (N_NODES,), 0, N_GRAPHS, dtype=jnp.int32))
    def glorot(k, fan_in, fan_out):
        s = (6.0 / (fan_in + fan_out)) ** 0.5
        return jax.random.uniform(k, (fan_in, fan_out), jnp.float32, -s, s)
    W1 = glorot(ks[3], D_FEAT, HIDDEN)
    b1 = jnp.zeros((HIDDEN,), jnp.float32)
    W2 = glorot(ks[4], HIDDEN, HIDDEN)
    b2 = jnp.zeros((HIDDEN,), jnp.float32)
    W3 = glorot(ks[5], HIDDEN, HIDDEN)
    b3 = jnp.zeros((HIDDEN,), jnp.float32)
    Wl = glorot(ks[6], HIDDEN * 2, N_CLASSES)
    bl = jnp.zeros((N_CLASSES,), jnp.float32)
    return {"x": x, "edge_index": edge_index, "batch": batch,
            "W1": W1, "b1": b1, "W2": W2, "b2": b2, "W3": W3, "b3": b3,
            "Wl": Wl, "bl": bl}


def reference(x, edge_index, batch, W1, b1, W2, b2, W3, b3, Wl, bl):
    h = jax.nn.relu(gcn_conv(x, edge_index, W1, b1))
    h = jax.nn.relu(gcn_conv(h, edge_index, W2, b2))
    h = gcn_conv(h, edge_index, W3, b3)
    counts = jax.ops.segment_sum(jnp.ones((h.shape[0],), h.dtype), batch, num_segments=N_GRAPHS)
    mean_pool = jax.ops.segment_sum(h, batch, num_segments=N_GRAPHS) / jnp.maximum(counts, 1.0)[:, None]
    max_pool = jax.ops.segment_max(h, batch, num_segments=N_GRAPHS)
    max_pool = jnp.where(counts[:, None] > 0, max_pool, 0.0)
    pooled = jnp.concatenate([mean_pool, max_pool], axis=-1)
    # dropout p=0.1 is identity at inference (training=False)
    return pooled @ Wl + bl

if __name__ == "__main__":
    import jax
    _d = setup_inputs()
    print(jax.jit(kernel)(*tuple(_d.values())))

</pallas_src>

<mosaic_0001>
#map = affine_map<(d0, d1) -> (0, 0, 0)>
module attributes {stable_mosaic.version = 14 : i64} {
  func.func @_deg_body(%arg0: i32, %arg1: i32, %arg2: memref<32x125x80xi32, #tpu.memory_space<hbm>>, %arg3: memref<2x10112x16xf32, #tpu.memory_space<hbm>>, %arg4: memref<80xi32, #tpu.memory_space<vmem>>, %arg5: memref<80xi32, #tpu.memory_space<vmem>>, %arg6: memref<80xi32, #tpu.memory_space<vmem>>, %arg7: memref<80x16xf32, #tpu.memory_space<vmem>>, %arg8: memref<80x16xf32, #tpu.memory_space<vmem>>, %arg9: memref<10112x16xf32, #tpu.memory_space<vmem_shared>>, %arg10: memref<!tpu.dma_semaphore, #tpu.memory_space<semaphore_mem>>) attributes {dimension_semantics = [#tpu.dimension_semantics<core_parallel>, #tpu.dimension_semantics<subcore_parallel>], iteration_bounds = array<i64: 2, 16>, scalar_prefetch = 0 : i64, scratch_operands = 7 : i64, tpu.core_type = #tpu.core_type<sc_vector_subcore>, window_params = [{transform_indices = #map}, {transform_indices = #map}]} {
    %mul3A = arith.constant 16 : i32
    %mul3A_0 = arith.muli %arg0, %mul3A : i32
    %add3A = arith.addi %mul3A_0, %arg1 : i32
    %broadcast_in_dim3A = arith.constant 1.000000e+00 : f32
    %broadcast_in_dim3A_1 = vector.broadcast %broadcast_in_dim3A : f32 to vector<16xf32>
    %broadcast_in_dim3A_2 = arith.constant 0.000000e+00 : f32
    %broadcast_in_dim3A_3 = vector.broadcast %broadcast_in_dim3A_2 : f32 to vector<16xf32>
    %scan3A = arith.constant 0 : i32
    %scan3A_4 = arith.constant 80 : i32
    %scan3A_5 = arith.addi %scan3A, %scan3A_4 : i32
    %scan3A_6 = arith.constant 1 : i32
    scf.for %scan3A_68 = %scan3A to %scan3A_5 step %scan3A_6  : i32 {
      %swap3A = arith.index_cast %scan3A_68 : i32 to index
      %swap3A_69 = arith.constant 0 : index
      %swap3A_70 = tpu.vector_load %arg8[%swap3A, %swap3A_69] {strides = array<i32>} : memref<80x16xf32, #tpu.memory_space<vmem>>, vector<1x16xf32>,
      %swap3A_71 = vector.shape_cast %swap3A_70 : vector<1x16xf32> to vector<16xf32>
      %swap3A_72 = vector.shape_cast %broadcast_in_dim3A_3 : vector<16xf32> to vector<1x16xf32>
      tpu.vector_store %arg8[%swap3A, %swap3A_69], %swap3A_72 {strides = array<i32>} : memref<80x16xf32, #tpu.memory_space<vmem>>, vector<1x16xf32>,
    }
    %scan3A_7 = arith.constant 80 : i32
    %mul3A_8 = arith.constant 632 : i32
    %mul3A_9 = arith.muli %arg1, %mul3A_8 : i32
    %add3A_10 = arith.constant 0 : i32
    %add3A_11 = arith.addi %mul3A_9, %add3A_10 : i32
    "tpu.region"() ({
      %run_scoped3A = tpu.sem_alloc : memref<!tpu.dma_semaphore, #tpu.memory_space<semaphore_mem>>
      %dma_start3A_68 = arith.constant 0 : i32
      %dma_start3A_69 = tpu.memref_slice %arg9[%add3A_11, %dma_start3A_68] : memref<10112x16xf32, #tpu.memory_space<vmem_shared>> -> memref<80x16xf32, #tpu.memory_space<vmem_shared>>
      %dma_start3A_70 = arith.constant 0 : i32
      %dma_start3A_71 = tpu.memref_slice %arg9[%add3A_11, %dma_start3A_70] : memref<10112x16xf32, #tpu.memory_space<vmem_shared>> -> memref<80x16xf32, #tpu.memory_space<vmem_shared>>
      tpu.enqueue_dma source(%arg8 : memref<80x16xf32, #tpu.memory_space<vmem>>) target(%dma_start3A_71 : memref<80x16xf32, #tpu.memory_space<vmem_shared>>) target_semaphore(%run_scoped3A : memref<!tpu.dma_semaphore, #tpu.memory_space<semaphore_mem>>)
      %dma_wait3A = arith.constant 0 : i32
      %dma_wait3A_72 = tpu.memref_slice %arg9[%add3A_11, %dma_wait3A] : memref<10112x16xf32, #tpu.memory_space<vmem_shared>> -> memref<80x16xf32, #tpu.memory_space<vmem_shared>>
      %dma_wait3A_73 = arith.constant 0 : i32
      %dma_wait3A_74 = tpu.memref_slice %arg9[%add3A_11, %dma_wait3A_73] : memref<10112x16xf32, #tpu.memory_space<vmem_shared>> -> memref<80x16xf32, #tpu.memory_space<vmem_shared>>
      tpu.wait_dma2 semaphore(%run_scoped3A : memref<!tpu.dma_semaphore, #tpu.memory_space<semaphore_mem>>) src(%arg8 : memref<80x16xf32, #tpu.memory_space<vmem>>) dst(%dma_wait3A_74 : memref<80x16xf32, #tpu.memory_space<vmem_shared>>)
      tpu.yield
    }) : () -> ()
    %mul3A_12 = arith.constant 632 : i32
    %mul3A_13 = arith.muli %arg1, %mul3A_12 : i32
    %add3A_14 = arith.constant 80 : i32
    %add3A_15 = arith.addi %mul3A_13, %add3A_14 : i32
    "tpu.region"() ({
      %run_scoped3A = tpu.sem_alloc : memref<!tpu.dma_semaphore, #tpu.memory_space<semaphore_mem>>
      %dma_start3A_68 = arith.constant 0 : i32
      %dma_start3A_69 = tpu.memref_slice %arg9[%add3A_15, %dma_start3A_68] : memref<10112x16xf32, #tpu.memory_space<vmem_shared>> -> memref<80x16xf32, #tpu.memory_space<vmem_shared>>
      %dma_start3A_70 = arith.constant 0 : i32
      %dma_start3A_71 = tpu.memref_slice %arg9[%add3A_15, %dma_start3A_70] : memref<10112x16xf32, #tpu.memory_space<vmem_shared>> -> memref<80x16xf32, #tpu.memory_space<vmem_shared>>
      tpu.enqueue_dma source(%arg8 : memref<80x16xf32, #tpu.memory_space<vmem>>) target(%dma_start3A_71 : memref<80x16xf32, #tpu.memory_space<vmem_shared>>) target_semaphore(%run_scoped3A : memref<!tpu.dma_semaphore, #tpu.memory_space<semaphore_mem>>)
      %dma_wait3A = arith.constant 0 : i32
      %dma_wait3A_72 = tpu.memref_slice %arg9[%add3A_15, %dma_wait3A] : memref<10112x16xf32, #tpu.memory_space<vmem_shared>> -> memref<80x16xf32, #tpu.memory_space<vmem_shared>>
      %dma_wait3A_73 = arith.constant 0 : i32
      %dma_wait3A_74 = tpu.memref_slice %arg9[%add3A_15, %dma_wait3A_73] : memref<10112x16xf32, #tpu.memory_space<vmem_shared>> -> memref<80x16xf32, #tpu.memory_space<vmem_shared>>
      tpu.wait_dma2 semaphore(%run_scoped3A : memref<!tpu.dma_semaphore, #tpu.memory_space<semaphore_mem>>) src(%arg8 : memref<80x16xf32, #tpu.memory_space<vmem>>) dst(%dma_wait3A_74 : memref<80x16xf32, #tpu.memory_space<vmem_shared>>)
      tpu.yield
    }) : () -> ()
    %mul3A_16 = arith.constant 632 : i32
    %mul3A_17 = arith.muli %arg1, %mul3A_16 : i32
    %add3A_18 = arith.constant 160 : i32
    %add3A_19 = arith.addi %mul3A_17, %add3A_18 : i32
    "tpu.region"() ({
      %run_scoped3A = tpu.sem_alloc : memref<!tpu.dma_semaphore, #tpu.memory_space<semaphore_mem>>
      %dma_start3A_68 = arith.constant 0 : i32
      %dma_start3A_69 = tpu.memref_slice %arg9[%add3A_19, %dma_start3A_68] : memref<10112x16xf32, #tpu.memory_space<vmem_shared>> -> memref<80x16xf32, #tpu.memory_space<vmem_shared>>
      %dma_start3A_70 = arith.constant 0 : i32
      %dma_start3A_71 = tpu.memref_slice %arg9[%add3A_19, %dma_start3A_70] : memref<10112x16xf32, #tpu.memory_space<vmem_shared>> -> memref<80x16xf32, #tpu.memory_space<vmem_shared>>
      tpu.enqueue_dma source(%arg8 : memref<80x16xf32, #tpu.memory_space<vmem>>) target(%dma_start3A_71 : memref<80x16xf32, #tpu.memory_space<vmem_shared>>) target_semaphore(%run_scoped3A : memref<!tpu.dma_semaphore, #tpu.memory_space<semaphore_mem>>)
      %dma_wait3A = arith.constant 0 : i32
      %dma_wait3A_72 = tpu.memref_slice %arg9[%add3A_19, %dma_wait3A] : memref<10112x16xf32, #tpu.memory_space<vmem_shared>> -> memref<80x16xf32, #tpu.memory_space<vmem_shared>>
      %dma_wait3A_73 = arith.constant 0 : i32
      %dma_wait3A_74 = tpu.memref_slice %arg9[%add3A_19, %dma_wait3A_73] : memref<10112x16xf32, #tpu.memory_space<vmem_shared>> -> memref<80x16xf32, #tpu.memory_space<vmem_shared>>
      tpu.wait_dma2 semaphore(%run_scoped3A : memref<!tpu.dma_semaphore, #tpu.memory_space<semaphore_mem>>) src(%arg8 : memref<80x16xf32, #tpu.memory_space<vmem>>) dst(%dma_wait3A_74 : memref<80x16xf32, #tpu.memory_space<vmem_shared>>)
      tpu.yield
    }) : () -> ()
    %mul3A_20 = arith.constant 632 : i32
    %mul3A_21 = arith.muli %arg1, %mul3A_20 : i32
    %add3A_22 = arith.constant 240 : i32
    %add3A_23 = arith.addi %mul3A_21, %add3A_22 : i32
    "tpu.region"() ({
      %run_scoped3A = tpu.sem_alloc : memref<!tpu.dma_semaphore, #tpu.memory_space<semaphore_mem>>
      %dma_start3A_68 = arith.constant 0 : i32
      %dma_start3A_69 = tpu.memref_slice %arg9[%add3A_23, %dma_start3A_68] : memref<10112x16xf32, #tpu.memory_space<vmem_shared>> -> memref<80x16xf32, #tpu.memory_space<vmem_shared>>
      %dma_start3A_70 = arith.constant 0 : i32
      %dma_start3A_71 = tpu.memref_slice %arg9[%add3A_23, %dma_start3A_70] : memref<10112x16xf32, #tpu.memory_space<vmem_shared>> -> memref<80x16xf32, #tpu.memory_space<vmem_shared>>
      tpu.enqueue_dma source(%arg8 : memref<80x16xf32, #tpu.memory_space<vmem>>) target(%dma_start3A_71 : memref<80x16xf32, #tpu.memory_space<vmem_shared>>) target_semaphore(%run_scoped3A : memref<!tpu.dma_semaphore, #tpu.memory_space<semaphore_mem>>)
      %dma_wait3A = arith.constant 0 : i32
      %dma_wait3A_72 = tpu.memref_slice %arg9[%add3A_23, %dma_wait3A] : memref<10112x16xf32, #tpu.memory_space<vmem_shared>> -> memref<80x16xf32, #tpu.memory_space<vmem_shared>>
      %dma_wait3A_73 = arith.constant 0 : i32
      %dma_wait3A_74 = tpu.memref_slice %arg9[%add3A_23, %dma_wait3A_73] : memref<10112x16xf32, #tpu.memory_space<vmem_shared>> -> memref<80x16xf32, #tpu.memory_space<vmem_shared>>
      tpu.wait_dma2 semaphore(%run_scoped3A : memref<!tpu.dma_semaphore, #tpu.memory_space<semaphore_mem>>) src(%arg8 : memref<80x16xf32, #tpu.memory_space<vmem>>) dst(%dma_wait3A_74 : memref<80x16xf32, #tpu.memory_space<vmem_shared>>)
      tpu.yield
    }) : () -> ()
    %mul3A_24 = arith.constant 632 : i32
    %mul3A_25 = arith.muli %arg1, %mul3A_24 : i32
    %add3A_26 = arith.constant 320 : i32
    %add3A_27 = arith.addi %mul3A_25, %add3A_26 : i32
    "tpu.region"() ({
      %run_scoped3A = tpu.sem_alloc : memref<!tpu.dma_semaphore, #tpu.memory_space<semaphore_mem>>
      %dma_start3A_68 = arith.constant 0 : i32
      %dma_start3A_69 = tpu.memref_slice %arg9[%add3A_27, %dma_start3A_68] : memref<10112x16xf32, #tpu.memory_space<vmem_shared>> -> memref<80x16xf32, #tpu.memory_space<vmem_shared>>
      %dma_start3A_70 = arith.constant 0 : i32
      %dma_start3A_71 = tpu.memref_slice %arg9[%add3A_27, %dma_start3A_70] : memref<10112x16xf32, #tpu.memory_space<vmem_shared>> -> memref<80x16xf32, #tpu.memory_space<vmem_shared>>
      tpu.enqueue_dma source(%arg8 : memref<80x16xf32, #tpu.memory_space<vmem>>) target(%dma_start3A_71 : memref<80x16xf32, #tpu.memory_space<vmem_shared>>) target_semaphore(%run_scoped3A : memref<!tpu.dma_semaphore, #tpu.memory_space<semaphore_mem>>)
      %dma_wait3A = arith.constant 0 : i32
      %dma_wait3A_72 = tpu.memref_slice %arg9[%add3A_27, %dma_wait3A] : memref<10112x16xf32, #tpu.memory_space<vmem_shared>> -> memref<80x16xf32, #tpu.memory_space<vmem_shared>>
      %dma_wait3A_73 = arith.constant 0 : i32
      %dma_wait3A_74 = tpu.memref_slice %arg9[%add3A_27, %dma_wait3A_73] : memref<10112x16xf32, #tpu.memory_space<vmem_shared>> -> memref<80x16xf32, #tpu.memory_space<vmem_shared>>
      tpu.wait_dma2 semaphore(%run_scoped3A : memref<!tpu.dma_semaphore, #tpu.memory_space<semaphore_mem>>) src(%arg8 : memref<80x16xf32, #tpu.memory_space<vmem>>) dst(%dma_wait3A_74 : memref<80x16xf32, #tpu.memory_space<vmem_shared>>)
      tpu.yield
    }) : () -> ()
    %mul3A_28 = arith.constant 632 : i32
    %mul3A_29 = arith.muli %arg1, %mul3A_28 : i32
    %add3A_30 = arith.constant 400 : i32
    %add3A_31 = arith.addi %mul3A_29, %add3A_30 : i32
    "tpu.region"() ({
      %run_scoped3A = tpu.sem_alloc : memref<!tpu.dma_semaphore, #tpu.memory_space<semaphore_mem>>
      %dma_start3A_68 = arith.constant 0 : i32
      %dma_start3A_69 = tpu.memref_slice %arg9[%add3A_31, %dma_start3A_68] : memref<10112x16xf32, #tpu.memory_space<vmem_shared>> -> memref<80x16xf32, #tpu.memory_space<vmem_shared>>
      %dma_start3A_70 = arith.constant 0 : i32
      %dma_start3A_71 = tpu.memref_slice %arg9[%add3A_31, %dma_start3A_70] : memref<10112x16xf32, #tpu.memory_space<vmem_shared>> -> memref<80x16xf32, #tpu.memory_space<vmem_shared>>
      tpu.enqueue_dma source(%arg8 : memref<80x16xf32, #tpu.memory_space<vmem>>) target(%dma_start3A_71 : memref<80x16xf32, #tpu.memory_space<vmem_shared>>) target_semaphore(%run_scoped3A : memref<!tpu.dma_semaphore, #tpu.memory_space<semaphore_mem>>)
      %dma_wait3A = arith.constant 0 : i32
      %dma_wait3A_72 = tpu.memref_slice %arg9[%add3A_31, %dma_wait3A] : memref<10112x16xf32, #tpu.memory_space<vmem_shared>> -> memref<80x16xf32, #tpu.memory_space<vmem_shared>>
      %dma_wait3A_73 = arith.constant 0 : i32
      %dma_wait3A_74 = tpu.memref_slice %arg9[%add3A_31, %dma_wait3A_73] : memref<10112x16xf32, #tpu.memory_space<vmem_shared>> -> memref<80x16xf32, #tpu.memory_space<vmem_shared>>
      tpu.wait_dma2 semaphore(%run_scoped3A : memref<!tpu.dma_semaphore, #tpu.memory_space<semaphore_mem>>) src(%arg8 : memref<80x16xf32, #tpu.memory_space<vmem>>) dst(%dma_wait3A_74 : memref<80x16xf32, #tpu.memory_space<vmem_shared>>)
      tpu.yield
    }) : () -> ()
    %mul3A_32 = arith.constant 632 : i32
    %mul3A_33 = arith.muli %arg1, %mul3A_32 : i32
    %add3A_34 = arith.constant 480 : i32
    %add3A_35 = arith.addi %mul3A_33, %add3A_34 : i32
    "tpu.region"() ({
      %run_scoped3A = tpu.sem_alloc : memref<!tpu.dma_semaphore, #tpu.memory_space<semaphore_mem>>
      %dma_start3A_68 = arith.constant 0 : i32
      %dma_start3A_69 = tpu.memref_slice %arg9[%add3A_35, %dma_start3A_68] : memref<10112x16xf32, #tpu.memory_space<vmem_shared>> -> memref<80x16xf32, #tpu.memory_space<vmem_shared>>
      %dma_start3A_70 = arith.constant 0 : i32
      %dma_start3A_71 = tpu.memref_slice %arg9[%add3A_35, %dma_start3A_70] : memref<10112x16xf32, #tpu.memory_space<vmem_shared>> -> memref<80x16xf32, #tpu.memory_space<vmem_shared>>
      tpu.enqueue_dma source(%arg8 : memref<80x16xf32, #tpu.memory_space<vmem>>) target(%dma_start3A_71 : memref<80x16xf32, #tpu.memory_space<vmem_shared>>) target_semaphore(%run_scoped3A : memref<!tpu.dma_semaphore, #tpu.memory_space<semaphore_mem>>)
      %dma_wait3A = arith.constant 0 : i32
      %dma_wait3A_72 = tpu.memref_slice %arg9[%add3A_35, %dma_wait3A] : memref<10112x16xf32, #tpu.memory_space<vmem_shared>> -> memref<80x16xf32, #tpu.memory_space<vmem_shared>>
      %dma_wait3A_73 = arith.constant 0 : i32
      %dma_wait3A_74 = tpu.memref_slice %arg9[%add3A_35, %dma_wait3A_73] : memref<10112x16xf32, #tpu.memory_space<vmem_shared>> -> memref<80x16xf32, #tpu.memory_space<vmem_shared>>
      tpu.wait_dma2 semaphore(%run_scoped3A : memref<!tpu.dma_semaphore, #tpu.memory_space<semaphore_mem>>) src(%arg8 : memref<80x16xf32, #tpu.memory_space<vmem>>) dst(%dma_wait3A_74 : memref<80x16xf32, #tpu.memory_space<vmem_shared>>)
      tpu.yield
    }) : () -> ()
    %mul3A_36 = arith.constant 632 : i32
    %mul3A_37 = arith.muli %arg1, %mul3A_36 : i32
    %add3A_38 = arith.constant 560 : i32
    %add3A_39 = arith.addi %mul3A_37, %add3A_38 : i32
    "tpu.region"() ({
      %run_scoped3A = tpu.sem_alloc : memref<!tpu.dma_semaphore, #tpu.memory_space<semaphore_mem>>
      %dma_start3A_68 = arith.constant 0 : i32
      %dma_start3A_69 = arith.constant 0 : i32
      %dma_start3A_70 = tpu.memref_slice %arg8[%dma_start3A_68, %dma_start3A_69] : memref<80x16xf32, #tpu.memory_space<vmem>> -> memref<72x16xf32, #tpu.memory_space<vmem>>
      %dma_start3A_71 = arith.constant 0 : i32
      %dma_start3A_72 = tpu.memref_slice %arg9[%add3A_39, %dma_start3A_71] : memref<10112x16xf32, #tpu.memory_space<vmem_shared>> -> memref<72x16xf32, #tpu.memory_space<vmem_shared>>
      %dma_start3A_73 = arith.constant 0 : i32
      %dma_start3A_74 = tpu.memref_slice %arg9[%add3A_39, %dma_start3A_73] : memref<10112x16xf32, #tpu.memory_space<vmem_shared>> -> memref<72x16xf32, #tpu.memory_space<vmem_shared>>
      %dma_start3A_75 = arith.constant 0 : i32
      %dma_start3A_76 = arith.constant 0 : i32
      %dma_start3A_77 = tpu.memref_slice %arg8[%dma_start3A_75, %dma_start3A_76] : memref<80x16xf32, #tpu.memory_space<vmem>> -> memref<72x16xf32, #tpu.memory_space<vmem>>
      tpu.enqueue_dma source(%dma_start3A_77 : memref<72x16xf32, #tpu.memory_space<vmem>>) target(%dma_start3A_74 : memref<72x16xf32, #tpu.memory_space<vmem_shared>>) target_semaphore(%run_scoped3A : memref<!tpu.dma_semaphore, #tpu.memory_space<semaphore_mem>>)
      %dma_wait3A = arith.constant 0 : i32
      %dma_wait3A_78 = arith.constant 0 : i32
      %dma_wait3A_79 = tpu.memref_slice %arg8[%dma_wait3A, %dma_wait3A_78] : memref<80x16xf32, #tpu.memory_space<vmem>> -> memref<72x16xf32, #tpu.memory_space<vmem>>
      %dma_wait3A_80 = arith.constant 0 : i32
      %dma_wait3A_81 = tpu.memref_slice %arg9[%add3A_39, %dma_wait3A_80] : memref<10112x16xf32, #tpu.memory_space<vmem_shared>> -> memref<72x16xf32, #tpu.memory_space<vmem_shared>>
      %dma_wait3A_82 = arith.constant 0 : i32
      %dma_wait3A_83 = tpu.memref_slice %arg9[%add3A_39, %dma_wait3A_82] : memref<10112x16xf32, #tpu.memory_space<vmem_shared>> -> memref<72x16xf32, #tpu.memory_space<vmem_shared>>
      %dma_wait3A_84 = arith.constant 0 : i32
      %dma_wait3A_85 = arith.constant 0 : i32
      %dma_wait3A_86 = tpu.memref_slice %arg8[%dma_wait3A_84, %dma_wait3A_85] : memref<80x16xf32, #tpu.memory_space<vmem>> -> memref<72x16xf32, #tpu.memory_space<vmem>>
      tpu.wait_dma2 semaphore(%run_scoped3A : memref<!tpu.dma_semaphore, #tpu.memory_space<semaphore_mem>>) src(%dma_wait3A_86 : memref<72x16xf32, #tpu.memory_space<vmem>>) dst(%dma_wait3A_83 : memref<72x16xf32, #tpu.memory_space<vmem_shared>>)
      tpu.yield
    }) : () -> ()
    %scan3A_40 = arith.constant 0 : i32
    %scan3A_41 = arith.constant 80 : i32
    %scan3A_42 = arith.addi %scan3A_40, %scan3A_41 : i32
    %scan3A_43 = arith.constant 1 : i32
    scf.for %scan3A_68 = %scan3A_40 to %scan3A_42 step %scan3A_43  : i32 {
      %swap3A = arith.index_cast %scan3A_68 : i32 to index
      %swap3A_69 = arith.constant 0 : index
      %swap3A_70 = tpu.vector_load %arg7[%swap3A, %swap3A_69] {strides = array<i32>} : memref<80x16xf32, #tpu.memory_space<vmem>>, vector<1x16xf32>,
      %swap3A_71 = vector.shape_cast %swap3A_70 : vector<1x16xf32> to vector<16xf32>
      %swap3A_72 = vector.shape_cast %broadcast_in_dim3A_1 : vector<16xf32> to vector<1x16xf32>
      tpu.vector_store %arg7[%swap3A, %swap3A_69], %swap3A_72 {strides = array<i32>} : memref<80x16xf32, #tpu.memory_space<vmem>>, vector<1x16xf32>,
    }
    %scan3A_44 = arith.constant 80 : i32
    %barrier3A = arith.constant 0 : index
    tpu.barrier barrier_id(%barrier3A)
    %dma_start3A = arith.constant 0 : i32
    %dma_start3A_45 = arith.constant 0 : i32
    %dma_start3A_46 = tpu.memref_slice %arg2[%add3A, %dma_start3A, %dma_start3A_45] : memref<32x125x80xi32, #tpu.memory_space<hbm>> -> memref<1x1x80xi32, #tpu.memory_space<hbm>>
    %dma_start3A_47 = tpu.memref_squeeze %dma_start3A_46 : memref<1x1x80xi32, #tpu.memory_space<hbm>> -> memref<80xi32, #tpu.memory_space<hbm>>
    %dma_start3A_48 = arith.constant 0 : i32
    %dma_start3A_49 = tpu.memref_slice %arg2[%add3A, %dma_start3A, %dma_start3A_48] : memref<32x125x80xi32, #tpu.memory_space<hbm>> -> memref<1x1x80xi32, #tpu.memory_space<hbm>>
    %dma_start3A_50 = tpu.memref_squeeze %dma_start3A_49 : memref<1x1x80xi32, #tpu.memory_space<hbm>> -> memref<80xi32, #tpu.memory_space<hbm>>
    tpu.enqueue_dma source(%dma_start3A_50 : memref<80xi32, #tpu.memory_space<hbm>>) target(%arg4 : memref<80xi32, #tpu.memory_space<vmem>>) target_semaphore(%arg10 : memref<!tpu.dma_semaphore, #tpu.memory_space<semaphore_mem>>)
    %dma_start3A_51 = arith.constant 1 : i32
    %dma_start3A_52 = arith.constant 0 : i32
    %dma_start3A_53 = tpu.memref_slice %arg2[%add3A, %dma_start3A_51, %dma_start3A_52] : memref<32x125x80xi32, #tpu.memory_space<hbm>> -> memref<1x1x80xi32, #tpu.memory_space<hbm>>
    %dma_start3A_54 = tpu.memref_squeeze %dma_start3A_53 : memref<1x1x80xi32, #tpu.memory_space<hbm>> -> memref<80xi32, #tpu.memory_space<hbm>>
    %dma_start3A_55 = arith.constant 0 : i32
    %dma_start3A_56 = tpu.memref_slice %arg2[%add3A, %dma_start3A_51, %dma_start3A_55] : memref<32x125x80xi32, #tpu.memory_space<hbm>> -> memref<1x1x80xi32, #tpu.memory_space<hbm>>
    %dma_start3A_57 = tpu.memref_squeeze %dma_start3A_56 : memref<1x1x80xi32, #tpu.memory_space<hbm>> -> memref<80xi32, #tpu.memory_space<hbm>>
    tpu.enqueue_dma source(%dma_start3A_57 : memref<80xi32, #tpu.memory_space<hbm>>) target(%arg5 : memref<80xi32, #tpu.memory_space<vmem>>) target_semaphore(%arg10 : memref<!tpu.dma_semaphore, #tpu.memory_space<semaphore_mem>>)
    %scan3A_58 = arith.constant 0 : i32
    %scan3A_59 = arith.constant 125 : i32
    %scan3A_60 = arith.addi %scan3A_58, %scan3A_59 : i32
    %scan3A_61 = arith.constant 1 : i32
    scf.for %scan3A_68 = %scan3A_58 to %scan3A_60 step %scan3A_61  : i32 {
      %rem3A = arith.constant 3 : i32
      %rem3A_69 = arith.remsi %scan3A_68, %rem3A : i32
      %eq3A = arith.constant 0 : i32
      %eq3A_70 = arith.cmpi eq, %rem3A_69, %eq3A : i32
      %convert_element_type3A = arith.extui %eq3A_70 : i1 to i32
      %cond3A = arith.constant 0 : i32
      %cond3A_71 = arith.cmpi ne, %convert_element_type3A, %cond3A : i32
      scf.if %cond3A_71 {
        %add3A_86 = arith.constant 2 : i32
        %add3A_87 = arith.addi %scan3A_68, %add3A_86 : i32
        %lt3A = arith.constant 125 : i32
        %lt3A_88 = arith.cmpi slt, %add3A_87, %lt3A : i32
        %convert_element_type3A_89 = arith.extui %lt3A_88 : i1 to i32
        %cond3A_90 = arith.constant 0 : i32
        %cond3A_91 = arith.cmpi ne, %convert_element_type3A_89, %cond3A_90 : i32
        scf.if %cond3A_91 {
          %add3A_97 = arith.constant 2 : i32
          %add3A_98 = arith.addi %scan3A_68, %add3A_97 : i32
          %dma_start3A_99 = arith.constant 0 : i32
          %dma_start3A_100 = tpu.memref_slice %arg2[%add3A, %add3A_98, %dma_start3A_99] : memref<32x125x80xi32, #tpu.memory_space<hbm>> -> memref<1x1x80xi32, #tpu.memory_space<hbm>>
          %dma_start3A_101 = tpu.memref_squeeze %dma_start3A_100 : memref<1x1x80xi32, #tpu.memory_space<hbm>> -> memref<80xi32, #tpu.memory_space<hbm>>
          %dma_start3A_102 = arith.constant 0 : i32
          %dma_start3A_103 = tpu.memref_slice %arg2[%add3A, %add3A_98, %dma_start3A_102] : memref<32x125x80xi32, #tpu.memory_space<hbm>> -> memref<1x1x80xi32, #tpu.memory_space<hbm>>
          %dma_start3A_104 = tpu.memref_squeeze %dma_start3A_103 : memref<1x1x80xi32, #tpu.memory_space<hbm>> -> memref<80xi32, #tpu.memory_space<hbm>>
          tpu.enqueue_dma source(%dma_start3A_104 : memref<80xi32, #tpu.memory_space<hbm>>) target(%arg6 : memref<80xi32, #tpu.memory_space<vmem>>) target_semaphore(%arg10 : memref<!tpu.dma_semaphore, #tpu.memory_space<semaphore_mem>>)
        } else {
        }
        %dma_wait3A = arith.constant 0 : i32
        %dma_wait3A_92 = tpu.memref_slice %arg2[%add3A, %scan3A_68, %dma_wait3A] : memref<32x125x80xi32, #tpu.memory_space<hbm>> -> memref<1x1x80xi32, #tpu.memory_space<hbm>>
        %dma_wait3A_93 = tpu.memref_squeeze %dma_wait3A_92 : memref<1x1x80xi32, #tpu.memory_space<hbm>> -> memref<80xi32, #tpu.memory_space<hbm>>
        %dma_wait3A_94 = arith.constant 0 : i32
        %dma_wait3A_95 = tpu.memref_slice %arg2[%add3A, %scan3A_68, %dma_wait3A_94] : memref<32x125x80xi32, #tpu.memory_space<hbm>> -> memref<1x1x80xi32, #tpu.memory_space<hbm>>
        %dma_wait3A_96 = tpu.memref_squeeze %dma_wait3A_95 : memref<1x1x80xi32, #tpu.memory_space<hbm>> -> memref<80xi32, #tpu.memory_space<hbm>>
        tpu.wait_dma2 semaphore(%arg10 : memref<!tpu.dma_semaphore, #tpu.memory_space<semaphore_mem>>) src(%dma_wait3A_96 : memref<80xi32, #tpu.memory_space<hbm>>) dst(%arg4 : memref<80xi32, #tpu.memory_space<vmem>>)
        "tpu.region"() ({
          %run_scoped3A = tpu.sem_alloc : memref<!tpu.dma_semaphore, #tpu.memory_space<semaphore_mem>>
          %dma_start3A_97 = arith.constant 0 : i32
          %dma_start3A_98 = arith.constant 0 : i32
          %dma_start3A_99 = tpu.memref_slice %arg9[%dma_start3A_97, %dma_start3A_98] : memref<10112x16xf32, #tpu.memory_space<vmem_shared>> -> memref<10112x16xf32, #tpu.memory_space<vmem_shared>>
          tpu.enqueue_indirect_dma source(%arg7 : memref<80x16xf32, #tpu.memory_space<vmem>>) target(%dma_start3A_99 : memref<10112x16xf32, #tpu.memory_space<vmem_shared>>) offsets(%arg4 : memref<80xi32, #tpu.memory_space<vmem>>) semaphore(%run_scoped3A : memref<!tpu.dma_semaphore, #tpu.memory_space<semaphore_mem>>) {add = true}
          %dma_wait3A_100 = arith.constant 0 : i32
          %dma_wait3A_101 = arith.constant 0 : i32
          %dma_wait3A_102 = tpu.memref_slice %arg9[%dma_wait3A_100, %dma_wait3A_101] : memref<10112x16xf32, #tpu.memory_space<vmem_shared>> -> memref<10112x16xf32, #tpu.memory_space<vmem_shared>>
          tpu.wait_indirect_dma semaphore(%run_scoped3A : memref<!tpu.dma_semaphore, #tpu.memory_space<semaphore_mem>>) src(%arg7 : memref<80x16xf32, #tpu.memory_space<vmem>>) dst(%dma_wait3A_102 : memref<10112x16xf32, #tpu.memory_space<vmem_shared>>)
          tpu.yield
        }) : () -> ()
      } else {
      }
      %rem3A_72 = arith.constant 3 : i32
      %rem3A_73 = arith.remsi %scan3A_68, %rem3A_72 : i32
      %eq3A_74 = arith.constant 1 : i32
      %eq3A_75 = arith.cmpi eq, %rem3A_73, %eq3A_74 : i32
      %convert_element_type3A_76 = arith.extui %eq3A_75 : i1 to i32
      %cond3A_77 = arith.constant 0 : i32
      %cond3A_78 = arith.cmpi ne, %convert_element_type3A_76, %cond3A_77 : i32
      scf.if %cond3A_78 {
        %add3A_86 = arith.constant 2 : i32
        %add3A_87 = arith.addi %scan3A_68, %add3A_86 : i32
        %lt3A = arith.constant 125 : i32
        %lt3A_88 = arith.cmpi slt, %add3A_87, %lt3A : i32
        %convert_element_type3A_89 = arith.extui %lt3A_88 : i1 to i32
        %cond3A_90 = arith.constant 0 : i32
        %cond3A_91 = arith.cmpi ne, %convert_element_type3A_89, %cond3A_90 : i32
        scf.if %cond3A_91 {
          %add3A_97 = arith.constant 2 : i32
          %add3A_98 = arith.addi %scan3A_68, %add3A_97 : i32
          %dma_start3A_99 = arith.constant 0 : i32
          %dma_start3A_100 = tpu.memref_slice %arg2[%add3A, %add3A_98, %dma_start3A_99] : memref<32x125x80xi32, #tpu.memory_space<hbm>> -> memref<1x1x80xi32, #tpu.memory_space<hbm>>
          %dma_start3A_101 = tpu.memref_squeeze %dma_start3A_100 : memref<1x1x80xi32, #tpu.memory_space<hbm>> -> memref<80xi32, #tpu.memory_space<hbm>>
          %dma_start3A_102 = arith.constant 0 : i32
          %dma_start3A_103 = tpu.memref_slice %arg2[%add3A, %add3A_98, %dma_start3A_102] : memref<32x125x80xi32, #tpu.memory_space<hbm>> -> memref<1x1x80xi32, #tpu.memory_space<hbm>>
          %dma_start3A_104 = tpu.memref_squeeze %dma_start3A_103 : memref<1x1x80xi32, #tpu.memory_space<hbm>> -> memref<80xi32, #tpu.memory_space<hbm>>
          tpu.enqueue_dma source(%dma_start3A_104 : memref<80xi32, #tpu.memory_space<hbm>>) target(%arg4 : memref<80xi32, #tpu.memory_space<vmem>>) target_semaphore(%arg10 : memref<!tpu.dma_semaphore, #tpu.memory_space<semaphore_mem>>)
        } else {
        }
        %dma_wait3A = arith.constant 0 : i32
        %dma_wait3A_92 = tpu.memref_slice %arg2[%add3A, %scan3A_68, %dma_wait3A] : memref<32x125x80xi32, #tpu.memory_space<hbm>> -> memref<1x1x80xi32, #tpu.memory_space<hbm>>
        %dma_wait3A_93 = tpu.memref_squeeze %dma_wait3A_92 : memref<1x1x80xi32, #tpu.memory_space<hbm>> -> memref<80xi32, #tpu.memory_space<hbm>>
        %dma_wait3A_94 = arith.constant 0 : i32
        %dma_wait3A_95 = tpu.memref_slice %arg2[%add3A, %scan3A_68, %dma_wait3A_94] : memref<32x125x80xi32, #tpu.memory_space<hbm>> -> memref<1x1x80xi32, #tpu.memory_space<hbm>>
        %dma_wait3A_96 = tpu.memref_squeeze %dma_wait3A_95 : memref<1x1x80xi32, #tpu.memory_space<hbm>> -> memref<80xi32, #tpu.memory_space<hbm>>
        tpu.wait_dma2 semaphore(%arg10 : memref<!tpu.dma_semaphore, #tpu.memory_space<semaphore_mem>>) src(%dma_wait3A_96 : memref<80xi32, #tpu.memory_space<hbm>>) dst(%arg5 : memref<80xi32, #tpu.memory_space<vmem>>)
        "tpu.region"() ({
          %run_scoped3A = tpu.sem_alloc : memref<!tpu.dma_semaphore, #tpu.memory_space<semaphore_mem>>
          %dma_start3A_97 = arith.constant 0 : i32
          %dma_start3A_98 = arith.constant 0 : i32
          %dma_start3A_99 = tpu.memref_slice %arg9[%dma_start3A_97, %dma_start3A_98] : memref<10112x16xf32, #tpu.memory_space<vmem_shared>> -> memref<10112x16xf32, #tpu.memory_space<vmem_shared>>
          tpu.enqueue_indirect_dma source(%arg7 : memref<80x16xf32, #tpu.memory_space<vmem>>) target(%dma_start3A_99 : memref<10112x16xf32, #tpu.memory_space<vmem_shared>>) offsets(%arg5 : memref<80xi32, #tpu.memory_space<vmem>>) semaphore(%run_scoped3A : memref<!tpu.dma_semaphore, #tpu.memory_space<semaphore_mem>>) {add = true}
          %dma_wait3A_100 = arith.constant 0 : i32
          %dma_wait3A_101 = arith.constant 0 : i32
          %dma_wait3A_102 = tpu.memref_slice %arg9[%dma_wait3A_100, %dma_wait3A_101] : memref<10112x16xf32, #tpu.memory_space<vmem_shared>> -> memref<10112x16xf32, #tpu.memory_space<vmem_shared>>
          tpu.wait_indirect_dma semaphore(%run_scoped3A : memref<!tpu.dma_semaphore, #tpu.memory_space<semaphore_mem>>) src(%arg7 : memref<80x16xf32, #tpu.memory_space<vmem>>) dst(%dma_wait3A_102 : memref<10112x16xf32, #tpu.memory_space<vmem_shared>>)
          tpu.yield
        }) : () -> ()
      } else {
      }
      %rem3A_79 = arith.constant 3 : i32
      %rem3A_80 = arith.remsi %scan3A_68, %rem3A_79 : i32
      %eq3A_81 = arith.constant 2 : i32
      %eq3A_82 = arith.cmpi eq, %rem3A_80, %eq3A_81 : i32
      %convert_element_type3A_83 = arith.extui %eq3A_82 : i1 to i32
      %cond3A_84 = arith.constant 0 : i32
      %cond3A_85 = arith.cmpi ne, %convert_element_type3A_83, %cond3A_84 : i32
      scf.if %cond3A_85 {
        %add3A_86 = arith.constant 2 : i32
        %add3A_87 = arith.addi %scan3A_68, %add3A_86 : i32
        %lt3A = arith.constant 125 : i32
        %lt3A_88 = arith.cmpi slt, %add3A_87, %lt3A : i32
        %convert_element_type3A_89 = arith.extui %lt3A_88 : i1 to i32
        %cond3A_90 = arith.constant 0 : i32
        %cond3A_91 = arith.cmpi ne, %convert_element_type3A_89, %cond3A_90 : i32
        scf.if %cond3A_91 {
          %add3A_97 = arith.constant 2 : i32
          %add3A_98 = arith.addi %scan3A_68, %add3A_97 : i32
          %dma_start3A_99 = arith.constant 0 : i32
          %dma_start3A_100 = tpu.memref_slice %arg2[%add3A, %add3A_98, %dma_start3A_99] : memref<32x125x80xi32, #tpu.memory_space<hbm>> -> memref<1x1x80xi32, #tpu.memory_space<hbm>>
          %dma_start3A_101 = tpu.memref_squeeze %dma_start3A_100 : memref<1x1x80xi32, #tpu.memory_space<hbm>> -> memref<80xi32, #tpu.memory_space<hbm>>
          %dma_start3A_102 = arith.constant 0 : i32
          %dma_start3A_103 = tpu.memref_slice %arg2[%add3A, %add3A_98, %dma_start3A_102] : memref<32x125x80xi32, #tpu.memory_space<hbm>> -> memref<1x1x80xi32, #tpu.memory_space<hbm>>
          %dma_start3A_104 = tpu.memref_squeeze %dma_start3A_103 : memref<1x1x80xi32, #tpu.memory_space<hbm>> -> memref<80xi32, #tpu.memory_space<hbm>>
          tpu.enqueue_dma source(%dma_start3A_104 : memref<80xi32, #tpu.memory_space<hbm>>) target(%arg5 : memref<80xi32, #tpu.memory_space<vmem>>) target_semaphore(%arg10 : memref<!tpu.dma_semaphore, #tpu.memory_space<semaphore_mem>>)
        } else {
        }
        %dma_wait3A = arith.constant 0 : i32
        %dma_wait3A_92 = tpu.memref_slice %arg2[%add3A, %scan3A_68, %dma_wait3A] : memref<32x125x80xi32, #tpu.memory_space<hbm>> -> memref<1x1x80xi32, #tpu.memory_space<hbm>>
        %dma_wait3A_93 = tpu.memref_squeeze %dma_wait3A_92 : memref<1x1x80xi32, #tpu.memory_space<hbm>> -> memref<80xi32, #tpu.memory_space<hbm>>
        %dma_wait3A_94 = arith.constant 0 : i32
        %dma_wait3A_95 = tpu.memref_slice %arg2[%add3A, %scan3A_68, %dma_wait3A_94] : memref<32x125x80xi32, #tpu.memory_space<hbm>> -> memref<1x1x80xi32, #tpu.memory_space<hbm>>
        %dma_wait3A_96 = tpu.memref_squeeze %dma_wait3A_95 : memref<1x1x80xi32, #tpu.memory_space<hbm>> -> memref<80xi32, #tpu.memory_space<hbm>>
        tpu.wait_dma2 semaphore(%arg10 : memref<!tpu.dma_semaphore, #tpu.memory_space<semaphore_mem>>) src(%dma_wait3A_96 : memref<80xi32, #tpu.memory_space<hbm>>) dst(%arg6 : memref<80xi32, #tpu.memory_space<vmem>>)
        "tpu.region"() ({
          %run_scoped3A = tpu.sem_alloc : memref<!tpu.dma_semaphore, #tpu.memory_space<semaphore_mem>>
          %dma_start3A_97 = arith.constant 0 : i32
          %dma_start3A_98 = arith.constant 0 : i32
          %dma_start3A_99 = tpu.memref_slice %arg9[%dma_start3A_97, %dma_start3A_98] : memref<10112x16xf32, #tpu.memory_space<vmem_shared>> -> memref<10112x16xf32, #tpu.memory_space<vmem_shared>>
          tpu.enqueue_indirect_dma source(%arg7 : memref<80x16xf32, #tpu.memory_space<vmem>>) target(%dma_start3A_99 : memref<10112x16xf32, #tpu.memory_space<vmem_shared>>) offsets(%arg6 : memref<80xi32, #tpu.memory_space<vmem>>) semaphore(%run_scoped3A : memref<!tpu.dma_semaphore, #tpu.memory_space<semaphore_mem>>) {add = true}
          %dma_wait3A_100 = arith.constant 0 : i32
          %dma_wait3A_101 = arith.constant 0 : i32
          %dma_wait3A_102 = tpu.memref_slice %arg9[%dma_wait3A_100, %dma_wait3A_101] : memref<10112x16xf32, #tpu.memory_space<vmem_shared>> -> memref<10112x16xf32, #tpu.memory_space<vmem_shared>>
          tpu.wait_indirect_dma semaphore(%run_scoped3A : memref<!tpu.dma_semaphore, #tpu.memory_space<semaphore_mem>>) src(%arg7 : memref<80x16xf32, #tpu.memory_space<vmem>>) dst(%dma_wait3A_102 : memref<10112x16xf32, #tpu.memory_space<vmem_shared>>)
          tpu.yield
        }) : () -> ()
      } else {
      }
    }
    %scan3A_62 = arith.constant 125 : i32
    %barrier3A_63 = arith.constant 0 : index
    tpu.barrier barrier_id(%barrier3A_63)
    %mul3A_64 = arith.constant 632 : i32
    %mul3A_65 = arith.muli %arg1, %mul3A_64 : i32
    %mul3A_66 = arith.constant 632 : i32
    %mul3A_67 = arith.muli %arg1, %mul3A_66 : i32
    "tpu.region"() ({
      %run_scoped3A = tpu.sem_alloc : memref<!tpu.dma_semaphore, #tpu.memory_space<semaphore_mem>>
      %dma_start3A_68 = arith.constant 0 : i32
      %dma_start3A_69 = tpu.memref_slice %arg3[%arg0, %mul3A_67, %dma_start3A_68] : memref<2x10112x16xf32, #tpu.memory_space<hbm>> -> memref<1x632x16xf32, #tpu.memory_space<hbm>>
      %dma_start3A_70 = tpu.memref_squeeze %dma_start3A_69 : memref<1x632x16xf32, #tpu.memory_space<hbm>> -> memref<632x16xf32, #tpu.memory_space<hbm>>
      %dma_start3A_71 = arith.constant 0 : i32
      %dma_start3A_72 = tpu.memref_slice %arg9[%mul3A_65, %dma_start3A_71] : memref<10112x16xf32, #tpu.memory_space<vmem_shared>> -> memref<632x16xf32, #tpu.memory_space<vmem_shared>>
      tpu.enqueue_dma source(%dma_start3A_72 : memref<632x16xf32, #tpu.memory_space<vmem_shared>>) target(%dma_start3A_70 : memref<632x16xf32, #tpu.memory_space<hbm>>) target_semaphore(%run_scoped3A : memref<!tpu.dma_semaphore, #tpu.memory_space<semaphore_mem>>)
      %dma_wait3A = arith.constant 0 : i32
      %dma_wait3A_73 = tpu.memref_slice %arg3[%arg0, %mul3A_67, %dma_wait3A] : memref<2x10112x16xf32, #tpu.memory_space<hbm>> -> memref<1x632x16xf32, #tpu.memory_space<hbm>>
      %dma_wait3A_74 = tpu.memref_squeeze %dma_wait3A_73 : memref<1x632x16xf32, #tpu.memory_space<hbm>> -> memref<632x16xf32, #tpu.memory_space<hbm>>
      %dma_wait3A_75 = arith.constant 0 : i32
      %dma_wait3A_76 = tpu.memref_slice %arg9[%mul3A_65, %dma_wait3A_75] : memref<10112x16xf32, #tpu.memory_space<vmem_shared>> -> memref<632x16xf32, #tpu.memory_space<vmem_shared>>
      tpu.wait_dma2 semaphore(%run_scoped3A : memref<!tpu.dma_semaphore, #tpu.memory_space<semaphore_mem>>) src(%dma_wait3A_76 : memref<632x16xf32, #tpu.memory_space<vmem_shared>>) dst(%dma_wait3A_74 : memref<632x16xf32, #tpu.memory_space<hbm>>)
      tpu.yield
    }) : () -> ()
    return
  }
}

#map = affine_map<(d0, d1) -> (0, 0, 0)>
#map1 = affine_map<(d0, d1) -> (0, 0)>
module attributes {stable_mosaic.version = 14 : i64} {
  func.func @_edge_body(%arg0: i32, %arg1: i32, %arg2: memref<32x125x80xi32, #tpu.memory_space<hbm>>, %arg3: memref<32x125x80xi32, #tpu.memory_space<hbm>>, %arg4: memref<10000x128xf32, #tpu.memory_space<hbm>>, %arg5: memref<10112x128xf32, #tpu.memory_space<hbm>>, %arg6: memref<10112x128xf32, #tpu.memory_space<hbm>>, %arg7: memref<80xi32, #tpu.memory_space<vmem>>, %arg8: memref<80xi32, #tpu.memory_space<vmem>>, %arg9: memref<80xi32, #tpu.memory_space<vmem>>, %arg10: memref<80xi32, #tpu.memory_space<vmem>>, %arg11: memref<80xi32, #tpu.memory_space<vmem>>, %arg12: memref<80xi32, #tpu.memory_space<vmem>>, %arg13: memref<80xi32, #tpu.memory_space<vmem>>, %arg14: memref<80xi32, #tpu.memory_space<vmem>>, %arg15: memref<80x128xf32, #tpu.memory_space<vmem>>, %arg16: memref<80x128xf32, #tpu.memory_space<vmem>>, %arg17: memref<80x128xf32, #tpu.memory_space<vmem>>, %arg18: memref<80x128xf32, #tpu.memory_space<vmem>>, %arg19: memref<10112x128xf32, #tpu.memory_space<vmem_shared>>, %arg20: memref<!tpu.dma_semaphore, #tpu.memory_space<semaphore_mem>>, %arg21: memref<!tpu.dma_semaphore, #tpu.memory_space<semaphore_mem>>, %arg22: memref<!tpu.dma_semaphore, #tpu.memory_space<semaphore_mem>>) attributes {dimension_semantics = [#tpu.dimension_semantics<core_parallel>, #tpu.dimension_semantics<subcore_parallel>], iteration_bounds = array<i64: 2, 16>, scalar_prefetch = 0 : i64, scratch_operands = 16 : i64, tpu.core_type = #tpu.core_type<sc_vector_subcore>, window_params = [{transform_indices = #map}, {transform_indices = #map}, {transform_indices = #map1}, {transform_indices = #map1}, {transform_indices = #map1}]} {
    %mul3A = arith.constant 16 : i32
    %mul3A_0 = arith.muli %arg0, %mul3A : i32
    %add3A = arith.addi %mul3A_0, %arg1 : i32
    %broadcast_in_dim3A = arith.constant 0.000000e+00 : f32
    %broadcast_in_dim3A_1 = vector.broadcast %broadcast_in_dim3A : f32 to vector<16xf32>
    %scan3A = arith.constant 0 : i32
    %scan3A_2 = arith.constant 80 : i32
    %scan3A_3 = arith.addi %scan3A, %scan3A_2 : i32
    %scan3A_4 = arith.constant 1 : i32
    scf.for %scan3A_111 = %scan3A to %scan3A_3 step %scan3A_4  : i32 {
      %swap3A = arith.index_cast %scan3A_111 : i32 to index
      %swap3A_112 = arith.constant 0 : index
      %swap3A_113 = tpu.vector_load %arg15[%swap3A, %swap3A_112] {strides = array<i32>} : memref<80x128xf32, #tpu.memory_space<vmem>>, vector<1x16xf32>,
      %swap3A_114 = vector.shape_cast %swap3A_113 : vector<1x16xf32> to vector<16xf32>
      %swap3A_115 = vector.shape_cast %broadcast_in_dim3A_1 : vector<16xf32> to vector<1x16xf32>
      tpu.vector_store %arg15[%swap3A, %swap3A_112], %swap3A_115 {strides = array<i32>} : memref<80x128xf32, #tpu.memory_space<vmem>>, vector<1x16xf32>,
      %swap3A_116 = arith.index_cast %scan3A_111 : i32 to index
      %swap3A_117 = arith.constant 16 : index
      %swap3A_118 = tpu.vector_load %arg15[%swap3A_116, %swap3A_117] {strides = array<i32>} : memref<80x128xf32, #tpu.memory_space<vmem>>, vector<1x16xf32>,
      %swap3A_119 = vector.shape_cast %swap3A_118 : vector<1x16xf32> to vector<16xf32>
      %swap3A_120 = vector.shape_cast %broadcast_in_dim3A_1 : vector<16xf32> to vector<1x16xf32>
      tpu.vector_store %arg15[%swap3A_116, %swap3A_117], %swap3A_120 {strides = array<i32>} : memref<80x128xf32, #tpu.memory_space<vmem>>, vector<1x16xf32>,
      %swap3A_121 = arith.index_cast %scan3A_111 : i32 to index
      %swap3A_122 = arith.constant 32 : index
      %swap3A_123 = tpu.vector_load %arg15[%swap3A_121, %swap3A_122] {strides = array<i32>} : memref<80x128xf32, #tpu.memory_space<vmem>>, vector<1x16xf32>,
      %swap3A_124 = vector.shape_cast %swap3A_123 : vector<1x16xf32> to vector<16xf32>
      %swap3A_125 = vector.shape_cast %broadcast_in_dim3A_1 : vector<16xf32> to vector<1x16xf32>
      tpu.vector_store %arg15[%swap3A_121, %swap3A_122], %swap3A_125 {strides = array<i32>} : memref<80x128xf32, #tpu.memory_space<vmem>>, vector<1x16xf32>,
      %swap3A_126 = arith.index_cast %scan3A_111 : i32 to index
      %swap3A_127 = arith.constant 48 : index
      %swap3A_128 = tpu.vector_load %arg15[%swap3A_126, %swap3A_127] {strides = array<i32>} : memref<80x128xf32, #tpu.memory_space<vmem>>, vector<1x16xf32>,
      %swap3A_129 = vector.shape_cast %swap3A_128 : vector<1x16xf32> to vector<16xf32>
      %swap3A_130 = vector.shape_cast %broadcast_in_dim3A_1 : vector<16xf32> to vector<1x16xf32>
      tpu.vector_store %arg15[%swap3A_126, %swap3A_127], %swap3A_130 {strides = array<i32>} : memref<80x128xf32, #tpu.memory_space<vmem>>, vector<1x16xf32>,
      %swap3A_131 = arith.index_cast %scan3A_111 : i32 to index
      %swap3A_132 = arith.constant 64 : index
      %swap3A_133 = tpu.vector_load %arg15[%swap3A_131, %swap3A_132] {strides = array<i32>} : memref<80x128xf32, #tpu.memory_space<vmem>>, vector<1x16xf32>,
      %swap3A_134 = vector.shape_cast %swap3A_133 : vector<1x16xf32> to vector<16xf32>
      %swap3A_135 = vector.shape_cast %broadcast_in_dim3A_1 : vector<16xf32> to vector<1x16xf32>
      tpu.vector_store %arg15[%swap3A_131, %swap3A_132], %swap3A_135 {strides = array<i32>} : memref<80x128xf32, #tpu.memory_space<vmem>>, vector<1x16xf32>,
      %swap3A_136 = arith.index_cast %scan3A_111 : i32 to index
      %swap3A_137 = arith.constant 80 : index
      %swap3A_138 = tpu.vector_load %arg15[%swap3A_136, %swap3A_137] {strides = array<i32>} : memref<80x128xf32, #tpu.memory_space<vmem>>, vector<1x16xf32>,
      %swap3A_139 = vector.shape_cast %swap3A_138 : vector<1x16xf32> to vector<16xf32>
      %swap3A_140 = vector.shape_cast %broadcast_in_dim3A_1 : vector<16xf32> to vector<1x16xf32>
      tpu.vector_store %arg15[%swap3A_136, %swap3A_137], %swap3A_140 {strides = array<i32>} : memref<80x128xf32, #tpu.memory_space<vmem>>, vector<1x16xf32>,
      %swap3A_141 = arith.index_cast %scan3A_111 : i32 to index
      %swap3A_142 = arith.constant 96 : index
      %swap3A_143 = tpu.vector_load %arg15[%swap3A_141, %swap3A_142] {strides = array<i32>} : memref<80x128xf32, #tpu.memory_space<vmem>>, vector<1x16xf32>,
      %swap3A_144 = vector.shape_cast %swap3A_143 : vector<1x16xf32> to vector<16xf32>
      %swap3A_145 = vector.shape_cast %broadcast_in_dim3A_1 : vector<16xf32> to vector<1x16xf32>
      tpu.vector_store %arg15[%swap3A_141, %swap3A_142], %swap3A_145 {strides = array<i32>} : memref<80x128xf32, #tpu.memory_space<vmem>>, vector<1x16xf32>,
      %swap3A_146 = arith.index_cast %scan3A_111 : i32 to index
      %swap3A_147 = arith.constant 112 : index
      %swap3A_148 = tpu.vector_load %arg15[%swap3A_146, %swap3A_147] {strides = array<i32>} : memref<80x128xf32, #tpu.memory_space<vmem>>, vector<1x16xf32>,
      %swap3A_149 = vector.shape_cast %swap3A_148 : vector<1x16xf32> to vector<16xf32>
      %swap3A_150 = vector.shape_cast %broadcast_in_dim3A_1 : vector<16xf32> to vector<1x16xf32>
      tpu.vector_store %arg15[%swap3A_146, %swap3A_147], %swap3A_150 {strides = array<i32>} : memref<80x128xf32, #tpu.memory_space<vmem>>, vector<1x16xf32>,
    }
    %scan3A_5 = arith.constant 80 : i32
    %mul3A_6 = arith.constant 632 : i32
    %mul3A_7 = arith.muli %arg1, %mul3A_6 : i32
    %add3A_8 = arith.constant 0 : i32
    %add3A_9 = arith.addi %mul3A_7, %add3A_8 : i32
    "tpu.region"() ({
      %run_scoped3A = tpu.sem_alloc : memref<!tpu.dma_semaphore, #tpu.memory_space<semaphore_mem>>
      %dma_start3A_111 = arith.constant 0 : i32
      %dma_start3A_112 = tpu.memref_slice %arg19[%add3A_9, %dma_start3A_111] : memref<10112x128xf32, #tpu.memory_space<vmem_shared>> -> memref<80x128xf32, #tpu.memory_space<vmem_shared>>
      %dma_start3A_113 = arith.constant 0 : i32
      %dma_start3A_114 = tpu.memref_slice %arg19[%add3A_9, %dma_start3A_113] : memref<10112x128xf32, #tpu.memory_space<vmem_shared>> -> memref<80x128xf32, #tpu.memory_space<vmem_shared>>
      tpu.enqueue_dma source(%arg15 : memref<80x128xf32, #tpu.memory_space<vmem>>) target(%dma_start3A_114 : memref<80x128xf32, #tpu.memory_space<vmem_shared>>) target_semaphore(%run_scoped3A : memref<!tpu.dma_semaphore, #tpu.memory_space<semaphore_mem>>)
      %dma_wait3A_115 = arith.constant 0 : i32
      %dma_wait3A_116 = tpu.memref_slice %arg19[%add3A_9, %dma_wait3A_115] : memref<10112x128xf32, #tpu.memory_space<vmem_shared>> -> memref<80x128xf32, #tpu.memory_space<vmem_shared>>
      %dma_wait3A_117 = arith.constant 0 : i32
      %dma_wait3A_118 = tpu.memref_slice %arg19[%add3A_9, %dma_wait3A_117] : memref<10112x128xf32, #tpu.memory_space<vmem_shared>> -> memref<80x128xf32, #tpu.memory_space<vmem_shared>>
      tpu.wait_dma2 semaphore(%run_scoped3A : memref<!tpu.dma_semaphore, #tpu.memory_space<semaphore_mem>>) src(%arg15 : memref<80x128xf32, #tpu.memory_space<vmem>>) dst(%dma_wait3A_118 : memref<80x128xf32, #tpu.memory_space<vmem_shared>>)
      tpu.yield
    }) : () -> ()
    %mul3A_10 = arith.constant 632 : i32
    %mul3A_11 = arith.muli %arg1, %mul3A_10 : i32
    %add3A_12 = arith.constant 80 : i32
    %add3A_13 = arith.addi %mul3A_11, %add3A_12 : i32
    "tpu.region"() ({
      %run_scoped3A = tpu.sem_alloc : memref<!tpu.dma_semaphore, #tpu.memory_space<semaphore_mem>>
      %dma_start3A_111 = arith.constant 0 : i32
      %dma_start3A_112 = tpu.memref_slice %arg19[%add3A_13, %dma_start3A_111] : memref<10112x128xf32, #tpu.memory_space<vmem_shared>> -> memref<80x128xf32, #tpu.memory_space<vmem_shared>>
      %dma_start3A_113 = arith.constant 0 : i32
      %dma_start3A_114 = tpu.memref_slice %arg19[%add3A_13, %dma_start3A_113] : memref<10112x128xf32, #tpu.memory_space<vmem_shared>> -> memref<80x128xf32, #tpu.memory_space<vmem_shared>>
      tpu.enqueue_dma source(%arg15 : memref<80x128xf32, #tpu.memory_space<vmem>>) target(%dma_start3A_114 : memref<80x128xf32, #tpu.memory_space<vmem_shared>>) target_semaphore(%run_scoped3A : memref<!tpu.dma_semaphore, #tpu.memory_space<semaphore_mem>>)
      %dma_wait3A_115 = arith.constant 0 : i32
      %dma_wait3A_116 = tpu.memref_slice %arg19[%add3A_13, %dma_wait3A_115] : memref<10112x128xf32, #tpu.memory_space<vmem_shared>> -> memref<80x128xf32, #tpu.memory_space<vmem_shared>>
      %dma_wait3A_117 = arith.constant 0 : i32
      %dma_wait3A_118 = tpu.memref_slice %arg19[%add3A_13, %dma_wait3A_117] : memref<10112x128xf32, #tpu.memory_space<vmem_shared>> -> memref<80x128xf32, #tpu.memory_space<vmem_shared>>
      tpu.wait_dma2 semaphore(%run_scoped3A : memref<!tpu.dma_semaphore, #tpu.memory_space<semaphore_mem>>) src(%arg15 : memref<80x128xf32, #tpu.memory_space<vmem>>) dst(%dma_wait3A_118 : memref<80x128xf32, #tpu.memory_space<vmem_shared>>)
      tpu.yield
    }) : () -> ()
    %mul3A_14 = arith.constant 632 : i32
    %mul3A_15 = arith.muli %arg1, %mul3A_14 : i32
    %add3A_16 = arith.constant 160 : i32
    %add3A_17 = arith.addi %mul3A_15, %add3A_16 : i32
    "tpu.region"() ({
      %run_scoped3A = tpu.sem_alloc : memref<!tpu.dma_semaphore, #tpu.memory_space<semaphore_mem>>
      %dma_start3A_111 = arith.constant 0 : i32
      %dma_start3A_112 = tpu.memref_slice %arg19[%add3A_17, %dma_start3A_111] : memref<10112x128xf32, #tpu.memory_space<vmem_shared>> -> memref<80x128xf32, #tpu.memory_space<vmem_shared>>
      %dma_start3A_113 = arith.constant 0 : i32
      %dma_start3A_114 = tpu.memref_slice %arg19[%add3A_17, %dma_start3A_113] : memref<10112x128xf32, #tpu.memory_space<vmem_shared>> -> memref<80x128xf32, #tpu.memory_space<vmem_shared>>
      tpu.enqueue_dma source(%arg15 : memref<80x128xf32, #tpu.memory_space<vmem>>) target(%dma_start3A_114 : memref<80x128xf32, #tpu.memory_space<vmem_shared>>) target_semaphore(%run_scoped3A : memref<!tpu.dma_semaphore, #tpu.memory_space<semaphore_mem>>)
      %dma_wait3A_115 = arith.constant 0 : i32
      %dma_wait3A_116 = tpu.memref_slice %arg19[%add3A_17, %dma_wait3A_115] : memref<10112x128xf32, #tpu.memory_space<vmem_shared>> -> memref<80x128xf32, #tpu.memory_space<vmem_shared>>
      %dma_wait3A_117 = arith.constant 0 : i32
      %dma_wait3A_118 = tpu.memref_slice %arg19[%add3A_17, %dma_wait3A_117] : memref<10112x128xf32, #tpu.memory_space<vmem_shared>> -> memref<80x128xf32, #tpu.memory_space<vmem_shared>>
      tpu.wait_dma2 semaphore(%run_scoped3A : memref<!tpu.dma_semaphore, #tpu.memory_space<semaphore_mem>>) src(%arg15 : memref<80x128xf32, #tpu.memory_space<vmem>>) dst(%dma_wait3A_118 : memref<80x128xf32, #tpu.memory_space<vmem_shared>>)
      tpu.yield
    }) : () -> ()
    %mul3A_18 = arith.constant 632 : i32
    %mul3A_19 = arith.muli %arg1, %mul3A_18 : i32
    %add3A_20 = arith.constant 240 : i32
    %add3A_21 = arith.addi %mul3A_19, %add3A_20 : i32
    "tpu.region"() ({
      %run_scoped3A = tpu.sem_alloc : memref<!tpu.dma_semaphore, #tpu.memory_space<semaphore_mem>>
      %dma_start3A_111 = arith.constant 0 : i32
      %dma_start3A_112 = tpu.memref_slice %arg19[%add3A_21, %dma_start3A_111] : memref<10112x128xf32, #tpu.memory_space<vmem_shared>> -> memref<80x128xf32, #tpu.memory_space<vmem_shared>>
      %dma_start3A_113 = arith.constant 0 : i32
      %dma_start3A_114 = tpu.memref_slice %arg19[%add3A_21, %dma_start3A_113] : memref<10112x128xf32, #tpu.memory_space<vmem_shared>> -> memref<80x128xf32, #tpu.memory_space<vmem_shared>>
      tpu.enqueue_dma source(%arg15 : memref<80x128xf32, #tpu.memory_space<vmem>>) target(%dma_start3A_114 : memref<80x128xf32, #tpu.memory_space<vmem_shared>>) target_semaphore(%run_scoped3A : memref<!tpu.dma_semaphore, #tpu.memory_space<semaphore_mem>>)
      %dma_wait3A_115 = arith.constant 0 : i32
      %dma_wait3A_116 = tpu.memref_slice %arg19[%add3A_21, %dma_wait3A_115] : memref<10112x128xf32, #tpu.memory_space<vmem_shared>> -> memref<80x128xf32, #tpu.memory_space<vmem_shared>>
      %dma_wait3A_117 = arith.constant 0 : i32
      %dma_wait3A_118 = tpu.memref_slice %arg19[%add3A_21, %dma_wait3A_117] : memref<10112x128xf32, #tpu.memory_space<vmem_shared>> -> memref<80x128xf32, #tpu.memory_space<vmem_shared>>
      tpu.wait_dma2 semaphore(%run_scoped3A : memref<!tpu.dma_semaphore, #tpu.memory_space<semaphore_mem>>) src(%arg15 : memref<80x128xf32, #tpu.memory_space<vmem>>) dst(%dma_wait3A_118 : memref<80x128xf32, #tpu.memory_space<vmem_shared>>)
      tpu.yield
    }) : () -> ()
    %mul3A_22 = arith.constant 632 : i32
    %mul3A_23 = arith.muli %arg1, %mul3A_22 : i32
    %add3A_24 = arith.constant 320 : i32
    %add3A_25 = arith.addi %mul3A_23, %add3A_24 : i32
    "tpu.region"() ({
      %run_scoped3A = tpu.sem_alloc : memref<!tpu.dma_semaphore, #tpu.memory_space<semaphore_mem>>
      %dma_start3A_111 = arith.constant 0 : i32
      %dma_start3A_112 = tpu.memref_slice %arg19[%add3A_25, %dma_start3A_111] : memref<10112x128xf32, #tpu.memory_space<vmem_shared>> -> memref<80x128xf32, #tpu.memory_space<vmem_shared>>
      %dma_start3A_113 = arith.constant 0 : i32
      %dma_start3A_114 = tpu.memref_slice %arg19[%add3A_25, %dma_start3A_113] : memref<10112x128xf32, #tpu.memory_space<vmem_shared>> -> memref<80x128xf32, #tpu.memory_space<vmem_shared>>
      tpu.enqueue_dma source(%arg15 : memref<80x128xf32, #tpu.memory_space<vmem>>) target(%dma_start3A_114 : memref<80x128xf32, #tpu.memory_space<vmem_shared>>) target_semaphore(%run_scoped3A : memref<!tpu.dma_semaphore, #tpu.memory_space<semaphore_mem>>)
      %dma_wait3A_115 = arith.constant 0 : i32
      %dma_wait3A_116 = tpu.memref_slice %arg19[%add3A_25, %dma_wait3A_115] : memref<10112x128xf32, #tpu.memory_space<vmem_shared>> -> memref<80x128xf32, #tpu.memory_space<vmem_shared>>
      %dma_wait3A_117 = arith.constant 0 : i32
      %dma_wait3A_118 = tpu.memref_slice %arg19[%add3A_25, %dma_wait3A_117] : memref<10112x128xf32, #tpu.memory_space<vmem_shared>> -> memref<80x128xf32, #tpu.memory_space<vmem_shared>>
      tpu.wait_dma2 semaphore(%run_scoped3A : memref<!tpu.dma_semaphore, #tpu.memory_space<semaphore_mem>>) src(%arg15 : memref<80x128xf32, #tpu.memory_space<vmem>>) dst(%dma_wait3A_118 : memref<80x128xf32, #tpu.memory_space<vmem_shared>>)
      tpu.yield
    }) : () -> ()
    %mul3A_26 = arith.constant 632 : i32
    %mul3A_27 = arith.muli %arg1, %mul3A_26 : i32
    %add3A_28 = arith.constant 400 : i32
    %add3A_29 = arith.addi %mul3A_27, %add3A_28 : i32
    "tpu.region"() ({
      %run_scoped3A = tpu.sem_alloc : memref<!tpu.dma_semaphore, #tpu.memory_space<semaphore_mem>>
      %dma_start3A_111 = arith.constant 0 : i32
      %dma_start3A_112 = tpu.memref_slice %arg19[%add3A_29, %dma_start3A_111] : memref<10112x128xf32, #tpu.memory_space<vmem_shared>> -> memref<80x128xf32, #tpu.memory_space<vmem_shared>>
      %dma_start3A_113 = arith.constant 0 : i32
      %dma_start3A_114 = tpu.memref_slice %arg19[%add3A_29, %dma_start3A_113] : memref<10112x128xf32, #tpu.memory_space<vmem_shared>> -> memref<80x128xf32, #tpu.memory_space<vmem_shared>>
      tpu.enqueue_dma source(%arg15 : memref<80x128xf32, #tpu.memory_space<vmem>>) target(%dma_start3A_114 : memref<80x128xf32, #tpu.memory_space<vmem_shared>>) target_semaphore(%run_scoped3A : memref<!tpu.dma_semaphore, #tpu.memory_space<semaphore_mem>>)
      %dma_wait3A_115 = arith.constant 0 : i32
      %dma_wait3A_116 = tpu.memref_slice %arg19[%add3A_29, %dma_wait3A_115] : memref<10112x128xf32, #tpu.memory_space<vmem_shared>> -> memref<80x128xf32, #tpu.memory_space<vmem_shared>>
      %dma_wait3A_117 = arith.constant 0 : i32
      %dma_wait3A_118 = tpu.memref_slice %arg19[%add3A_29, %dma_wait3A_117] : memref<10112x128xf32, #tpu.memory_space<vmem_shared>> -> memref<80x128xf32, #tpu.memory_space<vmem_shared>>
      tpu.wait_dma2 semaphore(%run_scoped3A : memref<!tpu.dma_semaphore, #tpu.memory_space<semaphore_mem>>) src(%arg15 : memref<80x128xf32, #tpu.memory_space<vmem>>) dst(%dma_wait3A_118 : memref<80x128xf32, #tpu.memory_space<vmem_shared>>)
      tpu.yield
    }) : () -> ()
    %mul3A_30 = arith.constant 632 : i32
    %mul3A_31 = arith.muli %arg1, %mul3A_30 : i32
    %add3A_32 = arith.constant 480 : i32
    %add3A_33 = arith.addi %mul3A_31, %add3A_32 : i32
    "tpu.region"() ({
      %run_scoped3A = tpu.sem_alloc : memref<!tpu.dma_semaphore, #tpu.memory_space<semaphore_mem>>
      %dma_start3A_111 = arith.constant 0 : i32
      %dma_start3A_112 = tpu.memref_slice %arg19[%add3A_33, %dma_start3A_111] : memref<10112x128xf32, #tpu.memory_space<vmem_shared>> -> memref<80x128xf32, #tpu.memory_space<vmem_shared>>
      %dma_start3A_113 = arith.constant 0 : i32
      %dma_start3A_114 = tpu.memref_slice %arg19[%add3A_33, %dma_start3A_113] : memref<10112x128xf32, #tpu.memory_space<vmem_shared>> -> memref<80x128xf32, #tpu.memory_space<vmem_shared>>
      tpu.enqueue_dma source(%arg15 : memref<80x128xf32, #tpu.memory_space<vmem>>) target(%dma_start3A_114 : memref<80x128xf32, #tpu.memory_space<vmem_shared>>) target_semaphore(%run_scoped3A : memref<!tpu.dma_semaphore, #tpu.memory_space<semaphore_mem>>)
      %dma_wait3A_115 = arith.constant 0 : i32
      %dma_wait3A_116 = tpu.memref_slice %arg19[%add3A_33, %dma_wait3A_115] : memref<10112x128xf32, #tpu.memory_space<vmem_shared>> -> memref<80x128xf32, #tpu.memory_space<vmem_shared>>
      %dma_wait3A_117 = arith.constant 0 : i32
      %dma_wait3A_118 = tpu.memref_slice %arg19[%add3A_33, %dma_wait3A_117] : memref<10112x128xf32, #tpu.memory_space<vmem_shared>> -> memref<80x128xf32, #tpu.memory_space<vmem_shared>>
      tpu.wait_dma2 semaphore(%run_scoped3A : memref<!tpu.dma_semaphore, #tpu.memory_space<semaphore_mem>>) src(%arg15 : memref<80x128xf32, #tpu.memory_space<vmem>>) dst(%dma_wait3A_118 : memref<80x128xf32, #tpu.memory_space<vmem_shared>>)
      tpu.yield
    }) : () -> ()
    %mul3A_34 = arith.constant 632 : i32
    %mul3A_35 = arith.muli %arg1, %mul3A_34 : i32
    %add3A_36 = arith.constant 560 : i32
    %add3A_37 = arith.addi %mul3A_35, %add3A_36 : i32
    "tpu.region"() ({
      %run_scoped3A = tpu.sem_alloc : memref<!tpu.dma_semaphore, #tpu.memory_space<semaphore_mem>>
      %dma_start3A_111 = arith.constant 0 : i32
      %dma_start3A_112 = arith.constant 0 : i32
      %dma_start3A_113 = tpu.memref_slice %arg15[%dma_start3A_111, %dma_start3A_112] : memref<80x128xf32, #tpu.memory_space<vmem>> -> memref<72x128xf32, #tpu.memory_space<vmem>>
      %dma_start3A_114 = arith.constant 0 : i32
      %dma_start3A_115 = tpu.memref_slice %arg19[%add3A_37, %dma_start3A_114] : memref<10112x128xf32, #tpu.memory_space<vmem_shared>> -> memref<72x128xf32, #tpu.memory_space<vmem_shared>>
      %dma_start3A_116 = arith.constant 0 : i32
      %dma_start3A_117 = tpu.memref_slice %arg19[%add3A_37, %dma_start3A_116] : memref<10112x128xf32, #tpu.memory_space<vmem_shared>> -> memref<72x128xf32, #tpu.memory_space<vmem_shared>>
      %dma_start3A_118 = arith.constant 0 : i32
      %dma_start3A_119 = arith.constant 0 : i32
      %dma_start3A_120 = tpu.memref_slice %arg15[%dma_start3A_118, %dma_start3A_119] : memref<80x128xf32, #tpu.memory_space<vmem>> -> memref<72x128xf32, #tpu.memory_space<vmem>>
      tpu.enqueue_dma source(%dma_start3A_120 : memref<72x128xf32, #tpu.memory_space<vmem>>) target(%dma_start3A_117 : memref<72x128xf32, #tpu.memory_space<vmem_shared>>) target_semaphore(%run_scoped3A : memref<!tpu.dma_semaphore, #tpu.memory_space<semaphore_mem>>)
      %dma_wait3A_121 = arith.constant 0 : i32
      %dma_wait3A_122 = arith.constant 0 : i32
      %dma_wait3A_123 = tpu.memref_slice %arg15[%dma_wait3A_121, %dma_wait3A_122] : memref<80x128xf32, #tpu.memory_space<vmem>> -> memref<72x128xf32, #tpu.memory_space<vmem>>
      %dma_wait3A_124 = arith.constant 0 : i32
      %dma_wait3A_125 = tpu.memref_slice %arg19[%add3A_37, %dma_wait3A_124] : memref<10112x128xf32, #tpu.memory_space<vmem_shared>> -> memref<72x128xf32, #tpu.memory_space<vmem_shared>>
      %dma_wait3A_126 = arith.constant 0 : i32
      %dma_wait3A_127 = tpu.memref_slice %arg19[%add3A_37, %dma_wait3A_126] : memref<10112x128xf32, #tpu.memory_space<vmem_shared>> -> memref<72x128xf32, #tpu.memory_space<vmem_shared>>
      %dma_wait3A_128 = arith.constant 0 : i32
      %dma_wait3A_129 = arith.constant 0 : i32
      %dma_wait3A_130 = tpu.memref_slice %arg15[%dma_wait3A_128, %dma_wait3A_129] : memref<80x128xf32, #tpu.memory_space<vmem>> -> memref<72x128xf32, #tpu.memory_space<vmem>>
      tpu.wait_dma2 semaphore(%run_scoped3A : memref<!tpu.dma_semaphore, #tpu.memory_space<semaphore_mem>>) src(%dma_wait3A_130 : memref<72x128xf32, #tpu.memory_space<vmem>>) dst(%dma_wait3A_127 : memref<72x128xf32, #tpu.memory_space<vmem_shared>>)
      tpu.yield
    }) : () -> ()
    %barrier3A = arith.constant 0 : index
    tpu.barrier barrier_id(%barrier3A)
    %dma_start3A = arith.constant 0 : i32
    %dma_start3A_38 = arith.constant 0 : i32
    %dma_start3A_39 = tpu.memref_slice %arg2[%add3A, %dma_start3A, %dma_start3A_38] : memref<32x125x80xi32, #tpu.memory_space<hbm>> -> memref<1x1x80xi32, #tpu.memory_space<hbm>>
    %dma_start3A_40 = tpu.memref_squeeze %dma_start3A_39 : memref<1x1x80xi32, #tpu.memory_space<hbm>> -> memref<80xi32, #tpu.memory_space<hbm>>
    %dma_start3A_41 = arith.constant 0 : i32
    %dma_start3A_42 = tpu.memref_slice %arg2[%add3A, %dma_start3A, %dma_start3A_41] : memref<32x125x80xi32, #tpu.memory_space<hbm>> -> memref<1x1x80xi32, #tpu.memory_space<hbm>>
    %dma_start3A_43 = tpu.memref_squeeze %dma_start3A_42 : memref<1x1x80xi32, #tpu.memory_space<hbm>> -> memref<80xi32, #tpu.memory_space<hbm>>
    tpu.enqueue_dma source(%dma_start3A_43 : memref<80xi32, #tpu.memory_space<hbm>>) target(%arg7 : memref<80xi32, #tpu.memory_space<vmem>>) target_semaphore(%arg21 : memref<!tpu.dma_semaphore, #tpu.memory_space<semaphore_mem>>)
    %dma_start3A_44 = arith.constant 0 : i32
    %dma_start3A_45 = arith.constant 0 : i32
    %dma_start3A_46 = tpu.memref_slice %arg3[%add3A, %dma_start3A_44, %dma_start3A_45] : memref<32x125x80xi32, #tpu.memory_space<hbm>> -> memref<1x1x80xi32, #tpu.memory_space<hbm>>
    %dma_start3A_47 = tpu.memref_squeeze %dma_start3A_46 : memref<1x1x80xi32, #tpu.memory_space<hbm>> -> memref<80xi32, #tpu.memory_space<hbm>>
    %dma_start3A_48 = arith.constant 0 : i32
    %dma_start3A_49 = tpu.memref_slice %arg3[%add3A, %dma_start3A_44, %dma_start3A_48] : memref<32x125x80xi32, #tpu.memory_space<hbm>> -> memref<1x1x80xi32, #tpu.memory_space<hbm>>
    %dma_start3A_50 = tpu.memref_squeeze %dma_start3A_49 : memref<1x1x80xi32, #tpu.memory_space<hbm>> -> memref<80xi32, #tpu.memory_space<hbm>>
    tpu.enqueue_dma source(%dma_start3A_50 : memref<80xi32, #tpu.memory_space<hbm>>) target(%arg11 : memref<80xi32, #tpu.memory_space<vmem>>) target_semaphore(%arg21 : memref<!tpu.dma_semaphore, #tpu.memory_space<semaphore_mem>>)
    %dma_start3A_51 = arith.constant 1 : i32
    %dma_start3A_52 = arith.constant 0 : i32
    %dma_start3A_53 = tpu.memref_slice %arg2[%add3A, %dma_start3A_51, %dma_start3A_52] : memref<32x125x80xi32, #tpu.memory_space<hbm>> -> memref<1x1x80xi32, #tpu.memory_space<hbm>>
    %dma_start3A_54 = tpu.memref_squeeze %dma_start3A_53 : memref<1x1x80xi32, #tpu.memory_space<hbm>> -> memref<80xi32, #tpu.memory_space<hbm>>
    %dma_start3A_55 = arith.constant 0 : i32
    %dma_start3A_56 = tpu.memref_slice %arg2[%add3A, %dma_start3A_51, %dma_start3A_55] : memref<32x125x80xi32, #tpu.memory_space<hbm>> -> memref<1x1x80xi32, #tpu.memory_space<hbm>>
    %dma_start3A_57 = tpu.memref_squeeze %dma_start3A_56 : memref<1x1x80xi32, #tpu.memory_space<hbm>> -> memref<80xi32, #tpu.memory_space<hbm>>
    tpu.enqueue_dma source(%dma_start3A_57 : memref<80xi32, #tpu.memory_space<hbm>>) target(%arg8 : memref<80xi32, #tpu.memory_space<vmem>>) target_semaphore(%arg21 : memref<!tpu.dma_semaphore, #tpu.memory_space<semaphore_mem>>)
    %dma_start3A_58 = arith.constant 1 : i32
    %dma_start3A_59 = arith.constant 0 : i32
    %dma_start3A_60 = tpu.memref_slice %arg3[%add3A, %dma_start3A_58, %dma_start3A_59] : memref<32x125x80xi32, #tpu.memory_space<hbm>> -> memref<1x1x80xi32, #tpu.memory_space<hbm>>
    %dma_start3A_61 = tpu.memref_squeeze %dma_start3A_60 : memref<1x1x80xi32, #tpu.memory_space<hbm>> -> memref<80xi32, #tpu.memory_space<hbm>>
    %dma_start3A_62 = arith.constant 0 : i32
    %dma_start3A_63 = tpu.memref_slice %arg3[%add3A, %dma_start3A_58, %dma_start3A_62] : memref<32x125x80xi32, #tpu.memory_space<hbm>> -> memref<1x1x80xi32, #tpu.memory_space<hbm>>
    %dma_start3A_64 = tpu.memref_squeeze %dma_start3A_63 : memref<1x1x80xi32, #tpu.memory_space<hbm>> -> memref<80xi32, #tpu.memory_space<hbm>>
    tpu.enqueue_dma source(%dma_start3A_64 : memref<80xi32, #tpu.memory_space<hbm>>) target(%arg12 : memref<80xi32, #tpu.memory_space<vmem>>) target_semaphore(%arg21 : memref<!tpu.dma_semaphore, #tpu.memory_space<semaphore_mem>>)
    %dma_start3A_65 = arith.constant 2 : i32
    %dma_start3A_66 = arith.constant 0 : i32
    %dma_start3A_67 = tpu.memref_slice %arg2[%add3A, %dma_start3A_65, %dma_start3A_66] : memref<32x125x80xi32, #tpu.memory_space<hbm>> -> memref<1x1x80xi32, #tpu.memory_space<hbm>>
    %dma_start3A_68 = tpu.memref_squeeze %dma_start3A_67 : memref<1x1x80xi32, #tpu.memory_space<hbm>> -> memref<80xi32, #tpu.memory_space<hbm>>
    %dma_start3A_69 = arith.constant 0 : i32
    %dma_start3A_70 = tpu.memref_slice %arg2[%add3A, %dma_start3A_65, %dma_start3A_69] : memref<32x125x80xi32, #tpu.memory_space<hbm>> -> memref<1x1x80xi32, #tpu.memory_space<hbm>>
    %dma_start3A_71 = tpu.memref_squeeze %dma_start3A_70 : memref<1x1x80xi32, #tpu.memory_space<hbm>> -> memref<80xi32, #tpu.memory_space<hbm>>
    tpu.enqueue_dma source(%dma_start3A_71 : memref<80xi32, #tpu.memory_space<hbm>>) target(%arg9 : memref<80xi32, #tpu.memory_space<vmem>>) target_semaphore(%arg21 : memref<!tpu.dma_semaphore, #tpu.memory_space<semaphore_mem>>)
    %dma_start3A_72 = arith.constant 2 : i32
    %dma_start3A_73 = arith.constant 0 : i32
    %dma_start3A_74 = tpu.memref_slice %arg3[%add3A, %dma_start3A_72, %dma_start3A_73] : memref<32x125x80xi32, #tpu.memory_space<hbm>> -> memref<1x1x80xi32, #tpu.memory_space<hbm>>
    %dma_start3A_75 = tpu.memref_squeeze %dma_start3A_74 : memref<1x1x80xi32, #tpu.memory_space<hbm>> -> memref<80xi32, #tpu.memory_space<hbm>>
    %dma_start3A_76 = arith.constant 0 : i32
    %dma_start3A_77 = tpu.memref_slice %arg3[%add3A, %dma_start3A_72, %dma_start3A_76] : memref<32x125x80xi32, #tpu.memory_space<hbm>> -> memref<1x1x80xi32, #tpu.memory_space<hbm>>
    %dma_start3A_78 = tpu.memref_squeeze %dma_start3A_77 : memref<1x1x80xi32, #tpu.memory_space<hbm>> -> memref<80xi32, #tpu.memory_space<hbm>>
    tpu.enqueue_dma source(%dma_start3A_78 : memref<80xi32, #tpu.memory_space<hbm>>) target(%arg13 : memref<80xi32, #tpu.memory_space<vmem>>) target_semaphore(%arg21 : memref<!tpu.dma_semaphore, #tpu.memory_space<semaphore_mem>>)
    %dma_wait3A = arith.constant 0 : i32
    %dma_wait3A_79 = arith.constant 0 : i32
    %dma_wait3A_80 = tpu.memref_slice %arg2[%add3A, %dma_wait3A, %dma_wait3A_79] : memref<32x125x80xi32, #tpu.memory_space<hbm>> -> memref<1x1x80xi32, #tpu.memory_space<hbm>>
    %dma_wait3A_81 = tpu.memref_squeeze %dma_wait3A_80 : memref<1x1x80xi32, #tpu.memory_space<hbm>> -> memref<80xi32, #tpu.memory_space<hbm>>
    %dma_wait3A_82 = arith.constant 0 : i32
    %dma_wait3A_83 = tpu.memref_slice %arg2[%add3A, %dma_wait3A, %dma_wait3A_82] : memref<32x125x80xi32, #tpu.memory_space<hbm>> -> memref<1x1x80xi32, #tpu.memory_space<hbm>>
    %dma_wait3A_84 = tpu.memref_squeeze %dma_wait3A_83 : memref<1x1x80xi32, #tpu.memory_space<hbm>> -> memref<80xi32, #tpu.memory_space<hbm>>
    tpu.wait_dma2 semaphore(%arg21 : memref<!tpu.dma_semaphore, #tpu.memory_space<semaphore_mem>>) src(%dma_wait3A_84 : memref<80xi32, #tpu.memory_space<hbm>>) dst(%arg7 : memref<80xi32, #tpu.memory_space<vmem>>)
    %dma_wait3A_85 = arith.constant 0 : i32
    %dma_wait3A_86 = arith.constant 0 : i32
    %dma_wait3A_87 = tpu.memref_slice %arg3[%add3A, %dma_wait3A_85, %dma_wait3A_86] : memref<32x125x80xi32, #tpu.memory_space<hbm>> -> memref<1x1x80xi32, #tpu.memory_space<hbm>>
    %dma_wait3A_88 = tpu.memref_squeeze %dma_wait3A_87 : memref<1x1x80xi32, #tpu.memory_space<hbm>> -> memref<80xi32, #tpu.memory_space<hbm>>
    %dma_wait3A_89 = arith.constant 0 : i32
    %dma_wait3A_90 = tpu.memref_slice %arg3[%add3A, %dma_wait3A_85, %dma_wait3A_89] : memref<32x125x80xi32, #tpu.memory_space<hbm>> -> memref<1x1x80xi32, #tpu.memory_space<hbm>>
    %dma_wait3A_91 = tpu.memref_squeeze %dma_wait3A_90 : memref<1x1x80xi32, #tpu.memory_space<hbm>> -> memref<80xi32, #tpu.memory_space<hbm>>
    tpu.wait_dma2 semaphore(%arg21 : memref<!tpu.dma_semaphore, #tpu.memory_space<semaphore_mem>>) src(%dma_wait3A_91 : memref<80xi32, #tpu.memory_space<hbm>>) dst(%arg11 : memref<80xi32, #tpu.memory_space<vmem>>)
    %dma_start3A_92 = arith.constant 0 : i32
    %dma_start3A_93 = arith.constant 0 : i32
    %dma_start3A_94 = tpu.memref_slice %arg4[%dma_start3A_92, %dma_start3A_93] : memref<10000x128xf32, #tpu.memory_space<hbm>> -> memref<10000x128xf32, #tpu.memory_space<hbm>>
    tpu.enqueue_indirect_dma source(%dma_start3A_94 : memref<10000x128xf32, #tpu.memory_space<hbm>>) target(%arg15 : memref<80x128xf32, #tpu.memory_space<vmem>>) offsets(%arg7 : memref<80xi32, #tpu.memory_space<vmem>>) semaphore(%arg20 : memref<!tpu.dma_semaphore, #tpu.memory_space<semaphore_mem>>)
    %scan3A_95 = arith.constant 0 : i32
    %scan3A_96 = arith.constant 125 : i32
    %scan3A_97 = arith.addi %scan3A_95, %scan3A_96 : i32
    %scan3A_98 = arith.constant 1 : i32
    scf.for %scan3A_111 = %scan3A_95 to %scan3A_97 step %scan3A_98  : i32 {
      %rem3A = arith.constant 4 : i32
      %rem3A_112 = arith.remsi %scan3A_111, %rem3A : i32
      %eq3A_113 = arith.constant 0 : i32
      %eq3A_114 = arith.cmpi eq, %rem3A_112, %eq3A_113 : i32
      %convert_element_type3A_115 = arith.extui %eq3A_114 : i1 to i32
      %cond3A_116 = arith.constant 0 : i32
      %cond3A_117 = arith.cmpi ne, %convert_element_type3A_115, %cond3A_116 : i32
      scf.if %cond3A_117 {
        %dma_wait3A_139 = arith.constant 0 : i32
        %dma_wait3A_140 = arith.constant 0 : i32
        %dma_wait3A_141 = tpu.memref_slice %arg4[%dma_wait3A_139, %dma_wait3A_140] : memref<10000x128xf32, #tpu.memory_space<hbm>> -> memref<10000x128xf32, #tpu.memory_space<hbm>>
        tpu.wait_indirect_dma semaphore(%arg20 : memref<!tpu.dma_semaphore, #tpu.memory_space<semaphore_mem>>) src(%dma_wait3A_141 : memref<10000x128xf32, #tpu.memory_space<hbm>>) dst(%arg15 : memref<80x128xf32, #tpu.memory_space<vmem>>)
        %ge3A = arith.constant 1 : i32
        %ge3A_142 = arith.cmpi sge, %scan3A_111, %ge3A : i32
        %convert_element_type3A_143 = arith.extui %ge3A_142 : i1 to i32
        %cond3A_144 = arith.constant 0 : i32
        %cond3A_145 = arith.cmpi ne, %convert_element_type3A_143, %cond3A_144 : i32
        scf.if %cond3A_145 {
          %dma_wait3A_162 = arith.constant 0 : i32
          %dma_wait3A_163 = arith.constant 0 : i32
          %dma_wait3A_164 = tpu.memref_slice %arg19[%dma_wait3A_162, %dma_wait3A_163] : memref<10112x128xf32, #tpu.memory_space<vmem_shared>> -> memref<10112x128xf32, #tpu.memory_space<vmem_shared>>
          tpu.wait_indirect_dma semaphore(%arg22 : memref<!tpu.dma_semaphore, #tpu.memory_space<semaphore_mem>>) src(%arg18 : memref<80x128xf32, #tpu.memory_space<vmem>>) dst(%dma_wait3A_164 : memref<10112x128xf32, #tpu.memory_space<vmem_shared>>)
        } else {
        }
        %add3A_146 = arith.constant 3 : i32
        %add3A_147 = arith.addi %scan3A_111, %add3A_146 : i32
        %lt3A = arith.constant 125 : i32
        %lt3A_148 = arith.cmpi slt, %add3A_147, %lt3A : i32
        %convert_element_type3A_149 = arith.extui %lt3A_148 : i1 to i32
        %cond3A_150 = arith.constant 0 : i32
        %cond3A_151 = arith.cmpi ne, %convert_element_type3A_149, %cond3A_150 : i32
        scf.if %cond3A_151 {
          %add3A_162 = arith.constant 3 : i32
          %add3A_163 = arith.addi %scan3A_111, %add3A_162 : i32
          %dma_start3A_164 = arith.constant 0 : i32
          %dma_start3A_165 = tpu.memref_slice %arg2[%add3A, %add3A_163, %dma_start3A_164] : memref<32x125x80xi32, #tpu.memory_space<hbm>> -> memref<1x1x80xi32, #tpu.memory_space<hbm>>
          %dma_start3A_166 = tpu.memref_squeeze %dma_start3A_165 : memref<1x1x80xi32, #tpu.memory_space<hbm>> -> memref<80xi32, #tpu.memory_space<hbm>>
          %dma_start3A_167 = arith.constant 0 : i32
          %dma_start3A_168 = tpu.memref_slice %arg2[%add3A, %add3A_163, %dma_start3A_167] : memref<32x125x80xi32, #tpu.memory_space<hbm>> -> memref<1x1x80xi32, #tpu.memory_space<hbm>>
          %dma_start3A_169 = tpu.memref_squeeze %dma_start3A_168 : memref<1x1x80xi32, #tpu.memory_space<hbm>> -> memref<80xi32, #tpu.memory_space<hbm>>
          tpu.enqueue_dma source(%dma_start3A_169 : memref<80xi32, #tpu.memory_space<hbm>>) target(%arg10 : memref<80xi32, #tpu.memory_space<vmem>>) target_semaphore(%arg21 : memref<!tpu.dma_semaphore, #tpu.memory_space<semaphore_mem>>)
          %add3A_170 = arith.constant 3 : i32
          %add3A_171 = arith.addi %scan3A_111, %add3A_170 : i32
          %dma_start3A_172 = arith.constant 0 : i32
          %dma_start3A_173 = tpu.memref_slice %arg3[%add3A, %add3A_171, %dma_start3A_172] : memref<32x125x80xi32, #tpu.memory_space<hbm>> -> memref<1x1x80xi32, #tpu.memory_space<hbm>>
          %dma_start3A_174 = tpu.memref_squeeze %dma_start3A_173 : memref<1x1x80xi32, #tpu.memory_space<hbm>> -> memref<80xi32, #tpu.memory_space<hbm>>
          %dma_start3A_175 = arith.constant 0 : i32
          %dma_start3A_176 = tpu.memref_slice %arg3[%add3A, %add3A_171, %dma_start3A_175] : memref<32x125x80xi32, #tpu.memory_space<hbm>> -> memref<1x1x80xi32, #tpu.memory_space<hbm>>
          %dma_start3A_177 = tpu.memref_squeeze %dma_start3A_176 : memref<1x1x80xi32, #tpu.memory_space<hbm>> -> memref<80xi32, #tpu.memory_space<hbm>>
          tpu.enqueue_dma source(%dma_start3A_177 : memref<80xi32, #tpu.memory_space<hbm>>) target(%arg14 : memref<80xi32, #tpu.memory_space<vmem>>) target_semaphore(%arg21 : memref<!tpu.dma_semaphore, #tpu.memory_space<semaphore_mem>>)
        } else {
        }
        %add3A_152 = arith.constant 1 : i32
        %add3A_153 = arith.addi %scan3A_111, %add3A_152 : i32
        %lt3A_154 = arith.constant 125 : i32
        %lt3A_155 = arith.cmpi slt, %add3A_153, %lt3A_154 : i32
        %convert_element_type3A_156 = arith.extui %lt3A_155 : i1 to i32
        %cond3A_157 = arith.constant 0 : i32
        %cond3A_158 = arith.cmpi ne, %convert_element_type3A_156, %cond3A_157 : i32
        scf.if %cond3A_158 {
          %add3A_162 = arith.constant 1 : i32
          %add3A_163 = arith.addi %scan3A_111, %add3A_162 : i32
          %dma_wait3A_164 = arith.constant 0 : i32
          %dma_wait3A_165 = tpu.memref_slice %arg2[%add3A, %add3A_163, %dma_wait3A_164] : memref<32x125x80xi32, #tpu.memory_space<hbm>> -> memref<1x1x80xi32, #tpu.memory_space<hbm>>
          %dma_wait3A_166 = tpu.memref_squeeze %dma_wait3A_165 : memref<1x1x80xi32, #tpu.memory_space<hbm>> -> memref<80xi32, #tpu.memory_space<hbm>>
          %dma_wait3A_167 = arith.constant 0 : i32
          %dma_wait3A_168 = tpu.memref_slice %arg2[%add3A, %add3A_163, %dma_wait3A_167] : memref<32x125x80xi32, #tpu.memory_space<hbm>> -> memref<1x1x80xi32, #tpu.memory_space<hbm>>
          %dma_wait3A_169 = tpu.memref_squeeze %dma_wait3A_168 : memref<1x1x80xi32, #tpu.memory_space<hbm>> -> memref<80xi32, #tpu.memory_space<hbm>>
          tpu.wait_dma2 semaphore(%arg21 : memref<!tpu.dma_semaphore, #tpu.memory_space<semaphore_mem>>) src(%dma_wait3A_169 : memref<80xi32, #tpu.memory_space<hbm>>) dst(%arg8 : memref<80xi32, #tpu.memory_space<vmem>>)
          %add3A_170 = arith.constant 1 : i32
          %add3A_171 = arith.addi %scan3A_111, %add3A_170 : i32
          %dma_wait3A_172 = arith.constant 0 : i32
          %dma_wait3A_173 = tpu.memref_slice %arg3[%add3A, %add3A_171, %dma_wait3A_172] : memref<32x125x80xi32, #tpu.memory_space<hbm>> -> memref<1x1x80xi32, #tpu.memory_space<hbm>>
          %dma_wait3A_174 = tpu.memref_squeeze %dma_wait3A_173 : memref<1x1x80xi32, #tpu.memory_space<hbm>> -> memref<80xi32, #tpu.memory_space<hbm>>
          %dma_wait3A_175 = arith.constant 0 : i32
          %dma_wait3A_176 = tpu.memref_slice %arg3[%add3A, %add3A_171, %dma_wait3A_175] : memref<32x125x80xi32, #tpu.memory_space<hbm>> -> memref<1x1x80xi32, #tpu.memory_space<hbm>>
          %dma_wait3A_177 = tpu.memref_squeeze %dma_wait3A_176 : memref<1x1x80xi32, #tpu.memory_space<hbm>> -> memref<80xi32, #tpu.memory_space<hbm>>
          tpu.wait_dma2 semaphore(%arg21 : memref<!tpu.dma_semaphore, #tpu.memory_space<semaphore_mem>>) src(%dma_wait3A_177 : memref<80xi32, #tpu.memory_space<hbm>>) dst(%arg12 : memref<80xi32, #tpu.memory_space<vmem>>)
          %dma_start3A_178 = arith.constant 0 : i32
          %dma_start3A_179 = arith.constant 0 : i32
          %dma_start3A_180 = tpu.memref_slice %arg4[%dma_start3A_178, %dma_start3A_179] : memref<10000x128xf32, #tpu.memory_space<hbm>> -> memref<10000x128xf32, #tpu.memory_space<hbm>>
          tpu.enqueue_indirect_dma source(%dma_start3A_180 : memref<10000x128xf32, #tpu.memory_space<hbm>>) target(%arg16 : memref<80x128xf32, #tpu.memory_space<vmem>>) offsets(%arg8 : memref<80xi32, #tpu.memory_space<vmem>>) semaphore(%arg20 : memref<!tpu.dma_semaphore, #tpu.memory_space<semaphore_mem>>)
        } else {
        }
        %dma_start3A_159 = arith.constant 0 : i32
        %dma_start3A_160 = arith.constant 0 : i32
        %dma_start3A_161 = tpu.memref_slice %arg19[%dma_start3A_159, %dma_start3A_160] : memref<10112x128xf32, #tpu.memory_space<vmem_shared>> -> memref<10112x128xf32, #tpu.memory_space<vmem_shared>>
        tpu.enqueue_indirect_dma source(%arg15 : memref<80x128xf32, #tpu.memory_space<vmem>>) target(%dma_start3A_161 : memref<10112x128xf32, #tpu.memory_space<vmem_shared>>) offsets(%arg11 : memref<80xi32, #tpu.memory_space<vmem>>) semaphore(%arg22 : memref<!tpu.dma_semaphore, #tpu.memory_space<semaphore_mem>>) {add = true}
      } else {
      }
      %rem3A_118 = arith.constant 4 : i32
      %rem3A_119 = arith.remsi %scan3A_111, %rem3A_118 : i32
      %eq3A_120 = arith.constant 1 : i32
      %eq3A_121 = arith.cmpi eq, %rem3A_119, %eq3A_120 : i32
      %convert_element_type3A_122 = arith.extui %eq3A_121 : i1 to i32
      %cond3A_123 = arith.constant 0 : i32
      %cond3A_124 = arith.cmpi ne, %convert_element_type3A_122, %cond3A_123 : i32
      scf.if %cond3A_124 {
        %dma_wait3A_139 = arith.constant 0 : i32
        %dma_wait3A_140 = arith.constant 0 : i32
        %dma_wait3A_141 = tpu.memref_slice %arg4[%dma_wait3A_139, %dma_wait3A_140] : memref<10000x128xf32, #tpu.memory_space<hbm>> -> memref<10000x128xf32, #tpu.memory_space<hbm>>
        tpu.wait_indirect_dma semaphore(%arg20 : memref<!tpu.dma_semaphore, #tpu.memory_space<semaphore_mem>>) src(%dma_wait3A_141 : memref<10000x128xf32, #tpu.memory_space<hbm>>) dst(%arg16 : memref<80x128xf32, #tpu.memory_space<vmem>>)
        %ge3A = arith.constant 1 : i32
        %ge3A_142 = arith.cmpi sge, %scan3A_111, %ge3A : i32
        %convert_element_type3A_143 = arith.extui %ge3A_142 : i1 to i32
        %cond3A_144 = arith.constant 0 : i32
        %cond3A_145 = arith.cmpi ne, %convert_element_type3A_143, %cond3A_144 : i32
        scf.if %cond3A_145 {
          %dma_wait3A_162 = arith.constant 0 : i32
          %dma_wait3A_163 = arith.constant 0 : i32
          %dma_wait3A_164 = tpu.memref_slice %arg19[%dma_wait3A_162, %dma_wait3A_163] : memref<10112x128xf32, #tpu.memory_space<vmem_shared>> -> memref<10112x128xf32, #tpu.memory_space<vmem_shared>>
          tpu.wait_indirect_dma semaphore(%arg22 : memref<!tpu.dma_semaphore, #tpu.memory_space<semaphore_mem>>) src(%arg15 : memref<80x128xf32, #tpu.memory_space<vmem>>) dst(%dma_wait3A_164 : memref<10112x128xf32, #tpu.memory_space<vmem_shared>>)
        } else {
        }
        %add3A_146 = arith.constant 3 : i32
        %add3A_147 = arith.addi %scan3A_111, %add3A_146 : i32
        %lt3A = arith.constant 125 : i32
        %lt3A_148 = arith.cmpi slt, %add3A_147, %lt3A : i32
        %convert_element_type3A_149 = arith.extui %lt3A_148 : i1 to i32
        %cond3A_150 = arith.constant 0 : i32
        %cond3A_151 = arith.cmpi ne, %convert_element_type3A_149, %cond3A_150 : i32
        scf.if %cond3A_151 {
          %add3A_162 = arith.constant 3 : i32
          %add3A_163 = arith.addi %scan3A_111, %add3A_162 : i32
          %dma_start3A_164 = arith.constant 0 : i32
          %dma_start3A_165 = tpu.memref_slice %arg2[%add3A, %add3A_163, %dma_start3A_164] : memref<32x125x80xi32, #tpu.memory_space<hbm>> -> memref<1x1x80xi32, #tpu.memory_space<hbm>>
          %dma_start3A_166 = tpu.memref_squeeze %dma_start3A_165 : memref<1x1x80xi32, #tpu.memory_space<hbm>> -> memref<80xi32, #tpu.memory_space<hbm>>
          %dma_start3A_167 = arith.constant 0 : i32
          %dma_start3A_168 = tpu.memref_slice %arg2[%add3A, %add3A_163, %dma_start3A_167] : memref<32x125x80xi32, #tpu.memory_space<hbm>> -> memref<1x1x80xi32, #tpu.memory_space<hbm>>
          %dma_start3A_169 = tpu.memref_squeeze %dma_start3A_168 : memref<1x1x80xi32, #tpu.memory_space<hbm>> -> memref<80xi32, #tpu.memory_space<hbm>>
          tpu.enqueue_dma source(%dma_start3A_169 : memref<80xi32, #tpu.memory_space<hbm>>) target(%arg7 : memref<80xi32, #tpu.memory_space<vmem>>) target_semaphore(%arg21 : memref<!tpu.dma_semaphore, #tpu.memory_space<semaphore_mem>>)
          %add3A_170 = arith.constant 3 : i32
          %add3A_171 = arith.addi %scan3A_111, %add3A_170 : i32
          %dma_start3A_172 = arith.constant 0 : i32
          %dma_start3A_173 = tpu.memref_slice %arg3[%add3A, %add3A_171, %dma_start3A_172] : memref<32x125x80xi32, #tpu.memory_space<hbm>> -> memref<1x1x80xi32, #tpu.memory_space<hbm>>
          %dma_start3A_174 = tpu.memref_squeeze %dma_start3A_173 : memref<1x1x80xi32, #tpu.memory_space<hbm>> -> memref<80xi32, #tpu.memory_space<hbm>>
          %dma_start3A_175 = arith.constant 0 : i32
          %dma_start3A_176 = tpu.memref_slice %arg3[%add3A, %add3A_171, %dma_start3A_175] : memref<32x125x80xi32, #tpu.memory_space<hbm>> -> memref<1x1x80xi32, #tpu.memory_space<hbm>>
          %dma_start3A_177 = tpu.memref_squeeze %dma_start3A_176 : memref<1x1x80xi32, #tpu.memory_space<hbm>> -> memref<80xi32, #tpu.memory_space<hbm>>
          tpu.enqueue_dma source(%dma_start3A_177 : memref<80xi32, #tpu.memory_space<hbm>>) target(%arg11 : memref<80xi32, #tpu.memory_space<vmem>>) target_semaphore(%arg21 : memref<!tpu.dma_semaphore, #tpu.memory_space<semaphore_mem>>)
        } else {
        }
        %add3A_152 = arith.constant 1 : i32
        %add3A_153 = arith.addi %scan3A_111, %add3A_152 : i32
        %lt3A_154 = arith.constant 125 : i32
        %lt3A_155 = arith.cmpi slt, %add3A_153, %lt3A_154 : i32
        %convert_element_type3A_156 = arith.extui %lt3A_155 : i1 to i32
        %cond3A_157 = arith.constant 0 : i32
        %cond3A_158 = arith.cmpi ne, %convert_element_type3A_156, %cond3A_157 : i32
        scf.if %cond3A_158 {
          %add3A_162 = arith.constant 1 : i32
          %add3A_163 = arith.addi %scan3A_111, %add3A_162 : i32
          %dma_wait3A_164 = arith.constant 0 : i32
          %dma_wait3A_165 = tpu.memref_slice %arg2[%add3A, %add3A_163, %dma_wait3A_164] : memref<32x125x80xi32, #tpu.memory_space<hbm>> -> memref<1x1x80xi32, #tpu.memory_space<hbm>>
          %dma_wait3A_166 = tpu.memref_squeeze %dma_wait3A_165 : memref<1x1x80xi32, #tpu.memory_space<hbm>> -> memref<80xi32, #tpu.memory_space<hbm>>
          %dma_wait3A_167 = arith.constant 0 : i32
          %dma_wait3A_168 = tpu.memref_slice %arg2[%add3A, %add3A_163, %dma_wait3A_167] : memref<32x125x80xi32, #tpu.memory_space<hbm>> -> memref<1x1x80xi32, #tpu.memory_space<hbm>>
          %dma_wait3A_169 = tpu.memref_squeeze %dma_wait3A_168 : memref<1x1x80xi32, #tpu.memory_space<hbm>> -> memref<80xi32, #tpu.memory_space<hbm>>
          tpu.wait_dma2 semaphore(%arg21 : memref<!tpu.dma_semaphore, #tpu.memory_space<semaphore_mem>>) src(%dma_wait3A_169 : memref<80xi32, #tpu.memory_space<hbm>>) dst(%arg9 : memref<80xi32, #tpu.memory_space<vmem>>)
          %add3A_170 = arith.constant 1 : i32
          %add3A_171 = arith.addi %scan3A_111, %add3A_170 : i32
          %dma_wait3A_172 = arith.constant 0 : i32
          %dma_wait3A_173 = tpu.memref_slice %arg3[%add3A, %add3A_171, %dma_wait3A_172] : memref<32x125x80xi32, #tpu.memory_space<hbm>> -> memref<1x1x80xi32, #tpu.memory_space<hbm>>
          %dma_wait3A_174 = tpu.memref_squeeze %dma_wait3A_173 : memref<1x1x80xi32, #tpu.memory_space<hbm>> -> memref<80xi32, #tpu.memory_space<hbm>>
          %dma_wait3A_175 = arith.constant 0 : i32
          %dma_wait3A_176 = tpu.memref_slice %arg3[%add3A, %add3A_171, %dma_wait3A_175] : memref<32x125x80xi32, #tpu.memory_space<hbm>> -> memref<1x1x80xi32, #tpu.memory_space<hbm>>
          %dma_wait3A_177 = tpu.memref_squeeze %dma_wait3A_176 : memref<1x1x80xi32, #tpu.memory_space<hbm>> -> memref<80xi32, #tpu.memory_space<hbm>>
          tpu.wait_dma2 semaphore(%arg21 : memref<!tpu.dma_semaphore, #tpu.memory_space<semaphore_mem>>) src(%dma_wait3A_177 : memref<80xi32, #tpu.memory_space<hbm>>) dst(%arg13 : memref<80xi32, #tpu.memory_space<vmem>>)
          %dma_start3A_178 = arith.constant 0 : i32
          %dma_start3A_179 = arith.constant 0 : i32
          %dma_start3A_180 = tpu.memref_slice %arg4[%dma_start3A_178, %dma_start3A_179] : memref<10000x128xf32, #tpu.memory_space<hbm>> -> memref<10000x128xf32, #tpu.memory_space<hbm>>
          tpu.enqueue_indirect_dma source(%dma_start3A_180 : memref<10000x128xf32, #tpu.memory_space<hbm>>) target(%arg17 : memref<80x128xf32, #tpu.memory_space<vmem>>) offsets(%arg9 : memref<80xi32, #tpu.memory_space<vmem>>) semaphore(%arg20 : memref<!tpu.dma_semaphore, #tpu.memory_space<semaphore_mem>>)
        } else {
        }
        %dma_start3A_159 = arith.constant 0 : i32
        %dma_start3A_160 = arith.constant 0 : i32
        %dma_start3A_161 = tpu.memref_slice %arg19[%dma_start3A_159, %dma_start3A_160] : memref<10112x128xf32, #tpu.memory_space<vmem_shared>> -> memref<10112x128xf32, #tpu.memory_space<vmem_shared>>
        tpu.enqueue_indirect_dma source(%arg16 : memref<80x128xf32, #tpu.memory_space<vmem>>) target(%dma_start3A_161 : memref<10112x128xf32, #tpu.memory_space<vmem_shared>>) offsets(%arg12 : memref<80xi32, #tpu.memory_space<vmem>>) semaphore(%arg22 : memref<!tpu.dma_semaphore, #tpu.memory_space<semaphore_mem>>) {add = true}
      } else {
      }
      %rem3A_125 = arith.constant 4 : i32
      %rem3A_126 = arith.remsi %scan3A_111, %rem3A_125 : i32
      %eq3A_127 = arith.constant 2 : i32
      %eq3A_128 = arith.cmpi eq, %rem3A_126, %eq3A_127 : i32
      %convert_element_type3A_129 = arith.extui %eq3A_128 : i1 to i32
      %cond3A_130 = arith.constant 0 : i32
      %cond3A_131 = arith.cmpi ne, %convert_element_type3A_129, %cond3A_130 : i32
      scf.if %cond3A_131 {
        %dma_wait3A_139 = arith.constant 0 : i32
        %dma_wait3A_140 = arith.constant 0 : i32
        %dma_wait3A_141 = tpu.memref_slice %arg4[%dma_wait3A_139, %dma_wait3A_140] : memref<10000x128xf32, #tpu.memory_space<hbm>> -> memref<10000x128xf32, #tpu.memory_space<hbm>>
        tpu.wait_indirect_dma semaphore(%arg20 : memref<!tpu.dma_semaphore, #tpu.memory_space<semaphore_mem>>) src(%dma_wait3A_141 : memref<10000x128xf32, #tpu.memory_space<hbm>>) dst(%arg17 : memref<80x128xf32, #tpu.memory_space<vmem>>)
        %ge3A = arith.constant 1 : i32
        %ge3A_142 = arith.cmpi sge, %scan3A_111, %ge3A : i32
        %convert_element_type3A_143 = arith.extui %ge3A_142 : i1 to i32
        %cond3A_144 = arith.constant 0 : i32
        %cond3A_145 = arith.cmpi ne, %convert_element_type3A_143, %cond3A_144 : i32
        scf.if %cond3A_145 {
          %dma_wait3A_162 = arith.constant 0 : i32
          %dma_wait3A_163 = arith.constant 0 : i32
          %dma_wait3A_164 = tpu.memref_slice %arg19[%dma_wait3A_162, %dma_wait3A_163] : memref<10112x128xf32, #tpu.memory_space<vmem_shared>> -> memref<10112x128xf32, #tpu.memory_space<vmem_shared>>
          tpu.wait_indirect_dma semaphore(%arg22 : memref<!tpu.dma_semaphore, #tpu.memory_space<semaphore_mem>>) src(%arg16 : memref<80x128xf32, #tpu.memory_space<vmem>>) dst(%dma_wait3A_164 : memref<10112x128xf32, #tpu.memory_space<vmem_shared>>)
        } else {
        }
        %add3A_146 = arith.constant 3 : i32
        %add3A_147 = arith.addi %scan3A_111, %add3A_146 : i32
        %lt3A = arith.constant 125 : i32
        %lt3A_148 = arith.cmpi slt, %add3A_147, %lt3A : i32
        %convert_element_type3A_149 = arith.extui %lt3A_148 : i1 to i32
        %cond3A_150 = arith.constant 0 : i32
        %cond3A_151 = arith.cmpi ne, %convert_element_type3A_149, %cond3A_150 : i32
        scf.if %cond3A_151 {
          %add3A_162 = arith.constant 3 : i32
          %add3A_163 = arith.addi %scan3A_111, %add3A_162 : i32
          %dma_start3A_164 = arith.constant 0 : i32
          %dma_start3A_165 = tpu.memref_slice %arg2[%add3A, %add3A_163, %dma_start3A_164] : memref<32x125x80xi32, #tpu.memory_space<hbm>> -> memref<1x1x80xi32, #tpu.memory_space<hbm>>
          %dma_start3A_166 = tpu.memref_squeeze %dma_start3A_165 : memref<1x1x80xi32, #tpu.memory_space<hbm>> -> memref<80xi32, #tpu.memory_space<hbm>>
          %dma_start3A_167 = arith.constant 0 : i32
          %dma_start3A_168 = tpu.memref_slice %arg2[%add3A, %add3A_163, %dma_start3A_167] : memref<32x125x80xi32, #tpu.memory_space<hbm>> -> memref<1x1x80xi32, #tpu.memory_space<hbm>>
          %dma_start3A_169 = tpu.memref_squeeze %dma_start3A_168 : memref<1x1x80xi32, #tpu.memory_space<hbm>> -> memref<80xi32, #tpu.memory_space<hbm>>
          tpu.enqueue_dma source(%dma_start3A_169 : memref<80xi32, #tpu.memory_space<hbm>>) target(%arg8 : memref<80xi32, #tpu.memory_space<vmem>>) target_semaphore(%arg21 : memref<!tpu.dma_semaphore, #tpu.memory_space<semaphore_mem>>)
          %add3A_170 = arith.constant 3 : i32
          %add3A_171 = arith.addi %scan3A_111, %add3A_170 : i32
          %dma_start3A_172 = arith.constant 0 : i32
          %dma_start3A_173 = tpu.memref_slice %arg3[%add3A, %add3A_171, %dma_start3A_172] : memref<32x125x80xi32, #tpu.memory_space<hbm>> -> memref<1x1x80xi32, #tpu.memory_space<hbm>>
          %dma_start3A_174 = tpu.memref_squeeze %dma_start3A_173 : memref<1x1x80xi32, #tpu.memory_space<hbm>> -> memref<80xi32, #tpu.memory_space<hbm>>
          %dma_start3A_175 = arith.constant 0 : i32
          %dma_start3A_176 = tpu.memref_slice %arg3[%add3A, %add3A_171, %dma_start3A_175] : memref<32x125x80xi32, #tpu.memory_space<hbm>> -> memref<1x1x80xi32, #tpu.memory_space<hbm>>
          %dma_start3A_177 = tpu.memref_squeeze %dma_start3A_176 : memref<1x1x80xi32, #tpu.memory_space<hbm>> -> memref<80xi32, #tpu.memory_space<hbm>>
          tpu.enqueue_dma source(%dma_start3A_177 : memref<80xi32, #tpu.memory_space<hbm>>) target(%arg12 : memref<80xi32, #tpu.memory_space<vmem>>) target_semaphore(%arg21 : memref<!tpu.dma_semaphore, #tpu.memory_space<semaphore_mem>>)
        } else {
        }
        %add3A_152 = arith.constant 1 : i32
        %add3A_153 = arith.addi %scan3A_111, %add3A_152 : i32
        %lt3A_154 = arith.constant 125 : i32
        %lt3A_155 = arith.cmpi slt, %add3A_153, %lt3A_154 : i32
        %convert_element_type3A_156 = arith.extui %lt3A_155 : i1 to i32
        %cond3A_157 = arith.constant 0 : i32
        %cond3A_158 = arith.cmpi ne, %convert_element_type3A_156, %cond3A_157 : i32
        scf.if %cond3A_158 {
          %add3A_162 = arith.constant 1 : i32
          %add3A_163 = arith.addi %scan3A_111, %add3A_162 : i32
          %dma_wait3A_164 = arith.constant 0 : i32
          %dma_wait3A_165 = tpu.memref_slice %arg2[%add3A, %add3A_163, %dma_wait3A_164] : memref<32x125x80xi32, #tpu.memory_space<hbm>> -> memref<1x1x80xi32, #tpu.memory_space<hbm>>
          %dma_wait3A_166 = tpu.memref_squeeze %dma_wait3A_165 : memref<1x1x80xi32, #tpu.memory_space<hbm>> -> memref<80xi32, #tpu.memory_space<hbm>>
          %dma_wait3A_167 = arith.constant 0 : i32
          %dma_wait3A_168 = tpu.memref_slice %arg2[%add3A, %add3A_163, %dma_wait3A_167] : memref<32x125x80xi32, #tpu.memory_space<hbm>> -> memref<1x1x80xi32, #tpu.memory_space<hbm>>
          %dma_wait3A_169 = tpu.memref_squeeze %dma_wait3A_168 : memref<1x1x80xi32, #tpu.memory_space<hbm>> -> memref<80xi32, #tpu.memory_space<hbm>>
          tpu.wait_dma2 semaphore(%arg21 : memref<!tpu.dma_semaphore, #tpu.memory_space<semaphore_mem>>) src(%dma_wait3A_169 : memref<80xi32, #tpu.memory_space<hbm>>) dst(%arg10 : memref<80xi32, #tpu.memory_space<vmem>>)
          %add3A_170 = arith.constant 1 : i32
          %add3A_171 = arith.addi %scan3A_111, %add3A_170 : i32
          %dma_wait3A_172 = arith.constant 0 : i32
          %dma_wait3A_173 = tpu.memref_slice %arg3[%add3A, %add3A_171, %dma_wait3A_172] : memref<32x125x80xi32, #tpu.memory_space<hbm>> -> memref<1x1x80xi32, #tpu.memory_space<hbm>>
          %dma_wait3A_174 = tpu.memref_squeeze %dma_wait3A_173 : memref<1x1x80xi32, #tpu.memory_space<hbm>> -> memref<80xi32, #tpu.memory_space<hbm>>
          %dma_wait3A_175 = arith.constant 0 : i32
          %dma_wait3A_176 = tpu.memref_slice %arg3[%add3A, %add3A_171, %dma_wait3A_175] : memref<32x125x80xi32, #tpu.memory_space<hbm>> -> memref<1x1x80xi32, #tpu.memory_space<hbm>>
          %dma_wait3A_177 = tpu.memref_squeeze %dma_wait3A_176 : memref<1x1x80xi32, #tpu.memory_space<hbm>> -> memref<80xi32, #tpu.memory_space<hbm>>
          tpu.wait_dma2 semaphore(%arg21 : memref<!tpu.dma_semaphore, #tpu.memory_space<semaphore_mem>>) src(%dma_wait3A_177 : memref<80xi32, #tpu.memory_space<hbm>>) dst(%arg14 : memref<80xi32, #tpu.memory_space<vmem>>)
          %dma_start3A_178 = arith.constant 0 : i32
          %dma_start3A_179 = arith.constant 0 : i32
          %dma_start3A_180 = tpu.memref_slice %arg4[%dma_start3A_178, %dma_start3A_179] : memref<10000x128xf32, #tpu.memory_space<hbm>> -> memref<10000x128xf32, #tpu.memory_space<hbm>>
          tpu.enqueue_indirect_dma source(%dma_start3A_180 : memref<10000x128xf32, #tpu.memory_space<hbm>>) target(%arg18 : memref<80x128xf32, #tpu.memory_space<vmem>>) offsets(%arg10 : memref<80xi32, #tpu.memory_space<vmem>>) semaphore(%arg20 : memref<!tpu.dma_semaphore, #tpu.memory_space<semaphore_mem>>)
        } else {
        }
        %dma_start3A_159 = arith.constant 0 : i32
        %dma_start3A_160 = arith.constant 0 : i32
        %dma_start3A_161 = tpu.memref_slice %arg19[%dma_start3A_159, %dma_start3A_160] : memref<10112x128xf32, #tpu.memory_space<vmem_shared>> -> memref<10112x128xf32, #tpu.memory_space<vmem_shared>>
        tpu.enqueue_indirect_dma source(%arg17 : memref<80x128xf32, #tpu.memory_space<vmem>>) target(%dma_start3A_161 : memref<10112x128xf32, #tpu.memory_space<vmem_shared>>) offsets(%arg13 : memref<80xi32, #tpu.memory_space<vmem>>) semaphore(%arg22 : memref<!tpu.dma_semaphore, #tpu.memory_space<semaphore_mem>>) {add = true}
      } else {
      }
      %rem3A_132 = arith.constant 4 : i32
      %rem3A_133 = arith.remsi %scan3A_111, %rem3A_132 : i32
      %eq3A_134 = arith.constant 3 : i32
      %eq3A_135 = arith.cmpi eq, %rem3A_133, %eq3A_134 : i32
      %convert_element_type3A_136 = arith.extui %eq3A_135 : i1 to i32
      %cond3A_137 = arith.constant 0 : i32
      %cond3A_138 = arith.cmpi ne, %convert_element_type3A_136, %cond3A_137 : i32
      scf.if %cond3A_138 {
        %dma_wait3A_139 = arith.constant 0 : i32
        %dma_wait3A_140 = arith.constant 0 : i32
        %dma_wait3A_141 = tpu.memref_slice %arg4[%dma_wait3A_139, %dma_wait3A_140] : memref<10000x128xf32, #tpu.memory_space<hbm>> -> memref<10000x128xf32, #tpu.memory_space<hbm>>
        tpu.wait_indirect_dma semaphore(%arg20 : memref<!tpu.dma_semaphore, #tpu.memory_space<semaphore_mem>>) src(%dma_wait3A_141 : memref<10000x128xf32, #tpu.memory_space<hbm>>) dst(%arg18 : memref<80x128xf32, #tpu.memory_space<vmem>>)
        %ge3A = arith.constant 1 : i32
        %ge3A_142 = arith.cmpi sge, %scan3A_111, %ge3A : i32
        %convert_element_type3A_143 = arith.extui %ge3A_142 : i1 to i32
        %cond3A_144 = arith.constant 0 : i32
        %cond3A_145 = arith.cmpi ne, %convert_element_type3A_143, %cond3A_144 : i32
        scf.if %cond3A_145 {
          %dma_wait3A_162 = arith.constant 0 : i32
          %dma_wait3A_163 = arith.constant 0 : i32
          %dma_wait3A_164 = tpu.memref_slice %arg19[%dma_wait3A_162, %dma_wait3A_163] : memref<10112x128xf32, #tpu.memory_space<vmem_shared>> -> memref<10112x128xf32, #tpu.memory_space<vmem_shared>>
          tpu.wait_indirect_dma semaphore(%arg22 : memref<!tpu.dma_semaphore, #tpu.memory_space<semaphore_mem>>) src(%arg17 : memref<80x128xf32, #tpu.memory_space<vmem>>) dst(%dma_wait3A_164 : memref<10112x128xf32, #tpu.memory_space<vmem_shared>>)
        } else {
        }
        %add3A_146 = arith.constant 3 : i32
        %add3A_147 = arith.addi %scan3A_111, %add3A_146 : i32
        %lt3A = arith.constant 125 : i32
        %lt3A_148 = arith.cmpi slt, %add3A_147, %lt3A : i32
        %convert_element_type3A_149 = arith.extui %lt3A_148 : i1 to i32
        %cond3A_150 = arith.constant 0 : i32
        %cond3A_151 = arith.cmpi ne, %convert_element_type3A_149, %cond3A_150 : i32
        scf.if %cond3A_151 {
          %add3A_162 = arith.constant 3 : i32
          %add3A_163 = arith.addi %scan3A_111, %add3A_162 : i32
          %dma_start3A_164 = arith.constant 0 : i32
          %dma_start3A_165 = tpu.memref_slice %arg2[%add3A, %add3A_163, %dma_start3A_164] : memref<32x125x80xi32, #tpu.memory_space<hbm>> -> memref<1x1x80xi32, #tpu.memory_space<hbm>>
          %dma_start3A_166 = tpu.memref_squeeze %dma_start3A_165 : memref<1x1x80xi32, #tpu.memory_space<hbm>> -> memref<80xi32, #tpu.memory_space<hbm>>
          %dma_start3A_167 = arith.constant 0 : i32
          %dma_start3A_168 = tpu.memref_slice %arg2[%add3A, %add3A_163, %dma_start3A_167] : memref<32x125x80xi32, #tpu.memory_space<hbm>> -> memref<1x1x80xi32, #tpu.memory_space<hbm>>
          %dma_start3A_169 = tpu.memref_squeeze %dma_start3A_168 : memref<1x1x80xi32, #tpu.memory_space<hbm>> -> memref<80xi32, #tpu.memory_space<hbm>>
          tpu.enqueue_dma source(%dma_start3A_169 : memref<80xi32, #tpu.memory_space<hbm>>) target(%arg9 : memref<80xi32, #tpu.memory_space<vmem>>) target_semaphore(%arg21 : memref<!tpu.dma_semaphore, #tpu.memory_space<semaphore_mem>>)
          %add3A_170 = arith.constant 3 : i32
          %add3A_171 = arith.addi %scan3A_111, %add3A_170 : i32
          %dma_start3A_172 = arith.constant 0 : i32
          %dma_start3A_173 = tpu.memref_slice %arg3[%add3A, %add3A_171, %dma_start3A_172] : memref<32x125x80xi32, #tpu.memory_space<hbm>> -> memref<1x1x80xi32, #tpu.memory_space<hbm>>
          %dma_start3A_174 = tpu.memref_squeeze %dma_start3A_173 : memref<1x1x80xi32, #tpu.memory_space<hbm>> -> memref<80xi32, #tpu.memory_space<hbm>>
          %dma_start3A_175 = arith.constant 0 : i32
          %dma_start3A_176 = tpu.memref_slice %arg3[%add3A, %add3A_171, %dma_start3A_175] : memref<32x125x80xi32, #tpu.memory_space<hbm>> -> memref<1x1x80xi32, #tpu.memory_space<hbm>>
          %dma_start3A_177 = tpu.memref_squeeze %dma_start3A_176 : memref<1x1x80xi32, #tpu.memory_space<hbm>> -> memref<80xi32, #tpu.memory_space<hbm>>
          tpu.enqueue_dma source(%dma_start3A_177 : memref<80xi32, #tpu.memory_space<hbm>>) target(%arg13 : memref<80xi32, #tpu.memory_space<vmem>>) target_semaphore(%arg21 : memref<!tpu.dma_semaphore, #tpu.memory_space<semaphore_mem>>)
        } else {
        }
        %add3A_152 = arith.constant 1 : i32
        %add3A_153 = arith.addi %scan3A_111, %add3A_152 : i32
        %lt3A_154 = arith.constant 125 : i32
        %lt3A_155 = arith.cmpi slt, %add3A_153, %lt3A_154 : i32
        %convert_element_type3A_156 = arith.extui %lt3A_155 : i1 to i32
        %cond3A_157 = arith.constant 0 : i32
        %cond3A_158 = arith.cmpi ne, %convert_element_type3A_156, %cond3A_157 : i32
        scf.if %cond3A_158 {
          %add3A_162 = arith.constant 1 : i32
          %add3A_163 = arith.addi %scan3A_111, %add3A_162 : i32
          %dma_wait3A_164 = arith.constant 0 : i32
          %dma_wait3A_165 = tpu.memref_slice %arg2[%add3A, %add3A_163, %dma_wait3A_164] : memref<32x125x80xi32, #tpu.memory_space<hbm>> -> memref<1x1x80xi32, #tpu.memory_space<hbm>>
          %dma_wait3A_166 = tpu.memref_squeeze %dma_wait3A_165 : memref<1x1x80xi32, #tpu.memory_space<hbm>> -> memref<80xi32, #tpu.memory_space<hbm>>
          %dma_wait3A_167 = arith.constant 0 : i32
          %dma_wait3A_168 = tpu.memref_slice %arg2[%add3A, %add3A_163, %dma_wait3A_167] : memref<32x125x80xi32, #tpu.memory_space<hbm>> -> memref<1x1x80xi32, #tpu.memory_space<hbm>>
          %dma_wait3A_169 = tpu.memref_squeeze %dma_wait3A_168 : memref<1x1x80xi32, #tpu.memory_space<hbm>> -> memref<80xi32, #tpu.memory_space<hbm>>
          tpu.wait_dma2 semaphore(%arg21 : memref<!tpu.dma_semaphore, #tpu.memory_space<semaphore_mem>>) src(%dma_wait3A_169 : memref<80xi32, #tpu.memory_space<hbm>>) dst(%arg7 : memref<80xi32, #tpu.memory_space<vmem>>)
          %add3A_170 = arith.constant 1 : i32
          %add3A_171 = arith.addi %scan3A_111, %add3A_170 : i32
          %dma_wait3A_172 = arith.constant 0 : i32
          %dma_wait3A_173 = tpu.memref_slice %arg3[%add3A, %add3A_171, %dma_wait3A_172] : memref<32x125x80xi32, #tpu.memory_space<hbm>> -> memref<1x1x80xi32, #tpu.memory_space<hbm>>
          %dma_wait3A_174 = tpu.memref_squeeze %dma_wait3A_173 : memref<1x1x80xi32, #tpu.memory_space<hbm>> -> memref<80xi32, #tpu.memory_space<hbm>>
          %dma_wait3A_175 = arith.constant 0 : i32
          %dma_wait3A_176 = tpu.memref_slice %arg3[%add3A, %add3A_171, %dma_wait3A_175] : memref<32x125x80xi32, #tpu.memory_space<hbm>> -> memref<1x1x80xi32, #tpu.memory_space<hbm>>
          %dma_wait3A_177 = tpu.memref_squeeze %dma_wait3A_176 : memref<1x1x80xi32, #tpu.memory_space<hbm>> -> memref<80xi32, #tpu.memory_space<hbm>>
          tpu.wait_dma2 semaphore(%arg21 : memref<!tpu.dma_semaphore, #tpu.memory_space<semaphore_mem>>) src(%dma_wait3A_177 : memref<80xi32, #tpu.memory_space<hbm>>) dst(%arg11 : memref<80xi32, #tpu.memory_space<vmem>>)
          %dma_start3A_178 = arith.constant 0 : i32
          %dma_start3A_179 = arith.constant 0 : i32
          %dma_start3A_180 = tpu.memref_slice %arg4[%dma_start3A_178, %dma_start3A_179] : memref<10000x128xf32, #tpu.memory_space<hbm>> -> memref<10000x128xf32, #tpu.memory_space<hbm>>
          tpu.enqueue_indirect_dma source(%dma_start3A_180 : memref<10000x128xf32, #tpu.memory_space<hbm>>) target(%arg15 : memref<80x128xf32, #tpu.memory_space<vmem>>) offsets(%arg7 : memref<80xi32, #tpu.memory_space<vmem>>) semaphore(%arg20 : memref<!tpu.dma_semaphore, #tpu.memory_space<semaphore_mem>>)
        } else {
        }
        %dma_start3A_159 = arith.constant 0 : i32
        %dma_start3A_160 = arith.constant 0 : i32
        %dma_start3A_161 = tpu.memref_slice %arg19[%dma_start3A_159, %dma_start3A_160] : memref<10112x128xf32, #tpu.memory_space<vmem_shared>> -> memref<10112x128xf32, #tpu.memory_space<vmem_shared>>
        tpu.enqueue_indirect_dma source(%arg18 : memref<80x128xf32, #tpu.memory_space<vmem>>) target(%dma_start3A_161 : memref<10112x128xf32, #tpu.memory_space<vmem_shared>>) offsets(%arg14 : memref<80xi32, #tpu.memory_space<vmem>>) semaphore(%arg22 : memref<!tpu.dma_semaphore, #tpu.memory_space<semaphore_mem>>) {add = true}
      } else {
      }
    }
    %scan3A_99 = arith.constant 125 : i32
    %dma_wait3A_100 = arith.constant 0 : i32
    %dma_wait3A_101 = arith.constant 0 : i32
    %dma_wait3A_102 = tpu.memref_slice %arg19[%dma_wait3A_100, %dma_wait3A_101] : memref<10112x128xf32, #tpu.memory_space<vmem_shared>> -> memref<10112x128xf32, #tpu.memory_space<vmem_shared>>
    tpu.wait_indirect_dma semaphore(%arg22 : memref<!tpu.dma_semaphore, #tpu.memory_space<semaphore_mem>>) src(%arg15 : memref<80x128xf32, #tpu.memory_space<vmem>>) dst(%dma_wait3A_102 : memref<10112x128xf32, #tpu.memory_space<vmem_shared>>)
    %barrier3A_103 = arith.constant 0 : index
    tpu.barrier barrier_id(%barrier3A_103)
    %eq3A = arith.constant 0 : i32
    %eq3A_104 = arith.cmpi eq, %arg0, %eq3A : i32
    %convert_element_type3A = arith.extui %eq3A_104 : i1 to i32
    %cond3A = arith.constant 0 : i32
    %cond3A_105 = arith.cmpi ne, %convert_element_type3A, %cond3A : i32
    scf.if %cond3A_105 {
      %mul3A_111 = arith.constant 632 : i32
      %mul3A_112 = arith.muli %arg1, %mul3A_111 : i32
      %mul3A_113 = arith.constant 632 : i32
      %mul3A_114 = arith.muli %arg1, %mul3A_113 : i32
      "tpu.region"() ({
        %run_scoped3A = tpu.sem_alloc : memref<!tpu.dma_semaphore, #tpu.memory_space<semaphore_mem>>
        %dma_start3A_115 = arith.constant 0 : i32
        %dma_start3A_116 = tpu.memref_slice %arg5[%mul3A_114, %dma_start3A_115] : memref<10112x128xf32, #tpu.memory_space<hbm>> -> memref<632x128xf32, #tpu.memory_space<hbm>>
        %dma_start3A_117 = arith.constant 0 : i32
        %dma_start3A_118 = tpu.memref_slice %arg19[%mul3A_112, %dma_start3A_117] : memref<10112x128xf32, #tpu.memory_space<vmem_shared>> -> memref<632x128xf32, #tpu.memory_space<vmem_shared>>
        tpu.enqueue_dma source(%dma_start3A_118 : memref<632x128xf32, #tpu.memory_space<vmem_shared>>) target(%dma_start3A_116 : memref<632x128xf32, #tpu.memory_space<hbm>>) target_semaphore(%run_scoped3A : memref<!tpu.dma_semaphore, #tpu.memory_space<semaphore_mem>>)
        %dma_wait3A_119 = arith.constant 0 : i32
        %dma_wait3A_120 = tpu.memref_slice %arg5[%mul3A_114, %dma_wait3A_119] : memref<10112x128xf32, #tpu.memory_space<hbm>> -> memref<632x128xf32, #tpu.memory_space<hbm>>
        %dma_wait3A_121 = arith.constant 0 : i32
        %dma_wait3A_122 = tpu.memref_slice %arg19[%mul3A_112, %dma_wait3A_121] : memref<10112x128xf32, #tpu.memory_space<vmem_shared>> -> memref<632x128xf32, #tpu.memory_space<vmem_shared>>
        tpu.wait_dma2 semaphore(%run_scoped3A : memref<!tpu.dma_semaphore, #tpu.memory_space<semaphore_mem>>) src(%dma_wait3A_122 : memref<632x128xf32, #tpu.memory_space<vmem_shared>>) dst(%dma_wait3A_120 : memref<632x128xf32, #tpu.memory_space<hbm>>)
        tpu.yield
      }) : () -> ()
    } else {
    }
    %eq3A_106 = arith.constant 1 : i32
    %eq3A_107 = arith.cmpi eq, %arg0, %eq3A_106 : i32
    %convert_element_type3A_108 = arith.extui %eq3A_107 : i1 to i32
    %cond3A_109 = arith.constant 0 : i32
    %cond3A_110 = arith.cmpi ne, %convert_element_type3A_108, %cond3A_109 : i32
    scf.if %cond3A_110 {
      %mul3A_111 = arith.constant 632 : i32
      %mul3A_112 = arith.muli %arg1, %mul3A_111 : i32
      %mul3A_113 = arith.constant 632 : i32
      %mul3A_114 = arith.muli %arg1, %mul3A_113 : i32
      "tpu.region"() ({
        %run_scoped3A = tpu.sem_alloc : memref<!tpu.dma_semaphore, #tpu.memory_space<semaphore_mem>>
        %dma_start3A_115 = arith.constant 0 : i32
        %dma_start3A_116 = tpu.memref_slice %arg6[%mul3A_114, %dma_start3A_115] : memref<10112x128xf32, #tpu.memory_space<hbm>> -> memref<632x128xf32, #tpu.memory_space<hbm>>
        %dma_start3A_117 = arith.constant 0 : i32
        %dma_start3A_118 = tpu.memref_slice %arg19[%mul3A_112, %dma_start3A_117] : memref<10112x128xf32, #tpu.memory_space<vmem_shared>> -> memref<632x128xf32, #tpu.memory_space<vmem_shared>>
        tpu.enqueue_dma source(%dma_start3A_118 : memref<632x128xf32, #tpu.memory_space<vmem_shared>>) target(%dma_start3A_116 : memref<632x128xf32, #tpu.memory_space<hbm>>) target_semaphore(%run_scoped3A : memref<!tpu.dma_semaphore, #tpu.memory_space<semaphore_mem>>)
        %dma_wait3A_119 = arith.constant 0 : i32
        %dma_wait3A_120 = tpu.memref_slice %arg6[%mul3A_114, %dma_wait3A_119] : memref<10112x128xf32, #tpu.memory_space<hbm>> -> memref<632x128xf32, #tpu.memory_space<hbm>>
        %dma_wait3A_121 = arith.constant 0 : i32
        %dma_wait3A_122 = tpu.memref_slice %arg19[%mul3A_112, %dma_wait3A_121] : memref<10112x128xf32, #tpu.memory_space<vmem_shared>> -> memref<632x128xf32, #tpu.memory_space<vmem_shared>>
        tpu.wait_dma2 semaphore(%run_scoped3A : memref<!tpu.dma_semaphore, #tpu.memory_space<semaphore_mem>>) src(%dma_wait3A_122 : memref<632x128xf32, #tpu.memory_space<vmem_shared>>) dst(%dma_wait3A_120 : memref<632x128xf32, #tpu.memory_space<hbm>>)
        tpu.yield
      }) : () -> ()
    } else {
    }
    return
  }
}

#map = affine_map<(d0, d1) -> (0, 0, 0)>
#map1 = affine_map<(d0, d1) -> (0, 0)>
module attributes {stable_mosaic.version = 14 : i64} {
  func.func @_edge_body(%arg0: i32, %arg1: i32, %arg2: memref<32x125x80xi32, #tpu.memory_space<hbm>>, %arg3: memref<32x125x80xi32, #tpu.memory_space<hbm>>, %arg4: memref<10000x128xf32, #tpu.memory_space<hbm>>, %arg5: memref<10112x128xf32, #tpu.memory_space<hbm>>, %arg6: memref<10112x128xf32, #tpu.memory_space<hbm>>, %arg7: memref<80xi32, #tpu.memory_space<vmem>>, %arg8: memref<80xi32, #tpu.memory_space<vmem>>, %arg9: memref<80xi32, #tpu.memory_space<vmem>>, %arg10: memref<80xi32, #tpu.memory_space<vmem>>, %arg11: memref<80xi32, #tpu.memory_space<vmem>>, %arg12: memref<80xi32, #tpu.memory_space<vmem>>, %arg13: memref<80xi32, #tpu.memory_space<vmem>>, %arg14: memref<80xi32, #tpu.memory_space<vmem>>, %arg15: memref<80x128xf32, #tpu.memory_space<vmem>>, %arg16: memref<80x128xf32, #tpu.memory_space<vmem>>, %arg17: memref<80x128xf32, #tpu.memory_space<vmem>>, %arg18: memref<80x128xf32, #tpu.memory_space<vmem>>, %arg19: memref<10112x128xf32, #tpu.memory_space<vmem_shared>>, %arg20: memref<!tpu.dma_semaphore, #tpu.memory_space<semaphore_mem>>, %arg21: memref<!tpu.dma_semaphore, #tpu.memory_space<semaphore_mem>>, %arg22: memref<!tpu.dma_semaphore, #tpu.memory_space<semaphore_mem>>) attributes {dimension_semantics = [#tpu.dimension_semantics<core_parallel>, #tpu.dimension_semantics<subcore_parallel>], iteration_bounds = array<i64: 2, 16>, scalar_prefetch = 0 : i64, scratch_operands = 16 : i64, tpu.core_type = #tpu.core_type<sc_vector_subcore>, window_params = [{transform_indices = #map}, {transform_indices = #map}, {transform_indices = #map1}, {transform_indices = #map1}, {transform_indices = #map1}]} {
    %mul3A = arith.constant 16 : i32
    %mul3A_0 = arith.muli %arg0, %mul3A : i32
    %add3A = arith.addi %mul3A_0, %arg1 : i32
    %broadcast_in_dim3A = arith.constant 0.000000e+00 : f32
    %broadcast_in_dim3A_1 = vector.broadcast %broadcast_in_dim3A : f32 to vector<16xf32>
    %scan3A = arith.constant 0 : i32
    %scan3A_2 = arith.constant 80 : i32
    %scan3A_3 = arith.addi %scan3A, %scan3A_2 : i32
    %scan3A_4 = arith.constant 1 : i32
    scf.for %scan3A_111 = %scan3A to %scan3A_3 step %scan3A_4  : i32 {
      %swap3A = arith.index_cast %scan3A_111 : i32 to index
      %swap3A_112 = arith.constant 0 : index
      %swap3A_113 = tpu.vector_load %arg15[%swap3A, %swap3A_112] {strides = array<i32>} : memref<80x128xf32, #tpu.memory_space<vmem>>, vector<1x16xf32>,
      %swap3A_114 = vector.shape_cast %swap3A_113 : vector<1x16xf32> to vector<16xf32>
      %swap3A_115 = vector.shape_cast %broadcast_in_dim3A_1 : vector<16xf32> to vector<1x16xf32>
      tpu.vector_store %arg15[%swap3A, %swap3A_112], %swap3A_115 {strides = array<i32>} : memref<80x128xf32, #tpu.memory_space<vmem>>, vector<1x16xf32>,
      %swap3A_116 = arith.index_cast %scan3A_111 : i32 to index
      %swap3A_117 = arith.constant 16 : index
      %swap3A_118 = tpu.vector_load %arg15[%swap3A_116, %swap3A_117] {strides = array<i32>} : memref<80x128xf32, #tpu.memory_space<vmem>>, vector<1x16xf32>,
      %swap3A_119 = vector.shape_cast %swap3A_118 : vector<1x16xf32> to vector<16xf32>
      %swap3A_120 = vector.shape_cast %broadcast_in_dim3A_1 : vector<16xf32> to vector<1x16xf32>
      tpu.vector_store %arg15[%swap3A_116, %swap3A_117], %swap3A_120 {strides = array<i32>} : memref<80x128xf32, #tpu.memory_space<vmem>>, vector<1x16xf32>,
      %swap3A_121 = arith.index_cast %scan3A_111 : i32 to index
      %swap3A_122 = arith.constant 32 : index
      %swap3A_123 = tpu.vector_load %arg15[%swap3A_121, %swap3A_122] {strides = array<i32>} : memref<80x128xf32, #tpu.memory_space<vmem>>, vector<1x16xf32>,
      %swap3A_124 = vector.shape_cast %swap3A_123 : vector<1x16xf32> to vector<16xf32>
      %swap3A_125 = vector.shape_cast %broadcast_in_dim3A_1 : vector<16xf32> to vector<1x16xf32>
      tpu.vector_store %arg15[%swap3A_121, %swap3A_122], %swap3A_125 {strides = array<i32>} : memref<80x128xf32, #tpu.memory_space<vmem>>, vector<1x16xf32>,
      %swap3A_126 = arith.index_cast %scan3A_111 : i32 to index
      %swap3A_127 = arith.constant 48 : index
      %swap3A_128 = tpu.vector_load %arg15[%swap3A_126, %swap3A_127] {strides = array<i32>} : memref<80x128xf32, #tpu.memory_space<vmem>>, vector<1x16xf32>,
      %swap3A_129 = vector.shape_cast %swap3A_128 : vector<1x16xf32> to vector<16xf32>
      %swap3A_130 = vector.shape_cast %broadcast_in_dim3A_1 : vector<16xf32> to vector<1x16xf32>
      tpu.vector_store %arg15[%swap3A_126, %swap3A_127], %swap3A_130 {strides = array<i32>} : memref<80x128xf32, #tpu.memory_space<vmem>>, vector<1x16xf32>,
      %swap3A_131 = arith.index_cast %scan3A_111 : i32 to index
      %swap3A_132 = arith.constant 64 : index
      %swap3A_133 = tpu.vector_load %arg15[%swap3A_131, %swap3A_132] {strides = array<i32>} : memref<80x128xf32, #tpu.memory_space<vmem>>, vector<1x16xf32>,
      %swap3A_134 = vector.shape_cast %swap3A_133 : vector<1x16xf32> to vector<16xf32>
      %swap3A_135 = vector.shape_cast %broadcast_in_dim3A_1 : vector<16xf32> to vector<1x16xf32>
      tpu.vector_store %arg15[%swap3A_131, %swap3A_132], %swap3A_135 {strides = array<i32>} : memref<80x128xf32, #tpu.memory_space<vmem>>, vector<1x16xf32>,
      %swap3A_136 = arith.index_cast %scan3A_111 : i32 to index
      %swap3A_137 = arith.constant 80 : index
      %swap3A_138 = tpu.vector_load %arg15[%swap3A_136, %swap3A_137] {strides = array<i32>} : memref<80x128xf32, #tpu.memory_space<vmem>>, vector<1x16xf32>,
      %swap3A_139 = vector.shape_cast %swap3A_138 : vector<1x16xf32> to vector<16xf32>
      %swap3A_140 = vector.shape_cast %broadcast_in_dim3A_1 : vector<16xf32> to vector<1x16xf32>
      tpu.vector_store %arg15[%swap3A_136, %swap3A_137], %swap3A_140 {strides = array<i32>} : memref<80x128xf32, #tpu.memory_space<vmem>>, vector<1x16xf32>,
      %swap3A_141 = arith.index_cast %scan3A_111 : i32 to index
      %swap3A_142 = arith.constant 96 : index
      %swap3A_143 = tpu.vector_load %arg15[%swap3A_141, %swap3A_142] {strides = array<i32>} : memref<80x128xf32, #tpu.memory_space<vmem>>, vector<1x16xf32>,
      %swap3A_144 = vector.shape_cast %swap3A_143 : vector<1x16xf32> to vector<16xf32>
      %swap3A_145 = vector.shape_cast %broadcast_in_dim3A_1 : vector<16xf32> to vector<1x16xf32>
      tpu.vector_store %arg15[%swap3A_141, %swap3A_142], %swap3A_145 {strides = array<i32>} : memref<80x128xf32, #tpu.memory_space<vmem>>, vector<1x16xf32>,
      %swap3A_146 = arith.index_cast %scan3A_111 : i32 to index
      %swap3A_147 = arith.constant 112 : index
      %swap3A_148 = tpu.vector_load %arg15[%swap3A_146, %swap3A_147] {strides = array<i32>} : memref<80x128xf32, #tpu.memory_space<vmem>>, vector<1x16xf32>,
      %swap3A_149 = vector.shape_cast %swap3A_148 : vector<1x16xf32> to vector<16xf32>
      %swap3A_150 = vector.shape_cast %broadcast_in_dim3A_1 : vector<16xf32> to vector<1x16xf32>
      tpu.vector_store %arg15[%swap3A_146, %swap3A_147], %swap3A_150 {strides = array<i32>} : memref<80x128xf32, #tpu.memory_space<vmem>>, vector<1x16xf32>,
    }
    %scan3A_5 = arith.constant 80 : i32
    %mul3A_6 = arith.constant 632 : i32
    %mul3A_7 = arith.muli %arg1, %mul3A_6 : i32
    %add3A_8 = arith.constant 0 : i32
    %add3A_9 = arith.addi %mul3A_7, %add3A_8 : i32
    "tpu.region"() ({
      %run_scoped3A = tpu.sem_alloc : memref<!tpu.dma_semaphore, #tpu.memory_space<semaphore_mem>>
      %dma_start3A_111 = arith.constant 0 : i32
      %dma_start3A_112 = tpu.memref_slice %arg19[%add3A_9, %dma_start3A_111] : memref<10112x128xf32, #tpu.memory_space<vmem_shared>> -> memref<80x128xf32, #tpu.memory_space<vmem_shared>>
      %dma_start3A_113 = arith.constant 0 : i32
      %dma_start3A_114 = tpu.memref_slice %arg19[%add3A_9, %dma_start3A_113] : memref<10112x128xf32, #tpu.memory_space<vmem_shared>> -> memref<80x128xf32, #tpu.memory_space<vmem_shared>>
      tpu.enqueue_dma source(%arg15 : memref<80x128xf32, #tpu.memory_space<vmem>>) target(%dma_start3A_114 : memref<80x128xf32, #tpu.memory_space<vmem_shared>>) target_semaphore(%run_scoped3A : memref<!tpu.dma_semaphore, #tpu.memory_space<semaphore_mem>>)
      %dma_wait3A_115 = arith.constant 0 : i32
      %dma_wait3A_116 = tpu.memref_slice %arg19[%add3A_9, %dma_wait3A_115] : memref<10112x128xf32, #tpu.memory_space<vmem_shared>> -> memref<80x128xf32, #tpu.memory_space<vmem_shared>>
      %dma_wait3A_117 = arith.constant 0 : i32
      %dma_wait3A_118 = tpu.memref_slice %arg19[%add3A_9, %dma_wait3A_117] : memref<10112x128xf32, #tpu.memory_space<vmem_shared>> -> memref<80x128xf32, #tpu.memory_space<vmem_shared>>
      tpu.wait_dma2 semaphore(%run_scoped3A : memref<!tpu.dma_semaphore, #tpu.memory_space<semaphore_mem>>) src(%arg15 : memref<80x128xf32, #tpu.memory_space<vmem>>) dst(%dma_wait3A_118 : memref<80x128xf32, #tpu.memory_space<vmem_shared>>)
      tpu.yield
    }) : () -> ()
    %mul3A_10 = arith.constant 632 : i32
    %mul3A_11 = arith.muli %arg1, %mul3A_10 : i32
    %add3A_12 = arith.constant 80 : i32
    %add3A_13 = arith.addi %mul3A_11, %add3A_12 : i32
    "tpu.region"() ({
      %run_scoped3A = tpu.sem_alloc : memref<!tpu.dma_semaphore, #tpu.memory_space<semaphore_mem>>
      %dma_start3A_111 = arith.constant 0 : i32
      %dma_start3A_112 = tpu.memref_slice %arg19[%add3A_13, %dma_start3A_111] : memref<10112x128xf32, #tpu.memory_space<vmem_shared>> -> memref<80x128xf32, #tpu.memory_space<vmem_shared>>
      %dma_start3A_113 = arith.constant 0 : i32
      %dma_start3A_114 = tpu.memref_slice %arg19[%add3A_13, %dma_start3A_113] : memref<10112x128xf32, #tpu.memory_space<vmem_shared>> -> memref<80x128xf32, #tpu.memory_space<vmem_shared>>
      tpu.enqueue_dma source(%arg15 : memref<80x128xf32, #tpu.memory_space<vmem>>) target(%dma_start3A_114 : memref<80x128xf32, #tpu.memory_space<vmem_shared>>) target_semaphore(%run_scoped3A : memref<!tpu.dma_semaphore, #tpu.memory_space<semaphore_mem>>)
      %dma_wait3A_115 = arith.constant 0 : i32
      %dma_wait3A_116 = tpu.memref_slice %arg19[%add3A_13, %dma_wait3A_115] : memref<10112x128xf32, #tpu.memory_space<vmem_shared>> -> memref<80x128xf32, #tpu.memory_space<vmem_shared>>
      %dma_wait3A_117 = arith.constant 0 : i32
      %dma_wait3A_118 = tpu.memref_slice %arg19[%add3A_13, %dma_wait3A_117] : memref<10112x128xf32, #tpu.memory_space<vmem_shared>> -> memref<80x128xf32, #tpu.memory_space<vmem_shared>>
      tpu.wait_dma2 semaphore(%run_scoped3A : memref<!tpu.dma_semaphore, #tpu.memory_space<semaphore_mem>>) src(%arg15 : memref<80x128xf32, #tpu.memory_space<vmem>>) dst(%dma_wait3A_118 : memref<80x128xf32, #tpu.memory_space<vmem_shared>>)
      tpu.yield
    }) : () -> ()
    %mul3A_14 = arith.constant 632 : i32
    %mul3A_15 = arith.muli %arg1, %mul3A_14 : i32
    %add3A_16 = arith.constant 160 : i32
    %add3A_17 = arith.addi %mul3A_15, %add3A_16 : i32
    "tpu.region"() ({
      %run_scoped3A = tpu.sem_alloc : memref<!tpu.dma_semaphore, #tpu.memory_space<semaphore_mem>>
      %dma_start3A_111 = arith.constant 0 : i32
      %dma_start3A_112 = tpu.memref_slice %arg19[%add3A_17, %dma_start3A_111] : memref<10112x128xf32, #tpu.memory_space<vmem_shared>> -> memref<80x128xf32, #tpu.memory_space<vmem_shared>>
      %dma_start3A_113 = arith.constant 0 : i32
      %dma_start3A_114 = tpu.memref_slice %arg19[%add3A_17, %dma_start3A_113] : memref<10112x128xf32, #tpu.memory_space<vmem_shared>> -> memref<80x128xf32, #tpu.memory_space<vmem_shared>>
      tpu.enqueue_dma source(%arg15 : memref<80x128xf32, #tpu.memory_space<vmem>>) target(%dma_start3A_114 : memref<80x128xf32, #tpu.memory_space<vmem_shared>>) target_semaphore(%run_scoped3A : memref<!tpu.dma_semaphore, #tpu.memory_space<semaphore_mem>>)
      %dma_wait3A_115 = arith.constant 0 : i32
      %dma_wait3A_116 = tpu.memref_slice %arg19[%add3A_17, %dma_wait3A_115] : memref<10112x128xf32, #tpu.memory_space<vmem_shared>> -> memref<80x128xf32, #tpu.memory_space<vmem_shared>>
      %dma_wait3A_117 = arith.constant 0 : i32
      %dma_wait3A_118 = tpu.memref_slice %arg19[%add3A_17, %dma_wait3A_117] : memref<10112x128xf32, #tpu.memory_space<vmem_shared>> -> memref<80x128xf32, #tpu.memory_space<vmem_shared>>
      tpu.wait_dma2 semaphore(%run_scoped3A : memref<!tpu.dma_semaphore, #tpu.memory_space<semaphore_mem>>) src(%arg15 : memref<80x128xf32, #tpu.memory_space<vmem>>) dst(%dma_wait3A_118 : memref<80x128xf32, #tpu.memory_space<vmem_shared>>)
      tpu.yield
    }) : () -> ()
    %mul3A_18 = arith.constant 632 : i32
    %mul3A_19 = arith.muli %arg1, %mul3A_18 : i32
    %add3A_20 = arith.constant 240 : i32
    %add3A_21 = arith.addi %mul3A_19, %add3A_20 : i32
    "tpu.region"() ({
      %run_scoped3A = tpu.sem_alloc : memref<!tpu.dma_semaphore, #tpu.memory_space<semaphore_mem>>
      %dma_start3A_111 = arith.constant 0 : i32
      %dma_start3A_112 = tpu.memref_slice %arg19[%add3A_21, %dma_start3A_111] : memref<10112x128xf32, #tpu.memory_space<vmem_shared>> -> memref<80x128xf32, #tpu.memory_space<vmem_shared>>
      %dma_start3A_113 = arith.constant 0 : i32
      %dma_start3A_114 = tpu.memref_slice %arg19[%add3A_21, %dma_start3A_113] : memref<10112x128xf32, #tpu.memory_space<vmem_shared>> -> memref<80x128xf32, #tpu.memory_space<vmem_shared>>
      tpu.enqueue_dma source(%arg15 : memref<80x128xf32, #tpu.memory_space<vmem>>) target(%dma_start3A_114 : memref<80x128xf32, #tpu.memory_space<vmem_shared>>) target_semaphore(%run_scoped3A : memref<!tpu.dma_semaphore, #tpu.memory_space<semaphore_mem>>)
      %dma_wait3A_115 = arith.constant 0 : i32
      %dma_wait3A_116 = tpu.memref_slice %arg19[%add3A_21, %dma_wait3A_115] : memref<10112x128xf32, #tpu.memory_space<vmem_shared>> -> memref<80x128xf32, #tpu.memory_space<vmem_shared>>
      %dma_wait3A_117 = arith.constant 0 : i32
      %dma_wait3A_118 = tpu.memref_slice %arg19[%add3A_21, %dma_wait3A_117] : memref<10112x128xf32, #tpu.memory_space<vmem_shared>> -> memref<80x128xf32, #tpu.memory_space<vmem_shared>>
      tpu.wait_dma2 semaphore(%run_scoped3A : memref<!tpu.dma_semaphore, #tpu.memory_space<semaphore_mem>>) src(%arg15 : memref<80x128xf32, #tpu.memory_space<vmem>>) dst(%dma_wait3A_118 : memref<80x128xf32, #tpu.memory_space<vmem_shared>>)
      tpu.yield
    }) : () -> ()
    %mul3A_22 = arith.constant 632 : i32
    %mul3A_23 = arith.muli %arg1, %mul3A_22 : i32
    %add3A_24 = arith.constant 320 : i32
    %add3A_25 = arith.addi %mul3A_23, %add3A_24 : i32
    "tpu.region"() ({
      %run_scoped3A = tpu.sem_alloc : memref<!tpu.dma_semaphore, #tpu.memory_space<semaphore_mem>>
      %dma_start3A_111 = arith.constant 0 : i32
      %dma_start3A_112 = tpu.memref_slice %arg19[%add3A_25, %dma_start3A_111] : memref<10112x128xf32, #tpu.memory_space<vmem_shared>> -> memref<80x128xf32, #tpu.memory_space<vmem_shared>>
      %dma_start3A_113 = arith.constant 0 : i32
      %dma_start3A_114 = tpu.memref_slice %arg19[%add3A_25, %dma_start3A_113] : memref<10112x128xf32, #tpu.memory_space<vmem_shared>> -> memref<80x128xf32, #tpu.memory_space<vmem_shared>>
      tpu.enqueue_dma source(%arg15 : memref<80x128xf32, #tpu.memory_space<vmem>>) target(%dma_start3A_114 : memref<80x128xf32, #tpu.memory_space<vmem_shared>>) target_semaphore(%run_scoped3A : memref<!tpu.dma_semaphore, #tpu.memory_space<semaphore_mem>>)
      %dma_wait3A_115 = arith.constant 0 : i32
      %dma_wait3A_116 = tpu.memref_slice %arg19[%add3A_25, %dma_wait3A_115] : memref<10112x128xf32, #tpu.memory_space<vmem_shared>> -> memref<80x128xf32, #tpu.memory_space<vmem_shared>>
      %dma_wait3A_117 = arith.constant 0 : i32
      %dma_wait3A_118 = tpu.memref_slice %arg19[%add3A_25, %dma_wait3A_117] : memref<10112x128xf32, #tpu.memory_space<vmem_shared>> -> memref<80x128xf32, #tpu.memory_space<vmem_shared>>
      tpu.wait_dma2 semaphore(%run_scoped3A : memref<!tpu.dma_semaphore, #tpu.memory_space<semaphore_mem>>) src(%arg15 : memref<80x128xf32, #tpu.memory_space<vmem>>) dst(%dma_wait3A_118 : memref<80x128xf32, #tpu.memory_space<vmem_shared>>)
      tpu.yield
    }) : () -> ()
    %mul3A_26 = arith.constant 632 : i32
    %mul3A_27 = arith.muli %arg1, %mul3A_26 : i32
    %add3A_28 = arith.constant 400 : i32
    %add3A_29 = arith.addi %mul3A_27, %add3A_28 : i32
    "tpu.region"() ({
      %run_scoped3A = tpu.sem_alloc : memref<!tpu.dma_semaphore, #tpu.memory_space<semaphore_mem>>
      %dma_start3A_111 = arith.constant 0 : i32
      %dma_start3A_112 = tpu.memref_slice %arg19[%add3A_29, %dma_start3A_111] : memref<10112x128xf32, #tpu.memory_space<vmem_shared>> -> memref<80x128xf32, #tpu.memory_space<vmem_shared>>
      %dma_start3A_113 = arith.constant 0 : i32
      %dma_start3A_114 = tpu.memref_slice %arg19[%add3A_29, %dma_start3A_113] : memref<10112x128xf32, #tpu.memory_space<vmem_shared>> -> memref<80x128xf32, #tpu.memory_space<vmem_shared>>
      tpu.enqueue_dma source(%arg15 : memref<80x128xf32, #tpu.memory_space<vmem>>) target(%dma_start3A_114 : memref<80x128xf32, #tpu.memory_space<vmem_shared>>) target_semaphore(%run_scoped3A : memref<!tpu.dma_semaphore, #tpu.memory_space<semaphore_mem>>)
      %dma_wait3A_115 = arith.constant 0 : i32
      %dma_wait3A_116 = tpu.memref_slice %arg19[%add3A_29, %dma_wait3A_115] : memref<10112x128xf32, #tpu.memory_space<vmem_shared>> -> memref<80x128xf32, #tpu.memory_space<vmem_shared>>
      %dma_wait3A_117 = arith.constant 0 : i32
      %dma_wait3A_118 = tpu.memref_slice %arg19[%add3A_29, %dma_wait3A_117] : memref<10112x128xf32, #tpu.memory_space<vmem_shared>> -> memref<80x128xf32, #tpu.memory_space<vmem_shared>>
      tpu.wait_dma2 semaphore(%run_scoped3A : memref<!tpu.dma_semaphore, #tpu.memory_space<semaphore_mem>>) src(%arg15 : memref<80x128xf32, #tpu.memory_space<vmem>>) dst(%dma_wait3A_118 : memref<80x128xf32, #tpu.memory_space<vmem_shared>>)
      tpu.yield
    }) : () -> ()
    %mul3A_30 = arith.constant 632 : i32
    %mul3A_31 = arith.muli %arg1, %mul3A_30 : i32
    %add3A_32 = arith.constant 480 : i32
    %add3A_33 = arith.addi %mul3A_31, %add3A_32 : i32
    "tpu.region"() ({
      %run_scoped3A = tpu.sem_alloc : memref<!tpu.dma_semaphore, #tpu.memory_space<semaphore_mem>>
      %dma_start3A_111 = arith.constant 0 : i32
      %dma_start3A_112 = tpu.memref_slice %arg19[%add3A_33, %dma_start3A_111] : memref<10112x128xf32, #tpu.memory_space<vmem_shared>> -> memref<80x128xf32, #tpu.memory_space<vmem_shared>>
      %dma_start3A_113 = arith.constant 0 : i32
      %dma_start3A_114 = tpu.memref_slice %arg19[%add3A_33, %dma_start3A_113] : memref<10112x128xf32, #tpu.memory_space<vmem_shared>> -> memref<80x128xf32, #tpu.memory_space<vmem_shared>>
      tpu.enqueue_dma source(%arg15 : memref<80x128xf32, #tpu.memory_space<vmem>>) target(%dma_start3A_114 : memref<80x128xf32, #tpu.memory_space<vmem_shared>>) target_semaphore(%run_scoped3A : memref<!tpu.dma_semaphore, #tpu.memory_space<semaphore_mem>>)
      %dma_wait3A_115 = arith.constant 0 : i32
      %dma_wait3A_116 = tpu.memref_slice %arg19[%add3A_33, %dma_wait3A_115] : memref<10112x128xf32, #tpu.memory_space<vmem_shared>> -> memref<80x128xf32, #tpu.memory_space<vmem_shared>>
      %dma_wait3A_117 = arith.constant 0 : i32
      %dma_wait3A_118 = tpu.memref_slice %arg19[%add3A_33, %dma_wait3A_117] : memref<10112x128xf32, #tpu.memory_space<vmem_shared>> -> memref<80x128xf32, #tpu.memory_space<vmem_shared>>
      tpu.wait_dma2 semaphore(%run_scoped3A : memref<!tpu.dma_semaphore, #tpu.memory_space<semaphore_mem>>) src(%arg15 : memref<80x128xf32, #tpu.memory_space<vmem>>) dst(%dma_wait3A_118 : memref<80x128xf32, #tpu.memory_space<vmem_shared>>)
      tpu.yield
    }) : () -> ()
    %mul3A_34 = arith.constant 632 : i32
    %mul3A_35 = arith.muli %arg1, %mul3A_34 : i32
    %add3A_36 = arith.constant 560 : i32
    %add3A_37 = arith.addi %mul3A_35, %add3A_36 : i32
    "tpu.region"() ({
      %run_scoped3A = tpu.sem_alloc : memref<!tpu.dma_semaphore, #tpu.memory_space<semaphore_mem>>
      %dma_start3A_111 = arith.constant 0 : i32
      %dma_start3A_112 = arith.constant 0 : i32
      %dma_start3A_113 = tpu.memref_slice %arg15[%dma_start3A_111, %dma_start3A_112] : memref<80x128xf32, #tpu.memory_space<vmem>> -> memref<72x128xf32, #tpu.memory_space<vmem>>
      %dma_start3A_114 = arith.constant 0 : i32
      %dma_start3A_115 = tpu.memref_slice %arg19[%add3A_37, %dma_start3A_114] : memref<10112x128xf32, #tpu.memory_space<vmem_shared>> -> memref<72x128xf32, #tpu.memory_space<vmem_shared>>
      %dma_start3A_116 = arith.constant 0 : i32
      %dma_start3A_117 = tpu.memref_slice %arg19[%add3A_37, %dma_start3A_116] : memref<10112x128xf32, #tpu.memory_space<vmem_shared>> -> memref<72x128xf32, #tpu.memory_space<vmem_shared>>
      %dma_start3A_118 = arith.constant 0 : i32
      %dma_start3A_119 = arith.constant 0 : i32
      %dma_start3A_120 = tpu.memref_slice %arg15[%dma_start3A_118, %dma_start3A_119] : memref<80x128xf32, #tpu.memory_space<vmem>> -> memref<72x128xf32, #tpu.memory_space<vmem>>
      tpu.enqueue_dma source(%dma_start3A_120 : memref<72x128xf32, #tpu.memory_space<vmem>>) target(%dma_start3A_117 : memref<72x128xf32, #tpu.memory_space<vmem_shared>>) target_semaphore(%run_scoped3A : memref<!tpu.dma_semaphore, #tpu.memory_space<semaphore_mem>>)
      %dma_wait3A_121 = arith.constant 0 : i32
      %dma_wait3A_122 = arith.constant 0 : i32
      %dma_wait3A_123 = tpu.memref_slice %arg15[%dma_wait3A_121, %dma_wait3A_122] : memref<80x128xf32, #tpu.memory_space<vmem>> -> memref<72x128xf32, #tpu.memory_space<vmem>>
      %dma_wait3A_124 = arith.constant 0 : i32
      %dma_wait3A_125 = tpu.memref_slice %arg19[%add3A_37, %dma_wait3A_124] : memref<10112x128xf32, #tpu.memory_space<vmem_shared>> -> memref<72x128xf32, #tpu.memory_space<vmem_shared>>
      %dma_wait3A_126 = arith.constant 0 : i32
      %dma_wait3A_127 = tpu.memref_slice %arg19[%add3A_37, %dma_wait3A_126] : memref<10112x128xf32, #tpu.memory_space<vmem_shared>> -> memref<72x128xf32, #tpu.memory_space<vmem_shared>>
      %dma_wait3A_128 = arith.constant 0 : i32
      %dma_wait3A_129 = arith.constant 0 : i32
      %dma_wait3A_130 = tpu.memref_slice %arg15[%dma_wait3A_128, %dma_wait3A_129] : memref<80x128xf32, #tpu.memory_space<vmem>> -> memref<72x128xf32, #tpu.memory_space<vmem>>
      tpu.wait_dma2 semaphore(%run_scoped3A : memref<!tpu.dma_semaphore, #tpu.memory_space<semaphore_mem>>) src(%dma_wait3A_130 : memref<72x128xf32, #tpu.memory_space<vmem>>) dst(%dma_wait3A_127 : memref<72x128xf32, #tpu.memory_space<vmem_shared>>)
      tpu.yield
    }) : () -> ()
    %barrier3A = arith.constant 0 : index
    tpu.barrier barrier_id(%barrier3A)
    %dma_start3A = arith.constant 0 : i32
    %dma_start3A_38 = arith.constant 0 : i32
    %dma_start3A_39 = tpu.memref_slice %arg2[%add3A, %dma_start3A, %dma_start3A_38] : memref<32x125x80xi32, #tpu.memory_space<hbm>> -> memref<1x1x80xi32, #tpu.memory_space<hbm>>
    %dma_start3A_40 = tpu.memref_squeeze %dma_start3A_39 : memref<1x1x80xi32, #tpu.memory_space<hbm>> -> memref<80xi32, #tpu.memory_space<hbm>>
    %dma_start3A_41 = arith.constant 0 : i32
    %dma_start3A_42 = tpu.memref_slice %arg2[%add3A, %dma_start3A, %dma_start3A_41] : memref<32x125x80xi32, #tpu.memory_space<hbm>> -> memref<1x1x80xi32, #tpu.memory_space<hbm>>
    %dma_start3A_43 = tpu.memref_squeeze %dma_start3A_42 : memref<1x1x80xi32, #tpu.memory_space<hbm>> -> memref<80xi32, #tpu.memory_space<hbm>>
    tpu.enqueue_dma source(%dma_start3A_43 : memref<80xi32, #tpu.memory_space<hbm>>) target(%arg7 : memref<80xi32, #tpu.memory_space<vmem>>) target_semaphore(%arg21 : memref<!tpu.dma_semaphore, #tpu.memory_space<semaphore_mem>>)
    %dma_start3A_44 = arith.constant 0 : i32
    %dma_start3A_45 = arith.constant 0 : i32
    %dma_start3A_46 = tpu.memref_slice %arg3[%add3A, %dma_start3A_44, %dma_start3A_45] : memref<32x125x80xi32, #tpu.memory_space<hbm>> -> memref<1x1x80xi32, #tpu.memory_space<hbm>>
    %dma_start3A_47 = tpu.memref_squeeze %dma_start3A_46 : memref<1x1x80xi32, #tpu.memory_space<hbm>> -> memref<80xi32, #tpu.memory_space<hbm>>
    %dma_start3A_48 = arith.constant 0 : i32
    %dma_start3A_49 = tpu.memref_slice %arg3[%add3A, %dma_start3A_44, %dma_start3A_48] : memref<32x125x80xi32, #tpu.memory_space<hbm>> -> memref<1x1x80xi32, #tpu.memory_space<hbm>>
    %dma_start3A_50 = tpu.memref_squeeze %dma_start3A_49 : memref<1x1x80xi32, #tpu.memory_space<hbm>> -> memref<80xi32, #tpu.memory_space<hbm>>
    tpu.enqueue_dma source(%dma_start3A_50 : memref<80xi32, #tpu.memory_space<hbm>>) target(%arg11 : memref<80xi32, #tpu.memory_space<vmem>>) target_semaphore(%arg21 : memref<!tpu.dma_semaphore, #tpu.memory_space<semaphore_mem>>)
    %dma_start3A_51 = arith.constant 1 : i32
    %dma_start3A_52 = arith.constant 0 : i32
    %dma_start3A_53 = tpu.memref_slice %arg2[%add3A, %dma_start3A_51, %dma_start3A_52] : memref<32x125x80xi32, #tpu.memory_space<hbm>> -> memref<1x1x80xi32, #tpu.memory_space<hbm>>
    %dma_start3A_54 = tpu.memref_squeeze %dma_start3A_53 : memref<1x1x80xi32, #tpu.memory_space<hbm>> -> memref<80xi32, #tpu.memory_space<hbm>>
    %dma_start3A_55 = arith.constant 0 : i32
    %dma_start3A_56 = tpu.memref_slice %arg2[%add3A, %dma_start3A_51, %dma_start3A_55] : memref<32x125x80xi32, #tpu.memory_space<hbm>> -> memref<1x1x80xi32, #tpu.memory_space<hbm>>
    %dma_start3A_57 = tpu.memref_squeeze %dma_start3A_56 : memref<1x1x80xi32, #tpu.memory_space<hbm>> -> memref<80xi32, #tpu.memory_space<hbm>>
    tpu.enqueue_dma source(%dma_start3A_57 : memref<80xi32, #tpu.memory_space<hbm>>) target(%arg8 : memref<80xi32, #tpu.memory_space<vmem>>) target_semaphore(%arg21 : memref<!tpu.dma_semaphore, #tpu.memory_space<semaphore_mem>>)
    %dma_start3A_58 = arith.constant 1 : i32
    %dma_start3A_59 = arith.constant 0 : i32
    %dma_start3A_60 = tpu.memref_slice %arg3[%add3A, %dma_start3A_58, %dma_start3A_59] : memref<32x125x80xi32, #tpu.memory_space<hbm>> -> memref<1x1x80xi32, #tpu.memory_space<hbm>>
    %dma_start3A_61 = tpu.memref_squeeze %dma_start3A_60 : memref<1x1x80xi32, #tpu.memory_space<hbm>> -> memref<80xi32, #tpu.memory_space<hbm>>
    %dma_start3A_62 = arith.constant 0 : i32
    %dma_start3A_63 = tpu.memref_slice %arg3[%add3A, %dma_start3A_58, %dma_start3A_62] : memref<32x125x80xi32, #tpu.memory_space<hbm>> -> memref<1x1x80xi32, #tpu.memory_space<hbm>>
    %dma_start3A_64 = tpu.memref_squeeze %dma_start3A_63 : memref<1x1x80xi32, #tpu.memory_space<hbm>> -> memref<80xi32, #tpu.memory_space<hbm>>
    tpu.enqueue_dma source(%dma_start3A_64 : memref<80xi32, #tpu.memory_space<hbm>>) target(%arg12 : memref<80xi32, #tpu.memory_space<vmem>>) target_semaphore(%arg21 : memref<!tpu.dma_semaphore, #tpu.memory_space<semaphore_mem>>)
    %dma_start3A_65 = arith.constant 2 : i32
    %dma_start3A_66 = arith.constant 0 : i32
    %dma_start3A_67 = tpu.memref_slice %arg2[%add3A, %dma_start3A_65, %dma_start3A_66] : memref<32x125x80xi32, #tpu.memory_space<hbm>> -> memref<1x1x80xi32, #tpu.memory_space<hbm>>
    %dma_start3A_68 = tpu.memref_squeeze %dma_start3A_67 : memref<1x1x80xi32, #tpu.memory_space<hbm>> -> memref<80xi32, #tpu.memory_space<hbm>>
    %dma_start3A_69 = arith.constant 0 : i32
    %dma_start3A_70 = tpu.memref_slice %arg2[%add3A, %dma_start3A_65, %dma_start3A_69] : memref<32x125x80xi32, #tpu.memory_space<hbm>> -> memref<1x1x80xi32, #tpu.memory_space<hbm>>
    %dma_start3A_71 = tpu.memref_squeeze %dma_start3A_70 : memref<1x1x80xi32, #tpu.memory_space<hbm>> -> memref<80xi32, #tpu.memory_space<hbm>>
    tpu.enqueue_dma source(%dma_start3A_71 : memref<80xi32, #tpu.memory_space<hbm>>) target(%arg9 : memref<80xi32, #tpu.memory_space<vmem>>) target_semaphore(%arg21 : memref<!tpu.dma_semaphore, #tpu.memory_space<semaphore_mem>>)
    %dma_start3A_72 = arith.constant 2 : i32
    %dma_start3A_73 = arith.constant 0 : i32
    %dma_start3A_74 = tpu.memref_slice %arg3[%add3A, %dma_start3A_72, %dma_start3A_73] : memref<32x125x80xi32, #tpu.memory_space<hbm>> -> memref<1x1x80xi32, #tpu.memory_space<hbm>>
    %dma_start3A_75 = tpu.memref_squeeze %dma_start3A_74 : memref<1x1x80xi32, #tpu.memory_space<hbm>> -> memref<80xi32, #tpu.memory_space<hbm>>
    %dma_start3A_76 = arith.constant 0 : i32
    %dma_start3A_77 = tpu.memref_slice %arg3[%add3A, %dma_start3A_72, %dma_start3A_76] : memref<32x125x80xi32, #tpu.memory_space<hbm>> -> memref<1x1x80xi32, #tpu.memory_space<hbm>>
    %dma_start3A_78 = tpu.memref_squeeze %dma_start3A_77 : memref<1x1x80xi32, #tpu.memory_space<hbm>> -> memref<80xi32, #tpu.memory_space<hbm>>
    tpu.enqueue_dma source(%dma_start3A_78 : memref<80xi32, #tpu.memory_space<hbm>>) target(%arg13 : memref<80xi32, #tpu.memory_space<vmem>>) target_semaphore(%arg21 : memref<!tpu.dma_semaphore, #tpu.memory_space<semaphore_mem>>)
    %dma_wait3A = arith.constant 0 : i32
    %dma_wait3A_79 = arith.constant 0 : i32
    %dma_wait3A_80 = tpu.memref_slice %arg2[%add3A, %dma_wait3A, %dma_wait3A_79] : memref<32x125x80xi32, #tpu.memory_space<hbm>> -> memref<1x1x80xi32, #tpu.memory_space<hbm>>
    %dma_wait3A_81 = tpu.memref_squeeze %dma_wait3A_80 : memref<1x1x80xi32, #tpu.memory_space<hbm>> -> memref<80xi32, #tpu.memory_space<hbm>>
    %dma_wait3A_82 = arith.constant 0 : i32
    %dma_wait3A_83 = tpu.memref_slice %arg2[%add3A, %dma_wait3A, %dma_wait3A_82] : memref<32x125x80xi32, #tpu.memory_space<hbm>> -> memref<1x1x80xi32, #tpu.memory_space<hbm>>
    %dma_wait3A_84 = tpu.memref_squeeze %dma_wait3A_83 : memref<1x1x80xi32, #tpu.memory_space<hbm>> -> memref<80xi32, #tpu.memory_space<hbm>>
    tpu.wait_dma2 semaphore(%arg21 : memref<!tpu.dma_semaphore, #tpu.memory_space<semaphore_mem>>) src(%dma_wait3A_84 : memref<80xi32, #tpu.memory_space<hbm>>) dst(%arg7 : memref<80xi32, #tpu.memory_space<vmem>>)
    %dma_wait3A_85 = arith.constant 0 : i32
    %dma_wait3A_86 = arith.constant 0 : i32
    %dma_wait3A_87 = tpu.memref_slice %arg3[%add3A, %dma_wait3A_85, %dma_wait3A_86] : memref<32x125x80xi32, #tpu.memory_space<hbm>> -> memref<1x1x80xi32, #tpu.memory_space<hbm>>
    %dma_wait3A_88 = tpu.memref_squeeze %dma_wait3A_87 : memref<1x1x80xi32, #tpu.memory_space<hbm>> -> memref<80xi32, #tpu.memory_space<hbm>>
    %dma_wait3A_89 = arith.constant 0 : i32
    %dma_wait3A_90 = tpu.memref_slice %arg3[%add3A, %dma_wait3A_85, %dma_wait3A_89] : memref<32x125x80xi32, #tpu.memory_space<hbm>> -> memref<1x1x80xi32, #tpu.memory_space<hbm>>
    %dma_wait3A_91 = tpu.memref_squeeze %dma_wait3A_90 : memref<1x1x80xi32, #tpu.memory_space<hbm>> -> memref<80xi32, #tpu.memory_space<hbm>>
    tpu.wait_dma2 semaphore(%arg21 : memref<!tpu.dma_semaphore, #tpu.memory_space<semaphore_mem>>) src(%dma_wait3A_91 : memref<80xi32, #tpu.memory_space<hbm>>) dst(%arg11 : memref<80xi32, #tpu.memory_space<vmem>>)
    %dma_start3A_92 = arith.constant 0 : i32
    %dma_start3A_93 = arith.constant 0 : i32
    %dma_start3A_94 = tpu.memref_slice %arg4[%dma_start3A_92, %dma_start3A_93] : memref<10000x128xf32, #tpu.memory_space<hbm>> -> memref<10000x128xf32, #tpu.memory_space<hbm>>
    tpu.enqueue_indirect_dma source(%dma_start3A_94 : memref<10000x128xf32, #tpu.memory_space<hbm>>) target(%arg15 : memref<80x128xf32, #tpu.memory_space<vmem>>) offsets(%arg7 : memref<80xi32, #tpu.memory_space<vmem>>) semaphore(%arg20 : memref<!tpu.dma_semaphore, #tpu.memory_space<semaphore_mem>>)
    %scan3A_95 = arith.constant 0 : i32
    %scan3A_96 = arith.constant 125 : i32
    %scan3A_97 = arith.addi %scan3A_95, %scan3A_96 : i32
    %scan3A_98 = arith.constant 1 : i32
    scf.for %scan3A_111 = %scan3A_95 to %scan3A_97 step %scan3A_98  : i32 {
      %rem3A = arith.constant 4 : i32
      %rem3A_112 = arith.remsi %scan3A_111, %rem3A : i32
      %eq3A_113 = arith.constant 0 : i32
      %eq3A_114 = arith.cmpi eq, %rem3A_112, %eq3A_113 : i32
      %convert_element_type3A_115 = arith.extui %eq3A_114 : i1 to i32
      %cond3A_116 = arith.constant 0 : i32
      %cond3A_117 = arith.cmpi ne, %convert_element_type3A_115, %cond3A_116 : i32
      scf.if %cond3A_117 {
        %dma_wait3A_139 = arith.constant 0 : i32
        %dma_wait3A_140 = arith.constant 0 : i32
        %dma_wait3A_141 = tpu.memref_slice %arg4[%dma_wait3A_139, %dma_wait3A_140] : memref<10000x128xf32, #tpu.memory_space<hbm>> -> memref<10000x128xf32, #tpu.memory_space<hbm>>
        tpu.wait_indirect_dma semaphore(%arg20 : memref<!tpu.dma_semaphore, #tpu.memory_space<semaphore_mem>>) src(%dma_wait3A_141 : memref<10000x128xf32, #tpu.memory_space<hbm>>) dst(%arg15 : memref<80x128xf32, #tpu.memory_space<vmem>>)
        %ge3A = arith.constant 1 : i32
        %ge3A_142 = arith.cmpi sge, %scan3A_111, %ge3A : i32
        %convert_element_type3A_143 = arith.extui %ge3A_142 : i1 to i32
        %cond3A_144 = arith.constant 0 : i32
        %cond3A_145 = arith.cmpi ne, %convert_element_type3A_143, %cond3A_144 : i32
        scf.if %cond3A_145 {
          %dma_wait3A_162 = arith.constant 0 : i32
          %dma_wait3A_163 = arith.constant 0 : i32
          %dma_wait3A_164 = tpu.memref_slice %arg19[%dma_wait3A_162, %dma_wait3A_163] : memref<10112x128xf32, #tpu.memory_space<vmem_shared>> -> memref<10112x128xf32, #tpu.memory_space<vmem_shared>>
          tpu.wait_indirect_dma semaphore(%arg22 : memref<!tpu.dma_semaphore, #tpu.memory_space<semaphore_mem>>) src(%arg18 : memref<80x128xf32, #tpu.memory_space<vmem>>) dst(%dma_wait3A_164 : memref<10112x128xf32, #tpu.memory_space<vmem_shared>>)
        } else {
        }
        %add3A_146 = arith.constant 3 : i32
        %add3A_147 = arith.addi %scan3A_111, %add3A_146 : i32
        %lt3A = arith.constant 125 : i32
        %lt3A_148 = arith.cmpi slt, %add3A_147, %lt3A : i32
        %convert_element_type3A_149 = arith.extui %lt3A_148 : i1 to i32
        %cond3A_150 = arith.constant 0 : i32
        %cond3A_151 = arith.cmpi ne, %convert_element_type3A_149, %cond3A_150 : i32
        scf.if %cond3A_151 {
          %add3A_162 = arith.constant 3 : i32
          %add3A_163 = arith.addi %scan3A_111, %add3A_162 : i32
          %dma_start3A_164 = arith.constant 0 : i32
          %dma_start3A_165 = tpu.memref_slice %arg2[%add3A, %add3A_163, %dma_start3A_164] : memref<32x125x80xi32, #tpu.memory_space<hbm>> -> memref<1x1x80xi32, #tpu.memory_space<hbm>>
          %dma_start3A_166 = tpu.memref_squeeze %dma_start3A_165 : memref<1x1x80xi32, #tpu.memory_space<hbm>> -> memref<80xi32, #tpu.memory_space<hbm>>
          %dma_start3A_167 = arith.constant 0 : i32
          %dma_start3A_168 = tpu.memref_slice %arg2[%add3A, %add3A_163, %dma_start3A_167] : memref<32x125x80xi32, #tpu.memory_space<hbm>> -> memref<1x1x80xi32, #tpu.memory_space<hbm>>
          %dma_start3A_169 = tpu.memref_squeeze %dma_start3A_168 : memref<1x1x80xi32, #tpu.memory_space<hbm>> -> memref<80xi32, #tpu.memory_space<hbm>>
          tpu.enqueue_dma source(%dma_start3A_169 : memref<80xi32, #tpu.memory_space<hbm>>) target(%arg10 : memref<80xi32, #tpu.memory_space<vmem>>) target_semaphore(%arg21 : memref<!tpu.dma_semaphore, #tpu.memory_space<semaphore_mem>>)
          %add3A_170 = arith.constant 3 : i32
          %add3A_171 = arith.addi %scan3A_111, %add3A_170 : i32
          %dma_start3A_172 = arith.constant 0 : i32
          %dma_start3A_173 = tpu.memref_slice %arg3[%add3A, %add3A_171, %dma_start3A_172] : memref<32x125x80xi32, #tpu.memory_space<hbm>> -> memref<1x1x80xi32, #tpu.memory_space<hbm>>
          %dma_start3A_174 = tpu.memref_squeeze %dma_start3A_173 : memref<1x1x80xi32, #tpu.memory_space<hbm>> -> memref<80xi32, #tpu.memory_space<hbm>>
          %dma_start3A_175 = arith.constant 0 : i32
          %dma_start3A_176 = tpu.memref_slice %arg3[%add3A, %add3A_171, %dma_start3A_175] : memref<32x125x80xi32, #tpu.memory_space<hbm>> -> memref<1x1x80xi32, #tpu.memory_space<hbm>>
          %dma_start3A_177 = tpu.memref_squeeze %dma_start3A_176 : memref<1x1x80xi32, #tpu.memory_space<hbm>> -> memref<80xi32, #tpu.memory_space<hbm>>
          tpu.enqueue_dma source(%dma_start3A_177 : memref<80xi32, #tpu.memory_space<hbm>>) target(%arg14 : memref<80xi32, #tpu.memory_space<vmem>>) target_semaphore(%arg21 : memref<!tpu.dma_semaphore, #tpu.memory_space<semaphore_mem>>)
        } else {
        }
        %add3A_152 = arith.constant 1 : i32
        %add3A_153 = arith.addi %scan3A_111, %add3A_152 : i32
        %lt3A_154 = arith.constant 125 : i32
        %lt3A_155 = arith.cmpi slt, %add3A_153, %lt3A_154 : i32
        %convert_element_type3A_156 = arith.extui %lt3A_155 : i1 to i32
        %cond3A_157 = arith.constant 0 : i32
        %cond3A_158 = arith.cmpi ne, %convert_element_type3A_156, %cond3A_157 : i32
        scf.if %cond3A_158 {
          %add3A_162 = arith.constant 1 : i32
          %add3A_163 = arith.addi %scan3A_111, %add3A_162 : i32
          %dma_wait3A_164 = arith.constant 0 : i32
          %dma_wait3A_165 = tpu.memref_slice %arg2[%add3A, %add3A_163, %dma_wait3A_164] : memref<32x125x80xi32, #tpu.memory_space<hbm>> -> memref<1x1x80xi32, #tpu.memory_space<hbm>>
          %dma_wait3A_166 = tpu.memref_squeeze %dma_wait3A_165 : memref<1x1x80xi32, #tpu.memory_space<hbm>> -> memref<80xi32, #tpu.memory_space<hbm>>
          %dma_wait3A_167 = arith.constant 0 : i32
          %dma_wait3A_168 = tpu.memref_slice %arg2[%add3A, %add3A_163, %dma_wait3A_167] : memref<32x125x80xi32, #tpu.memory_space<hbm>> -> memref<1x1x80xi32, #tpu.memory_space<hbm>>
          %dma_wait3A_169 = tpu.memref_squeeze %dma_wait3A_168 : memref<1x1x80xi32, #tpu.memory_space<hbm>> -> memref<80xi32, #tpu.memory_space<hbm>>
          tpu.wait_dma2 semaphore(%arg21 : memref<!tpu.dma_semaphore, #tpu.memory_space<semaphore_mem>>) src(%dma_wait3A_169 : memref<80xi32, #tpu.memory_space<hbm>>) dst(%arg8 : memref<80xi32, #tpu.memory_space<vmem>>)
          %add3A_170 = arith.constant 1 : i32
          %add3A_171 = arith.addi %scan3A_111, %add3A_170 : i32
          %dma_wait3A_172 = arith.constant 0 : i32
          %dma_wait3A_173 = tpu.memref_slice %arg3[%add3A, %add3A_171, %dma_wait3A_172] : memref<32x125x80xi32, #tpu.memory_space<hbm>> -> memref<1x1x80xi32, #tpu.memory_space<hbm>>
          %dma_wait3A_174 = tpu.memref_squeeze %dma_wait3A_173 : memref<1x1x80xi32, #tpu.memory_space<hbm>> -> memref<80xi32, #tpu.memory_space<hbm>>
          %dma_wait3A_175 = arith.constant 0 : i32
          %dma_wait3A_176 = tpu.memref_slice %arg3[%add3A, %add3A_171, %dma_wait3A_175] : memref<32x125x80xi32, #tpu.memory_space<hbm>> -> memref<1x1x80xi32, #tpu.memory_space<hbm>>
          %dma_wait3A_177 = tpu.memref_squeeze %dma_wait3A_176 : memref<1x1x80xi32, #tpu.memory_space<hbm>> -> memref<80xi32, #tpu.memory_space<hbm>>
          tpu.wait_dma2 semaphore(%arg21 : memref<!tpu.dma_semaphore, #tpu.memory_space<semaphore_mem>>) src(%dma_wait3A_177 : memref<80xi32, #tpu.memory_space<hbm>>) dst(%arg12 : memref<80xi32, #tpu.memory_space<vmem>>)
          %dma_start3A_178 = arith.constant 0 : i32
          %dma_start3A_179 = arith.constant 0 : i32
          %dma_start3A_180 = tpu.memref_slice %arg4[%dma_start3A_178, %dma_start3A_179] : memref<10000x128xf32, #tpu.memory_space<hbm>> -> memref<10000x128xf32, #tpu.memory_space<hbm>>
          tpu.enqueue_indirect_dma source(%dma_start3A_180 : memref<10000x128xf32, #tpu.memory_space<hbm>>) target(%arg16 : memref<80x128xf32, #tpu.memory_space<vmem>>) offsets(%arg8 : memref<80xi32, #tpu.memory_space<vmem>>) semaphore(%arg20 : memref<!tpu.dma_semaphore, #tpu.memory_space<semaphore_mem>>)
        } else {
        }
        %dma_start3A_159 = arith.constant 0 : i32
        %dma_start3A_160 = arith.constant 0 : i32
        %dma_start3A_161 = tpu.memref_slice %arg19[%dma_start3A_159, %dma_start3A_160] : memref<10112x128xf32, #tpu.memory_space<vmem_shared>> -> memref<10112x128xf32, #tpu.memory_space<vmem_shared>>
        tpu.enqueue_indirect_dma source(%arg15 : memref<80x128xf32, #tpu.memory_space<vmem>>) target(%dma_start3A_161 : memref<10112x128xf32, #tpu.memory_space<vmem_shared>>) offsets(%arg11 : memref<80xi32, #tpu.memory_space<vmem>>) semaphore(%arg22 : memref<!tpu.dma_semaphore, #tpu.memory_space<semaphore_mem>>) {add = true}
      } else {
      }
      %rem3A_118 = arith.constant 4 : i32
      %rem3A_119 = arith.remsi %scan3A_111, %rem3A_118 : i32
      %eq3A_120 = arith.constant 1 : i32
      %eq3A_121 = arith.cmpi eq, %rem3A_119, %eq3A_120 : i32
      %convert_element_type3A_122 = arith.extui %eq3A_121 : i1 to i32
      %cond3A_123 = arith.constant 0 : i32
      %cond3A_124 = arith.cmpi ne, %convert_element_type3A_122, %cond3A_123 : i32
      scf.if %cond3A_124 {
        %dma_wait3A_139 = arith.constant 0 : i32
        %dma_wait3A_140 = arith.constant 0 : i32
        %dma_wait3A_141 = tpu.memref_slice %arg4[%dma_wait3A_139, %dma_wait3A_140] : memref<10000x128xf32, #tpu.memory_space<hbm>> -> memref<10000x128xf32, #tpu.memory_space<hbm>>
        tpu.wait_indirect_dma semaphore(%arg20 : memref<!tpu.dma_semaphore, #tpu.memory_space<semaphore_mem>>) src(%dma_wait3A_141 : memref<10000x128xf32, #tpu.memory_space<hbm>>) dst(%arg16 : memref<80x128xf32, #tpu.memory_space<vmem>>)
        %ge3A = arith.constant 1 : i32
        %ge3A_142 = arith.cmpi sge, %scan3A_111, %ge3A : i32
        %convert_element_type3A_143 = arith.extui %ge3A_142 : i1 to i32
        %cond3A_144 = arith.constant 0 : i32
        %cond3A_145 = arith.cmpi ne, %convert_element_type3A_143, %cond3A_144 : i32
        scf.if %cond3A_145 {
          %dma_wait3A_162 = arith.constant 0 : i32
          %dma_wait3A_163 = arith.constant 0 : i32
          %dma_wait3A_164 = tpu.memref_slice %arg19[%dma_wait3A_162, %dma_wait3A_163] : memref<10112x128xf32, #tpu.memory_space<vmem_shared>> -> memref<10112x128xf32, #tpu.memory_space<vmem_shared>>
          tpu.wait_indirect_dma semaphore(%arg22 : memref<!tpu.dma_semaphore, #tpu.memory_space<semaphore_mem>>) src(%arg15 : memref<80x128xf32, #tpu.memory_space<vmem>>) dst(%dma_wait3A_164 : memref<10112x128xf32, #tpu.memory_space<vmem_shared>>)
        } else {
        }
        %add3A_146 = arith.constant 3 : i32
        %add3A_147 = arith.addi %scan3A_111, %add3A_146 : i32
        %lt3A = arith.constant 125 : i32
        %lt3A_148 = arith.cmpi slt, %add3A_147, %lt3A : i32
        %convert_element_type3A_149 = arith.extui %lt3A_148 : i1 to i32
        %cond3A_150 = arith.constant 0 : i32
        %cond3A_151 = arith.cmpi ne, %convert_element_type3A_149, %cond3A_150 : i32
        scf.if %cond3A_151 {
          %add3A_162 = arith.constant 3 : i32
          %add3A_163 = arith.addi %scan3A_111, %add3A_162 : i32
          %dma_start3A_164 = arith.constant 0 : i32
          %dma_start3A_165 = tpu.memref_slice %arg2[%add3A, %add3A_163, %dma_start3A_164] : memref<32x125x80xi32, #tpu.memory_space<hbm>> -> memref<1x1x80xi32, #tpu.memory_space<hbm>>
          %dma_start3A_166 = tpu.memref_squeeze %dma_start3A_165 : memref<1x1x80xi32, #tpu.memory_space<hbm>> -> memref<80xi32, #tpu.memory_space<hbm>>
          %dma_start3A_167 = arith.constant 0 : i32
          %dma_start3A_168 = tpu.memref_slice %arg2[%add3A, %add3A_163, %dma_start3A_167] : memref<32x125x80xi32, #tpu.memory_space<hbm>> -> memref<1x1x80xi32, #tpu.memory_space<hbm>>
          %dma_start3A_169 = tpu.memref_squeeze %dma_start3A_168 : memref<1x1x80xi32, #tpu.memory_space<hbm>> -> memref<80xi32, #tpu.memory_space<hbm>>
          tpu.enqueue_dma source(%dma_start3A_169 : memref<80xi32, #tpu.memory_space<hbm>>) target(%arg7 : memref<80xi32, #tpu.memory_space<vmem>>) target_semaphore(%arg21 : memref<!tpu.dma_semaphore, #tpu.memory_space<semaphore_mem>>)
          %add3A_170 = arith.constant 3 : i32
          %add3A_171 = arith.addi %scan3A_111, %add3A_170 : i32
          %dma_start3A_172 = arith.constant 0 : i32
          %dma_start3A_173 = tpu.memref_slice %arg3[%add3A, %add3A_171, %dma_start3A_172] : memref<32x125x80xi32, #tpu.memory_space<hbm>> -> memref<1x1x80xi32, #tpu.memory_space<hbm>>
          %dma_start3A_174 = tpu.memref_squeeze %dma_start3A_173 : memref<1x1x80xi32, #tpu.memory_space<hbm>> -> memref<80xi32, #tpu.memory_space<hbm>>
          %dma_start3A_175 = arith.constant 0 : i32
          %dma_start3A_176 = tpu.memref_slice %arg3[%add3A, %add3A_171, %dma_start3A_175] : memref<32x125x80xi32, #tpu.memory_space<hbm>> -> memref<1x1x80xi32, #tpu.memory_space<hbm>>
          %dma_start3A_177 = tpu.memref_squeeze %dma_start3A_176 : memref<1x1x80xi32, #tpu.memory_space<hbm>> -> memref<80xi32, #tpu.memory_space<hbm>>
          tpu.enqueue_dma source(%dma_start3A_177 : memref<80xi32, #tpu.memory_space<hbm>>) target(%arg11 : memref<80xi32, #tpu.memory_space<vmem>>) target_semaphore(%arg21 : memref<!tpu.dma_semaphore, #tpu.memory_space<semaphore_mem>>)
        } else {
        }
        %add3A_152 = arith.constant 1 : i32
        %add3A_153 = arith.addi %scan3A_111, %add3A_152 : i32
        %lt3A_154 = arith.constant 125 : i32
        %lt3A_155 = arith.cmpi slt, %add3A_153, %lt3A_154 : i32
        %convert_element_type3A_156 = arith.extui %lt3A_155 : i1 to i32
        %cond3A_157 = arith.constant 0 : i32
        %cond3A_158 = arith.cmpi ne, %convert_element_type3A_156, %cond3A_157 : i32
        scf.if %cond3A_158 {
          %add3A_162 = arith.constant 1 : i32
          %add3A_163 = arith.addi %scan3A_111, %add3A_162 : i32
          %dma_wait3A_164 = arith.constant 0 : i32
          %dma_wait3A_165 = tpu.memref_slice %arg2[%add3A, %add3A_163, %dma_wait3A_164] : memref<32x125x80xi32, #tpu.memory_space<hbm>> -> memref<1x1x80xi32, #tpu.memory_space<hbm>>
          %dma_wait3A_166 = tpu.memref_squeeze %dma_wait3A_165 : memref<1x1x80xi32, #tpu.memory_space<hbm>> -> memref<80xi32, #tpu.memory_space<hbm>>
          %dma_wait3A_167 = arith.constant 0 : i32
          %dma_wait3A_168 = tpu.memref_slice %arg2[%add3A, %add3A_163, %dma_wait3A_167] : memref<32x125x80xi32, #tpu.memory_space<hbm>> -> memref<1x1x80xi32, #tpu.memory_space<hbm>>
          %dma_wait3A_169 = tpu.memref_squeeze %dma_wait3A_168 : memref<1x1x80xi32, #tpu.memory_space<hbm>> -> memref<80xi32, #tpu.memory_space<hbm>>
          tpu.wait_dma2 semaphore(%arg21 : memref<!tpu.dma_semaphore, #tpu.memory_space<semaphore_mem>>) src(%dma_wait3A_169 : memref<80xi32, #tpu.memory_space<hbm>>) dst(%arg9 : memref<80xi32, #tpu.memory_space<vmem>>)
          %add3A_170 = arith.constant 1 : i32
          %add3A_171 = arith.addi %scan3A_111, %add3A_170 : i32
          %dma_wait3A_172 = arith.constant 0 : i32
          %dma_wait3A_173 = tpu.memref_slice %arg3[%add3A, %add3A_171, %dma_wait3A_172] : memref<32x125x80xi32, #tpu.memory_space<hbm>> -> memref<1x1x80xi32, #tpu.memory_space<hbm>>
          %dma_wait3A_174 = tpu.memref_squeeze %dma_wait3A_173 : memref<1x1x80xi32, #tpu.memory_space<hbm>> -> memref<80xi32, #tpu.memory_space<hbm>>
          %dma_wait3A_175 = arith.constant 0 : i32
          %dma_wait3A_176 = tpu.memref_slice %arg3[%add3A, %add3A_171, %dma_wait3A_175] : memref<32x125x80xi32, #tpu.memory_space<hbm>> -> memref<1x1x80xi32, #tpu.memory_space<hbm>>
          %dma_wait3A_177 = tpu.memref_squeeze %dma_wait3A_176 : memref<1x1x80xi32, #tpu.memory_space<hbm>> -> memref<80xi32, #tpu.memory_space<hbm>>
          tpu.wait_dma2 semaphore(%arg21 : memref<!tpu.dma_semaphore, #tpu.memory_space<semaphore_mem>>) src(%dma_wait3A_177 : memref<80xi32, #tpu.memory_space<hbm>>) dst(%arg13 : memref<80xi32, #tpu.memory_space<vmem>>)
          %dma_start3A_178 = arith.constant 0 : i32
          %dma_start3A_179 = arith.constant 0 : i32
          %dma_start3A_180 = tpu.memref_slice %arg4[%dma_start3A_178, %dma_start3A_179] : memref<10000x128xf32, #tpu.memory_space<hbm>> -> memref<10000x128xf32, #tpu.memory_space<hbm>>
          tpu.enqueue_indirect_dma source(%dma_start3A_180 : memref<10000x128xf32, #tpu.memory_space<hbm>>) target(%arg17 : memref<80x128xf32, #tpu.memory_space<vmem>>) offsets(%arg9 : memref<80xi32, #tpu.memory_space<vmem>>) semaphore(%arg20 : memref<!tpu.dma_semaphore, #tpu.memory_space<semaphore_mem>>)
        } else {
        }
        %dma_start3A_159 = arith.constant 0 : i32
        %dma_start3A_160 = arith.constant 0 : i32
        %dma_start3A_161 = tpu.memref_slice %arg19[%dma_start3A_159, %dma_start3A_160] : memref<10112x128xf32, #tpu.memory_space<vmem_shared>> -> memref<10112x128xf32, #tpu.memory_space<vmem_shared>>
        tpu.enqueue_indirect_dma source(%arg16 : memref<80x128xf32, #tpu.memory_space<vmem>>) target(%dma_start3A_161 : memref<10112x128xf32, #tpu.memory_space<vmem_shared>>) offsets(%arg12 : memref<80xi32, #tpu.memory_space<vmem>>) semaphore(%arg22 : memref<!tpu.dma_semaphore, #tpu.memory_space<semaphore_mem>>) {add = true}
      } else {
      }
      %rem3A_125 = arith.constant 4 : i32
      %rem3A_126 = arith.remsi %scan3A_111, %rem3A_125 : i32
      %eq3A_127 = arith.constant 2 : i32
      %eq3A_128 = arith.cmpi eq, %rem3A_126, %eq3A_127 : i32
      %convert_element_type3A_129 = arith.extui %eq3A_128 : i1 to i32
      %cond3A_130 = arith.constant 0 : i32
      %cond3A_131 = arith.cmpi ne, %convert_element_type3A_129, %cond3A_130 : i32
      scf.if %cond3A_131 {
        %dma_wait3A_139 = arith.constant 0 : i32
        %dma_wait3A_140 = arith.constant 0 : i32
        %dma_wait3A_141 = tpu.memref_slice %arg4[%dma_wait3A_139, %dma_wait3A_140] : memref<10000x128xf32, #tpu.memory_space<hbm>> -> memref<10000x128xf32, #tpu.memory_space<hbm>>
        tpu.wait_indirect_dma semaphore(%arg20 : memref<!tpu.dma_semaphore, #tpu.memory_space<semaphore_mem>>) src(%dma_wait3A_141 : memref<10000x128xf32, #tpu.memory_space<hbm>>) dst(%arg17 : memref<80x128xf32, #tpu.memory_space<vmem>>)
        %ge3A = arith.constant 1 : i32
        %ge3A_142 = arith.cmpi sge, %scan3A_111, %ge3A : i32
        %convert_element_type3A_143 = arith.extui %ge3A_142 : i1 to i32
        %cond3A_144 = arith.constant 0 : i32
        %cond3A_145 = arith.cmpi ne, %convert_element_type3A_143, %cond3A_144 : i32
        scf.if %cond3A_145 {
          %dma_wait3A_162 = arith.constant 0 : i32
          %dma_wait3A_163 = arith.constant 0 : i32
          %dma_wait3A_164 = tpu.memref_slice %arg19[%dma_wait3A_162, %dma_wait3A_163] : memref<10112x128xf32, #tpu.memory_space<vmem_shared>> -> memref<10112x128xf32, #tpu.memory_space<vmem_shared>>
          tpu.wait_indirect_dma semaphore(%arg22 : memref<!tpu.dma_semaphore, #tpu.memory_space<semaphore_mem>>) src(%arg16 : memref<80x128xf32, #tpu.memory_space<vmem>>) dst(%dma_wait3A_164 : memref<10112x128xf32, #tpu.memory_space<vmem_shared>>)
        } else {
        }
        %add3A_146 = arith.constant 3 : i32
        %add3A_147 = arith.addi %scan3A_111, %add3A_146 : i32
        %lt3A = arith.constant 125 : i32
        %lt3A_148 = arith.cmpi slt, %add3A_147, %lt3A : i32
        %convert_element_type3A_149 = arith.extui %lt3A_148 : i1 to i32
        %cond3A_150 = arith.constant 0 : i32
        %cond3A_151 = arith.cmpi ne, %convert_element_type3A_149, %cond3A_150 : i32
        scf.if %cond3A_151 {
          %add3A_162 = arith.constant 3 : i32
          %add3A_163 = arith.addi %scan3A_111, %add3A_162 : i32
          %dma_start3A_164 = arith.constant 0 : i32
          %dma_start3A_165 = tpu.memref_slice %arg2[%add3A, %add3A_163, %dma_start3A_164] : memref<32x125x80xi32, #tpu.memory_space<hbm>> -> memref<1x1x80xi32, #tpu.memory_space<hbm>>
          %dma_start3A_166 = tpu.memref_squeeze %dma_start3A_165 : memref<1x1x80xi32, #tpu.memory_space<hbm>> -> memref<80xi32, #tpu.memory_space<hbm>>
          %dma_start3A_167 = arith.constant 0 : i32
          %dma_start3A_168 = tpu.memref_slice %arg2[%add3A, %add3A_163, %dma_start3A_167] : memref<32x125x80xi32, #tpu.memory_space<hbm>> -> memref<1x1x80xi32, #tpu.memory_space<hbm>>
          %dma_start3A_169 = tpu.memref_squeeze %dma_start3A_168 : memref<1x1x80xi32, #tpu.memory_space<hbm>> -> memref<80xi32, #tpu.memory_space<hbm>>
          tpu.enqueue_dma source(%dma_start3A_169 : memref<80xi32, #tpu.memory_space<hbm>>) target(%arg8 : memref<80xi32, #tpu.memory_space<vmem>>) target_semaphore(%arg21 : memref<!tpu.dma_semaphore, #tpu.memory_space<semaphore_mem>>)
          %add3A_170 = arith.constant 3 : i32
          %add3A_171 = arith.addi %scan3A_111, %add3A_170 : i32
          %dma_start3A_172 = arith.constant 0 : i32
          %dma_start3A_173 = tpu.memref_slice %arg3[%add3A, %add3A_171, %dma_start3A_172] : memref<32x125x80xi32, #tpu.memory_space<hbm>> -> memref<1x1x80xi32, #tpu.memory_space<hbm>>
          %dma_start3A_174 = tpu.memref_squeeze %dma_start3A_173 : memref<1x1x80xi32, #tpu.memory_space<hbm>> -> memref<80xi32, #tpu.memory_space<hbm>>
          %dma_start3A_175 = arith.constant 0 : i32
          %dma_start3A_176 = tpu.memref_slice %arg3[%add3A, %add3A_171, %dma_start3A_175] : memref<32x125x80xi32, #tpu.memory_space<hbm>> -> memref<1x1x80xi32, #tpu.memory_space<hbm>>
          %dma_start3A_177 = tpu.memref_squeeze %dma_start3A_176 : memref<1x1x80xi32, #tpu.memory_space<hbm>> -> memref<80xi32, #tpu.memory_space<hbm>>
          tpu.enqueue_dma source(%dma_start3A_177 : memref<80xi32, #tpu.memory_space<hbm>>) target(%arg12 : memref<80xi32, #tpu.memory_space<vmem>>) target_semaphore(%arg21 : memref<!tpu.dma_semaphore, #tpu.memory_space<semaphore_mem>>)
        } else {
        }
        %add3A_152 = arith.constant 1 : i32
        %add3A_153 = arith.addi %scan3A_111, %add3A_152 : i32
        %lt3A_154 = arith.constant 125 : i32
        %lt3A_155 = arith.cmpi slt, %add3A_153, %lt3A_154 : i32
        %convert_element_type3A_156 = arith.extui %lt3A_155 : i1 to i32
        %cond3A_157 = arith.constant 0 : i32
        %cond3A_158 = arith.cmpi ne, %convert_element_type3A_156, %cond3A_157 : i32
        scf.if %cond3A_158 {
          %add3A_162 = arith.constant 1 : i32
          %add3A_163 = arith.addi %scan3A_111, %add3A_162 : i32
          %dma_wait3A_164 = arith.constant 0 : i32
          %dma_wait3A_165 = tpu.memref_slice %arg2[%add3A, %add3A_163, %dma_wait3A_164] : memref<32x125x80xi32, #tpu.memory_space<hbm>> -> memref<1x1x80xi32, #tpu.memory_space<hbm>>
          %dma_wait3A_166 = tpu.memref_squeeze %dma_wait3A_165 : memref<1x1x80xi32, #tpu.memory_space<hbm>> -> memref<80xi32, #tpu.memory_space<hbm>>
          %dma_wait3A_167 = arith.constant 0 : i32
          %dma_wait3A_168 = tpu.memref_slice %arg2[%add3A, %add3A_163, %dma_wait3A_167] : memref<32x125x80xi32, #tpu.memory_space<hbm>> -> memref<1x1x80xi32, #tpu.memory_space<hbm>>
          %dma_wait3A_169 = tpu.memref_squeeze %dma_wait3A_168 : memref<1x1x80xi32, #tpu.memory_space<hbm>> -> memref<80xi32, #tpu.memory_space<hbm>>
          tpu.wait_dma2 semaphore(%arg21 : memref<!tpu.dma_semaphore, #tpu.memory_space<semaphore_mem>>) src(%dma_wait3A_169 : memref<80xi32, #tpu.memory_space<hbm>>) dst(%arg10 : memref<80xi32, #tpu.memory_space<vmem>>)
          %add3A_170 = arith.constant 1 : i32
          %add3A_171 = arith.addi %scan3A_111, %add3A_170 : i32
          %dma_wait3A_172 = arith.constant 0 : i32
          %dma_wait3A_173 = tpu.memref_slice %arg3[%add3A, %add3A_171, %dma_wait3A_172] : memref<32x125x80xi32, #tpu.memory_space<hbm>> -> memref<1x1x80xi32, #tpu.memory_space<hbm>>
          %dma_wait3A_174 = tpu.memref_squeeze %dma_wait3A_173 : memref<1x1x80xi32, #tpu.memory_space<hbm>> -> memref<80xi32, #tpu.memory_space<hbm>>
          %dma_wait3A_175 = arith.constant 0 : i32
          %dma_wait3A_176 = tpu.memref_slice %arg3[%add3A, %add3A_171, %dma_wait3A_175] : memref<32x125x80xi32, #tpu.memory_space<hbm>> -> memref<1x1x80xi32, #tpu.memory_space<hbm>>
          %dma_wait3A_177 = tpu.memref_squeeze %dma_wait3A_176 : memref<1x1x80xi32, #tpu.memory_space<hbm>> -> memref<80xi32, #tpu.memory_space<hbm>>
          tpu.wait_dma2 semaphore(%arg21 : memref<!tpu.dma_semaphore, #tpu.memory_space<semaphore_mem>>) src(%dma_wait3A_177 : memref<80xi32, #tpu.memory_space<hbm>>) dst(%arg14 : memref<80xi32, #tpu.memory_space<vmem>>)
          %dma_start3A_178 = arith.constant 0 : i32
          %dma_start3A_179 = arith.constant 0 : i32
          %dma_start3A_180 = tpu.memref_slice %arg4[%dma_start3A_178, %dma_start3A_179] : memref<10000x128xf32, #tpu.memory_space<hbm>> -> memref<10000x128xf32, #tpu.memory_space<hbm>>
          tpu.enqueue_indirect_dma source(%dma_start3A_180 : memref<10000x128xf32, #tpu.memory_space<hbm>>) target(%arg18 : memref<80x128xf32, #tpu.memory_space<vmem>>) offsets(%arg10 : memref<80xi32, #tpu.memory_space<vmem>>) semaphore(%arg20 : memref<!tpu.dma_semaphore, #tpu.memory_space<semaphore_mem>>)
        } else {
        }
        %dma_start3A_159 = arith.constant 0 : i32
        %dma_start3A_160 = arith.constant 0 : i32
        %dma_start3A_161 = tpu.memref_slice %arg19[%dma_start3A_159, %dma_start3A_160] : memref<10112x128xf32, #tpu.memory_space<vmem_shared>> -> memref<10112x128xf32, #tpu.memory_space<vmem_shared>>
        tpu.enqueue_indirect_dma source(%arg17 : memref<80x128xf32, #tpu.memory_space<vmem>>) target(%dma_start3A_161 : memref<10112x128xf32, #tpu.memory_space<vmem_shared>>) offsets(%arg13 : memref<80xi32, #tpu.memory_space<vmem>>) semaphore(%arg22 : memref<!tpu.dma_semaphore, #tpu.memory_space<semaphore_mem>>) {add = true}
      } else {
      }
      %rem3A_132 = arith.constant 4 : i32
      %rem3A_133 = arith.remsi %scan3A_111, %rem3A_132 : i32
      %eq3A_134 = arith.constant 3 : i32
      %eq3A_135 = arith.cmpi eq, %rem3A_133, %eq3A_134 : i32
      %convert_element_type3A_136 = arith.extui %eq3A_135 : i1 to i32
      %cond3A_137 = arith.constant 0 : i32
      %cond3A_138 = arith.cmpi ne, %convert_element_type3A_136, %cond3A_137 : i32
      scf.if %cond3A_138 {
        %dma_wait3A_139 = arith.constant 0 : i32
        %dma_wait3A_140 = arith.constant 0 : i32
        %dma_wait3A_141 = tpu.memref_slice %arg4[%dma_wait3A_139, %dma_wait3A_140] : memref<10000x128xf32, #tpu.memory_space<hbm>> -> memref<10000x128xf32, #tpu.memory_space<hbm>>
        tpu.wait_indirect_dma semaphore(%arg20 : memref<!tpu.dma_semaphore, #tpu.memory_space<semaphore_mem>>) src(%dma_wait3A_141 : memref<10000x128xf32, #tpu.memory_space<hbm>>) dst(%arg18 : memref<80x128xf32, #tpu.memory_space<vmem>>)
        %ge3A = arith.constant 1 : i32
        %ge3A_142 = arith.cmpi sge, %scan3A_111, %ge3A : i32
        %convert_element_type3A_143 = arith.extui %ge3A_142 : i1 to i32
        %cond3A_144 = arith.constant 0 : i32
        %cond3A_145 = arith.cmpi ne, %convert_element_type3A_143, %cond3A_144 : i32
        scf.if %cond3A_145 {
          %dma_wait3A_162 = arith.constant 0 : i32
          %dma_wait3A_163 = arith.constant 0 : i32
          %dma_wait3A_164 = tpu.memref_slice %arg19[%dma_wait3A_162, %dma_wait3A_163] : memref<10112x128xf32, #tpu.memory_space<vmem_shared>> -> memref<10112x128xf32, #tpu.memory_space<vmem_shared>>
          tpu.wait_indirect_dma semaphore(%arg22 : memref<!tpu.dma_semaphore, #tpu.memory_space<semaphore_mem>>) src(%arg17 : memref<80x128xf32, #tpu.memory_space<vmem>>) dst(%dma_wait3A_164 : memref<10112x128xf32, #tpu.memory_space<vmem_shared>>)
        } else {
        }
        %add3A_146 = arith.constant 3 : i32
        %add3A_147 = arith.addi %scan3A_111, %add3A_146 : i32
        %lt3A = arith.constant 125 : i32
        %lt3A_148 = arith.cmpi slt, %add3A_147, %lt3A : i32
        %convert_element_type3A_149 = arith.extui %lt3A_148 : i1 to i32
        %cond3A_150 = arith.constant 0 : i32
        %cond3A_151 = arith.cmpi ne, %convert_element_type3A_149, %cond3A_150 : i32
        scf.if %cond3A_151 {
          %add3A_162 = arith.constant 3 : i32
          %add3A_163 = arith.addi %scan3A_111, %add3A_162 : i32
          %dma_start3A_164 = arith.constant 0 : i32
          %dma_start3A_165 = tpu.memref_slice %arg2[%add3A, %add3A_163, %dma_start3A_164] : memref<32x125x80xi32, #tpu.memory_space<hbm>> -> memref<1x1x80xi32, #tpu.memory_space<hbm>>
          %dma_start3A_166 = tpu.memref_squeeze %dma_start3A_165 : memref<1x1x80xi32, #tpu.memory_space<hbm>> -> memref<80xi32, #tpu.memory_space<hbm>>
          %dma_start3A_167 = arith.constant 0 : i32
          %dma_start3A_168 = tpu.memref_slice %arg2[%add3A, %add3A_163, %dma_start3A_167] : memref<32x125x80xi32, #tpu.memory_space<hbm>> -> memref<1x1x80xi32, #tpu.memory_space<hbm>>
          %dma_start3A_169 = tpu.memref_squeeze %dma_start3A_168 : memref<1x1x80xi32, #tpu.memory_space<hbm>> -> memref<80xi32, #tpu.memory_space<hbm>>
          tpu.enqueue_dma source(%dma_start3A_169 : memref<80xi32, #tpu.memory_space<hbm>>) target(%arg9 : memref<80xi32, #tpu.memory_space<vmem>>) target_semaphore(%arg21 : memref<!tpu.dma_semaphore, #tpu.memory_space<semaphore_mem>>)
          %add3A_170 = arith.constant 3 : i32
          %add3A_171 = arith.addi %scan3A_111, %add3A_170 : i32
          %dma_start3A_172 = arith.constant 0 : i32
          %dma_start3A_173 = tpu.memref_slice %arg3[%add3A, %add3A_171, %dma_start3A_172] : memref<32x125x80xi32, #tpu.memory_space<hbm>> -> memref<1x1x80xi32, #tpu.memory_space<hbm>>
          %dma_start3A_174 = tpu.memref_squeeze %dma_start3A_173 : memref<1x1x80xi32, #tpu.memory_space<hbm>> -> memref<80xi32, #tpu.memory_space<hbm>>
          %dma_start3A_175 = arith.constant 0 : i32
          %dma_start3A_176 = tpu.memref_slice %arg3[%add3A, %add3A_171, %dma_start3A_175] : memref<32x125x80xi32, #tpu.memory_space<hbm>> -> memref<1x1x80xi32, #tpu.memory_space<hbm>>
          %dma_start3A_177 = tpu.memref_squeeze %dma_start3A_176 : memref<1x1x80xi32, #tpu.memory_space<hbm>> -> memref<80xi32, #tpu.memory_space<hbm>>
          tpu.enqueue_dma source(%dma_start3A_177 : memref<80xi32, #tpu.memory_space<hbm>>) target(%arg13 : memref<80xi32, #tpu.memory_space<vmem>>) target_semaphore(%arg21 : memref<!tpu.dma_semaphore, #tpu.memory_space<semaphore_mem>>)
        } else {
        }
        %add3A_152 = arith.constant 1 : i32
        %add3A_153 = arith.addi %scan3A_111, %add3A_152 : i32
        %lt3A_154 = arith.constant 125 : i32
        %lt3A_155 = arith.cmpi slt, %add3A_153, %lt3A_154 : i32
        %convert_element_type3A_156 = arith.extui %lt3A_155 : i1 to i32
        %cond3A_157 = arith.constant 0 : i32
        %cond3A_158 = arith.cmpi ne, %convert_element_type3A_156, %cond3A_157 : i32
        scf.if %cond3A_158 {
          %add3A_162 = arith.constant 1 : i32
          %add3A_163 = arith.addi %scan3A_111, %add3A_162 : i32
          %dma_wait3A_164 = arith.constant 0 : i32
          %dma_wait3A_165 = tpu.memref_slice %arg2[%add3A, %add3A_163, %dma_wait3A_164] : memref<32x125x80xi32, #tpu.memory_space<hbm>> -> memref<1x1x80xi32, #tpu.memory_space<hbm>>
          %dma_wait3A_166 = tpu.memref_squeeze %dma_wait3A_165 : memref<1x1x80xi32, #tpu.memory_space<hbm>> -> memref<80xi32, #tpu.memory_space<hbm>>
          %dma_wait3A_167 = arith.constant 0 : i32
          %dma_wait3A_168 = tpu.memref_slice %arg2[%add3A, %add3A_163, %dma_wait3A_167] : memref<32x125x80xi32, #tpu.memory_space<hbm>> -> memref<1x1x80xi32, #tpu.memory_space<hbm>>
          %dma_wait3A_169 = tpu.memref_squeeze %dma_wait3A_168 : memref<1x1x80xi32, #tpu.memory_space<hbm>> -> memref<80xi32, #tpu.memory_space<hbm>>
          tpu.wait_dma2 semaphore(%arg21 : memref<!tpu.dma_semaphore, #tpu.memory_space<semaphore_mem>>) src(%dma_wait3A_169 : memref<80xi32, #tpu.memory_space<hbm>>) dst(%arg7 : memref<80xi32, #tpu.memory_space<vmem>>)
          %add3A_170 = arith.constant 1 : i32
          %add3A_171 = arith.addi %scan3A_111, %add3A_170 : i32
          %dma_wait3A_172 = arith.constant 0 : i32
          %dma_wait3A_173 = tpu.memref_slice %arg3[%add3A, %add3A_171, %dma_wait3A_172] : memref<32x125x80xi32, #tpu.memory_space<hbm>> -> memref<1x1x80xi32, #tpu.memory_space<hbm>>
          %dma_wait3A_174 = tpu.memref_squeeze %dma_wait3A_173 : memref<1x1x80xi32, #tpu.memory_space<hbm>> -> memref<80xi32, #tpu.memory_space<hbm>>
          %dma_wait3A_175 = arith.constant 0 : i32
          %dma_wait3A_176 = tpu.memref_slice %arg3[%add3A, %add3A_171, %dma_wait3A_175] : memref<32x125x80xi32, #tpu.memory_space<hbm>> -> memref<1x1x80xi32, #tpu.memory_space<hbm>>
          %dma_wait3A_177 = tpu.memref_squeeze %dma_wait3A_176 : memref<1x1x80xi32, #tpu.memory_space<hbm>> -> memref<80xi32, #tpu.memory_space<hbm>>
          tpu.wait_dma2 semaphore(%arg21 : memref<!tpu.dma_semaphore, #tpu.memory_space<semaphore_mem>>) src(%dma_wait3A_177 : memref<80xi32, #tpu.memory_space<hbm>>) dst(%arg11 : memref<80xi32, #tpu.memory_space<vmem>>)
          %dma_start3A_178 = arith.constant 0 : i32
          %dma_start3A_179 = arith.constant 0 : i32
          %dma_start3A_180 = tpu.memref_slice %arg4[%dma_start3A_178, %dma_start3A_179] : memref<10000x128xf32, #tpu.memory_space<hbm>> -> memref<10000x128xf32, #tpu.memory_space<hbm>>
          tpu.enqueue_indirect_dma source(%dma_start3A_180 : memref<10000x128xf32, #tpu.memory_space<hbm>>) target(%arg15 : memref<80x128xf32, #tpu.memory_space<vmem>>) offsets(%arg7 : memref<80xi32, #tpu.memory_space<vmem>>) semaphore(%arg20 : memref<!tpu.dma_semaphore, #tpu.memory_space<semaphore_mem>>)
        } else {
        }
        %dma_start3A_159 = arith.constant 0 : i32
        %dma_start3A_160 = arith.constant 0 : i32
        %dma_start3A_161 = tpu.memref_slice %arg19[%dma_start3A_159, %dma_start3A_160] : memref<10112x128xf32, #tpu.memory_space<vmem_shared>> -> memref<10112x128xf32, #tpu.memory_space<vmem_shared>>
        tpu.enqueue_indirect_dma source(%arg18 : memref<80x128xf32, #tpu.memory_space<vmem>>) target(%dma_start3A_161 : memref<10112x128xf32, #tpu.memory_space<vmem_shared>>) offsets(%arg14 : memref<80xi32, #tpu.memory_space<vmem>>) semaphore(%arg22 : memref<!tpu.dma_semaphore, #tpu.memory_space<semaphore_mem>>) {add = true}
      } else {
      }
    }
    %scan3A_99 = arith.constant 125 : i32
    %dma_wait3A_100 = arith.constant 0 : i32
    %dma_wait3A_101 = arith.constant 0 : i32
    %dma_wait3A_102 = tpu.memref_slice %arg19[%dma_wait3A_100, %dma_wait3A_101] : memref<10112x128xf32, #tpu.memory_space<vmem_shared>> -> memref<10112x128xf32, #tpu.memory_space<vmem_shared>>
    tpu.wait_indirect_dma semaphore(%arg22 : memref<!tpu.dma_semaphore, #tpu.memory_space<semaphore_mem>>) src(%arg15 : memref<80x128xf32, #tpu.memory_space<vmem>>) dst(%dma_wait3A_102 : memref<10112x128xf32, #tpu.memory_space<vmem_shared>>)
    %barrier3A_103 = arith.constant 0 : index
    tpu.barrier barrier_id(%barrier3A_103)
    %eq3A = arith.constant 0 : i32
    %eq3A_104 = arith.cmpi eq, %arg0, %eq3A : i32
    %convert_element_type3A = arith.extui %eq3A_104 : i1 to i32
    %cond3A = arith.constant 0 : i32
    %cond3A_105 = arith.cmpi ne, %convert_element_type3A, %cond3A : i32
    scf.if %cond3A_105 {
      %mul3A_111 = arith.constant 632 : i32
      %mul3A_112 = arith.muli %arg1, %mul3A_111 : i32
      %mul3A_113 = arith.constant 632 : i32
      %mul3A_114 = arith.muli %arg1, %mul3A_113 : i32
      "tpu.region"() ({
        %run_scoped3A = tpu.sem_alloc : memref<!tpu.dma_semaphore, #tpu.memory_space<semaphore_mem>>
        %dma_start3A_115 = arith.constant 0 : i32
        %dma_start3A_116 = tpu.memref_slice %arg5[%mul3A_114, %dma_start3A_115] : memref<10112x128xf32, #tpu.memory_space<hbm>> -> memref<632x128xf32, #tpu.memory_space<hbm>>
        %dma_start3A_117 = arith.constant 0 : i32
        %dma_start3A_118 = tpu.memref_slice %arg19[%mul3A_112, %dma_start3A_117] : memref<10112x128xf32, #tpu.memory_space<vmem_shared>> -> memref<632x128xf32, #tpu.memory_space<vmem_shared>>
        tpu.enqueue_dma source(%dma_start3A_118 : memref<632x128xf32, #tpu.memory_space<vmem_shared>>) target(%dma_start3A_116 : memref<632x128xf32, #tpu.memory_space<hbm>>) target_semaphore(%run_scoped3A : memref<!tpu.dma_semaphore, #tpu.memory_space<semaphore_mem>>)
        %dma_wait3A_119 = arith.constant 0 : i32
        %dma_wait3A_120 = tpu.memref_slice %arg5[%mul3A_114, %dma_wait3A_119] : memref<10112x128xf32, #tpu.memory_space<hbm>> -> memref<632x128xf32, #tpu.memory_space<hbm>>
        %dma_wait3A_121 = arith.constant 0 : i32
        %dma_wait3A_122 = tpu.memref_slice %arg19[%mul3A_112, %dma_wait3A_121] : memref<10112x128xf32, #tpu.memory_space<vmem_shared>> -> memref<632x128xf32, #tpu.memory_space<vmem_shared>>
        tpu.wait_dma2 semaphore(%run_scoped3A : memref<!tpu.dma_semaphore, #tpu.memory_space<semaphore_mem>>) src(%dma_wait3A_122 : memref<632x128xf32, #tpu.memory_space<vmem_shared>>) dst(%dma_wait3A_120 : memref<632x128xf32, #tpu.memory_space<hbm>>)
        tpu.yield
      }) : () -> ()
    } else {
    }
    %eq3A_106 = arith.constant 1 : i32
    %eq3A_107 = arith.cmpi eq, %arg0, %eq3A_106 : i32
    %convert_element_type3A_108 = arith.extui %eq3A_107 : i1 to i32
    %cond3A_109 = arith.constant 0 : i32
    %cond3A_110 = arith.cmpi ne, %convert_element_type3A_108, %cond3A_109 : i32
    scf.if %cond3A_110 {
      %mul3A_111 = arith.constant 632 : i32
      %mul3A_112 = arith.muli %arg1, %mul3A_111 : i32
      %mul3A_113 = arith.constant 632 : i32
      %mul3A_114 = arith.muli %arg1, %mul3A_113 : i32
      "tpu.region"() ({
        %run_scoped3A = tpu.sem_alloc : memref<!tpu.dma_semaphore, #tpu.memory_space<semaphore_mem>>
        %dma_start3A_115 = arith.constant 0 : i32
        %dma_start3A_116 = tpu.memref_slice %arg6[%mul3A_114, %dma_start3A_115] : memref<10112x128xf32, #tpu.memory_space<hbm>> -> memref<632x128xf32, #tpu.memory_space<hbm>>
        %dma_start3A_117 = arith.constant 0 : i32
        %dma_start3A_118 = tpu.memref_slice %arg19[%mul3A_112, %dma_start3A_117] : memref<10112x128xf32, #tpu.memory_space<vmem_shared>> -> memref<632x128xf32, #tpu.memory_space<vmem_shared>>
        tpu.enqueue_dma source(%dma_start3A_118 : memref<632x128xf32, #tpu.memory_space<vmem_shared>>) target(%dma_start3A_116 : memref<632x128xf32, #tpu.memory_space<hbm>>) target_semaphore(%run_scoped3A : memref<!tpu.dma_semaphore, #tpu.memory_space<semaphore_mem>>)
        %dma_wait3A_119 = arith.constant 0 : i32
        %dma_wait3A_120 = tpu.memref_slice %arg6[%mul3A_114, %dma_wait3A_119] : memref<10112x128xf32, #tpu.memory_space<hbm>> -> memref<632x128xf32, #tpu.memory_space<hbm>>
        %dma_wait3A_121 = arith.constant 0 : i32
        %dma_wait3A_122 = tpu.memref_slice %arg19[%mul3A_112, %dma_wait3A_121] : memref<10112x128xf32, #tpu.memory_space<vmem_shared>> -> memref<632x128xf32, #tpu.memory_space<vmem_shared>>
        tpu.wait_dma2 semaphore(%run_scoped3A : memref<!tpu.dma_semaphore, #tpu.memory_space<semaphore_mem>>) src(%dma_wait3A_122 : memref<632x128xf32, #tpu.memory_space<vmem_shared>>) dst(%dma_wait3A_120 : memref<632x128xf32, #tpu.memory_space<hbm>>)
        tpu.yield
      }) : () -> ()
    } else {
    }
    return
  }
}

#map = affine_map<(d0, d1) -> (0, 0, 0)>
#map1 = affine_map<(d0, d1) -> (0, 0)>
module attributes {stable_mosaic.version = 14 : i64} {
  func.func @_edge_body(%arg0: i32, %arg1: i32, %arg2: memref<32x125x80xi32, #tpu.memory_space<hbm>>, %arg3: memref<32x125x80xi32, #tpu.memory_space<hbm>>, %arg4: memref<10000x128xf32, #tpu.memory_space<hbm>>, %arg5: memref<10112x128xf32, #tpu.memory_space<hbm>>, %arg6: memref<10112x128xf32, #tpu.memory_space<hbm>>, %arg7: memref<80xi32, #tpu.memory_space<vmem>>, %arg8: memref<80xi32, #tpu.memory_space<vmem>>, %arg9: memref<80xi32, #tpu.memory_space<vmem>>, %arg10: memref<80xi32, #tpu.memory_space<vmem>>, %arg11: memref<80xi32, #tpu.memory_space<vmem>>, %arg12: memref<80xi32, #tpu.memory_space<vmem>>, %arg13: memref<80xi32, #tpu.memory_space<vmem>>, %arg14: memref<80xi32, #tpu.memory_space<vmem>>, %arg15: memref<80x128xf32, #tpu.memory_space<vmem>>, %arg16: memref<80x128xf32, #tpu.memory_space<vmem>>, %arg17: memref<80x128xf32, #tpu.memory_space<vmem>>, %arg18: memref<80x128xf32, #tpu.memory_space<vmem>>, %arg19: memref<10112x128xf32, #tpu.memory_space<vmem_shared>>, %arg20: memref<!tpu.dma_semaphore, #tpu.memory_space<semaphore_mem>>, %arg21: memref<!tpu.dma_semaphore, #tpu.memory_space<semaphore_mem>>, %arg22: memref<!tpu.dma_semaphore, #tpu.memory_space<semaphore_mem>>) attributes {dimension_semantics = [#tpu.dimension_semantics<core_parallel>, #tpu.dimension_semantics<subcore_parallel>], iteration_bounds = array<i64: 2, 16>, scalar_prefetch = 0 : i64, scratch_operands = 16 : i64, tpu.core_type = #tpu.core_type<sc_vector_subcore>, window_params = [{transform_indices = #map}, {transform_indices = #map}, {transform_indices = #map1}, {transform_indices = #map1}, {transform_indices = #map1}]} {
    %mul3A = arith.constant 16 : i32
    %mul3A_0 = arith.muli %arg0, %mul3A : i32
    %add3A = arith.addi %mul3A_0, %arg1 : i32
    %broadcast_in_dim3A = arith.constant 0.000000e+00 : f32
    %broadcast_in_dim3A_1 = vector.broadcast %broadcast_in_dim3A : f32 to vector<16xf32>
    %scan3A = arith.constant 0 : i32
    %scan3A_2 = arith.constant 80 : i32
    %scan3A_3 = arith.addi %scan3A, %scan3A_2 : i32
    %scan3A_4 = arith.constant 1 : i32
    scf.for %scan3A_111 = %scan3A to %scan3A_3 step %scan3A_4  : i32 {
      %swap3A = arith.index_cast %scan3A_111 : i32 to index
      %swap3A_112 = arith.constant 0 : index
      %swap3A_113 = tpu.vector_load %arg15[%swap3A, %swap3A_112] {strides = array<i32>} : memref<80x128xf32, #tpu.memory_space<vmem>>, vector<1x16xf32>,
      %swap3A_114 = vector.shape_cast %swap3A_113 : vector<1x16xf32> to vector<16xf32>
      %swap3A_115 = vector.shape_cast %broadcast_in_dim3A_1 : vector<16xf32> to vector<1x16xf32>
      tpu.vector_store %arg15[%swap3A, %swap3A_112], %swap3A_115 {strides = array<i32>} : memref<80x128xf32, #tpu.memory_space<vmem>>, vector<1x16xf32>,
      %swap3A_116 = arith.index_cast %scan3A_111 : i32 to index
      %swap3A_117 = arith.constant 16 : index
      %swap3A_118 = tpu.vector_load %arg15[%swap3A_116, %swap3A_117] {strides = array<i32>} : memref<80x128xf32, #tpu.memory_space<vmem>>, vector<1x16xf32>,
      %swap3A_119 = vector.shape_cast %swap3A_118 : vector<1x16xf32> to vector<16xf32>
      %swap3A_120 = vector.shape_cast %broadcast_in_dim3A_1 : vector<16xf32> to vector<1x16xf32>
      tpu.vector_store %arg15[%swap3A_116, %swap3A_117], %swap3A_120 {strides = array<i32>} : memref<80x128xf32, #tpu.memory_space<vmem>>, vector<1x16xf32>,
      %swap3A_121 = arith.index_cast %scan3A_111 : i32 to index
      %swap3A_122 = arith.constant 32 : index
      %swap3A_123 = tpu.vector_load %arg15[%swap3A_121, %swap3A_122] {strides = array<i32>} : memref<80x128xf32, #tpu.memory_space<vmem>>, vector<1x16xf32>,
      %swap3A_124 = vector.shape_cast %swap3A_123 : vector<1x16xf32> to vector<16xf32>
      %swap3A_125 = vector.shape_cast %broadcast_in_dim3A_1 : vector<16xf32> to vector<1x16xf32>
      tpu.vector_store %arg15[%swap3A_121, %swap3A_122], %swap3A_125 {strides = array<i32>} : memref<80x128xf32, #tpu.memory_space<vmem>>, vector<1x16xf32>,
      %swap3A_126 = arith.index_cast %scan3A_111 : i32 to index
      %swap3A_127 = arith.constant 48 : index
      %swap3A_128 = tpu.vector_load %arg15[%swap3A_126, %swap3A_127] {strides = array<i32>} : memref<80x128xf32, #tpu.memory_space<vmem>>, vector<1x16xf32>,
      %swap3A_129 = vector.shape_cast %swap3A_128 : vector<1x16xf32> to vector<16xf32>
      %swap3A_130 = vector.shape_cast %broadcast_in_dim3A_1 : vector<16xf32> to vector<1x16xf32>
      tpu.vector_store %arg15[%swap3A_126, %swap3A_127], %swap3A_130 {strides = array<i32>} : memref<80x128xf32, #tpu.memory_space<vmem>>, vector<1x16xf32>,
      %swap3A_131 = arith.index_cast %scan3A_111 : i32 to index
      %swap3A_132 = arith.constant 64 : index
      %swap3A_133 = tpu.vector_load %arg15[%swap3A_131, %swap3A_132] {strides = array<i32>} : memref<80x128xf32, #tpu.memory_space<vmem>>, vector<1x16xf32>,
      %swap3A_134 = vector.shape_cast %swap3A_133 : vector<1x16xf32> to vector<16xf32>
      %swap3A_135 = vector.shape_cast %broadcast_in_dim3A_1 : vector<16xf32> to vector<1x16xf32>
      tpu.vector_store %arg15[%swap3A_131, %swap3A_132], %swap3A_135 {strides = array<i32>} : memref<80x128xf32, #tpu.memory_space<vmem>>, vector<1x16xf32>,
      %swap3A_136 = arith.index_cast %scan3A_111 : i32 to index
      %swap3A_137 = arith.constant 80 : index
      %swap3A_138 = tpu.vector_load %arg15[%swap3A_136, %swap3A_137] {strides = array<i32>} : memref<80x128xf32, #tpu.memory_space<vmem>>, vector<1x16xf32>,
      %swap3A_139 = vector.shape_cast %swap3A_138 : vector<1x16xf32> to vector<16xf32>
      %swap3A_140 = vector.shape_cast %broadcast_in_dim3A_1 : vector<16xf32> to vector<1x16xf32>
      tpu.vector_store %arg15[%swap3A_136, %swap3A_137], %swap3A_140 {strides = array<i32>} : memref<80x128xf32, #tpu.memory_space<vmem>>, vector<1x16xf32>,
      %swap3A_141 = arith.index_cast %scan3A_111 : i32 to index
      %swap3A_142 = arith.constant 96 : index
      %swap3A_143 = tpu.vector_load %arg15[%swap3A_141, %swap3A_142] {strides = array<i32>} : memref<80x128xf32, #tpu.memory_space<vmem>>, vector<1x16xf32>,
      %swap3A_144 = vector.shape_cast %swap3A_143 : vector<1x16xf32> to vector<16xf32>
      %swap3A_145 = vector.shape_cast %broadcast_in_dim3A_1 : vector<16xf32> to vector<1x16xf32>
      tpu.vector_store %arg15[%swap3A_141, %swap3A_142], %swap3A_145 {strides = array<i32>} : memref<80x128xf32, #tpu.memory_space<vmem>>, vector<1x16xf32>,
      %swap3A_146 = arith.index_cast %scan3A_111 : i32 to index
      %swap3A_147 = arith.constant 112 : index
      %swap3A_148 = tpu.vector_load %arg15[%swap3A_146, %swap3A_147] {strides = array<i32>} : memref<80x128xf32, #tpu.memory_space<vmem>>, vector<1x16xf32>,
      %swap3A_149 = vector.shape_cast %swap3A_148 : vector<1x16xf32> to vector<16xf32>
      %swap3A_150 = vector.shape_cast %broadcast_in_dim3A_1 : vector<16xf32> to vector<1x16xf32>
      tpu.vector_store %arg15[%swap3A_146, %swap3A_147], %swap3A_150 {strides = array<i32>} : memref<80x128xf32, #tpu.memory_space<vmem>>, vector<1x16xf32>,
    }
    %scan3A_5 = arith.constant 80 : i32
    %mul3A_6 = arith.constant 632 : i32
    %mul3A_7 = arith.muli %arg1, %mul3A_6 : i32
    %add3A_8 = arith.constant 0 : i32
    %add3A_9 = arith.addi %mul3A_7, %add3A_8 : i32
    "tpu.region"() ({
      %run_scoped3A = tpu.sem_alloc : memref<!tpu.dma_semaphore, #tpu.memory_space<semaphore_mem>>
      %dma_start3A_111 = arith.constant 0 : i32
      %dma_start3A_112 = tpu.memref_slice %arg19[%add3A_9, %dma_start3A_111] : memref<10112x128xf32, #tpu.memory_space<vmem_shared>> -> memref<80x128xf32, #tpu.memory_space<vmem_shared>>
      %dma_start3A_113 = arith.constant 0 : i32
      %dma_start3A_114 = tpu.memref_slice %arg19[%add3A_9, %dma_start3A_113] : memref<10112x128xf32, #tpu.memory_space<vmem_shared>> -> memref<80x128xf32, #tpu.memory_space<vmem_shared>>
      tpu.enqueue_dma source(%arg15 : memref<80x128xf32, #tpu.memory_space<vmem>>) target(%dma_start3A_114 : memref<80x128xf32, #tpu.memory_space<vmem_shared>>) target_semaphore(%run_scoped3A : memref<!tpu.dma_semaphore, #tpu.memory_space<semaphore_mem>>)
      %dma_wait3A_115 = arith.constant 0 : i32
      %dma_wait3A_116 = tpu.memref_slice %arg19[%add3A_9, %dma_wait3A_115] : memref<10112x128xf32, #tpu.memory_space<vmem_shared>> -> memref<80x128xf32, #tpu.memory_space<vmem_shared>>
      %dma_wait3A_117 = arith.constant 0 : i32
      %dma_wait3A_118 = tpu.memref_slice %arg19[%add3A_9, %dma_wait3A_117] : memref<10112x128xf32, #tpu.memory_space<vmem_shared>> -> memref<80x128xf32, #tpu.memory_space<vmem_shared>>
      tpu.wait_dma2 semaphore(%run_scoped3A : memref<!tpu.dma_semaphore, #tpu.memory_space<semaphore_mem>>) src(%arg15 : memref<80x128xf32, #tpu.memory_space<vmem>>) dst(%dma_wait3A_118 : memref<80x128xf32, #tpu.memory_space<vmem_shared>>)
      tpu.yield
    }) : () -> ()
    %mul3A_10 = arith.constant 632 : i32
    %mul3A_11 = arith.muli %arg1, %mul3A_10 : i32
    %add3A_12 = arith.constant 80 : i32
    %add3A_13 = arith.addi %mul3A_11, %add3A_12 : i32
    "tpu.region"() ({
      %run_scoped3A = tpu.sem_alloc : memref<!tpu.dma_semaphore, #tpu.memory_space<semaphore_mem>>
      %dma_start3A_111 = arith.constant 0 : i32
      %dma_start3A_112 = tpu.memref_slice %arg19[%add3A_13, %dma_start3A_111] : memref<10112x128xf32, #tpu.memory_space<vmem_shared>> -> memref<80x128xf32, #tpu.memory_space<vmem_shared>>
      %dma_start3A_113 = arith.constant 0 : i32
      %dma_start3A_114 = tpu.memref_slice %arg19[%add3A_13, %dma_start3A_113] : memref<10112x128xf32, #tpu.memory_space<vmem_shared>> -> memref<80x128xf32, #tpu.memory_space<vmem_shared>>
      tpu.enqueue_dma source(%arg15 : memref<80x128xf32, #tpu.memory_space<vmem>>) target(%dma_start3A_114 : memref<80x128xf32, #tpu.memory_space<vmem_shared>>) target_semaphore(%run_scoped3A : memref<!tpu.dma_semaphore, #tpu.memory_space<semaphore_mem>>)
      %dma_wait3A_115 = arith.constant 0 : i32
      %dma_wait3A_116 = tpu.memref_slice %arg19[%add3A_13, %dma_wait3A_115] : memref<10112x128xf32, #tpu.memory_space<vmem_shared>> -> memref<80x128xf32, #tpu.memory_space<vmem_shared>>
      %dma_wait3A_117 = arith.constant 0 : i32
      %dma_wait3A_118 = tpu.memref_slice %arg19[%add3A_13, %dma_wait3A_117] : memref<10112x128xf32, #tpu.memory_space<vmem_shared>> -> memref<80x128xf32, #tpu.memory_space<vmem_shared>>
      tpu.wait_dma2 semaphore(%run_scoped3A : memref<!tpu.dma_semaphore, #tpu.memory_space<semaphore_mem>>) src(%arg15 : memref<80x128xf32, #tpu.memory_space<vmem>>) dst(%dma_wait3A_118 : memref<80x128xf32, #tpu.memory_space<vmem_shared>>)
      tpu.yield
    }) : () -> ()
    %mul3A_14 = arith.constant 632 : i32
    %mul3A_15 = arith.muli %arg1, %mul3A_14 : i32
    %add3A_16 = arith.constant 160 : i32
    %add3A_17 = arith.addi %mul3A_15, %add3A_16 : i32
    "tpu.region"() ({
      %run_scoped3A = tpu.sem_alloc : memref<!tpu.dma_semaphore, #tpu.memory_space<semaphore_mem>>
      %dma_start3A_111 = arith.constant 0 : i32
      %dma_start3A_112 = tpu.memref_slice %arg19[%add3A_17, %dma_start3A_111] : memref<10112x128xf32, #tpu.memory_space<vmem_shared>> -> memref<80x128xf32, #tpu.memory_space<vmem_shared>>
      %dma_start3A_113 = arith.constant 0 : i32
      %dma_start3A_114 = tpu.memref_slice %arg19[%add3A_17, %dma_start3A_113] : memref<10112x128xf32, #tpu.memory_space<vmem_shared>> -> memref<80x128xf32, #tpu.memory_space<vmem_shared>>
      tpu.enqueue_dma source(%arg15 : memref<80x128xf32, #tpu.memory_space<vmem>>) target(%dma_start3A_114 : memref<80x128xf32, #tpu.memory_space<vmem_shared>>) target_semaphore(%run_scoped3A : memref<!tpu.dma_semaphore, #tpu.memory_space<semaphore_mem>>)
      %dma_wait3A_115 = arith.constant 0 : i32
      %dma_wait3A_116 = tpu.memref_slice %arg19[%add3A_17, %dma_wait3A_115] : memref<10112x128xf32, #tpu.memory_space<vmem_shared>> -> memref<80x128xf32, #tpu.memory_space<vmem_shared>>
      %dma_wait3A_117 = arith.constant 0 : i32
      %dma_wait3A_118 = tpu.memref_slice %arg19[%add3A_17, %dma_wait3A_117] : memref<10112x128xf32, #tpu.memory_space<vmem_shared>> -> memref<80x128xf32, #tpu.memory_space<vmem_shared>>
      tpu.wait_dma2 semaphore(%run_scoped3A : memref<!tpu.dma_semaphore, #tpu.memory_space<semaphore_mem>>) src(%arg15 : memref<80x128xf32, #tpu.memory_space<vmem>>) dst(%dma_wait3A_118 : memref<80x128xf32, #tpu.memory_space<vmem_shared>>)
      tpu.yield
    }) : () -> ()
    %mul3A_18 = arith.constant 632 : i32
    %mul3A_19 = arith.muli %arg1, %mul3A_18 : i32
    %add3A_20 = arith.constant 240 : i32
    %add3A_21 = arith.addi %mul3A_19, %add3A_20 : i32
    "tpu.region"() ({
      %run_scoped3A = tpu.sem_alloc : memref<!tpu.dma_semaphore, #tpu.memory_space<semaphore_mem>>
      %dma_start3A_111 = arith.constant 0 : i32
      %dma_start3A_112 = tpu.memref_slice %arg19[%add3A_21, %dma_start3A_111] : memref<10112x128xf32, #tpu.memory_space<vmem_shared>> -> memref<80x128xf32, #tpu.memory_space<vmem_shared>>
      %dma_start3A_113 = arith.constant 0 : i32
      %dma_start3A_114 = tpu.memref_slice %arg19[%add3A_21, %dma_start3A_113] : memref<10112x128xf32, #tpu.memory_space<vmem_shared>> -> memref<80x128xf32, #tpu.memory_space<vmem_shared>>
      tpu.enqueue_dma source(%arg15 : memref<80x128xf32, #tpu.memory_space<vmem>>) target(%dma_start3A_114 : memref<80x128xf32, #tpu.memory_space<vmem_shared>>) target_semaphore(%run_scoped3A : memref<!tpu.dma_semaphore, #tpu.memory_space<semaphore_mem>>)
      %dma_wait3A_115 = arith.constant 0 : i32
      %dma_wait3A_116 = tpu.memref_slice %arg19[%add3A_21, %dma_wait3A_115] : memref<10112x128xf32, #tpu.memory_space<vmem_shared>> -> memref<80x128xf32, #tpu.memory_space<vmem_shared>>
      %dma_wait3A_117 = arith.constant 0 : i32
      %dma_wait3A_118 = tpu.memref_slice %arg19[%add3A_21, %dma_wait3A_117] : memref<10112x128xf32, #tpu.memory_space<vmem_shared>> -> memref<80x128xf32, #tpu.memory_space<vmem_shared>>
      tpu.wait_dma2 semaphore(%run_scoped3A : memref<!tpu.dma_semaphore, #tpu.memory_space<semaphore_mem>>) src(%arg15 : memref<80x128xf32, #tpu.memory_space<vmem>>) dst(%dma_wait3A_118 : memref<80x128xf32, #tpu.memory_space<vmem_shared>>)
      tpu.yield
    }) : () -> ()
    %mul3A_22 = arith.constant 632 : i32
    %mul3A_23 = arith.muli %arg1, %mul3A_22 : i32
    %add3A_24 = arith.constant 320 : i32
    %add3A_25 = arith.addi %mul3A_23, %add3A_24 : i32
    "tpu.region"() ({
      %run_scoped3A = tpu.sem_alloc : memref<!tpu.dma_semaphore, #tpu.memory_space<semaphore_mem>>
      %dma_start3A_111 = arith.constant 0 : i32
      %dma_start3A_112 = tpu.memref_slice %arg19[%add3A_25, %dma_start3A_111] : memref<10112x128xf32, #tpu.memory_space<vmem_shared>> -> memref<80x128xf32, #tpu.memory_space<vmem_shared>>
      %dma_start3A_113 = arith.constant 0 : i32
      %dma_start3A_114 = tpu.memref_slice %arg19[%add3A_25, %dma_start3A_113] : memref<10112x128xf32, #tpu.memory_space<vmem_shared>> -> memref<80x128xf32, #tpu.memory_space<vmem_shared>>
      tpu.enqueue_dma source(%arg15 : memref<80x128xf32, #tpu.memory_space<vmem>>) target(%dma_start3A_114 : memref<80x128xf32, #tpu.memory_space<vmem_shared>>) target_semaphore(%run_scoped3A : memref<!tpu.dma_semaphore, #tpu.memory_space<semaphore_mem>>)
      %dma_wait3A_115 = arith.constant 0 : i32
      %dma_wait3A_116 = tpu.memref_slice %arg19[%add3A_25, %dma_wait3A_115] : memref<10112x128xf32, #tpu.memory_space<vmem_shared>> -> memref<80x128xf32, #tpu.memory_space<vmem_shared>>
      %dma_wait3A_117 = arith.constant 0 : i32
      %dma_wait3A_118 = tpu.memref_slice %arg19[%add3A_25, %dma_wait3A_117] : memref<10112x128xf32, #tpu.memory_space<vmem_shared>> -> memref<80x128xf32, #tpu.memory_space<vmem_shared>>
      tpu.wait_dma2 semaphore(%run_scoped3A : memref<!tpu.dma_semaphore, #tpu.memory_space<semaphore_mem>>) src(%arg15 : memref<80x128xf32, #tpu.memory_space<vmem>>) dst(%dma_wait3A_118 : memref<80x128xf32, #tpu.memory_space<vmem_shared>>)
      tpu.yield
    }) : () -> ()
    %mul3A_26 = arith.constant 632 : i32
    %mul3A_27 = arith.muli %arg1, %mul3A_26 : i32
    %add3A_28 = arith.constant 400 : i32
    %add3A_29 = arith.addi %mul3A_27, %add3A_28 : i32
    "tpu.region"() ({
      %run_scoped3A = tpu.sem_alloc : memref<!tpu.dma_semaphore, #tpu.memory_space<semaphore_mem>>
      %dma_start3A_111 = arith.constant 0 : i32
      %dma_start3A_112 = tpu.memref_slice %arg19[%add3A_29, %dma_start3A_111] : memref<10112x128xf32, #tpu.memory_space<vmem_shared>> -> memref<80x128xf32, #tpu.memory_space<vmem_shared>>
      %dma_start3A_113 = arith.constant 0 : i32
      %dma_start3A_114 = tpu.memref_slice %arg19[%add3A_29, %dma_start3A_113] : memref<10112x128xf32, #tpu.memory_space<vmem_shared>> -> memref<80x128xf32, #tpu.memory_space<vmem_shared>>
      tpu.enqueue_dma source(%arg15 : memref<80x128xf32, #tpu.memory_space<vmem>>) target(%dma_start3A_114 : memref<80x128xf32, #tpu.memory_space<vmem_shared>>) target_semaphore(%run_scoped3A : memref<!tpu.dma_semaphore, #tpu.memory_space<semaphore_mem>>)
      %dma_wait3A_115 = arith.constant 0 : i32
      %dma_wait3A_116 = tpu.memref_slice %arg19[%add3A_29, %dma_wait3A_115] : memref<10112x128xf32, #tpu.memory_space<vmem_shared>> -> memref<80x128xf32, #tpu.memory_space<vmem_shared>>
      %dma_wait3A_117 = arith.constant 0 : i32
      %dma_wait3A_118 = tpu.memref_slice %arg19[%add3A_29, %dma_wait3A_117] : memref<10112x128xf32, #tpu.memory_space<vmem_shared>> -> memref<80x128xf32, #tpu.memory_space<vmem_shared>>
      tpu.wait_dma2 semaphore(%run_scoped3A : memref<!tpu.dma_semaphore, #tpu.memory_space<semaphore_mem>>) src(%arg15 : memref<80x128xf32, #tpu.memory_space<vmem>>) dst(%dma_wait3A_118 : memref<80x128xf32, #tpu.memory_space<vmem_shared>>)
      tpu.yield
    }) : () -> ()
    %mul3A_30 = arith.constant 632 : i32
    %mul3A_31 = arith.muli %arg1, %mul3A_30 : i32
    %add3A_32 = arith.constant 480 : i32
    %add3A_33 = arith.addi %mul3A_31, %add3A_32 : i32
    "tpu.region"() ({
      %run_scoped3A = tpu.sem_alloc : memref<!tpu.dma_semaphore, #tpu.memory_space<semaphore_mem>>
      %dma_start3A_111 = arith.constant 0 : i32
      %dma_start3A_112 = tpu.memref_slice %arg19[%add3A_33, %dma_start3A_111] : memref<10112x128xf32, #tpu.memory_space<vmem_shared>> -> memref<80x128xf32, #tpu.memory_space<vmem_shared>>
      %dma_start3A_113 = arith.constant 0 : i32
      %dma_start3A_114 = tpu.memref_slice %arg19[%add3A_33, %dma_start3A_113] : memref<10112x128xf32, #tpu.memory_space<vmem_shared>> -> memref<80x128xf32, #tpu.memory_space<vmem_shared>>
      tpu.enqueue_dma source(%arg15 : memref<80x128xf32, #tpu.memory_space<vmem>>) target(%dma_start3A_114 : memref<80x128xf32, #tpu.memory_space<vmem_shared>>) target_semaphore(%run_scoped3A : memref<!tpu.dma_semaphore, #tpu.memory_space<semaphore_mem>>)
      %dma_wait3A_115 = arith.constant 0 : i32
      %dma_wait3A_116 = tpu.memref_slice %arg19[%add3A_33, %dma_wait3A_115] : memref<10112x128xf32, #tpu.memory_space<vmem_shared>> -> memref<80x128xf32, #tpu.memory_space<vmem_shared>>
      %dma_wait3A_117 = arith.constant 0 : i32
      %dma_wait3A_118 = tpu.memref_slice %arg19[%add3A_33, %dma_wait3A_117] : memref<10112x128xf32, #tpu.memory_space<vmem_shared>> -> memref<80x128xf32, #tpu.memory_space<vmem_shared>>
      tpu.wait_dma2 semaphore(%run_scoped3A : memref<!tpu.dma_semaphore, #tpu.memory_space<semaphore_mem>>) src(%arg15 : memref<80x128xf32, #tpu.memory_space<vmem>>) dst(%dma_wait3A_118 : memref<80x128xf32, #tpu.memory_space<vmem_shared>>)
      tpu.yield
    }) : () -> ()
    %mul3A_34 = arith.constant 632 : i32
    %mul3A_35 = arith.muli %arg1, %mul3A_34 : i32
    %add3A_36 = arith.constant 560 : i32
    %add3A_37 = arith.addi %mul3A_35, %add3A_36 : i32
    "tpu.region"() ({
      %run_scoped3A = tpu.sem_alloc : memref<!tpu.dma_semaphore, #tpu.memory_space<semaphore_mem>>
      %dma_start3A_111 = arith.constant 0 : i32
      %dma_start3A_112 = arith.constant 0 : i32
      %dma_start3A_113 = tpu.memref_slice %arg15[%dma_start3A_111, %dma_start3A_112] : memref<80x128xf32, #tpu.memory_space<vmem>> -> memref<72x128xf32, #tpu.memory_space<vmem>>
      %dma_start3A_114 = arith.constant 0 : i32
      %dma_start3A_115 = tpu.memref_slice %arg19[%add3A_37, %dma_start3A_114] : memref<10112x128xf32, #tpu.memory_space<vmem_shared>> -> memref<72x128xf32, #tpu.memory_space<vmem_shared>>
      %dma_start3A_116 = arith.constant 0 : i32
      %dma_start3A_117 = tpu.memref_slice %arg19[%add3A_37, %dma_start3A_116] : memref<10112x128xf32, #tpu.memory_space<vmem_shared>> -> memref<72x128xf32, #tpu.memory_space<vmem_shared>>
      %dma_start3A_118 = arith.constant 0 : i32
      %dma_start3A_119 = arith.constant 0 : i32
      %dma_start3A_120 = tpu.memref_slice %arg15[%dma_start3A_118, %dma_start3A_119] : memref<80x128xf32, #tpu.memory_space<vmem>> -> memref<72x128xf32, #tpu.memory_space<vmem>>
      tpu.enqueue_dma source(%dma_start3A_120 : memref<72x128xf32, #tpu.memory_space<vmem>>) target(%dma_start3A_117 : memref<72x128xf32, #tpu.memory_space<vmem_shared>>) target_semaphore(%run_scoped3A : memref<!tpu.dma_semaphore, #tpu.memory_space<semaphore_mem>>)
      %dma_wait3A_121 = arith.constant 0 : i32
      %dma_wait3A_122 = arith.constant 0 : i32
      %dma_wait3A_123 = tpu.memref_slice %arg15[%dma_wait3A_121, %dma_wait3A_122] : memref<80x128xf32, #tpu.memory_space<vmem>> -> memref<72x128xf32, #tpu.memory_space<vmem>>
      %dma_wait3A_124 = arith.constant 0 : i32
      %dma_wait3A_125 = tpu.memref_slice %arg19[%add3A_37, %dma_wait3A_124] : memref<10112x128xf32, #tpu.memory_space<vmem_shared>> -> memref<72x128xf32, #tpu.memory_space<vmem_shared>>
      %dma_wait3A_126 = arith.constant 0 : i32
      %dma_wait3A_127 = tpu.memref_slice %arg19[%add3A_37, %dma_wait3A_126] : memref<10112x128xf32, #tpu.memory_space<vmem_shared>> -> memref<72x128xf32, #tpu.memory_space<vmem_shared>>
      %dma_wait3A_128 = arith.constant 0 : i32
      %dma_wait3A_129 = arith.constant 0 : i32
      %dma_wait3A_130 = tpu.memref_slice %arg15[%dma_wait3A_128, %dma_wait3A_129] : memref<80x128xf32, #tpu.memory_space<vmem>> -> memref<72x128xf32, #tpu.memory_space<vmem>>
      tpu.wait_dma2 semaphore(%run_scoped3A : memref<!tpu.dma_semaphore, #tpu.memory_space<semaphore_mem>>) src(%dma_wait3A_130 : memref<72x128xf32, #tpu.memory_space<vmem>>) dst(%dma_wait3A_127 : memref<72x128xf32, #tpu.memory_space<vmem_shared>>)
      tpu.yield
    }) : () -> ()
    %barrier3A = arith.constant 0 : index
    tpu.barrier barrier_id(%barrier3A)
    %dma_start3A = arith.constant 0 : i32
    %dma_start3A_38 = arith.constant 0 : i32
    %dma_start3A_39 = tpu.memref_slice %arg2[%add3A, %dma_start3A, %dma_start3A_38] : memref<32x125x80xi32, #tpu.memory_space<hbm>> -> memref<1x1x80xi32, #tpu.memory_space<hbm>>
    %dma_start3A_40 = tpu.memref_squeeze %dma_start3A_39 : memref<1x1x80xi32, #tpu.memory_space<hbm>> -> memref<80xi32, #tpu.memory_space<hbm>>
    %dma_start3A_41 = arith.constant 0 : i32
    %dma_start3A_42 = tpu.memref_slice %arg2[%add3A, %dma_start3A, %dma_start3A_41] : memref<32x125x80xi32, #tpu.memory_space<hbm>> -> memref<1x1x80xi32, #tpu.memory_space<hbm>>
    %dma_start3A_43 = tpu.memref_squeeze %dma_start3A_42 : memref<1x1x80xi32, #tpu.memory_space<hbm>> -> memref<80xi32, #tpu.memory_space<hbm>>
    tpu.enqueue_dma source(%dma_start3A_43 : memref<80xi32, #tpu.memory_space<hbm>>) target(%arg7 : memref<80xi32, #tpu.memory_space<vmem>>) target_semaphore(%arg21 : memref<!tpu.dma_semaphore, #tpu.memory_space<semaphore_mem>>)
    %dma_start3A_44 = arith.constant 0 : i32
    %dma_start3A_45 = arith.constant 0 : i32
    %dma_start3A_46 = tpu.memref_slice %arg3[%add3A, %dma_start3A_44, %dma_start3A_45] : memref<32x125x80xi32, #tpu.memory_space<hbm>> -> memref<1x1x80xi32, #tpu.memory_space<hbm>>
    %dma_start3A_47 = tpu.memref_squeeze %dma_start3A_46 : memref<1x1x80xi32, #tpu.memory_space<hbm>> -> memref<80xi32, #tpu.memory_space<hbm>>
    %dma_start3A_48 = arith.constant 0 : i32
    %dma_start3A_49 = tpu.memref_slice %arg3[%add3A, %dma_start3A_44, %dma_start3A_48] : memref<32x125x80xi32, #tpu.memory_space<hbm>> -> memref<1x1x80xi32, #tpu.memory_space<hbm>>
    %dma_start3A_50 = tpu.memref_squeeze %dma_start3A_49 : memref<1x1x80xi32, #tpu.memory_space<hbm>> -> memref<80xi32, #tpu.memory_space<hbm>>
    tpu.enqueue_dma source(%dma_start3A_50 : memref<80xi32, #tpu.memory_space<hbm>>) target(%arg11 : memref<80xi32, #tpu.memory_space<vmem>>) target_semaphore(%arg21 : memref<!tpu.dma_semaphore, #tpu.memory_space<semaphore_mem>>)
    %dma_start3A_51 = arith.constant 1 : i32
    %dma_start3A_52 = arith.constant 0 : i32
    %dma_start3A_53 = tpu.memref_slice %arg2[%add3A, %dma_start3A_51, %dma_start3A_52] : memref<32x125x80xi32, #tpu.memory_space<hbm>> -> memref<1x1x80xi32, #tpu.memory_space<hbm>>
    %dma_start3A_54 = tpu.memref_squeeze %dma_start3A_53 : memref<1x1x80xi32, #tpu.memory_space<hbm>> -> memref<80xi32, #tpu.memory_space<hbm>>
    %dma_start3A_55 = arith.constant 0 : i32
    %dma_start3A_56 = tpu.memref_slice %arg2[%add3A, %dma_start3A_51, %dma_start3A_55] : memref<32x125x80xi32, #tpu.memory_space<hbm>> -> memref<1x1x80xi32, #tpu.memory_space<hbm>>
    %dma_start3A_57 = tpu.memref_squeeze %dma_start3A_56 : memref<1x1x80xi32, #tpu.memory_space<hbm>> -> memref<80xi32, #tpu.memory_space<hbm>>
    tpu.enqueue_dma source(%dma_start3A_57 : memref<80xi32, #tpu.memory_space<hbm>>) target(%arg8 : memref<80xi32, #tpu.memory_space<vmem>>) target_semaphore(%arg21 : memref<!tpu.dma_semaphore, #tpu.memory_space<semaphore_mem>>)
    %dma_start3A_58 = arith.constant 1 : i32
    %dma_start3A_59 = arith.constant 0 : i32
    %dma_start3A_60 = tpu.memref_slice %arg3[%add3A, %dma_start3A_58, %dma_start3A_59] : memref<32x125x80xi32, #tpu.memory_space<hbm>> -> memref<1x1x80xi32, #tpu.memory_space<hbm>>
    %dma_start3A_61 = tpu.memref_squeeze %dma_start3A_60 : memref<1x1x80xi32, #tpu.memory_space<hbm>> -> memref<80xi32, #tpu.memory_space<hbm>>
    %dma_start3A_62 = arith.constant 0 : i32
    %dma_start3A_63 = tpu.memref_slice %arg3[%add3A, %dma_start3A_58, %dma_start3A_62] : memref<32x125x80xi32, #tpu.memory_space<hbm>> -> memref<1x1x80xi32, #tpu.memory_space<hbm>>
    %dma_start3A_64 = tpu.memref_squeeze %dma_start3A_63 : memref<1x1x80xi32, #tpu.memory_space<hbm>> -> memref<80xi32, #tpu.memory_space<hbm>>
    tpu.enqueue_dma source(%dma_start3A_64 : memref<80xi32, #tpu.memory_space<hbm>>) target(%arg12 : memref<80xi32, #tpu.memory_space<vmem>>) target_semaphore(%arg21 : memref<!tpu.dma_semaphore, #tpu.memory_space<semaphore_mem>>)
    %dma_start3A_65 = arith.constant 2 : i32
    %dma_start3A_66 = arith.constant 0 : i32
    %dma_start3A_67 = tpu.memref_slice %arg2[%add3A, %dma_start3A_65, %dma_start3A_66] : memref<32x125x80xi32, #tpu.memory_space<hbm>> -> memref<1x1x80xi32, #tpu.memory_space<hbm>>
    %dma_start3A_68 = tpu.memref_squeeze %dma_start3A_67 : memref<1x1x80xi32, #tpu.memory_space<hbm>> -> memref<80xi32, #tpu.memory_space<hbm>>
    %dma_start3A_69 = arith.constant 0 : i32
    %dma_start3A_70 = tpu.memref_slice %arg2[%add3A, %dma_start3A_65, %dma_start3A_69] : memref<32x125x80xi32, #tpu.memory_space<hbm>> -> memref<1x1x80xi32, #tpu.memory_space<hbm>>
    %dma_start3A_71 = tpu.memref_squeeze %dma_start3A_70 : memref<1x1x80xi32, #tpu.memory_space<hbm>> -> memref<80xi32, #tpu.memory_space<hbm>>
    tpu.enqueue_dma source(%dma_start3A_71 : memref<80xi32, #tpu.memory_space<hbm>>) target(%arg9 : memref<80xi32, #tpu.memory_space<vmem>>) target_semaphore(%arg21 : memref<!tpu.dma_semaphore, #tpu.memory_space<semaphore_mem>>)
    %dma_start3A_72 = arith.constant 2 : i32
    %dma_start3A_73 = arith.constant 0 : i32
    %dma_start3A_74 = tpu.memref_slice %arg3[%add3A, %dma_start3A_72, %dma_start3A_73] : memref<32x125x80xi32, #tpu.memory_space<hbm>> -> memref<1x1x80xi32, #tpu.memory_space<hbm>>
    %dma_start3A_75 = tpu.memref_squeeze %dma_start3A_74 : memref<1x1x80xi32, #tpu.memory_space<hbm>> -> memref<80xi32, #tpu.memory_space<hbm>>
    %dma_start3A_76 = arith.constant 0 : i32
    %dma_start3A_77 = tpu.memref_slice %arg3[%add3A, %dma_start3A_72, %dma_start3A_76] : memref<32x125x80xi32, #tpu.memory_space<hbm>> -> memref<1x1x80xi32, #tpu.memory_space<hbm>>
    %dma_start3A_78 = tpu.memref_squeeze %dma_start3A_77 : memref<1x1x80xi32, #tpu.memory_space<hbm>> -> memref<80xi32, #tpu.memory_space<hbm>>
    tpu.enqueue_dma source(%dma_start3A_78 : memref<80xi32, #tpu.memory_space<hbm>>) target(%arg13 : memref<80xi32, #tpu.memory_space<vmem>>) target_semaphore(%arg21 : memref<!tpu.dma_semaphore, #tpu.memory_space<semaphore_mem>>)
    %dma_wait3A = arith.constant 0 : i32
    %dma_wait3A_79 = arith.constant 0 : i32
    %dma_wait3A_80 = tpu.memref_slice %arg2[%add3A, %dma_wait3A, %dma_wait3A_79] : memref<32x125x80xi32, #tpu.memory_space<hbm>> -> memref<1x1x80xi32, #tpu.memory_space<hbm>>
    %dma_wait3A_81 = tpu.memref_squeeze %dma_wait3A_80 : memref<1x1x80xi32, #tpu.memory_space<hbm>> -> memref<80xi32, #tpu.memory_space<hbm>>
    %dma_wait3A_82 = arith.constant 0 : i32
    %dma_wait3A_83 = tpu.memref_slice %arg2[%add3A, %dma_wait3A, %dma_wait3A_82] : memref<32x125x80xi32, #tpu.memory_space<hbm>> -> memref<1x1x80xi32, #tpu.memory_space<hbm>>
    %dma_wait3A_84 = tpu.memref_squeeze %dma_wait3A_83 : memref<1x1x80xi32, #tpu.memory_space<hbm>> -> memref<80xi32, #tpu.memory_space<hbm>>
    tpu.wait_dma2 semaphore(%arg21 : memref<!tpu.dma_semaphore, #tpu.memory_space<semaphore_mem>>) src(%dma_wait3A_84 : memref<80xi32, #tpu.memory_space<hbm>>) dst(%arg7 : memref<80xi32, #tpu.memory_space<vmem>>)
    %dma_wait3A_85 = arith.constant 0 : i32
    %dma_wait3A_86 = arith.constant 0 : i32
    %dma_wait3A_87 = tpu.memref_slice %arg3[%add3A, %dma_wait3A_85, %dma_wait3A_86] : memref<32x125x80xi32, #tpu.memory_space<hbm>> -> memref<1x1x80xi32, #tpu.memory_space<hbm>>
    %dma_wait3A_88 = tpu.memref_squeeze %dma_wait3A_87 : memref<1x1x80xi32, #tpu.memory_space<hbm>> -> memref<80xi32, #tpu.memory_space<hbm>>
    %dma_wait3A_89 = arith.constant 0 : i32
    %dma_wait3A_90 = tpu.memref_slice %arg3[%add3A, %dma_wait3A_85, %dma_wait3A_89] : memref<32x125x80xi32, #tpu.memory_space<hbm>> -> memref<1x1x80xi32, #tpu.memory_space<hbm>>
    %dma_wait3A_91 = tpu.memref_squeeze %dma_wait3A_90 : memref<1x1x80xi32, #tpu.memory_space<hbm>> -> memref<80xi32, #tpu.memory_space<hbm>>
    tpu.wait_dma2 semaphore(%arg21 : memref<!tpu.dma_semaphore, #tpu.memory_space<semaphore_mem>>) src(%dma_wait3A_91 : memref<80xi32, #tpu.memory_space<hbm>>) dst(%arg11 : memref<80xi32, #tpu.memory_space<vmem>>)
    %dma_start3A_92 = arith.constant 0 : i32
    %dma_start3A_93 = arith.constant 0 : i32
    %dma_start3A_94 = tpu.memref_slice %arg4[%dma_start3A_92, %dma_start3A_93] : memref<10000x128xf32, #tpu.memory_space<hbm>> -> memref<10000x128xf32, #tpu.memory_space<hbm>>
    tpu.enqueue_indirect_dma source(%dma_start3A_94 : memref<10000x128xf32, #tpu.memory_space<hbm>>) target(%arg15 : memref<80x128xf32, #tpu.memory_space<vmem>>) offsets(%arg7 : memref<80xi32, #tpu.memory_space<vmem>>) semaphore(%arg20 : memref<!tpu.dma_semaphore, #tpu.memory_space<semaphore_mem>>)
    %scan3A_95 = arith.constant 0 : i32
    %scan3A_96 = arith.constant 125 : i32
    %scan3A_97 = arith.addi %scan3A_95, %scan3A_96 : i32
    %scan3A_98 = arith.constant 1 : i32
    scf.for %scan3A_111 = %scan3A_95 to %scan3A_97 step %scan3A_98  : i32 {
      %rem3A = arith.constant 4 : i32
      %rem3A_112 = arith.remsi %scan3A_111, %rem3A : i32
      %eq3A_113 = arith.constant 0 : i32
      %eq3A_114 = arith.cmpi eq, %rem3A_112, %eq3A_113 : i32
      %convert_element_type3A_115 = arith.extui %eq3A_114 : i1 to i32
      %cond3A_116 = arith.constant 0 : i32
      %cond3A_117 = arith.cmpi ne, %convert_element_type3A_115, %cond3A_116 : i32
      scf.if %cond3A_117 {
        %dma_wait3A_139 = arith.constant 0 : i32
        %dma_wait3A_140 = arith.constant 0 : i32
        %dma_wait3A_141 = tpu.memref_slice %arg4[%dma_wait3A_139, %dma_wait3A_140] : memref<10000x128xf32, #tpu.memory_space<hbm>> -> memref<10000x128xf32, #tpu.memory_space<hbm>>
        tpu.wait_indirect_dma semaphore(%arg20 : memref<!tpu.dma_semaphore, #tpu.memory_space<semaphore_mem>>) src(%dma_wait3A_141 : memref<10000x128xf32, #tpu.memory_space<hbm>>) dst(%arg15 : memref<80x128xf32, #tpu.memory_space<vmem>>)
        %ge3A = arith.constant 1 : i32
        %ge3A_142 = arith.cmpi sge, %scan3A_111, %ge3A : i32
        %convert_element_type3A_143 = arith.extui %ge3A_142 : i1 to i32
        %cond3A_144 = arith.constant 0 : i32
        %cond3A_145 = arith.cmpi ne, %convert_element_type3A_143, %cond3A_144 : i32
        scf.if %cond3A_145 {
          %dma_wait3A_162 = arith.constant 0 : i32
          %dma_wait3A_163 = arith.constant 0 : i32
          %dma_wait3A_164 = tpu.memref_slice %arg19[%dma_wait3A_162, %dma_wait3A_163] : memref<10112x128xf32, #tpu.memory_space<vmem_shared>> -> memref<10112x128xf32, #tpu.memory_space<vmem_shared>>
          tpu.wait_indirect_dma semaphore(%arg22 : memref<!tpu.dma_semaphore, #tpu.memory_space<semaphore_mem>>) src(%arg18 : memref<80x128xf32, #tpu.memory_space<vmem>>) dst(%dma_wait3A_164 : memref<10112x128xf32, #tpu.memory_space<vmem_shared>>)
        } else {
        }
        %add3A_146 = arith.constant 3 : i32
        %add3A_147 = arith.addi %scan3A_111, %add3A_146 : i32
        %lt3A = arith.constant 125 : i32
        %lt3A_148 = arith.cmpi slt, %add3A_147, %lt3A : i32
        %convert_element_type3A_149 = arith.extui %lt3A_148 : i1 to i32
        %cond3A_150 = arith.constant 0 : i32
        %cond3A_151 = arith.cmpi ne, %convert_element_type3A_149, %cond3A_150 : i32
        scf.if %cond3A_151 {
          %add3A_162 = arith.constant 3 : i32
          %add3A_163 = arith.addi %scan3A_111, %add3A_162 : i32
          %dma_start3A_164 = arith.constant 0 : i32
          %dma_start3A_165 = tpu.memref_slice %arg2[%add3A, %add3A_163, %dma_start3A_164] : memref<32x125x80xi32, #tpu.memory_space<hbm>> -> memref<1x1x80xi32, #tpu.memory_space<hbm>>
          %dma_start3A_166 = tpu.memref_squeeze %dma_start3A_165 : memref<1x1x80xi32, #tpu.memory_space<hbm>> -> memref<80xi32, #tpu.memory_space<hbm>>
          %dma_start3A_167 = arith.constant 0 : i32
          %dma_start3A_168 = tpu.memref_slice %arg2[%add3A, %add3A_163, %dma_start3A_167] : memref<32x125x80xi32, #tpu.memory_space<hbm>> -> memref<1x1x80xi32, #tpu.memory_space<hbm>>
          %dma_start3A_169 = tpu.memref_squeeze %dma_start3A_168 : memref<1x1x80xi32, #tpu.memory_space<hbm>> -> memref<80xi32, #tpu.memory_space<hbm>>
          tpu.enqueue_dma source(%dma_start3A_169 : memref<80xi32, #tpu.memory_space<hbm>>) target(%arg10 : memref<80xi32, #tpu.memory_space<vmem>>) target_semaphore(%arg21 : memref<!tpu.dma_semaphore, #tpu.memory_space<semaphore_mem>>)
          %add3A_170 = arith.constant 3 : i32
          %add3A_171 = arith.addi %scan3A_111, %add3A_170 : i32
          %dma_start3A_172 = arith.constant 0 : i32
          %dma_start3A_173 = tpu.memref_slice %arg3[%add3A, %add3A_171, %dma_start3A_172] : memref<32x125x80xi32, #tpu.memory_space<hbm>> -> memref<1x1x80xi32, #tpu.memory_space<hbm>>
          %dma_start3A_174 = tpu.memref_squeeze %dma_start3A_173 : memref<1x1x80xi32, #tpu.memory_space<hbm>> -> memref<80xi32, #tpu.memory_space<hbm>>
          %dma_start3A_175 = arith.constant 0 : i32
          %dma_start3A_176 = tpu.memref_slice %arg3[%add3A, %add3A_171, %dma_start3A_175] : memref<32x125x80xi32, #tpu.memory_space<hbm>> -> memref<1x1x80xi32, #tpu.memory_space<hbm>>
          %dma_start3A_177 = tpu.memref_squeeze %dma_start3A_176 : memref<1x1x80xi32, #tpu.memory_space<hbm>> -> memref<80xi32, #tpu.memory_space<hbm>>
          tpu.enqueue_dma source(%dma_start3A_177 : memref<80xi32, #tpu.memory_space<hbm>>) target(%arg14 : memref<80xi32, #tpu.memory_space<vmem>>) target_semaphore(%arg21 : memref<!tpu.dma_semaphore, #tpu.memory_space<semaphore_mem>>)
        } else {
        }
        %add3A_152 = arith.constant 1 : i32
        %add3A_153 = arith.addi %scan3A_111, %add3A_152 : i32
        %lt3A_154 = arith.constant 125 : i32
        %lt3A_155 = arith.cmpi slt, %add3A_153, %lt3A_154 : i32
        %convert_element_type3A_156 = arith.extui %lt3A_155 : i1 to i32
        %cond3A_157 = arith.constant 0 : i32
        %cond3A_158 = arith.cmpi ne, %convert_element_type3A_156, %cond3A_157 : i32
        scf.if %cond3A_158 {
          %add3A_162 = arith.constant 1 : i32
          %add3A_163 = arith.addi %scan3A_111, %add3A_162 : i32
          %dma_wait3A_164 = arith.constant 0 : i32
          %dma_wait3A_165 = tpu.memref_slice %arg2[%add3A, %add3A_163, %dma_wait3A_164] : memref<32x125x80xi32, #tpu.memory_space<hbm>> -> memref<1x1x80xi32, #tpu.memory_space<hbm>>
          %dma_wait3A_166 = tpu.memref_squeeze %dma_wait3A_165 : memref<1x1x80xi32, #tpu.memory_space<hbm>> -> memref<80xi32, #tpu.memory_space<hbm>>
          %dma_wait3A_167 = arith.constant 0 : i32
          %dma_wait3A_168 = tpu.memref_slice %arg2[%add3A, %add3A_163, %dma_wait3A_167] : memref<32x125x80xi32, #tpu.memory_space<hbm>> -> memref<1x1x80xi32, #tpu.memory_space<hbm>>
          %dma_wait3A_169 = tpu.memref_squeeze %dma_wait3A_168 : memref<1x1x80xi32, #tpu.memory_space<hbm>> -> memref<80xi32, #tpu.memory_space<hbm>>
          tpu.wait_dma2 semaphore(%arg21 : memref<!tpu.dma_semaphore, #tpu.memory_space<semaphore_mem>>) src(%dma_wait3A_169 : memref<80xi32, #tpu.memory_space<hbm>>) dst(%arg8 : memref<80xi32, #tpu.memory_space<vmem>>)
          %add3A_170 = arith.constant 1 : i32
          %add3A_171 = arith.addi %scan3A_111, %add3A_170 : i32
          %dma_wait3A_172 = arith.constant 0 : i32
          %dma_wait3A_173 = tpu.memref_slice %arg3[%add3A, %add3A_171, %dma_wait3A_172] : memref<32x125x80xi32, #tpu.memory_space<hbm>> -> memref<1x1x80xi32, #tpu.memory_space<hbm>>
          %dma_wait3A_174 = tpu.memref_squeeze %dma_wait3A_173 : memref<1x1x80xi32, #tpu.memory_space<hbm>> -> memref<80xi32, #tpu.memory_space<hbm>>
          %dma_wait3A_175 = arith.constant 0 : i32
          %dma_wait3A_176 = tpu.memref_slice %arg3[%add3A, %add3A_171, %dma_wait3A_175] : memref<32x125x80xi32, #tpu.memory_space<hbm>> -> memref<1x1x80xi32, #tpu.memory_space<hbm>>
          %dma_wait3A_177 = tpu.memref_squeeze %dma_wait3A_176 : memref<1x1x80xi32, #tpu.memory_space<hbm>> -> memref<80xi32, #tpu.memory_space<hbm>>
          tpu.wait_dma2 semaphore(%arg21 : memref<!tpu.dma_semaphore, #tpu.memory_space<semaphore_mem>>) src(%dma_wait3A_177 : memref<80xi32, #tpu.memory_space<hbm>>) dst(%arg12 : memref<80xi32, #tpu.memory_space<vmem>>)
          %dma_start3A_178 = arith.constant 0 : i32
          %dma_start3A_179 = arith.constant 0 : i32
          %dma_start3A_180 = tpu.memref_slice %arg4[%dma_start3A_178, %dma_start3A_179] : memref<10000x128xf32, #tpu.memory_space<hbm>> -> memref<10000x128xf32, #tpu.memory_space<hbm>>
          tpu.enqueue_indirect_dma source(%dma_start3A_180 : memref<10000x128xf32, #tpu.memory_space<hbm>>) target(%arg16 : memref<80x128xf32, #tpu.memory_space<vmem>>) offsets(%arg8 : memref<80xi32, #tpu.memory_space<vmem>>) semaphore(%arg20 : memref<!tpu.dma_semaphore, #tpu.memory_space<semaphore_mem>>)
        } else {
        }
        %dma_start3A_159 = arith.constant 0 : i32
        %dma_start3A_160 = arith.constant 0 : i32
        %dma_start3A_161 = tpu.memref_slice %arg19[%dma_start3A_159, %dma_start3A_160] : memref<10112x128xf32, #tpu.memory_space<vmem_shared>> -> memref<10112x128xf32, #tpu.memory_space<vmem_shared>>
        tpu.enqueue_indirect_dma source(%arg15 : memref<80x128xf32, #tpu.memory_space<vmem>>) target(%dma_start3A_161 : memref<10112x128xf32, #tpu.memory_space<vmem_shared>>) offsets(%arg11 : memref<80xi32, #tpu.memory_space<vmem>>) semaphore(%arg22 : memref<!tpu.dma_semaphore, #tpu.memory_space<semaphore_mem>>) {add = true}
      } else {
      }
      %rem3A_118 = arith.constant 4 : i32
      %rem3A_119 = arith.remsi %scan3A_111, %rem3A_118 : i32
      %eq3A_120 = arith.constant 1 : i32
      %eq3A_121 = arith.cmpi eq, %rem3A_119, %eq3A_120 : i32
      %convert_element_type3A_122 = arith.extui %eq3A_121 : i1 to i32
      %cond3A_123 = arith.constant 0 : i32
      %cond3A_124 = arith.cmpi ne, %convert_element_type3A_122, %cond3A_123 : i32
      scf.if %cond3A_124 {
        %dma_wait3A_139 = arith.constant 0 : i32
        %dma_wait3A_140 = arith.constant 0 : i32
        %dma_wait3A_141 = tpu.memref_slice %arg4[%dma_wait3A_139, %dma_wait3A_140] : memref<10000x128xf32, #tpu.memory_space<hbm>> -> memref<10000x128xf32, #tpu.memory_space<hbm>>
        tpu.wait_indirect_dma semaphore(%arg20 : memref<!tpu.dma_semaphore, #tpu.memory_space<semaphore_mem>>) src(%dma_wait3A_141 : memref<10000x128xf32, #tpu.memory_space<hbm>>) dst(%arg16 : memref<80x128xf32, #tpu.memory_space<vmem>>)
        %ge3A = arith.constant 1 : i32
        %ge3A_142 = arith.cmpi sge, %scan3A_111, %ge3A : i32
        %convert_element_type3A_143 = arith.extui %ge3A_142 : i1 to i32
        %cond3A_144 = arith.constant 0 : i32
        %cond3A_145 = arith.cmpi ne, %convert_element_type3A_143, %cond3A_144 : i32
        scf.if %cond3A_145 {
          %dma_wait3A_162 = arith.constant 0 : i32
          %dma_wait3A_163 = arith.constant 0 : i32
          %dma_wait3A_164 = tpu.memref_slice %arg19[%dma_wait3A_162, %dma_wait3A_163] : memref<10112x128xf32, #tpu.memory_space<vmem_shared>> -> memref<10112x128xf32, #tpu.memory_space<vmem_shared>>
          tpu.wait_indirect_dma semaphore(%arg22 : memref<!tpu.dma_semaphore, #tpu.memory_space<semaphore_mem>>) src(%arg15 : memref<80x128xf32, #tpu.memory_space<vmem>>) dst(%dma_wait3A_164 : memref<10112x128xf32, #tpu.memory_space<vmem_shared>>)
        } else {
        }
        %add3A_146 = arith.constant 3 : i32
        %add3A_147 = arith.addi %scan3A_111, %add3A_146 : i32
        %lt3A = arith.constant 125 : i32
        %lt3A_148 = arith.cmpi slt, %add3A_147, %lt3A : i32
        %convert_element_type3A_149 = arith.extui %lt3A_148 : i1 to i32
        %cond3A_150 = arith.constant 0 : i32
        %cond3A_151 = arith.cmpi ne, %convert_element_type3A_149, %cond3A_150 : i32
        scf.if %cond3A_151 {
          %add3A_162 = arith.constant 3 : i32
          %add3A_163 = arith.addi %scan3A_111, %add3A_162 : i32
          %dma_start3A_164 = arith.constant 0 : i32
          %dma_start3A_165 = tpu.memref_slice %arg2[%add3A, %add3A_163, %dma_start3A_164] : memref<32x125x80xi32, #tpu.memory_space<hbm>> -> memref<1x1x80xi32, #tpu.memory_space<hbm>>
          %dma_start3A_166 = tpu.memref_squeeze %dma_start3A_165 : memref<1x1x80xi32, #tpu.memory_space<hbm>> -> memref<80xi32, #tpu.memory_space<hbm>>
          %dma_start3A_167 = arith.constant 0 : i32
          %dma_start3A_168 = tpu.memref_slice %arg2[%add3A, %add3A_163, %dma_start3A_167] : memref<32x125x80xi32, #tpu.memory_space<hbm>> -> memref<1x1x80xi32, #tpu.memory_space<hbm>>
          %dma_start3A_169 = tpu.memref_squeeze %dma_start3A_168 : memref<1x1x80xi32, #tpu.memory_space<hbm>> -> memref<80xi32, #tpu.memory_space<hbm>>
          tpu.enqueue_dma source(%dma_start3A_169 : memref<80xi32, #tpu.memory_space<hbm>>) target(%arg7 : memref<80xi32, #tpu.memory_space<vmem>>) target_semaphore(%arg21 : memref<!tpu.dma_semaphore, #tpu.memory_space<semaphore_mem>>)
          %add3A_170 = arith.constant 3 : i32
          %add3A_171 = arith.addi %scan3A_111, %add3A_170 : i32
          %dma_start3A_172 = arith.constant 0 : i32
          %dma_start3A_173 = tpu.memref_slice %arg3[%add3A, %add3A_171, %dma_start3A_172] : memref<32x125x80xi32, #tpu.memory_space<hbm>> -> memref<1x1x80xi32, #tpu.memory_space<hbm>>
          %dma_start3A_174 = tpu.memref_squeeze %dma_start3A_173 : memref<1x1x80xi32, #tpu.memory_space<hbm>> -> memref<80xi32, #tpu.memory_space<hbm>>
          %dma_start3A_175 = arith.constant 0 : i32
          %dma_start3A_176 = tpu.memref_slice %arg3[%add3A, %add3A_171, %dma_start3A_175] : memref<32x125x80xi32, #tpu.memory_space<hbm>> -> memref<1x1x80xi32, #tpu.memory_space<hbm>>
          %dma_start3A_177 = tpu.memref_squeeze %dma_start3A_176 : memref<1x1x80xi32, #tpu.memory_space<hbm>> -> memref<80xi32, #tpu.memory_space<hbm>>
          tpu.enqueue_dma source(%dma_start3A_177 : memref<80xi32, #tpu.memory_space<hbm>>) target(%arg11 : memref<80xi32, #tpu.memory_space<vmem>>) target_semaphore(%arg21 : memref<!tpu.dma_semaphore, #tpu.memory_space<semaphore_mem>>)
        } else {
        }
        %add3A_152 = arith.constant 1 : i32
        %add3A_153 = arith.addi %scan3A_111, %add3A_152 : i32
        %lt3A_154 = arith.constant 125 : i32
        %lt3A_155 = arith.cmpi slt, %add3A_153, %lt3A_154 : i32
        %convert_element_type3A_156 = arith.extui %lt3A_155 : i1 to i32
        %cond3A_157 = arith.constant 0 : i32
        %cond3A_158 = arith.cmpi ne, %convert_element_type3A_156, %cond3A_157 : i32
        scf.if %cond3A_158 {
          %add3A_162 = arith.constant 1 : i32
          %add3A_163 = arith.addi %scan3A_111, %add3A_162 : i32
          %dma_wait3A_164 = arith.constant 0 : i32
          %dma_wait3A_165 = tpu.memref_slice %arg2[%add3A, %add3A_163, %dma_wait3A_164] : memref<32x125x80xi32, #tpu.memory_space<hbm>> -> memref<1x1x80xi32, #tpu.memory_space<hbm>>
          %dma_wait3A_166 = tpu.memref_squeeze %dma_wait3A_165 : memref<1x1x80xi32, #tpu.memory_space<hbm>> -> memref<80xi32, #tpu.memory_space<hbm>>
          %dma_wait3A_167 = arith.constant 0 : i32
          %dma_wait3A_168 = tpu.memref_slice %arg2[%add3A, %add3A_163, %dma_wait3A_167] : memref<32x125x80xi32, #tpu.memory_space<hbm>> -> memref<1x1x80xi32, #tpu.memory_space<hbm>>
          %dma_wait3A_169 = tpu.memref_squeeze %dma_wait3A_168 : memref<1x1x80xi32, #tpu.memory_space<hbm>> -> memref<80xi32, #tpu.memory_space<hbm>>
          tpu.wait_dma2 semaphore(%arg21 : memref<!tpu.dma_semaphore, #tpu.memory_space<semaphore_mem>>) src(%dma_wait3A_169 : memref<80xi32, #tpu.memory_space<hbm>>) dst(%arg9 : memref<80xi32, #tpu.memory_space<vmem>>)
          %add3A_170 = arith.constant 1 : i32
          %add3A_171 = arith.addi %scan3A_111, %add3A_170 : i32
          %dma_wait3A_172 = arith.constant 0 : i32
          %dma_wait3A_173 = tpu.memref_slice %arg3[%add3A, %add3A_171, %dma_wait3A_172] : memref<32x125x80xi32, #tpu.memory_space<hbm>> -> memref<1x1x80xi32, #tpu.memory_space<hbm>>
          %dma_wait3A_174 = tpu.memref_squeeze %dma_wait3A_173 : memref<1x1x80xi32, #tpu.memory_space<hbm>> -> memref<80xi32, #tpu.memory_space<hbm>>
          %dma_wait3A_175 = arith.constant 0 : i32
          %dma_wait3A_176 = tpu.memref_slice %arg3[%add3A, %add3A_171, %dma_wait3A_175] : memref<32x125x80xi32, #tpu.memory_space<hbm>> -> memref<1x1x80xi32, #tpu.memory_space<hbm>>
          %dma_wait3A_177 = tpu.memref_squeeze %dma_wait3A_176 : memref<1x1x80xi32, #tpu.memory_space<hbm>> -> memref<80xi32, #tpu.memory_space<hbm>>
          tpu.wait_dma2 semaphore(%arg21 : memref<!tpu.dma_semaphore, #tpu.memory_space<semaphore_mem>>) src(%dma_wait3A_177 : memref<80xi32, #tpu.memory_space<hbm>>) dst(%arg13 : memref<80xi32, #tpu.memory_space<vmem>>)
          %dma_start3A_178 = arith.constant 0 : i32
          %dma_start3A_179 = arith.constant 0 : i32
          %dma_start3A_180 = tpu.memref_slice %arg4[%dma_start3A_178, %dma_start3A_179] : memref<10000x128xf32, #tpu.memory_space<hbm>> -> memref<10000x128xf32, #tpu.memory_space<hbm>>
          tpu.enqueue_indirect_dma source(%dma_start3A_180 : memref<10000x128xf32, #tpu.memory_space<hbm>>) target(%arg17 : memref<80x128xf32, #tpu.memory_space<vmem>>) offsets(%arg9 : memref<80xi32, #tpu.memory_space<vmem>>) semaphore(%arg20 : memref<!tpu.dma_semaphore, #tpu.memory_space<semaphore_mem>>)
        } else {
        }
        %dma_start3A_159 = arith.constant 0 : i32
        %dma_start3A_160 = arith.constant 0 : i32
        %dma_start3A_161 = tpu.memref_slice %arg19[%dma_start3A_159, %dma_start3A_160] : memref<10112x128xf32, #tpu.memory_space<vmem_shared>> -> memref<10112x128xf32, #tpu.memory_space<vmem_shared>>
        tpu.enqueue_indirect_dma source(%arg16 : memref<80x128xf32, #tpu.memory_space<vmem>>) target(%dma_start3A_161 : memref<10112x128xf32, #tpu.memory_space<vmem_shared>>) offsets(%arg12 : memref<80xi32, #tpu.memory_space<vmem>>) semaphore(%arg22 : memref<!tpu.dma_semaphore, #tpu.memory_space<semaphore_mem>>) {add = true}
      } else {
      }
      %rem3A_125 = arith.constant 4 : i32
      %rem3A_126 = arith.remsi %scan3A_111, %rem3A_125 : i32
      %eq3A_127 = arith.constant 2 : i32
      %eq3A_128 = arith.cmpi eq, %rem3A_126, %eq3A_127 : i32
      %convert_element_type3A_129 = arith.extui %eq3A_128 : i1 to i32
      %cond3A_130 = arith.constant 0 : i32
      %cond3A_131 = arith.cmpi ne, %convert_element_type3A_129, %cond3A_130 : i32
      scf.if %cond3A_131 {
        %dma_wait3A_139 = arith.constant 0 : i32
        %dma_wait3A_140 = arith.constant 0 : i32
        %dma_wait3A_141 = tpu.memref_slice %arg4[%dma_wait3A_139, %dma_wait3A_140] : memref<10000x128xf32, #tpu.memory_space<hbm>> -> memref<10000x128xf32, #tpu.memory_space<hbm>>
        tpu.wait_indirect_dma semaphore(%arg20 : memref<!tpu.dma_semaphore, #tpu.memory_space<semaphore_mem>>) src(%dma_wait3A_141 : memref<10000x128xf32, #tpu.memory_space<hbm>>) dst(%arg17 : memref<80x128xf32, #tpu.memory_space<vmem>>)
        %ge3A = arith.constant 1 : i32
        %ge3A_142 = arith.cmpi sge, %scan3A_111, %ge3A : i32
        %convert_element_type3A_143 = arith.extui %ge3A_142 : i1 to i32
        %cond3A_144 = arith.constant 0 : i32
        %cond3A_145 = arith.cmpi ne, %convert_element_type3A_143, %cond3A_144 : i32
        scf.if %cond3A_145 {
          %dma_wait3A_162 = arith.constant 0 : i32
          %dma_wait3A_163 = arith.constant 0 : i32
          %dma_wait3A_164 = tpu.memref_slice %arg19[%dma_wait3A_162, %dma_wait3A_163] : memref<10112x128xf32, #tpu.memory_space<vmem_shared>> -> memref<10112x128xf32, #tpu.memory_space<vmem_shared>>
          tpu.wait_indirect_dma semaphore(%arg22 : memref<!tpu.dma_semaphore, #tpu.memory_space<semaphore_mem>>) src(%arg16 : memref<80x128xf32, #tpu.memory_space<vmem>>) dst(%dma_wait3A_164 : memref<10112x128xf32, #tpu.memory_space<vmem_shared>>)
        } else {
        }
        %add3A_146 = arith.constant 3 : i32
        %add3A_147 = arith.addi %scan3A_111, %add3A_146 : i32
        %lt3A = arith.constant 125 : i32
        %lt3A_148 = arith.cmpi slt, %add3A_147, %lt3A : i32
        %convert_element_type3A_149 = arith.extui %lt3A_148 : i1 to i32
        %cond3A_150 = arith.constant 0 : i32
        %cond3A_151 = arith.cmpi ne, %convert_element_type3A_149, %cond3A_150 : i32
        scf.if %cond3A_151 {
          %add3A_162 = arith.constant 3 : i32
          %add3A_163 = arith.addi %scan3A_111, %add3A_162 : i32
          %dma_start3A_164 = arith.constant 0 : i32
          %dma_start3A_165 = tpu.memref_slice %arg2[%add3A, %add3A_163, %dma_start3A_164] : memref<32x125x80xi32, #tpu.memory_space<hbm>> -> memref<1x1x80xi32, #tpu.memory_space<hbm>>
          %dma_start3A_166 = tpu.memref_squeeze %dma_start3A_165 : memref<1x1x80xi32, #tpu.memory_space<hbm>> -> memref<80xi32, #tpu.memory_space<hbm>>
          %dma_start3A_167 = arith.constant 0 : i32
          %dma_start3A_168 = tpu.memref_slice %arg2[%add3A, %add3A_163, %dma_start3A_167] : memref<32x125x80xi32, #tpu.memory_space<hbm>> -> memref<1x1x80xi32, #tpu.memory_space<hbm>>
          %dma_start3A_169 = tpu.memref_squeeze %dma_start3A_168 : memref<1x1x80xi32, #tpu.memory_space<hbm>> -> memref<80xi32, #tpu.memory_space<hbm>>
          tpu.enqueue_dma source(%dma_start3A_169 : memref<80xi32, #tpu.memory_space<hbm>>) target(%arg8 : memref<80xi32, #tpu.memory_space<vmem>>) target_semaphore(%arg21 : memref<!tpu.dma_semaphore, #tpu.memory_space<semaphore_mem>>)
          %add3A_170 = arith.constant 3 : i32
          %add3A_171 = arith.addi %scan3A_111, %add3A_170 : i32
          %dma_start3A_172 = arith.constant 0 : i32
          %dma_start3A_173 = tpu.memref_slice %arg3[%add3A, %add3A_171, %dma_start3A_172] : memref<32x125x80xi32, #tpu.memory_space<hbm>> -> memref<1x1x80xi32, #tpu.memory_space<hbm>>
          %dma_start3A_174 = tpu.memref_squeeze %dma_start3A_173 : memref<1x1x80xi32, #tpu.memory_space<hbm>> -> memref<80xi32, #tpu.memory_space<hbm>>
          %dma_start3A_175 = arith.constant 0 : i32
          %dma_start3A_176 = tpu.memref_slice %arg3[%add3A, %add3A_171, %dma_start3A_175] : memref<32x125x80xi32, #tpu.memory_space<hbm>> -> memref<1x1x80xi32, #tpu.memory_space<hbm>>
          %dma_start3A_177 = tpu.memref_squeeze %dma_start3A_176 : memref<1x1x80xi32, #tpu.memory_space<hbm>> -> memref<80xi32, #tpu.memory_space<hbm>>
          tpu.enqueue_dma source(%dma_start3A_177 : memref<80xi32, #tpu.memory_space<hbm>>) target(%arg12 : memref<80xi32, #tpu.memory_space<vmem>>) target_semaphore(%arg21 : memref<!tpu.dma_semaphore, #tpu.memory_space<semaphore_mem>>)
        } else {
        }
        %add3A_152 = arith.constant 1 : i32
        %add3A_153 = arith.addi %scan3A_111, %add3A_152 : i32
        %lt3A_154 = arith.constant 125 : i32
        %lt3A_155 = arith.cmpi slt, %add3A_153, %lt3A_154 : i32
        %convert_element_type3A_156 = arith.extui %lt3A_155 : i1 to i32
        %cond3A_157 = arith.constant 0 : i32
        %cond3A_158 = arith.cmpi ne, %convert_element_type3A_156, %cond3A_157 : i32
        scf.if %cond3A_158 {
          %add3A_162 = arith.constant 1 : i32
          %add3A_163 = arith.addi %scan3A_111, %add3A_162 : i32
          %dma_wait3A_164 = arith.constant 0 : i32
          %dma_wait3A_165 = tpu.memref_slice %arg2[%add3A, %add3A_163, %dma_wait3A_164] : memref<32x125x80xi32, #tpu.memory_space<hbm>> -> memref<1x1x80xi32, #tpu.memory_space<hbm>>
          %dma_wait3A_166 = tpu.memref_squeeze %dma_wait3A_165 : memref<1x1x80xi32, #tpu.memory_space<hbm>> -> memref<80xi32, #tpu.memory_space<hbm>>
          %dma_wait3A_167 = arith.constant 0 : i32
          %dma_wait3A_168 = tpu.memref_slice %arg2[%add3A, %add3A_163, %dma_wait3A_167] : memref<32x125x80xi32, #tpu.memory_space<hbm>> -> memref<1x1x80xi32, #tpu.memory_space<hbm>>
          %dma_wait3A_169 = tpu.memref_squeeze %dma_wait3A_168 : memref<1x1x80xi32, #tpu.memory_space<hbm>> -> memref<80xi32, #tpu.memory_space<hbm>>
          tpu.wait_dma2 semaphore(%arg21 : memref<!tpu.dma_semaphore, #tpu.memory_space<semaphore_mem>>) src(%dma_wait3A_169 : memref<80xi32, #tpu.memory_space<hbm>>) dst(%arg10 : memref<80xi32, #tpu.memory_space<vmem>>)
          %add3A_170 = arith.constant 1 : i32
          %add3A_171 = arith.addi %scan3A_111, %add3A_170 : i32
          %dma_wait3A_172 = arith.constant 0 : i32
          %dma_wait3A_173 = tpu.memref_slice %arg3[%add3A, %add3A_171, %dma_wait3A_172] : memref<32x125x80xi32, #tpu.memory_space<hbm>> -> memref<1x1x80xi32, #tpu.memory_space<hbm>>
          %dma_wait3A_174 = tpu.memref_squeeze %dma_wait3A_173 : memref<1x1x80xi32, #tpu.memory_space<hbm>> -> memref<80xi32, #tpu.memory_space<hbm>>
          %dma_wait3A_175 = arith.constant 0 : i32
          %dma_wait3A_176 = tpu.memref_slice %arg3[%add3A, %add3A_171, %dma_wait3A_175] : memref<32x125x80xi32, #tpu.memory_space<hbm>> -> memref<1x1x80xi32, #tpu.memory_space<hbm>>
          %dma_wait3A_177 = tpu.memref_squeeze %dma_wait3A_176 : memref<1x1x80xi32, #tpu.memory_space<hbm>> -> memref<80xi32, #tpu.memory_space<hbm>>
          tpu.wait_dma2 semaphore(%arg21 : memref<!tpu.dma_semaphore, #tpu.memory_space<semaphore_mem>>) src(%dma_wait3A_177 : memref<80xi32, #tpu.memory_space<hbm>>) dst(%arg14 : memref<80xi32, #tpu.memory_space<vmem>>)
          %dma_start3A_178 = arith.constant 0 : i32
          %dma_start3A_179 = arith.constant 0 : i32
          %dma_start3A_180 = tpu.memref_slice %arg4[%dma_start3A_178, %dma_start3A_179] : memref<10000x128xf32, #tpu.memory_space<hbm>> -> memref<10000x128xf32, #tpu.memory_space<hbm>>
          tpu.enqueue_indirect_dma source(%dma_start3A_180 : memref<10000x128xf32, #tpu.memory_space<hbm>>) target(%arg18 : memref<80x128xf32, #tpu.memory_space<vmem>>) offsets(%arg10 : memref<80xi32, #tpu.memory_space<vmem>>) semaphore(%arg20 : memref<!tpu.dma_semaphore, #tpu.memory_space<semaphore_mem>>)
        } else {
        }
        %dma_start3A_159 = arith.constant 0 : i32
        %dma_start3A_160 = arith.constant 0 : i32
        %dma_start3A_161 = tpu.memref_slice %arg19[%dma_start3A_159, %dma_start3A_160] : memref<10112x128xf32, #tpu.memory_space<vmem_shared>> -> memref<10112x128xf32, #tpu.memory_space<vmem_shared>>
        tpu.enqueue_indirect_dma source(%arg17 : memref<80x128xf32, #tpu.memory_space<vmem>>) target(%dma_start3A_161 : memref<10112x128xf32, #tpu.memory_space<vmem_shared>>) offsets(%arg13 : memref<80xi32, #tpu.memory_space<vmem>>) semaphore(%arg22 : memref<!tpu.dma_semaphore, #tpu.memory_space<semaphore_mem>>) {add = true}
      } else {
      }
      %rem3A_132 = arith.constant 4 : i32
      %rem3A_133 = arith.remsi %scan3A_111, %rem3A_132 : i32
      %eq3A_134 = arith.constant 3 : i32
      %eq3A_135 = arith.cmpi eq, %rem3A_133, %eq3A_134 : i32
      %convert_element_type3A_136 = arith.extui %eq3A_135 : i1 to i32
      %cond3A_137 = arith.constant 0 : i32
      %cond3A_138 = arith.cmpi ne, %convert_element_type3A_136, %cond3A_137 : i32
      scf.if %cond3A_138 {
        %dma_wait3A_139 = arith.constant 0 : i32
        %dma_wait3A_140 = arith.constant 0 : i32
        %dma_wait3A_141 = tpu.memref_slice %arg4[%dma_wait3A_139, %dma_wait3A_140] : memref<10000x128xf32, #tpu.memory_space<hbm>> -> memref<10000x128xf32, #tpu.memory_space<hbm>>
        tpu.wait_indirect_dma semaphore(%arg20 : memref<!tpu.dma_semaphore, #tpu.memory_space<semaphore_mem>>) src(%dma_wait3A_141 : memref<10000x128xf32, #tpu.memory_space<hbm>>) dst(%arg18 : memref<80x128xf32, #tpu.memory_space<vmem>>)
        %ge3A = arith.constant 1 : i32
        %ge3A_142 = arith.cmpi sge, %scan3A_111, %ge3A : i32
        %convert_element_type3A_143 = arith.extui %ge3A_142 : i1 to i32
        %cond3A_144 = arith.constant 0 : i32
        %cond3A_145 = arith.cmpi ne, %convert_element_type3A_143, %cond3A_144 : i32
        scf.if %cond3A_145 {
          %dma_wait3A_162 = arith.constant 0 : i32
          %dma_wait3A_163 = arith.constant 0 : i32
          %dma_wait3A_164 = tpu.memref_slice %arg19[%dma_wait3A_162, %dma_wait3A_163] : memref<10112x128xf32, #tpu.memory_space<vmem_shared>> -> memref<10112x128xf32, #tpu.memory_space<vmem_shared>>
          tpu.wait_indirect_dma semaphore(%arg22 : memref<!tpu.dma_semaphore, #tpu.memory_space<semaphore_mem>>) src(%arg17 : memref<80x128xf32, #tpu.memory_space<vmem>>) dst(%dma_wait3A_164 : memref<10112x128xf32, #tpu.memory_space<vmem_shared>>)
        } else {
        }
        %add3A_146 = arith.constant 3 : i32
        %add3A_147 = arith.addi %scan3A_111, %add3A_146 : i32
        %lt3A = arith.constant 125 : i32
        %lt3A_148 = arith.cmpi slt, %add3A_147, %lt3A : i32
        %convert_element_type3A_149 = arith.extui %lt3A_148 : i1 to i32
        %cond3A_150 = arith.constant 0 : i32
        %cond3A_151 = arith.cmpi ne, %convert_element_type3A_149, %cond3A_150 : i32
        scf.if %cond3A_151 {
          %add3A_162 = arith.constant 3 : i32
          %add3A_163 = arith.addi %scan3A_111, %add3A_162 : i32
          %dma_start3A_164 = arith.constant 0 : i32
          %dma_start3A_165 = tpu.memref_slice %arg2[%add3A, %add3A_163, %dma_start3A_164] : memref<32x125x80xi32, #tpu.memory_space<hbm>> -> memref<1x1x80xi32, #tpu.memory_space<hbm>>
          %dma_start3A_166 = tpu.memref_squeeze %dma_start3A_165 : memref<1x1x80xi32, #tpu.memory_space<hbm>> -> memref<80xi32, #tpu.memory_space<hbm>>
          %dma_start3A_167 = arith.constant 0 : i32
          %dma_start3A_168 = tpu.memref_slice %arg2[%add3A, %add3A_163, %dma_start3A_167] : memref<32x125x80xi32, #tpu.memory_space<hbm>> -> memref<1x1x80xi32, #tpu.memory_space<hbm>>
          %dma_start3A_169 = tpu.memref_squeeze %dma_start3A_168 : memref<1x1x80xi32, #tpu.memory_space<hbm>> -> memref<80xi32, #tpu.memory_space<hbm>>
          tpu.enqueue_dma source(%dma_start3A_169 : memref<80xi32, #tpu.memory_space<hbm>>) target(%arg9 : memref<80xi32, #tpu.memory_space<vmem>>) target_semaphore(%arg21 : memref<!tpu.dma_semaphore, #tpu.memory_space<semaphore_mem>>)
          %add3A_170 = arith.constant 3 : i32
          %add3A_171 = arith.addi %scan3A_111, %add3A_170 : i32
          %dma_start3A_172 = arith.constant 0 : i32
          %dma_start3A_173 = tpu.memref_slice %arg3[%add3A, %add3A_171, %dma_start3A_172] : memref<32x125x80xi32, #tpu.memory_space<hbm>> -> memref<1x1x80xi32, #tpu.memory_space<hbm>>
          %dma_start3A_174 = tpu.memref_squeeze %dma_start3A_173 : memref<1x1x80xi32, #tpu.memory_space<hbm>> -> memref<80xi32, #tpu.memory_space<hbm>>
          %dma_start3A_175 = arith.constant 0 : i32
          %dma_start3A_176 = tpu.memref_slice %arg3[%add3A, %add3A_171, %dma_start3A_175] : memref<32x125x80xi32, #tpu.memory_space<hbm>> -> memref<1x1x80xi32, #tpu.memory_space<hbm>>
          %dma_start3A_177 = tpu.memref_squeeze %dma_start3A_176 : memref<1x1x80xi32, #tpu.memory_space<hbm>> -> memref<80xi32, #tpu.memory_space<hbm>>
          tpu.enqueue_dma source(%dma_start3A_177 : memref<80xi32, #tpu.memory_space<hbm>>) target(%arg13 : memref<80xi32, #tpu.memory_space<vmem>>) target_semaphore(%arg21 : memref<!tpu.dma_semaphore, #tpu.memory_space<semaphore_mem>>)
        } else {
        }
        %add3A_152 = arith.constant 1 : i32
        %add3A_153 = arith.addi %scan3A_111, %add3A_152 : i32
        %lt3A_154 = arith.constant 125 : i32
        %lt3A_155 = arith.cmpi slt, %add3A_153, %lt3A_154 : i32
        %convert_element_type3A_156 = arith.extui %lt3A_155 : i1 to i32
        %cond3A_157 = arith.constant 0 : i32
        %cond3A_158 = arith.cmpi ne, %convert_element_type3A_156, %cond3A_157 : i32
        scf.if %cond3A_158 {
          %add3A_162 = arith.constant 1 : i32
          %add3A_163 = arith.addi %scan3A_111, %add3A_162 : i32
          %dma_wait3A_164 = arith.constant 0 : i32
          %dma_wait3A_165 = tpu.memref_slice %arg2[%add3A, %add3A_163, %dma_wait3A_164] : memref<32x125x80xi32, #tpu.memory_space<hbm>> -> memref<1x1x80xi32, #tpu.memory_space<hbm>>
          %dma_wait3A_166 = tpu.memref_squeeze %dma_wait3A_165 : memref<1x1x80xi32, #tpu.memory_space<hbm>> -> memref<80xi32, #tpu.memory_space<hbm>>
          %dma_wait3A_167 = arith.constant 0 : i32
          %dma_wait3A_168 = tpu.memref_slice %arg2[%add3A, %add3A_163, %dma_wait3A_167] : memref<32x125x80xi32, #tpu.memory_space<hbm>> -> memref<1x1x80xi32, #tpu.memory_space<hbm>>
          %dma_wait3A_169 = tpu.memref_squeeze %dma_wait3A_168 : memref<1x1x80xi32, #tpu.memory_space<hbm>> -> memref<80xi32, #tpu.memory_space<hbm>>
          tpu.wait_dma2 semaphore(%arg21 : memref<!tpu.dma_semaphore, #tpu.memory_space<semaphore_mem>>) src(%dma_wait3A_169 : memref<80xi32, #tpu.memory_space<hbm>>) dst(%arg7 : memref<80xi32, #tpu.memory_space<vmem>>)
          %add3A_170 = arith.constant 1 : i32
          %add3A_171 = arith.addi %scan3A_111, %add3A_170 : i32
          %dma_wait3A_172 = arith.constant 0 : i32
          %dma_wait3A_173 = tpu.memref_slice %arg3[%add3A, %add3A_171, %dma_wait3A_172] : memref<32x125x80xi32, #tpu.memory_space<hbm>> -> memref<1x1x80xi32, #tpu.memory_space<hbm>>
          %dma_wait3A_174 = tpu.memref_squeeze %dma_wait3A_173 : memref<1x1x80xi32, #tpu.memory_space<hbm>> -> memref<80xi32, #tpu.memory_space<hbm>>
          %dma_wait3A_175 = arith.constant 0 : i32
          %dma_wait3A_176 = tpu.memref_slice %arg3[%add3A, %add3A_171, %dma_wait3A_175] : memref<32x125x80xi32, #tpu.memory_space<hbm>> -> memref<1x1x80xi32, #tpu.memory_space<hbm>>
          %dma_wait3A_177 = tpu.memref_squeeze %dma_wait3A_176 : memref<1x1x80xi32, #tpu.memory_space<hbm>> -> memref<80xi32, #tpu.memory_space<hbm>>
          tpu.wait_dma2 semaphore(%arg21 : memref<!tpu.dma_semaphore, #tpu.memory_space<semaphore_mem>>) src(%dma_wait3A_177 : memref<80xi32, #tpu.memory_space<hbm>>) dst(%arg11 : memref<80xi32, #tpu.memory_space<vmem>>)
          %dma_start3A_178 = arith.constant 0 : i32
          %dma_start3A_179 = arith.constant 0 : i32
          %dma_start3A_180 = tpu.memref_slice %arg4[%dma_start3A_178, %dma_start3A_179] : memref<10000x128xf32, #tpu.memory_space<hbm>> -> memref<10000x128xf32, #tpu.memory_space<hbm>>
          tpu.enqueue_indirect_dma source(%dma_start3A_180 : memref<10000x128xf32, #tpu.memory_space<hbm>>) target(%arg15 : memref<80x128xf32, #tpu.memory_space<vmem>>) offsets(%arg7 : memref<80xi32, #tpu.memory_space<vmem>>) semaphore(%arg20 : memref<!tpu.dma_semaphore, #tpu.memory_space<semaphore_mem>>)
        } else {
        }
        %dma_start3A_159 = arith.constant 0 : i32
        %dma_start3A_160 = arith.constant 0 : i32
        %dma_start3A_161 = tpu.memref_slice %arg19[%dma_start3A_159, %dma_start3A_160] : memref<10112x128xf32, #tpu.memory_space<vmem_shared>> -> memref<10112x128xf32, #tpu.memory_space<vmem_shared>>
        tpu.enqueue_indirect_dma source(%arg18 : memref<80x128xf32, #tpu.memory_space<vmem>>) target(%dma_start3A_161 : memref<10112x128xf32, #tpu.memory_space<vmem_shared>>) offsets(%arg14 : memref<80xi32, #tpu.memory_space<vmem>>) semaphore(%arg22 : memref<!tpu.dma_semaphore, #tpu.memory_space<semaphore_mem>>) {add = true}
      } else {
      }
    }
    %scan3A_99 = arith.constant 125 : i32
    %dma_wait3A_100 = arith.constant 0 : i32
    %dma_wait3A_101 = arith.constant 0 : i32
    %dma_wait3A_102 = tpu.memref_slice %arg19[%dma_wait3A_100, %dma_wait3A_101] : memref<10112x128xf32, #tpu.memory_space<vmem_shared>> -> memref<10112x128xf32, #tpu.memory_space<vmem_shared>>
    tpu.wait_indirect_dma semaphore(%arg22 : memref<!tpu.dma_semaphore, #tpu.memory_space<semaphore_mem>>) src(%arg15 : memref<80x128xf32, #tpu.memory_space<vmem>>) dst(%dma_wait3A_102 : memref<10112x128xf32, #tpu.memory_space<vmem_shared>>)
    %barrier3A_103 = arith.constant 0 : index
    tpu.barrier barrier_id(%barrier3A_103)
    %eq3A = arith.constant 0 : i32
    %eq3A_104 = arith.cmpi eq, %arg0, %eq3A : i32
    %convert_element_type3A = arith.extui %eq3A_104 : i1 to i32
    %cond3A = arith.constant 0 : i32
    %cond3A_105 = arith.cmpi ne, %convert_element_type3A, %cond3A : i32
    scf.if %cond3A_105 {
      %mul3A_111 = arith.constant 632 : i32
      %mul3A_112 = arith.muli %arg1, %mul3A_111 : i32
      %mul3A_113 = arith.constant 632 : i32
      %mul3A_114 = arith.muli %arg1, %mul3A_113 : i32
      "tpu.region"() ({
        %run_scoped3A = tpu.sem_alloc : memref<!tpu.dma_semaphore, #tpu.memory_space<semaphore_mem>>
        %dma_start3A_115 = arith.constant 0 : i32
        %dma_start3A_116 = tpu.memref_slice %arg5[%mul3A_114, %dma_start3A_115] : memref<10112x128xf32, #tpu.memory_space<hbm>> -> memref<632x128xf32, #tpu.memory_space<hbm>>
        %dma_start3A_117 = arith.constant 0 : i32
        %dma_start3A_118 = tpu.memref_slice %arg19[%mul3A_112, %dma_start3A_117] : memref<10112x128xf32, #tpu.memory_space<vmem_shared>> -> memref<632x128xf32, #tpu.memory_space<vmem_shared>>
        tpu.enqueue_dma source(%dma_start3A_118 : memref<632x128xf32, #tpu.memory_space<vmem_shared>>) target(%dma_start3A_116 : memref<632x128xf32, #tpu.memory_space<hbm>>) target_semaphore(%run_scoped3A : memref<!tpu.dma_semaphore, #tpu.memory_space<semaphore_mem>>)
        %dma_wait3A_119 = arith.constant 0 : i32
        %dma_wait3A_120 = tpu.memref_slice %arg5[%mul3A_114, %dma_wait3A_119] : memref<10112x128xf32, #tpu.memory_space<hbm>> -> memref<632x128xf32, #tpu.memory_space<hbm>>
        %dma_wait3A_121 = arith.constant 0 : i32
        %dma_wait3A_122 = tpu.memref_slice %arg19[%mul3A_112, %dma_wait3A_121] : memref<10112x128xf32, #tpu.memory_space<vmem_shared>> -> memref<632x128xf32, #tpu.memory_space<vmem_shared>>
        tpu.wait_dma2 semaphore(%run_scoped3A : memref<!tpu.dma_semaphore, #tpu.memory_space<semaphore_mem>>) src(%dma_wait3A_122 : memref<632x128xf32, #tpu.memory_space<vmem_shared>>) dst(%dma_wait3A_120 : memref<632x128xf32, #tpu.memory_space<hbm>>)
        tpu.yield
      }) : () -> ()
    } else {
    }
    %eq3A_106 = arith.constant 1 : i32
    %eq3A_107 = arith.cmpi eq, %arg0, %eq3A_106 : i32
    %convert_element_type3A_108 = arith.extui %eq3A_107 : i1 to i32
    %cond3A_109 = arith.constant 0 : i32
    %cond3A_110 = arith.cmpi ne, %convert_element_type3A_108, %cond3A_109 : i32
    scf.if %cond3A_110 {
      %mul3A_111 = arith.constant 632 : i32
      %mul3A_112 = arith.muli %arg1, %mul3A_111 : i32
      %mul3A_113 = arith.constant 632 : i32
      %mul3A_114 = arith.muli %arg1, %mul3A_113 : i32
      "tpu.region"() ({
        %run_scoped3A = tpu.sem_alloc : memref<!tpu.dma_semaphore, #tpu.memory_space<semaphore_mem>>
        %dma_start3A_115 = arith.constant 0 : i32
        %dma_start3A_116 = tpu.memref_slice %arg6[%mul3A_114, %dma_start3A_115] : memref<10112x128xf32, #tpu.memory_space<hbm>> -> memref<632x128xf32, #tpu.memory_space<hbm>>
        %dma_start3A_117 = arith.constant 0 : i32
        %dma_start3A_118 = tpu.memref_slice %arg19[%mul3A_112, %dma_start3A_117] : memref<10112x128xf32, #tpu.memory_space<vmem_shared>> -> memref<632x128xf32, #tpu.memory_space<vmem_shared>>
        tpu.enqueue_dma source(%dma_start3A_118 : memref<632x128xf32, #tpu.memory_space<vmem_shared>>) target(%dma_start3A_116 : memref<632x128xf32, #tpu.memory_space<hbm>>) target_semaphore(%run_scoped3A : memref<!tpu.dma_semaphore, #tpu.memory_space<semaphore_mem>>)
        %dma_wait3A_119 = arith.constant 0 : i32
        %dma_wait3A_120 = tpu.memref_slice %arg6[%mul3A_114, %dma_wait3A_119] : memref<10112x128xf32, #tpu.memory_space<hbm>> -> memref<632x128xf32, #tpu.memory_space<hbm>>
        %dma_wait3A_121 = arith.constant 0 : i32
        %dma_wait3A_122 = tpu.memref_slice %arg19[%mul3A_112, %dma_wait3A_121] : memref<10112x128xf32, #tpu.memory_space<vmem_shared>> -> memref<632x128xf32, #tpu.memory_space<vmem_shared>>
        tpu.wait_dma2 semaphore(%run_scoped3A : memref<!tpu.dma_semaphore, #tpu.memory_space<semaphore_mem>>) src(%dma_wait3A_122 : memref<632x128xf32, #tpu.memory_space<vmem_shared>>) dst(%dma_wait3A_120 : memref<632x128xf32, #tpu.memory_space<hbm>>)
        tpu.yield
      }) : () -> ()
    } else {
    }
    return
  }
}

module attributes {stable_mosaic.version = 14 : i64} {
  func.func @_tc_mid_body(%arg0: i32, %arg1: memref<1000x128xf32, #tpu.memory_space<vmem>>, %arg2: memref<1000x128xf32, #tpu.memory_space<vmem>>, %arg3: memref<1000x128xf32, #tpu.memory_space<vmem>>, %arg4: memref<1000x1xf32, #tpu.memory_space<vmem>>, %arg5: memref<1x128xf32, #tpu.memory_space<vmem>>, %arg6: memref<128x128xf32, #tpu.memory_space<vmem>>, %arg7: memref<1000x128xf32, #tpu.memory_space<vmem>>) attributes {dimension_semantics = [#tpu.dimension_semantics<arbitrary>], iteration_bounds = array<i64: 10>, scalar_prefetch = 0 : i64, scratch_operands = 0 : i64, tpu.core_type = #tpu.core_type<tc>, window_params = [{transform_indices = @transform_0, window_bounds = array<i64: 1000, 128>}, {transform_indices = @transform_1, window_bounds = array<i64: 1000, 128>}, {transform_indices = @transform_2, window_bounds = array<i64: 1000, 128>}, {transform_indices = @transform_3, window_bounds = array<i64: 1000, 1>}, {pipeline_mode = #tpu.pipeline_mode<synchronous>, transform_indices = @transform_4, window_bounds = array<i64: 1, 128>}, {pipeline_mode = #tpu.pipeline_mode<synchronous>, transform_indices = @transform_5, window_bounds = array<i64: 128, 128>}, {transform_indices = @transform_6, window_bounds = array<i64: 1000, 128>}]} {
    %get3A = arith.constant 0 : index
    %get3A_0 = arith.constant 0 : index
    %get3A_1 = vector.load %arg4[%get3A, %get3A_0] : memref<1000x1xf32, #tpu.memory_space<vmem>>, vector<1000x1xf32>
    %get3A_2 = arith.constant 0 : index
    %get3A_3 = arith.constant 0 : index
    %get3A_4 = vector.load %arg1[%get3A_2, %get3A_3] : memref<1000x128xf32, #tpu.memory_space<vmem>>, vector<1000x128xf32>
    %get3A_5 = arith.constant 0 : index
    %get3A_6 = arith.constant 0 : index
    %get3A_7 = vector.load %arg2[%get3A_5, %get3A_6] : memref<1000x128xf32, #tpu.memory_space<vmem>>, vector<1000x128xf32>
    %add3A = arith.addf %get3A_4, %get3A_7 : vector<1000x128xf32>
    %get3A_8 = arith.constant 0 : index
    %get3A_9 = arith.constant 0 : index
    %get3A_10 = vector.load %arg3[%get3A_8, %get3A_9] : memref<1000x128xf32, #tpu.memory_space<vmem>>, vector<1000x128xf32>
    %add3A_11 = arith.addf %add3A, %get3A_10 : vector<1000x128xf32>
    %mul3A = vector.broadcast %get3A_1 : vector<1000x1xf32> to vector<1000x128xf32>
    %mul3A_12 = arith.mulf %mul3A, %add3A_11 : vector<1000x128xf32>
    %get3A_13 = arith.constant 0 : index
    %get3A_14 = arith.constant 0 : index
    %get3A_15 = vector.load %arg5[%get3A_13, %get3A_14] : memref<1x128xf32, #tpu.memory_space<vmem>>, vector<1x128xf32>
    %add3A_16 = vector.broadcast %get3A_15 : vector<1x128xf32> to vector<1000x128xf32>
    %add3A_17 = arith.addf %mul3A_12, %add3A_16 : vector<1000x128xf32>
    %max3A = arith.constant 0.000000e+00 : f32
    %max3A_18 = vector.broadcast %max3A : f32 to vector<1000x128xf32>
    %max3A_19 = arith.maximumf %add3A_17, %max3A_18 : vector<1000x128xf32>
    %get3A_20 = arith.constant 0 : index
    %get3A_21 = arith.constant 0 : index
    %get3A_22 = vector.load %arg6[%get3A_20, %get3A_21] : memref<128x128xf32, #tpu.memory_space<vmem>>, vector<128x128xf32>
    %dot_general3A = arith.constant dense<0.000000e+00> : vector<1000x128xf32>
    %dot_general3A_23 = tpu.matmul %max3A_19, %get3A_22, %dot_general3A {dimension_numbers = #tpu.dot_dimension_numbers<[1], [0], [0], [1], [0, 0, 1, 1], [], []>, precision = #tpu.contract_precision<fp32>, transpose_lhs_hint = false} : vector<1000x128xf32>, vector<128x128xf32>, vector<1000x128xf32> -> vector<1000x128xf32>
    %mul3A_24 = vector.broadcast %get3A_1 : vector<1000x1xf32> to vector<1000x128xf32>
    %mul3A_25 = arith.mulf %mul3A_24, %dot_general3A_23 : vector<1000x128xf32>
    %swap3A = arith.constant 0 : index
    %swap3A_26 = arith.constant 0 : index
    %swap3A_27 = vector.load %arg7[%swap3A, %swap3A_26] : memref<1000x128xf32, #tpu.memory_space<vmem>>, vector<1000x128xf32>
    tpu.vector_store %arg7[%swap3A, %swap3A_26], %mul3A_25 {strides = array<i32>} : memref<1000x128xf32, #tpu.memory_space<vmem>>, vector<1000x128xf32>,
    return
  }
  func.func @transform_0(%arg0: i32) -> (i32, i32) {
    %c0_i32 = arith.constant 0 : i32
    %c0_i32_0 = arith.constant 0 : i32
    return %arg0, %c0_i32 : i32, i32
  }
  func.func @transform_1(%arg0: i32) -> (i32, i32) {
    %c0_i32 = arith.constant 0 : i32
    %c0_i32_0 = arith.constant 0 : i32
    return %arg0, %c0_i32 : i32, i32
  }
  func.func @transform_2(%arg0: i32) -> (i32, i32) {
    %c0_i32 = arith.constant 0 : i32
    %c0_i32_0 = arith.constant 0 : i32
    return %arg0, %c0_i32 : i32, i32
  }
  func.func @transform_3(%arg0: i32) -> (i32, i32) {
    %c0_i32 = arith.constant 0 : i32
    %c0_i32_0 = arith.constant 0 : i32
    return %arg0, %c0_i32 : i32, i32
  }
  func.func @transform_4(%arg0: i32) -> (i32, i32) {
    %c0_i32 = arith.constant 0 : i32
    %c0_i32_0 = arith.constant 0 : i32
    %c0_i32_1 = arith.constant 0 : i32
    return %c0_i32, %c0_i32_0 : i32, i32
  }
  func.func @transform_5(%arg0: i32) -> (i32, i32) {
    %c0_i32 = arith.constant 0 : i32
    %c0_i32_0 = arith.constant 0 : i32
    %c0_i32_1 = arith.constant 0 : i32
    return %c0_i32, %c0_i32_0 : i32, i32
  }
  func.func @transform_6(%arg0: i32) -> (i32, i32) {
    %c0_i32 = arith.constant 0 : i32
    %c0_i32_0 = arith.constant 0 : i32
    return %arg0, %c0_i32 : i32, i32
  }
}

module attributes {stable_mosaic.version = 14 : i64} {
  func.func @_tc_pre_body(%arg0: i32, %arg1: memref<400x128xf32, #tpu.memory_space<vmem>>, %arg2: memref<128x128xf32, #tpu.memory_space<vmem>>, %arg3: memref<1x400x16xf32, #tpu.memory_space<vmem>>, %arg4: memref<1x400x16xf32, #tpu.memory_space<vmem>>, %arg5: memref<400x128xf32, #tpu.memory_space<vmem>>, %arg6: memref<400x1xf32, #tpu.memory_space<vmem>>) attributes {dimension_semantics = [#tpu.dimension_semantics<arbitrary>], iteration_bounds = array<i64: 25>, scalar_prefetch = 0 : i64, scratch_operands = 0 : i64, tpu.core_type = #tpu.core_type<tc>, window_params = [{transform_indices = @transform_0, window_bounds = array<i64: 400, 128>}, {pipeline_mode = #tpu.pipeline_mode<synchronous>, transform_indices = @transform_1, window_bounds = array<i64: 128, 128>}, {transform_indices = @transform_2, window_bounds = array<i64: 1, 400, 16>}, {transform_indices = @transform_3, window_bounds = array<i64: 1, 400, 16>}, {transform_indices = @transform_4, window_bounds = array<i64: 400, 128>}, {transform_indices = @transform_5, window_bounds = array<i64: 400, 1>}]} {
    %get3A = arith.constant 0 : index
    %get3A_0 = arith.constant 0 : index
    %get3A_1 = arith.constant 0 : index
    %get3A_2 = vector.load %arg3[%get3A, %get3A_0, %get3A_1] : memref<1x400x16xf32, #tpu.memory_space<vmem>>, vector<1x400x16xf32>
    %get3A_3 = vector.shape_cast %get3A_2 : vector<1x400x16xf32> to vector<400x16xf32>
    %slice3A = vector.extract_strided_slice %get3A_3 {offsets = [0, 0], sizes = [400, 1], strides = [1, 1]} : vector<400x16xf32> to vector<400x1xf32>
    %get3A_4 = arith.constant 0 : index
    %get3A_5 = arith.constant 0 : index
    %get3A_6 = arith.constant 0 : index
    %get3A_7 = vector.load %arg4[%get3A_4, %get3A_5, %get3A_6] : memref<1x400x16xf32, #tpu.memory_space<vmem>>, vector<1x400x16xf32>
    %get3A_8 = vector.shape_cast %get3A_7 : vector<1x400x16xf32> to vector<400x16xf32>
    %slice3A_9 = vector.extract_strided_slice %get3A_8 {offsets = [0, 0], sizes = [400, 1], strides = [1, 1]} : vector<400x16xf32> to vector<400x1xf32>
    %add3A = arith.addf %slice3A, %slice3A_9 : vector<400x1xf32>
    %reduce_sum3A = arith.constant dense<0.000000e+00> : vector<400xf32>
    %reduce_sum3A_10 = vector.multi_reduction <add>, %add3A, %reduce_sum3A [1] : vector<400x1xf32> to vector<400xf32>
    %broadcast_in_dim3A = vector.shape_cast %reduce_sum3A_10 : vector<400xf32> to vector<400x1xf32>
    %add3A_11 = arith.constant 1.000000e+00 : f32
    %add3A_12 = vector.broadcast %add3A_11 : f32 to vector<400x1xf32>
    %add3A_13 = arith.addf %broadcast_in_dim3A, %add3A_12 : vector<400x1xf32>
    %rsqrt3A = math.rsqrt %add3A_13 : vector<400x1xf32>
    %get3A_14 = arith.constant 0 : index
    %get3A_15 = arith.constant 0 : index
    %get3A_16 = vector.load %arg1[%get3A_14, %get3A_15] : memref<400x128xf32, #tpu.memory_space<vmem>>, vector<400x128xf32>
    %get3A_17 = arith.constant 0 : index
    %get3A_18 = arith.constant 0 : index
    %get3A_19 = vector.load %arg2[%get3A_17, %get3A_18] : memref<128x128xf32, #tpu.memory_space<vmem>>, vector<128x128xf32>
    %dot_general3A = arith.constant dense<0.000000e+00> : vector<400x128xf32>
    %dot_general3A_20 = tpu.matmul %get3A_16, %get3A_19, %dot_general3A {dimension_numbers = #tpu.dot_dimension_numbers<[1], [0], [0], [1], [0, 0, 1, 1], [], []>, precision = #tpu.contract_precision<fp32>, transpose_lhs_hint = false} : vector<400x128xf32>, vector<128x128xf32>, vector<400x128xf32> -> vector<400x128xf32>
    %mul3A = vector.broadcast %rsqrt3A : vector<400x1xf32> to vector<400x128xf32>
    %mul3A_21 = arith.mulf %mul3A, %dot_general3A_20 : vector<400x128xf32>
    %swap3A = arith.constant 0 : index
    %swap3A_22 = arith.constant 0 : index
    %swap3A_23 = vector.load %arg5[%swap3A, %swap3A_22] : memref<400x128xf32, #tpu.memory_space<vmem>>, vector<400x128xf32>
    tpu.vector_store %arg5[%swap3A, %swap3A_22], %mul3A_21 {strides = array<i32>} : memref<400x128xf32, #tpu.memory_space<vmem>>, vector<400x128xf32>,
    %swap3A_24 = arith.constant 0 : index
    %swap3A_25 = arith.constant 0 : index
    %swap3A_26 = vector.load %arg6[%swap3A_24, %swap3A_25] : memref<400x1xf32, #tpu.memory_space<vmem>>, vector<400x1xf32>
    tpu.vector_store %arg6[%swap3A_24, %swap3A_25], %rsqrt3A {strides = array<i32>} : memref<400x1xf32, #tpu.memory_space<vmem>>, vector<400x1xf32>,
    return
  }
  func.func @transform_0(%arg0: i32) -> (i32, i32) {
    %c0_i32 = arith.constant 0 : i32
    %c0_i32_0 = arith.constant 0 : i32
    return %arg0, %c0_i32 : i32, i32
  }
  func.func @transform_1(%arg0: i32) -> (i32, i32) {
    %c0_i32 = arith.constant 0 : i32
    %c0_i32_0 = arith.constant 0 : i32
    %c0_i32_1 = arith.constant 0 : i32
    return %c0_i32, %c0_i32_0 : i32, i32
  }
  func.func @transform_2(%arg0: i32) -> (i32, i32, i32) {
    %c0_i32 = arith.constant 0 : i32
    %c0_i32_0 = arith.constant 0 : i32
    %c0_i32_1 = arith.constant 0 : i32
    return %c0_i32, %arg0, %c0_i32_0 : i32, i32, i32
  }
  func.func @transform_3(%arg0: i32) -> (i32, i32, i32) {
    %c1_i32 = arith.constant 1 : i32
    %c0_i32 = arith.constant 0 : i32
    %c0_i32_0 = arith.constant 0 : i32
    return %c1_i32, %arg0, %c0_i32 : i32, i32, i32
  }
  func.func @transform_4(%arg0: i32) -> (i32, i32) {
    %c0_i32 = arith.constant 0 : i32
    %c0_i32_0 = arith.constant 0 : i32
    return %arg0, %c0_i32 : i32, i32
  }
  func.func @transform_5(%arg0: i32) -> (i32, i32) {
    %c0_i32 = arith.constant 0 : i32
    %c0_i32_0 = arith.constant 0 : i32
    return %arg0, %c0_i32 : i32, i32
  }
}

module attributes {stable_mosaic.version = 14 : i64} {
  func.func @_tc_fin_body(%arg0: i32, %arg1: memref<400x128xf32, #tpu.memory_space<vmem>>, %arg2: memref<400x128xf32, #tpu.memory_space<vmem>>, %arg3: memref<400x128xf32, #tpu.memory_space<vmem>>, %arg4: memref<400x1xf32, #tpu.memory_space<vmem>>, %arg5: memref<1x128xf32, #tpu.memory_space<vmem>>, %arg6: memref<1x1x400xi32, #tpu.memory_space<vmem>>, %arg7: memref<400x1xi32, #tpu.memory_space<vmem>>, %arg8: memref<256x10xf32, #tpu.memory_space<vmem>>, %arg9: memref<1x10xf32, #tpu.memory_space<vmem>>, %arg10: memref<64x10xf32, #tpu.memory_space<vmem>>, %arg11: memref<64x128xf32, #tpu.memory_space<vmem>>, %arg12: memref<64x128xf32, #tpu.memory_space<vmem>>, %arg13: memref<64x1xf32, #tpu.memory_space<vmem>>) attributes {dimension_semantics = [#tpu.dimension_semantics<arbitrary>], iteration_bounds = array<i64: 25>, scalar_prefetch = 0 : i64, scratch_operands = 3 : i64, tpu.core_type = #tpu.core_type<tc>, window_params = [{transform_indices = @transform_0, window_bounds = array<i64: 400, 128>}, {transform_indices = @transform_1, window_bounds = array<i64: 400, 128>}, {transform_indices = @transform_2, window_bounds = array<i64: 400, 128>}, {transform_indices = @transform_3, window_bounds = array<i64: 400, 1>}, {pipeline_mode = #tpu.pipeline_mode<synchronous>, transform_indices = @transform_4, window_bounds = array<i64: 1, 128>}, {transform_indices = @transform_5, window_bounds = array<i64: 1, 1, 400>}, {transform_indices = @transform_6, window_bounds = array<i64: 400, 1>}, {pipeline_mode = #tpu.pipeline_mode<synchronous>, transform_indices = @transform_7, window_bounds = array<i64: 256, 10>}, {pipeline_mode = #tpu.pipeline_mode<synchronous>, transform_indices = @transform_8, window_bounds = array<i64: 1, 10>}, {pipeline_mode = #tpu.pipeline_mode<synchronous>, transform_indices = @transform_9, window_bounds = array<i64: 64, 10>}]} {
    %eq3A = arith.constant 0 : i32
    %eq3A_0 = arith.cmpi eq, %arg0, %eq3A : i32
    %convert_element_type3A = arith.extui %eq3A_0 : i1 to i32
    %cond3A = arith.constant 0 : i32
    %cond3A_1 = arith.cmpi ne, %convert_element_type3A, %cond3A : i32
    scf.if %cond3A_1 {
      %broadcast_in_dim3A_188 = arith.constant 0.000000e+00 : f32
      %broadcast_in_dim3A_189 = vector.broadcast %broadcast_in_dim3A_188 : f32 to vector<64x128xf32>
      %swap3A_190 = arith.constant 0 : index
      %swap3A_191 = arith.constant 0 : index
      %swap3A_192 = vector.load %arg11[%swap3A_190, %swap3A_191] : memref<64x128xf32, #tpu.memory_space<vmem>>, vector<64x128xf32>
      tpu.vector_store %arg11[%swap3A_190, %swap3A_191], %broadcast_in_dim3A_189 {strides = array<i32>} : memref<64x128xf32, #tpu.memory_space<vmem>>, vector<64x128xf32>,
      %broadcast_in_dim3A_193 = arith.constant 0xFF800000 : f32
      %broadcast_in_dim3A_194 = vector.broadcast %broadcast_in_dim3A_193 : f32 to vector<64x128xf32>
      %swap3A_195 = arith.constant 0 : index
      %swap3A_196 = arith.constant 0 : index
      %swap3A_197 = vector.load %arg12[%swap3A_195, %swap3A_196] : memref<64x128xf32, #tpu.memory_space<vmem>>, vector<64x128xf32>
      tpu.vector_store %arg12[%swap3A_195, %swap3A_196], %broadcast_in_dim3A_194 {strides = array<i32>} : memref<64x128xf32, #tpu.memory_space<vmem>>, vector<64x128xf32>,
      %broadcast_in_dim3A_198 = arith.constant 0.000000e+00 : f32
      %broadcast_in_dim3A_199 = vector.broadcast %broadcast_in_dim3A_198 : f32 to vector<64x1xf32>
      %swap3A_200 = arith.constant 0 : index
      %swap3A_201 = arith.constant 0 : index
      %swap3A_202 = vector.load %arg13[%swap3A_200, %swap3A_201] : memref<64x1xf32, #tpu.memory_space<vmem>>, vector<64x1xf32>
      tpu.vector_store %arg13[%swap3A_200, %swap3A_201], %broadcast_in_dim3A_199 {strides = array<i32>} : memref<64x1xf32, #tpu.memory_space<vmem>>, vector<64x1xf32>,
    } else {
    }
    %get3A = arith.constant 0 : index
    %get3A_2 = arith.constant 0 : index
    %get3A_3 = vector.load %arg4[%get3A, %get3A_2] : memref<400x1xf32, #tpu.memory_space<vmem>>, vector<400x1xf32>
    %get3A_4 = arith.constant 0 : index
    %get3A_5 = arith.constant 0 : index
    %get3A_6 = vector.load %arg1[%get3A_4, %get3A_5] : memref<400x128xf32, #tpu.memory_space<vmem>>, vector<400x128xf32>
    %get3A_7 = arith.constant 0 : index
    %get3A_8 = arith.constant 0 : index
    %get3A_9 = vector.load %arg2[%get3A_7, %get3A_8] : memref<400x128xf32, #tpu.memory_space<vmem>>, vector<400x128xf32>
    %add3A = arith.addf %get3A_6, %get3A_9 : vector<400x128xf32>
    %get3A_10 = arith.constant 0 : index
    %get3A_11 = arith.constant 0 : index
    %get3A_12 = vector.load %arg3[%get3A_10, %get3A_11] : memref<400x128xf32, #tpu.memory_space<vmem>>, vector<400x128xf32>
    %add3A_13 = arith.addf %add3A, %get3A_12 : vector<400x128xf32>
    %mul3A = vector.broadcast %get3A_3 : vector<400x1xf32> to vector<400x128xf32>
    %mul3A_14 = arith.mulf %mul3A, %add3A_13 : vector<400x128xf32>
    %get3A_15 = arith.constant 0 : index
    %get3A_16 = arith.constant 0 : index
    %get3A_17 = vector.load %arg5[%get3A_15, %get3A_16] : memref<1x128xf32, #tpu.memory_space<vmem>>, vector<1x128xf32>
    %add3A_18 = vector.broadcast %get3A_17 : vector<1x128xf32> to vector<400x128xf32>
    %add3A_19 = arith.addf %mul3A_14, %add3A_18 : vector<400x128xf32>
    %get3A_20 = arith.constant 0 : index
    %get3A_21 = arith.constant 0 : index
    %get3A_22 = arith.constant 0 : index
    %get3A_23 = vector.load %arg6[%get3A_20, %get3A_21, %get3A_22] : memref<1x1x400xi32, #tpu.memory_space<vmem>>, vector<1x1x400xi32>
    %get3A_24 = vector.shape_cast %get3A_23 : vector<1x1x400xi32> to vector<1x400xi32>
    %get3A_25 = arith.constant 0 : index
    %get3A_26 = arith.constant 0 : index
    %get3A_27 = vector.load %arg7[%get3A_25, %get3A_26] : memref<400x1xi32, #tpu.memory_space<vmem>>, vector<400x1xi32>
    %iota3A = tpu.iota {dimensions = array<i32: 0>} : vector<64x400xi32>
    %eq3A_28 = vector.broadcast %get3A_24 : vector<1x400xi32> to vector<64x400xi32>
    %eq3A_29 = arith.cmpi eq, %eq3A_28, %iota3A : vector<64x400xi32>
    %convert_element_type3A_30 = arith.extui %eq3A_29 : vector<64x400xi1> to vector<64x400xi32>
    %convert_element_type3A_31 = arith.sitofp %convert_element_type3A_30 : vector<64x400xi32> to vector<64x400xf32>
    %dot_general3A = arith.constant dense<0.000000e+00> : vector<64x128xf32>
    %dot_general3A_32 = tpu.matmul %convert_element_type3A_31, %add3A_19, %dot_general3A {dimension_numbers = #tpu.dot_dimension_numbers<[1], [0], [0], [1], [0, 0, 1, 1], [], []>, precision = #tpu.contract_precision<fp32>, transpose_lhs_hint = false} : vector<64x400xf32>, vector<400x128xf32>, vector<64x128xf32> -> vector<64x128xf32>
    %reduce_sum3A = arith.constant dense<0.000000e+00> : vector<64xf32>
    %reduce_sum3A_33 = vector.multi_reduction <add>, %convert_element_type3A_31, %reduce_sum3A [1] : vector<64x400xf32> to vector<64xf32>
    %broadcast_in_dim3A = vector.shape_cast %reduce_sum3A_33 : vector<64xf32> to vector<64x1xf32>
    %broadcast_in_dim3A_34 = arith.constant 0xFF800000 : f32
    %broadcast_in_dim3A_35 = vector.broadcast %broadcast_in_dim3A_34 : f32 to vector<1x128xf32>
    %slice3A = vector.extract_strided_slice %add3A_19 {offsets = [0, 0], sizes = [399, 128], strides = [1, 1]} : vector<400x128xf32> to vector<399x128xf32>
    %concatenate3A = tpu.concatenate %broadcast_in_dim3A_35, %slice3A in 0 : vector<1x128xf32>, vector<399x128xf32> -> vector<400x128xf32>
    %broadcast_in_dim3A_36 = arith.constant -1 : i32
    %broadcast_in_dim3A_37 = vector.broadcast %broadcast_in_dim3A_36 : i32 to vector<1x1xi32>
    %slice3A_38 = vector.extract_strided_slice %get3A_27 {offsets = [0, 0], sizes = [399, 1], strides = [1, 1]} : vector<400x1xi32> to vector<399x1xi32>
    %concatenate3A_39 = tpu.concatenate %broadcast_in_dim3A_37, %slice3A_38 in 0 : vector<1x1xi32>, vector<399x1xi32> -> vector<400x1xi32>
    %eq3A_40 = arith.cmpi eq, %concatenate3A_39, %get3A_27 : vector<400x1xi32>
    %max3A = arith.maximumf %add3A_19, %concatenate3A : vector<400x128xf32>
    %broadcast_in_dim3A_41 = vector.shape_cast %eq3A_40 : vector<400x1xi1> to vector<400x1xi1>
    %broadcast_in_dim3A_42 = vector.broadcast %broadcast_in_dim3A_41 : vector<400x1xi1> to vector<400x128xi1>
    %select_n3A = arith.select %broadcast_in_dim3A_42, %max3A, %add3A_19 : vector<400x128xi1>, vector<400x128xf32>
    %broadcast_in_dim3A_43 = arith.constant 0xFF800000 : f32
    %broadcast_in_dim3A_44 = vector.broadcast %broadcast_in_dim3A_43 : f32 to vector<2x128xf32>
    %slice3A_45 = vector.extract_strided_slice %select_n3A {offsets = [0, 0], sizes = [398, 128], strides = [1, 1]} : vector<400x128xf32> to vector<398x128xf32>
    %concatenate3A_46 = tpu.concatenate %broadcast_in_dim3A_44, %slice3A_45 in 0 : vector<2x128xf32>, vector<398x128xf32> -> vector<400x128xf32>
    %broadcast_in_dim3A_47 = arith.constant -1 : i32
    %broadcast_in_dim3A_48 = vector.broadcast %broadcast_in_dim3A_47 : i32 to vector<2x1xi32>
    %slice3A_49 = vector.extract_strided_slice %get3A_27 {offsets = [0, 0], sizes = [398, 1], strides = [1, 1]} : vector<400x1xi32> to vector<398x1xi32>
    %concatenate3A_50 = tpu.concatenate %broadcast_in_dim3A_48, %slice3A_49 in 0 : vector<2x1xi32>, vector<398x1xi32> -> vector<400x1xi32>
    %eq3A_51 = arith.cmpi eq, %concatenate3A_50, %get3A_27 : vector<400x1xi32>
    %max3A_52 = arith.maximumf %select_n3A, %concatenate3A_46 : vector<400x128xf32>
    %broadcast_in_dim3A_53 = vector.shape_cast %eq3A_51 : vector<400x1xi1> to vector<400x1xi1>
    %broadcast_in_dim3A_54 = vector.broadcast %broadcast_in_dim3A_53 : vector<400x1xi1> to vector<400x128xi1>
    %select_n3A_55 = arith.select %broadcast_in_dim3A_54, %max3A_52, %select_n3A : vector<400x128xi1>, vector<400x128xf32>
    %broadcast_in_dim3A_56 = arith.constant 0xFF800000 : f32
    %broadcast_in_dim3A_57 = vector.broadcast %broadcast_in_dim3A_56 : f32 to vector<4x128xf32>
    %slice3A_58 = vector.extract_strided_slice %select_n3A_55 {offsets = [0, 0], sizes = [396, 128], strides = [1, 1]} : vector<400x128xf32> to vector<396x128xf32>
    %concatenate3A_59 = tpu.concatenate %broadcast_in_dim3A_57, %slice3A_58 in 0 : vector<4x128xf32>, vector<396x128xf32> -> vector<400x128xf32>
    %broadcast_in_dim3A_60 = arith.constant -1 : i32
    %broadcast_in_dim3A_61 = vector.broadcast %broadcast_in_dim3A_60 : i32 to vector<4x1xi32>
    %slice3A_62 = vector.extract_strided_slice %get3A_27 {offsets = [0, 0], sizes = [396, 1], strides = [1, 1]} : vector<400x1xi32> to vector<396x1xi32>
    %concatenate3A_63 = tpu.concatenate %broadcast_in_dim3A_61, %slice3A_62 in 0 : vector<4x1xi32>, vector<396x1xi32> -> vector<400x1xi32>
    %eq3A_64 = arith.cmpi eq, %concatenate3A_63, %get3A_27 : vector<400x1xi32>
    %max3A_65 = arith.maximumf %select_n3A_55, %concatenate3A_59 : vector<400x128xf32>
    %broadcast_in_dim3A_66 = vector.shape_cast %eq3A_64 : vector<400x1xi1> to vector<400x1xi1>
    %broadcast_in_dim3A_67 = vector.broadcast %broadcast_in_dim3A_66 : vector<400x1xi1> to vector<400x128xi1>
    %select_n3A_68 = arith.select %broadcast_in_dim3A_67, %max3A_65, %select_n3A_55 : vector<400x128xi1>, vector<400x128xf32>
    %broadcast_in_dim3A_69 = arith.constant 0xFF800000 : f32
    %broadcast_in_dim3A_70 = vector.broadcast %broadcast_in_dim3A_69 : f32 to vector<8x128xf32>
    %slice3A_71 = vector.extract_strided_slice %select_n3A_68 {offsets = [0, 0], sizes = [392, 128], strides = [1, 1]} : vector<400x128xf32> to vector<392x128xf32>
    %concatenate3A_72 = tpu.concatenate %broadcast_in_dim3A_70, %slice3A_71 in 0 : vector<8x128xf32>, vector<392x128xf32> -> vector<400x128xf32>
    %broadcast_in_dim3A_73 = arith.constant -1 : i32
    %broadcast_in_dim3A_74 = vector.broadcast %broadcast_in_dim3A_73 : i32 to vector<8x1xi32>
    %slice3A_75 = vector.extract_strided_slice %get3A_27 {offsets = [0, 0], sizes = [392, 1], strides = [1, 1]} : vector<400x1xi32> to vector<392x1xi32>
    %concatenate3A_76 = tpu.concatenate %broadcast_in_dim3A_74, %slice3A_75 in 0 : vector<8x1xi32>, vector<392x1xi32> -> vector<400x1xi32>
    %eq3A_77 = arith.cmpi eq, %concatenate3A_76, %get3A_27 : vector<400x1xi32>
    %max3A_78 = arith.maximumf %select_n3A_68, %concatenate3A_72 : vector<400x128xf32>
    %broadcast_in_dim3A_79 = vector.shape_cast %eq3A_77 : vector<400x1xi1> to vector<400x1xi1>
    %broadcast_in_dim3A_80 = vector.broadcast %broadcast_in_dim3A_79 : vector<400x1xi1> to vector<400x128xi1>
    %select_n3A_81 = arith.select %broadcast_in_dim3A_80, %max3A_78, %select_n3A_68 : vector<400x128xi1>, vector<400x128xf32>
    %broadcast_in_dim3A_82 = arith.constant 0xFF800000 : f32
    %broadcast_in_dim3A_83 = vector.broadcast %broadcast_in_dim3A_82 : f32 to vector<16x128xf32>
    %slice3A_84 = vector.extract_strided_slice %select_n3A_81 {offsets = [0, 0], sizes = [384, 128], strides = [1, 1]} : vector<400x128xf32> to vector<384x128xf32>
    %concatenate3A_85 = tpu.concatenate %broadcast_in_dim3A_83, %slice3A_84 in 0 : vector<16x128xf32>, vector<384x128xf32> -> vector<400x128xf32>
    %broadcast_in_dim3A_86 = arith.constant -1 : i32
    %broadcast_in_dim3A_87 = vector.broadcast %broadcast_in_dim3A_86 : i32 to vector<16x1xi32>
    %slice3A_88 = vector.extract_strided_slice %get3A_27 {offsets = [0, 0], sizes = [384, 1], strides = [1, 1]} : vector<400x1xi32> to vector<384x1xi32>
    %concatenate3A_89 = tpu.concatenate %broadcast_in_dim3A_87, %slice3A_88 in 0 : vector<16x1xi32>, vector<384x1xi32> -> vector<400x1xi32>
    %eq3A_90 = arith.cmpi eq, %concatenate3A_89, %get3A_27 : vector<400x1xi32>
    %max3A_91 = arith.maximumf %select_n3A_81, %concatenate3A_85 : vector<400x128xf32>
    %broadcast_in_dim3A_92 = vector.shape_cast %eq3A_90 : vector<400x1xi1> to vector<400x1xi1>
    %broadcast_in_dim3A_93 = vector.broadcast %broadcast_in_dim3A_92 : vector<400x1xi1> to vector<400x128xi1>
    %select_n3A_94 = arith.select %broadcast_in_dim3A_93, %max3A_91, %select_n3A_81 : vector<400x128xi1>, vector<400x128xf32>
    %broadcast_in_dim3A_95 = arith.constant 0xFF800000 : f32
    %broadcast_in_dim3A_96 = vector.broadcast %broadcast_in_dim3A_95 : f32 to vector<32x128xf32>
    %slice3A_97 = vector.extract_strided_slice %select_n3A_94 {offsets = [0, 0], sizes = [368, 128], strides = [1, 1]} : vector<400x128xf32> to vector<368x128xf32>
    %concatenate3A_98 = tpu.concatenate %broadcast_in_dim3A_96, %slice3A_97 in 0 : vector<32x128xf32>, vector<368x128xf32> -> vector<400x128xf32>
    %broadcast_in_dim3A_99 = arith.constant -1 : i32
    %broadcast_in_dim3A_100 = vector.broadcast %broadcast_in_dim3A_99 : i32 to vector<32x1xi32>
    %slice3A_101 = vector.extract_strided_slice %get3A_27 {offsets = [0, 0], sizes = [368, 1], strides = [1, 1]} : vector<400x1xi32> to vector<368x1xi32>
    %concatenate3A_102 = tpu.concatenate %broadcast_in_dim3A_100, %slice3A_101 in 0 : vector<32x1xi32>, vector<368x1xi32> -> vector<400x1xi32>
    %eq3A_103 = arith.cmpi eq, %concatenate3A_102, %get3A_27 : vector<400x1xi32>
    %max3A_104 = arith.maximumf %select_n3A_94, %concatenate3A_98 : vector<400x128xf32>
    %broadcast_in_dim3A_105 = vector.shape_cast %eq3A_103 : vector<400x1xi1> to vector<400x1xi1>
    %broadcast_in_dim3A_106 = vector.broadcast %broadcast_in_dim3A_105 : vector<400x1xi1> to vector<400x128xi1>
    %select_n3A_107 = arith.select %broadcast_in_dim3A_106, %max3A_104, %select_n3A_94 : vector<400x128xi1>, vector<400x128xf32>
    %broadcast_in_dim3A_108 = arith.constant 0xFF800000 : f32
    %broadcast_in_dim3A_109 = vector.broadcast %broadcast_in_dim3A_108 : f32 to vector<64x128xf32>
    %slice3A_110 = vector.extract_strided_slice %select_n3A_107 {offsets = [0, 0], sizes = [336, 128], strides = [1, 1]} : vector<400x128xf32> to vector<336x128xf32>
    %concatenate3A_111 = tpu.concatenate %broadcast_in_dim3A_109, %slice3A_110 in 0 : vector<64x128xf32>, vector<336x128xf32> -> vector<400x128xf32>
    %broadcast_in_dim3A_112 = arith.constant -1 : i32
    %broadcast_in_dim3A_113 = vector.broadcast %broadcast_in_dim3A_112 : i32 to vector<64x1xi32>
    %slice3A_114 = vector.extract_strided_slice %get3A_27 {offsets = [0, 0], sizes = [336, 1], strides = [1, 1]} : vector<400x1xi32> to vector<336x1xi32>
    %concatenate3A_115 = tpu.concatenate %broadcast_in_dim3A_113, %slice3A_114 in 0 : vector<64x1xi32>, vector<336x1xi32> -> vector<400x1xi32>
    %eq3A_116 = arith.cmpi eq, %concatenate3A_115, %get3A_27 : vector<400x1xi32>
    %max3A_117 = arith.maximumf %select_n3A_107, %concatenate3A_111 : vector<400x128xf32>
    %broadcast_in_dim3A_118 = vector.shape_cast %eq3A_116 : vector<400x1xi1> to vector<400x1xi1>
    %broadcast_in_dim3A_119 = vector.broadcast %broadcast_in_dim3A_118 : vector<400x1xi1> to vector<400x128xi1>
    %select_n3A_120 = arith.select %broadcast_in_dim3A_119, %max3A_117, %select_n3A_107 : vector<400x128xi1>, vector<400x128xf32>
    %broadcast_in_dim3A_121 = arith.constant 0xFF800000 : f32
    %broadcast_in_dim3A_122 = vector.broadcast %broadcast_in_dim3A_121 : f32 to vector<128x128xf32>
    %slice3A_123 = vector.extract_strided_slice %select_n3A_120 {offsets = [0, 0], sizes = [272, 128], strides = [1, 1]} : vector<400x128xf32> to vector<272x128xf32>
    %concatenate3A_124 = tpu.concatenate %broadcast_in_dim3A_122, %slice3A_123 in 0 : vector<128x128xf32>, vector<272x128xf32> -> vector<400x128xf32>
    %broadcast_in_dim3A_125 = arith.constant -1 : i32
    %broadcast_in_dim3A_126 = vector.broadcast %broadcast_in_dim3A_125 : i32 to vector<128x1xi32>
    %slice3A_127 = vector.extract_strided_slice %get3A_27 {offsets = [0, 0], sizes = [272, 1], strides = [1, 1]} : vector<400x1xi32> to vector<272x1xi32>
    %concatenate3A_128 = tpu.concatenate %broadcast_in_dim3A_126, %slice3A_127 in 0 : vector<128x1xi32>, vector<272x1xi32> -> vector<400x1xi32>
    %eq3A_129 = arith.cmpi eq, %concatenate3A_128, %get3A_27 : vector<400x1xi32>
    %max3A_130 = arith.maximumf %select_n3A_120, %concatenate3A_124 : vector<400x128xf32>
    %broadcast_in_dim3A_131 = vector.shape_cast %eq3A_129 : vector<400x1xi1> to vector<400x1xi1>
    %broadcast_in_dim3A_132 = vector.broadcast %broadcast_in_dim3A_131 : vector<400x1xi1> to vector<400x128xi1>
    %select_n3A_133 = arith.select %broadcast_in_dim3A_132, %max3A_130, %select_n3A_120 : vector<400x128xi1>, vector<400x128xf32>
    %broadcast_in_dim3A_134 = arith.constant 0xFF800000 : f32
    %broadcast_in_dim3A_135 = vector.broadcast %broadcast_in_dim3A_134 : f32 to vector<256x128xf32>
    %slice3A_136 = vector.extract_strided_slice %select_n3A_133 {offsets = [0, 0], sizes = [144, 128], strides = [1, 1]} : vector<400x128xf32> to vector<144x128xf32>
    %concatenate3A_137 = tpu.concatenate %broadcast_in_dim3A_135, %slice3A_136 in 0 : vector<256x128xf32>, vector<144x128xf32> -> vector<400x128xf32>
    %broadcast_in_dim3A_138 = arith.constant -1 : i32
    %broadcast_in_dim3A_139 = vector.broadcast %broadcast_in_dim3A_138 : i32 to vector<256x1xi32>
    %slice3A_140 = vector.extract_strided_slice %get3A_27 {offsets = [0, 0], sizes = [144, 1], strides = [1, 1]} : vector<400x1xi32> to vector<144x1xi32>
    %concatenate3A_141 = tpu.concatenate %broadcast_in_dim3A_139, %slice3A_140 in 0 : vector<256x1xi32>, vector<144x1xi32> -> vector<400x1xi32>
    %eq3A_142 = arith.cmpi eq, %concatenate3A_141, %get3A_27 : vector<400x1xi32>
    %max3A_143 = arith.maximumf %select_n3A_133, %concatenate3A_137 : vector<400x128xf32>
    %broadcast_in_dim3A_144 = vector.shape_cast %eq3A_142 : vector<400x1xi1> to vector<400x1xi1>
    %broadcast_in_dim3A_145 = vector.broadcast %broadcast_in_dim3A_144 : vector<400x1xi1> to vector<400x128xi1>
    %select_n3A_146 = arith.select %broadcast_in_dim3A_145, %max3A_143, %select_n3A_133 : vector<400x128xi1>, vector<400x128xf32>
    %slice3A_147 = vector.extract_strided_slice %get3A_24 {offsets = [0, 1], sizes = [1, 399], strides = [1, 1]} : vector<1x400xi32> to vector<1x399xi32>
    %broadcast_in_dim3A_148 = arith.constant -1 : i32
    %broadcast_in_dim3A_149 = vector.broadcast %broadcast_in_dim3A_148 : i32 to vector<1x1xi32>
    %concatenate3A_150 = tpu.concatenate %slice3A_147, %broadcast_in_dim3A_149 in 1 : vector<1x399xi32>, vector<1x1xi32> -> vector<1x400xi32>
    %ne3A = arith.cmpi ne, %get3A_24, %concatenate3A_150 : vector<1x400xi32>
    %convert_element_type3A_151 = arith.extui %ne3A : vector<1x400xi1> to vector<1x400xi32>
    %convert_element_type3A_152 = arith.sitofp %convert_element_type3A_151 : vector<1x400xi32> to vector<1x400xf32>
    %mul3A_153 = vector.broadcast %convert_element_type3A_152 : vector<1x400xf32> to vector<64x400xf32>
    %mul3A_154 = arith.mulf %convert_element_type3A_31, %mul3A_153 : vector<64x400xf32>
    %dot_general3A_155 = arith.constant dense<0.000000e+00> : vector<64x128xf32>
    %dot_general3A_156 = tpu.matmul %mul3A_154, %select_n3A_146, %dot_general3A_155 {dimension_numbers = #tpu.dot_dimension_numbers<[1], [0], [0], [1], [0, 0, 1, 1], [], []>, precision = #tpu.contract_precision<fp32>, transpose_lhs_hint = false} : vector<64x400xf32>, vector<400x128xf32>, vector<64x128xf32> -> vector<64x128xf32>
    %gt3A = arith.constant 0.000000e+00 : f32
    %gt3A_157 = vector.broadcast %gt3A : f32 to vector<64x1xf32>
    %gt3A_158 = arith.cmpf ogt, %broadcast_in_dim3A, %gt3A_157 : vector<64x1xf32>
    %jit3A = arith.constant 0xFF800000 : f32
    %broadcast_in_dim3A_159 = vector.shape_cast %gt3A_158 : vector<64x1xi1> to vector<64x1xi1>
    %broadcast_in_dim3A_160 = vector.broadcast %broadcast_in_dim3A_159 : vector<64x1xi1> to vector<64x128xi1>
    %broadcast_in_dim3A_161 = vector.broadcast %jit3A : f32 to vector<64x128xf32>
    %select_n3A_162 = arith.select %broadcast_in_dim3A_160, %dot_general3A_156, %broadcast_in_dim3A_161 : vector<64x128xi1>, vector<64x128xf32>
    %get3A_163 = arith.constant 0 : index
    %get3A_164 = arith.constant 0 : index
    %get3A_165 = vector.load %arg11[%get3A_163, %get3A_164] : memref<64x128xf32, #tpu.memory_space<vmem>>, vector<64x128xf32>
    %add3A_166 = arith.addf %get3A_165, %dot_general3A_32 : vector<64x128xf32>
    %swap3A = arith.constant 0 : index
    %swap3A_167 = arith.constant 0 : index
    %swap3A_168 = vector.load %arg11[%swap3A, %swap3A_167] : memref<64x128xf32, #tpu.memory_space<vmem>>, vector<64x128xf32>
    tpu.vector_store %arg11[%swap3A, %swap3A_167], %add3A_166 {strides = array<i32>} : memref<64x128xf32, #tpu.memory_space<vmem>>, vector<64x128xf32>,
    %get3A_169 = arith.constant 0 : index
    %get3A_170 = arith.constant 0 : index
    %get3A_171 = vector.load %arg13[%get3A_169, %get3A_170] : memref<64x1xf32, #tpu.memory_space<vmem>>, vector<64x1xf32>
    %add3A_172 = arith.addf %get3A_171, %broadcast_in_dim3A : vector<64x1xf32>
    %swap3A_173 = arith.constant 0 : index
    %swap3A_174 = arith.constant 0 : index
    %swap3A_175 = vector.load %arg13[%swap3A_173, %swap3A_174] : memref<64x1xf32, #tpu.memory_space<vmem>>, vector<64x1xf32>
    tpu.vector_store %arg13[%swap3A_173, %swap3A_174], %add3A_172 {strides = array<i32>} : memref<64x1xf32, #tpu.memory_space<vmem>>, vector<64x1xf32>,
    %get3A_176 = arith.constant 0 : index
    %get3A_177 = arith.constant 0 : index
    %get3A_178 = vector.load %arg12[%get3A_176, %get3A_177] : memref<64x128xf32, #tpu.memory_space<vmem>>, vector<64x128xf32>
    %max3A_179 = arith.maximumf %get3A_178, %select_n3A_162 : vector<64x128xf32>
    %swap3A_180 = arith.constant 0 : index
    %swap3A_181 = arith.constant 0 : index
    %swap3A_182 = vector.load %arg12[%swap3A_180, %swap3A_181] : memref<64x128xf32, #tpu.memory_space<vmem>>, vector<64x128xf32>
    tpu.vector_store %arg12[%swap3A_180, %swap3A_181], %max3A_179 {strides = array<i32>} : memref<64x128xf32, #tpu.memory_space<vmem>>, vector<64x128xf32>,
    %eq3A_183 = arith.constant 24 : i32
    %eq3A_184 = arith.cmpi eq, %arg0, %eq3A_183 : i32
    %convert_element_type3A_185 = arith.extui %eq3A_184 : i1 to i32
    %cond3A_186 = arith.constant 0 : i32
    %cond3A_187 = arith.cmpi ne, %convert_element_type3A_185, %cond3A_186 : i32
    scf.if %cond3A_187 {
      %get3A_188 = arith.constant 0 : index
      %get3A_189 = arith.constant 0 : index
      %get3A_190 = vector.load %arg13[%get3A_188, %get3A_189] : memref<64x1xf32, #tpu.memory_space<vmem>>, vector<64x1xf32>
      %get3A_191 = arith.constant 0 : index
      %get3A_192 = arith.constant 0 : index
      %get3A_193 = vector.load %arg11[%get3A_191, %get3A_192] : memref<64x128xf32, #tpu.memory_space<vmem>>, vector<64x128xf32>
      %max3A_194 = arith.constant 1.000000e+00 : f32
      %max3A_195 = vector.broadcast %max3A_194 : f32 to vector<64x1xf32>
      %max3A_196 = arith.maximumf %get3A_190, %max3A_195 : vector<64x1xf32>
      %div3A = vector.broadcast %max3A_196 : vector<64x1xf32> to vector<64x128xf32>
      %div3A_197 = arith.divf %get3A_193, %div3A : vector<64x128xf32>
      %gt3A_198 = arith.constant 0.000000e+00 : f32
      %gt3A_199 = vector.broadcast %gt3A_198 : f32 to vector<64x1xf32>
      %gt3A_200 = arith.cmpf ogt, %get3A_190, %gt3A_199 : vector<64x1xf32>
      %get3A_201 = arith.constant 0 : index
      %get3A_202 = arith.constant 0 : index
      %get3A_203 = vector.load %arg12[%get3A_201, %get3A_202] : memref<64x128xf32, #tpu.memory_space<vmem>>, vector<64x128xf32>
      %jit3A_204 = arith.constant 0.000000e+00 : f32
      %broadcast_in_dim3A_205 = vector.shape_cast %gt3A_200 : vector<64x1xi1> to vector<64x1xi1>
      %broadcast_in_dim3A_206 = vector.broadcast %broadcast_in_dim3A_205 : vector<64x1xi1> to vector<64x128xi1>
      %broadcast_in_dim3A_207 = vector.broadcast %jit3A_204 : f32 to vector<64x128xf32>
      %select_n3A_208 = arith.select %broadcast_in_dim3A_206, %get3A_203, %broadcast_in_dim3A_207 : vector<64x128xi1>, vector<64x128xf32>
      %concatenate3A_209 = tpu.concatenate %div3A_197, %select_n3A_208 in 1 : vector<64x128xf32>, vector<64x128xf32> -> vector<64x256xf32>
      %get3A_210 = arith.constant 0 : index
      %get3A_211 = arith.constant 0 : index
      %get3A_212 = vector.load %arg8[%get3A_210, %get3A_211] : memref<256x10xf32, #tpu.memory_space<vmem>>, vector<256x10xf32>
      %dot_general3A_213 = arith.constant dense<0.000000e+00> : vector<64x10xf32>
      %dot_general3A_214 = tpu.matmul %concatenate3A_209, %get3A_212, %dot_general3A_213 {dimension_numbers = #tpu.dot_dimension_numbers<[1], [0], [0], [1], [0, 0, 1, 1], [], []>, precision = #tpu.contract_precision<fp32>, transpose_lhs_hint = false} : vector<64x256xf32>, vector<256x10xf32>, vector<64x10xf32> -> vector<64x10xf32>
      %get3A_215 = arith.constant 0 : index
      %get3A_216 = arith.constant 0 : index
      %get3A_217 = vector.load %arg9[%get3A_215, %get3A_216] : memref<1x10xf32, #tpu.memory_space<vmem>>, vector<1x10xf32>
      %add3A_218 = vector.broadcast %get3A_217 : vector<1x10xf32> to vector<64x10xf32>
      %add3A_219 = arith.addf %dot_general3A_214, %add3A_218 : vector<64x10xf32>
      %swap3A_220 = arith.constant 0 : index
      %swap3A_221 = arith.constant 0 : index
      %swap3A_222 = vector.load %arg10[%swap3A_220, %swap3A_221] : memref<64x10xf32, #tpu.memory_space<vmem>>, vector<64x10xf32>
      tpu.vector_store %arg10[%swap3A_220, %swap3A_221], %add3A_219 {strides = array<i32>} : memref<64x10xf32, #tpu.memory_space<vmem>>, vector<64x10xf32>,
    } else {
    }
    return
  }
  func.func @transform_0(%arg0: i32) -> (i32, i32) {
    %c0_i32 = arith.constant 0 : i32
    %c0_i32_0 = arith.constant 0 : i32
    return %arg0, %c0_i32 : i32, i32
  }
  func.func @transform_1(%arg0: i32) -> (i32, i32) {
    %c0_i32 = arith.constant 0 : i32
    %c0_i32_0 = arith.constant 0 : i32
    return %arg0, %c0_i32 : i32, i32
  }
  func.func @transform_2(%arg0: i32) -> (i32, i32) {
    %c0_i32 = arith.constant 0 : i32
    %c0_i32_0 = arith.constant 0 : i32
    return %arg0, %c0_i32 : i32, i32
  }
  func.func @transform_3(%arg0: i32) -> (i32, i32) {
    %c0_i32 = arith.constant 0 : i32
    %c0_i32_0 = arith.constant 0 : i32
    return %arg0, %c0_i32 : i32, i32
  }
  func.func @transform_4(%arg0: i32) -> (i32, i32) {
    %c0_i32 = arith.constant 0 : i32
    %c0_i32_0 = arith.constant 0 : i32
    %c0_i32_1 = arith.constant 0 : i32
    return %c0_i32, %c0_i32_0 : i32, i32
  }
  func.func @transform_5(%arg0: i32) -> (i32, i32, i32) {
    %c0_i32 = arith.constant 0 : i32
    %c0_i32_0 = arith.constant 0 : i32
    %c0_i32_1 = arith.constant 0 : i32
    return %arg0, %c0_i32, %c0_i32_0 : i32, i32, i32
  }
  func.func @transform_6(%arg0: i32) -> (i32, i32) {
    %c0_i32 = arith.constant 0 : i32
    %c0_i32_0 = arith.constant 0 : i32
    return %arg0, %c0_i32 : i32, i32
  }
  func.func @transform_7(%arg0: i32) -> (i32, i32) {
    %c0_i32 = arith.constant 0 : i32
    %c0_i32_0 = arith.constant 0 : i32
    %c0_i32_1 = arith.constant 0 : i32
    return %c0_i32, %c0_i32_0 : i32, i32
  }
  func.func @transform_8(%arg0: i32) -> (i32, i32) {
    %c0_i32 = arith.constant 0 : i32
    %c0_i32_0 = arith.constant 0 : i32
    %c0_i32_1 = arith.constant 0 : i32
    return %c0_i32, %c0_i32_0 : i32, i32
  }
  func.func @transform_9(%arg0: i32) -> (i32, i32) {
    %c0_i32 = arith.constant 0 : i32
    %c0_i32_0 = arith.constant 0 : i32
    %c0_i32_1 = arith.constant 0 : i32
    return %c0_i32, %c0_i32_0 : i32, i32
  }
}

</mosaic_0001>

<sc_bundles>
// kernel: kernel.10.cloned.1.call-start
scs
__scs_entry_jumppad:
0x0: {  	(pc) =	sbr.rel $0x88, $3  }
0x1: {  	(tag) =	ssettag $0x0;
	lr =	simm.s32 $0x1  }
0x2: {  	[smem:$0x3F96] =	sst lr;
	_ =	strace $0xD0000000  }
0x3: {  	_ = 	snop  }
0x4: {  	_ = 	snop  }
0x5: {  	_ = 	snop  }
0x6: {  	_ = 	snop  }
0x7: {  	_ = 	snop  }
__scs_overlays_trampoline_lowered:
0x8: {  	[smem:$0x3FA5] =	sst s0  }
0x9: {  	[smem:$0x3FA6] =	sst s1  }
0xa: {  	[smem:$0x3FA7] =	sst s2  }
0xb: {  	[smem:$0x3FA8] =	sst s3  }
0xc: {  	[smem:$0x3FA9] =	sst s4  }
0xd: {  	[smem:$0x3FAA] =	sst s5  }
0xe: {  	[smem:$0x3FAB] =	sst s6  }
0xf: {  	[smem:$0x3FAC] =	sst s7  }
0x10: {  	[smem:$0x3FAD] =	sst s8  }
0x11: {  	[smem:$0x3FAE] =	sst s9;
	s0 =	simm.s32 @!p0 $0x0  }
0x12: {  	s1 =	sld [smem:$0x3F94];
	s0 =	simm.s32 @p0 $0x1  }
0x13: {  	[smem:$0x3FAF] =	sst s0;
	s0 =	simm.s32 @!p1 $0x0  }
0x14: {  	s2 =	sld [smem:$0x3F93];
	s0 =	simm.s32 @p1 $0x1  }
0x15: {  	[smem:$0x3FB0] =	sst s0;
	s0 =	simm.s32 @!p2 $0x0  }
0x16: {  	s3 =	sld [smem:$0x3FDB];
	s0 =	simm.s32 @p2 $0x1  }
0x17: {  	s4 =	simm.s32 $0x1BF5;
	[smem:$0x3FB2] =	sst s0  }
0x18: {  	s0 =	sld [smem:$0x3F95];
	_ =	swait.ge [sflag:s4], $0x0  }
0x19: {  	s7 =	sld [smem:$0x3F96]  }
0x1a: {  	s8 =	sadd.s32 $0xFFFFE003, lr  }
0x1b: {  	s9 =	sadd.s32 $0xFFFFFEF7, lr;
	s5 =	simm.s32 $0xFFFFFFFF;
	p2 =	slt.u32 s8, $0xFFFFF086  }
0x1c: {  	p1 =	slt.u32 s9, $0xF7A;
	s5 =	simm.s32 @!p2 $0x0  }
0x1d: {  	s5 =	simm.s32 @p1 $0x1;
	p0 =	seq.s32 s7, s2  }
0x1e: {  	s7 =	smul.u32 @!p0 $0xF7A, s2;
	p2 =	seq.s32 @!p0 s5, $0x0  }
0x1f: {  	s9 =	smul.u32 $0xF7A, s1;
	s8 =	simm.s32 @!p0 $0x1BF5;
	p2 =	por !p2, p0  }
0x20: {  	[sflag:s8] =	ssyncset.s32 @!p0 $0xFFFFF086;
	s6 =	sadd.s32 @!p0 s3, s7;
	s7 =	simm.s32 @!p0 $0x108  }
0x21: {  	s3 =	sadd.s32 s3, s9;
	s6 =	sadd.s32 @!p0 $0x88, s6;
	s7 =	simm.s32 @p2 $0x1082  }
0x22: {  	[simem:s7], [sflag:s8] =	dma.local @!p0 [hbm:s6], $0xF7A  }
0x23: {  	s9 =	sor.u32 $0xD0000000, s2;
	s6 =	simm.s32 $0x108;
	_ =	swait.ge @!p0 [sflag:s8], $0x0  }
0x24: {  	s3 =	sadd.s32 $0x88, s3;
	s6 =	simm.s32 @!p1 $0x1082;
	[sflag:s4] =	ssyncset.s32 $0xFFFFF086  }
0x25: {  	[simem:s6], [sflag:s4] =	dma.local [hbm:s3], $0xF7A  }
0x26: {  	[smem:$0x3F96] =	sst s1;
	(tag) =	ssettag s2;
	_ =	strace s9  }
0x27: {  	s1 =	sld [smem:$0x3FA6]  }
0x28: {  	s2 =	sld [smem:$0x3FA7]  }
0x29: {  	s4 =	sld [smem:$0x3FA9]  }
0x2a: {  	p0 =	seq.s32 s5, $0x0;
	s5 =	sld [smem:$0x3FAA]  }
0x2b: {  	s6 =	sld [smem:$0x3FAB]  }
0x2c: {  	s7 =	sld [smem:$0x3FAC]  }
0x2d: {  	s3 =	simm.s32 $0x108;
	s8 =	sld [smem:$0x3FAD]  }
0x2e: {  	s3 =	simm.s32 @!p0 $0x1082;
	s9 =	sld [smem:$0x3FAE]  }
0x2f: {  	lr =	sadd.s32 s0, s3;
	s0 =	sld [smem:$0x3FA5]  }
0x30: {  	s3 =	sld [smem:$0x3FA8]  }
0x31: {  	[smem:$0x3FB1] =	sst s10  }
0x32: {  	s10 =	sld [smem:$0x3FAF];
	_ =	sdelay $0x3  }
0x33: {  	p0 =	seq.s32 s10, $0x1;
	s10 =	sld [smem:$0x3FB1];
	_ =	sdelay $0x3  }
0x34: {  	[smem:$0x3FB1] =	sst s10  }
0x35: {  	s10 =	sld [smem:$0x3FB0];
	_ =	sdelay $0x3  }
0x36: {  	p1 =	seq.s32 s10, $0x1;
	s10 =	sld [smem:$0x3FB1];
	_ =	sdelay $0x3  }
0x37: {  	[smem:$0x3FB1] =	sst s10  }
0x38: {  	s10 =	sld [smem:$0x3FB2]  }
0x39: {  	_ = 	snop;
	(pc) =	sbr.ind lr, $3  }
0x3a: {  	_ = 	snop  }
0x3b: {  	_ = 	snop  }
0x3c: {  	p2 =	seq.s32 s10, $0x1;
	s10 =	sld [smem:$0x3FB1]  }
0x3d: {  	_ =	shalt  }
0x3e: {  	_ =	shalt  }
0x3f: {  	_ =	shalt  }
0x40: {  	_ =	shalt  }
0x41: {  	_ =	shalt  }
0x42: {  	_ =	shalt  }
0x43: {  	_ =	shalt  }
0x44: {  	_ =	shalt  }
0x45: {  	_ =	shalt  }
0x46: {  	_ =	shalt  }
0x47: {  	_ =	shalt  }
0x48: {  	_ =	shalt  }
0x49: {  	_ =	shalt  }
0x4a: {  	_ =	shalt  }
0x4b: {  	_ =	shalt  }
0x4c: {  	_ =	shalt  }
0x4d: {  	_ =	shalt  }
0x4e: {  	_ =	shalt  }
0x4f: {  	_ =	shalt  }
0x50: {  	_ =	shalt  }
0x51: {  	_ =	shalt  }
0x52: {  	_ =	shalt  }
0x53: {  	_ =	shalt  }
0x54: {  	_ =	shalt  }
0x55: {  	_ =	shalt  }
0x56: {  	_ =	shalt  }
0x57: {  	_ =	shalt  }
0x58: {  	_ =	shalt  }
0x59: {  	_ =	shalt  }
0x5a: {  	_ =	shalt  }
0x5b: {  	_ =	shalt  }
0x5c: {  	_ =	shalt  }
0x5d: {  	_ =	shalt  }
0x5e: {  	_ =	shalt  }
0x5f: {  	_ =	shalt  }
0x60: {  	_ =	shalt  }
0x61: {  	_ =	shalt  }
0x62: {  	_ =	shalt  }
0x63: {  	_ =	shalt  }
0x64: {  	_ =	shalt  }
0x65: {  	_ =	shalt  }
0x66: {  	_ =	shalt  }
0x67: {  	_ =	shalt  }
0x68: {  	_ =	shalt  }
0x69: {  	_ =	shalt  }
0x6a: {  	_ =	shalt  }
0x6b: {  	_ =	shalt  }
0x6c: {  	_ =	shalt  }
0x6d: {  	_ =	shalt  }
0x6e: {  	_ =	shalt  }
0x6f: {  	_ =	shalt  }
0x70: {  	_ =	shalt  }
0x71: {  	_ =	shalt  }
0x72: {  	_ =	shalt  }
0x73: {  	_ =	shalt  }
0x74: {  	_ =	shalt  }
0x75: {  	_ =	shalt  }
0x76: {  	_ =	shalt  }
0x77: {  	_ =	shalt  }
0x78: {  	_ =	shalt  }
0x79: {  	_ =	shalt  }
0x7a: {  	_ =	shalt  }
0x7b: {  	_ =	shalt  }
0x7c: {  	_ =	shalt  }
0x7d: {  	_ =	shalt  }
0x7e: {  	_ =	shalt  }
0x7f: {  	_ =	shalt  }
0x80: {  	_ =	shalt  }
0x81: {  	_ =	shalt  }
0x82: {  	_ =	shalt  }
0x83: {  	_ =	shalt  }
0x84: {  	_ =	shalt  }
0x85: {  	_ =	shalt  }
0x86: {  	_ =	shalt  }
0x87: {  	_ =	shalt  }
.Lfunc_end0:
.L_simem_size_0:
called_computation_lowered:
.L_overlay_start_0:
0x88: {  	s2 =	sld [smem:$0x3FD9]  }
0x89: {  	s3 =	sld [smem:$0x3FFE];
	_ =	sdelay $0x1  }
0x8a: {  	s1 =	srdreg.scid  }
0x8b: {  	s0 =	sand.u32 $0x1, s1  }
0x8c: {  	s16 =	sshll.u32 s0, $0xA;
	s2 =	sadd.s32 s3, s2  }
0x8d: {  	s2 =	sadd.s32 s2, s16  }
0x8e: {  	[smem:$0x3FBD] =	sst s2  }
0x8f: {  	_ = 	snop  }
0x90: {  	(tm) =	ssettm $0x1  }
0x91: {  	s17 =	sld [smem:$0x3FFB];
	_ =	sdelay $0x3  }
0x92: {  	_ =	strace s17  }
0x93: {  	s2 =	sld [smem:$0x3FFC];
	_ =	sdelay $0x3  }
0x94: {  	_ =	strace s2  }
0x95: {  	s2 =	sld [smem:$0x3FFD];
	_ =	sdelay $0x3  }
0x96: {  	_ =	strace s2  }
0x97: {  	_ =	strace $0x8FFFFFFF  }
0x98: {  	s18 =	sld [smem:$0x3FDB];
	_ =	sdelay $0x1  }
0x99: {  	s19 =	simm.s32 $_scs_section_size  }
0x9a: {  	s4 =	simm.s32 $_size__tile_overlayer_lowered;
	s5 =	simm.s32 $_tile_overlayer_lowered  }
0x9b: {  	s22 =	simm.s32 $0x1BFF;
	s21 =	sshll.u32 s5, $0x1;
	s2 =	sadd.s32 s19, s18  }
0x9c: {  	s6 =	simm.s32 $0x0;
	s20 =	sshll.u32 s4, $0x1;
	s4 =	sadd.s32 s21, s2  }
0x9d: {  	[timem:s6], [sflag:s22] =	dma.local [hbm:s4], s20  }
0x9e: {  	_ =	swait.ge [sflag:s22], s20  }
0x9f: {  	s3 =	ssub.s32 $0x0, s20;
	[sflag:s22] =	ssyncset.done $0x0  }
0xa0: {  	[sflag:s22] =	ssyncadd.s32 s3;
	_ =	sdelay $0x1  }
0xa1: {  	s23 =	simm.s32 $0x1B8B  }
0xa2: {  	_ =	swait.ge [sflag:s23], $0x1  }
0xa3: {  	[sflag:s23] =	ssyncset.done $0x0  }
0xa4: {  	s25 =	simm.s32 $0x1B8E;
	s24 =	sld [smem:$0x3FFE];
	[sflag:s23] =	ssyncadd.s32 $0xFFFFFFFF  }
0xa5: {  	s26 =	simm.s32 $execute0_lowered;
	[smem:$0x3FD2] =	sst s25  }
0xa6: {  	s4 =	sshll.u32 s26, $0x1;
	_ =	strace $0x80000046;
	[dreg:$0x1] =	wrdreg $0xFFFFFFFF  }
0xa7: {  	s28 =	simm.s32 $_size_execute0_lowered;
	s2 =	sadd.s32 s2, s4;
	[dreg:$0x0] =	wrdreg $0x0  }
0xa8: {  	s4 =	sshll.u32 s28, $0x1;
	[dreg:$0x2] =	wrdreg s2  }
0xa9: {  	[dreg:$0x3] =	wrdreg s4  }
0xaa: {  	[dreg:$0x4] =	wrdreg $0xC0  }
0xab: {  	_ =	task [dreg:s6], $0x5FFFF  }
0xac: {  	[dreg:$0x1] =	wrdreg $0xFFFFFFFF  }
0xad: {  	[dreg:$0x0] =	wrdreg $0x60  }
0xae: {  	[dreg:$0x2] =	wrdreg s24  }
0xaf: {  	[dreg:$0x3] =	wrdreg $0x51800  }
0xb0: {  	[dreg:$0x4] =	wrdreg $0x9  }
0xb1: {  	_ =	task.clear_ibuf [dreg:s6], $0x5FFFF;
	_ =	strace $0x90000046  }
0xb2: {  	s29 =	simm.s32 $0x9;
	_ =	strace $0x80000048  }
0xb3: {  	_ =	swait.ge [sflag:s29], $0x1  }
0xb4: {  	[sflag:s29] =	ssyncadd.s32 $0xFFFFFFFF  }
0xb5: {  	_ =	strace $0x90000048  }
0xb6: {  	_ =	sfence  }
0xb7: {  	s30 =	sld [smem:$0x0];
	_ =	sdelay $0x2  }
0xb8: {  	s31 =	sshll.u32 s1, $0xD;
	s1 =	sshrl.u32 s1, $0x2  }
0xb9: {  	s3 =	sand.u32 $0x4000, s31;
	s1 =	sadd.s32 s1, s30  }
0xba: {  	s0 =	sor.u32 s3, s0;
	s1 =	sshll.u32 s1, $0x11  }
0xbb: {  	s0 =	sor.u32 s1, s0  }
0xbc: {  	s0 =	sadd.s32 $0x8F2B, s0  }
0xbd: {  	[sflag:s0] =	ssyncadd.remote.s32 $0x1  }
0xbe: {  	_ =	sfence.sel $0xFFFF  }
0xbf: {  	[dreg:$0x0] =	wrdreg $0xFFFFFFFF;
	(pc) =	sbr.abs _section_cstart, $3  }
0xc0: {  	[dreg:$0x1] =	wrdreg $0xFFFFFFFF  }
0xc1: {  	_ =	task.clear_ibuf [dreg:s6], $0x2FFFF;
	_ =	strace $0x9FFFFFFF  }
0xc2: {  	(tm) =	ssettm $0x7FFFFFFF  }
0xc3: {  	_ =	shalt  }
tec
execute0_lowered:
.L_overlay_start_1:
0x0: {  	(tag) =	ssettag $0x1  }
0x1: {  	s5 =	rddreg [dreg:$0x0]  }
0x2: {  	s1 =	rddreg [dreg:$0x1];
	s2 =	srdreg.scid  }
0x3: {  	s0 =	rddreg [dreg:$0x2];
	s3 =	simm.s32 $0x0;
	s18 =	simm.s32 $0x2980  }
0x4: {  	s19 =	simm.s32 $0x2;
	s20 =	simm.s32 $0x80;
	s21 =	simm.s32 $0x1  }
0x5: {  	s22 =	simm.s32 $0x50;
	s23 =	simm.s32 $0x100;
	s6 =	sand.u32 $0x1, s2  }
0x6: {  	s24 =	simm.s32 $0x180;
	s2 =	stileid.u32;
	s4 =	smul.u32 $0x13C000, s6  }
0x7: {  	s25 =	simm.s32 $0x0;
	[smem:$0x7FF] =	sst s3;
	s7 =	smul.u32 $0x13C00, s2  }
0x8: {  	_ =	strace $0x80000047;
	s8 =	ssub.s32 $0x2, s6;
	s9 =	smul.u32 $0x4F000, s2  }
0x9: {  	s30 =	sshll.u32 s6, $0x12;
	s31 =	sshll.u32 s2, $0xE;
	s10 =	sshrl.u32 s8, $0x1  }
0xa: {  	s7 =	sadd.s32 s7, s4;
	s4 =	sadd.s32 $0x4200, s5;
	s17 =	ssub.s32 s8, s10  }
0xb: {  	s29 =	sshrl.u32 s9, $0x2;
	s8 =	sor.u32 s31, s30;
	s7 =	sshrl.u32 s7, $0x3  }
.Ltmp0:
0xc: {  	s13 =	sshrl.u32 s8, $0x3;
	s17 =	smax.u32 s17, $0x1;
	(pc) =	sbr.rel .LBB2_1-.Ltmp0, $4  }
0xd: {  	s16 =	sadd.s32 s7, s5;
	s5 =	sadd.s32 s29, s1;
	s13 =	sadd.s32 s4, s13  }
0xe: {  	s6 =	sadd.s32 $0x2800, s5;
	s7 =	sadd.s32 $0x5000, s5;
	s9 =	sadd.s32 $0x7800, s5  }
0xf: {  	s10 =	sadd.s32 $0xA000, s5;
	s11 =	sadd.s32 $0xC800, s5;
	s12 =	sadd.s32 $0xF000, s5  }
0x10: {  	v0 =	vimm.f32 $0.0e+00;
	v1 =	vimm.f32 $1.000000000e+00;
	s14 =	sadd.s32 $0x11800, s5;
	s15 =	sadd.s32 $0x10, s13;
	s16 =	sadd.s32 $0x14200, s16  }
.LBB2_12:
0x11: {  	s25 =	sadd.s32 $0x1, s25  }
0x12: {  	s26 =	sshll.u32 s2, $0x6;
	[bflag:$0x0] =	sbarrier.arrive $0xFFFF;
	p0 =	sne.s32 s25, s17  }
.Ltmp1:
0x13: {  	s28 =	sshrl.u32 s5, $0x3;
	s26 =	sor.u32 $0x1C02, s26;
	(pc) =	sbr.rel @!p0 .LBB2_13-.Ltmp1, $4  }
0x14: {  	[hbm:s16], [sflag:s26] =	dma.local [spmem:s28], $0x2780  }
0x15: {  	_ =	swait.ge [sflag:s19], $0x2780  }
0x16: {  	[sflag:s19] =	ssyncset.done $0x0  }
0x17: {  	[sflag:s19] =	ssyncadd.s32 $0xFFFFD880  }
.LBB2_1:
0x18: {  	s26 =	simm.s32 $0x200;
	s28 =	simm.s32 $0x0  }
.LBB2_2:
0x19: {  	p0 =	sne.s32 s26, $0x9E00;
	[tilespmem:s28+$0x2980] =	vst v0;
	s28 =	smov.u32 s26;
	s26 =	sadd.s32 $0x200, s26  }
.Ltmp2:
0x1a: {  	(pc) =	sbr.rel @p0 .LBB2_2-.Ltmp2, $2  }
0x1b: {  	_ =	sdelay $0x2  }
0x1c: {  	s28 =	sshra.s32 s28, $0x2  }
0x1d: {  	[tilespmem:s28+$0x2980] =	vst v0  }
0x1e: {  	[spmem:s5] =	stream.linear.scatter [tilespmem:s18], [sflag:$0x2], $0x2800, $0x38;
	[tilespmem:$0x7900] =	vst v63  }
0x1f: {  	_ =	swait.ge [sflag:s19], $0x2800  }
0x20: {  	[sflag:s19] =	ssyncset.done $0x0  }
0x21: {  	[sflag:s19] =	ssyncadd.s32 $0xFFFFD800  }
0x22: {  	[spmem:s6] =	stream.linear.scatter [tilespmem:s18], [sflag:$0x2], $0x2800, $0x38;
	[tilespmem:$0x7900] =	vst v63  }
0x23: {  	_ =	swait.ge [sflag:s19], $0x2800  }
0x24: {  	[sflag:s19] =	ssyncset.done $0x0  }
0x25: {  	[sflag:s19] =	ssyncadd.s32 $0xFFFFD800  }
0x26: {  	[spmem:s7] =	stream.linear.scatter [tilespmem:s18], [sflag:$0x2], $0x2800, $0x38;
	[tilespmem:$0x7900] =	vst v63  }
0x27: {  	_ =	swait.ge [sflag:s19], $0x2800  }
0x28: {  	[sflag:s19] =	ssyncset.done $0x0  }
0x29: {  	[sflag:s19] =	ssyncadd.s32 $0xFFFFD800  }
0x2a: {  	[spmem:s9] =	stream.linear.scatter [tilespmem:s18], [sflag:$0x2], $0x2800, $0x38;
	[tilespmem:$0x7900] =	vst v63  }
0x2b: {  	_ =	swait.ge [sflag:s19], $0x2800  }
0x2c: {  	[sflag:s19] =	ssyncset.done $0x0  }
0x2d: {  	[sflag:s19] =	ssyncadd.s32 $0xFFFFD800  }
0x2e: {  	[spmem:s10] =	stream.linear.scatter [tilespmem:s18], [sflag:$0x2], $0x2800, $0x38;
	[tilespmem:$0x7900] =	vst v63  }
0x2f: {  	_ =	swait.ge [sflag:s19], $0x2800  }
0x30: {  	[sflag:s19] =	ssyncset.done $0x0  }
0x31: {  	[sflag:s19] =	ssyncadd.s32 $0xFFFFD800  }
0x32: {  	[spmem:s11] =	stream.linear.scatter [tilespmem:s18], [sflag:$0x2], $0x2800, $0x38;
	[tilespmem:$0x7900] =	vst v63  }
0x33: {  	_ =	swait.ge [sflag:s19], $0x2800  }
0x34: {  	[sflag:s19] =	ssyncset.done $0x0  }
0x35: {  	[sflag:s19] =	ssyncadd.s32 $0xFFFFD800  }
0x36: {  	[spmem:s12] =	stream.linear.scatter [tilespmem:s18], [sflag:$0x2], $0x2800, $0x38;
	[tilespmem:$0x7900] =	vst v63  }
0x37: {  	_ =	swait.ge [sflag:s19], $0x2800  }
0x38: {  	[sflag:s19] =	ssyncset.done $0x0  }
0x39: {  	[sflag:s19] =	ssyncadd.s32 $0xFFFFD800  }
0x3a: {  	[spmem:s14] =	stream.linear.scatter [tilespmem:s18], [sflag:$0x2], $0x2400, $0x38;
	[tilespmem:$0x7900] =	vst v63  }
0x3b: {  	_ =	swait.ge [sflag:s19], $0x2400  }
0x3c: {  	[sflag:s19] =	ssyncset.done $0x0  }
0x3d: {  	s26 =	simm.s32 $0x200;
	s28 =	simm.s32 $0x0;
	[sflag:s19] =	ssyncadd.s32 $0xFFFFDC00  }
.LBB2_4:
0x3e: {  	p0 =	sne.s32 s26, $0x9E00;
	[tilespmem:s28+$0x180] =	vst v1;
	s28 =	smov.u32 s26;
	s26 =	sadd.s32 $0x200, s26  }
.Ltmp3:
0x3f: {  	(pc) =	sbr.rel @p0 .LBB2_4-.Ltmp3, $2  }
0x40: {  	_ =	sdelay $0x2  }
0x41: {  	s28 =	sshra.s32 s28, $0x2  }
.Ltmp4:
0x42: {  	[tilespmem:s28+$0x180] =	vst v1;
	(pc) =	sbr.rel .LBB2_6-.Ltmp4, $4  }
0x43: {  	s26 =	simm.s32 $0x0;
	[bflag:$0x0] =	sbarrier.arrive $0xFFFF  }
0x44: {  	[tilespmem:s26], [sflag:$0x1] =	stream.linear.gather [hbm4b:s13+s26], $0x80, $0x38;
	[tilespmem:$0x7900] =	vst v63  }
0x45: {  	s28 =	simm.s32 $0x100  }
0x46: {  	[tilespmem:s20], [sflag:$0x1] =	stream.linear.gather [hbm4b:s15+s26], $0x80, $0x38;
	[tilespmem:$0x7900] =	vst v63  }
.LBB2_10:
0x47: {  	p0 =	sgt.u32 s26, $0x7A  }
0x48: {  	s29 =	sand.u32 @!p0 $0x7C00, s28  }
0x49: {  	s30 =	sand.u32 @!p0 $0x380, s28;
	s29 =	sadd.s32 @!p0 s8, s29  }
0x4a: {  	s29 =	sor.u32 @!p0 s30, s29  }
0x4b: {  	s29 =	sshrl.u32 @!p0 s29, $0x3  }
0x4c: {  	s31 =	simm.s32 @!p0 $0x80;
	s30 =	simm.s32 @!p0 $0x0;
	s29 =	sadd.s32 @!p0 s4, s29  }
0x4d: {  	[tilespmem:s31], [sflag:$0x1] =	stream.linear.gather @!p0 [hbm4b:s29+s30], $0x80, $0x38;
	[tilespmem:$0x7900] =	vst v63  }
0x4e: {  	_ =	swait.ge [sflag:s21], $0x80  }
0x4f: {  	[sflag:s21] =	ssyncset.done $0x0  }
0x50: {  	s29 =	simm.s32 $0x2;
	[sflag:s21] =	ssyncadd.s32 $0xFFFFFF80  }
0x51: {  	[spmem:s1] =	stream.indirect.scatter.add.f32 [tilespmem:s24], [sflag:$0x2], $0x10, s23, s22, $0xb8;
	[tilespmem:$0x7900] =	vst v63  }
.LBB2_11:
0x52: {  	s28 =	sadd.s32 $0x80, s28  }
0x53: {  	p0 =	sne.s32 s28, $0x3F80  }
.Ltmp5:
0x54: {  	_ = 	snop;
	(pc) =	sbr.rel @!p0 .LBB2_12-.Ltmp5, $4  }
0x55: {  	_ = 	snop  }
0x56: {  	_ =	swait.ge [sflag:s29], $0x500  }
0x57: {  	[sflag:s29] =	ssyncset.done $0x0  }
0x58: {  	s26 =	sadd.s32 $0x1, s26;
	[sflag:s29] =	ssyncadd.s32 $0xFFFFFB00  }
.LBB2_6:
0x59: {  	s29 =	smul.u32 $0xAB, s26;
	_ =	sdelay $0x1  }
0x5a: {  	s29 =	sshrl.u32 s29, $0x9  }
0x5b: {  	s29 =	sand.u32 $0x7F, s29  }
0x5c: {  	s29 =	smul.u32 $0x3, s29;
	_ =	sdelay $0x1  }
0x5d: {  	s29 =	ssub.s32 s26, s29  }
0x5e: {  	s29 =	sand.u32 $0xFF, s29  }
0x5f: {  	p0 =	seq.s32 s29, $0x2  }
.Ltmp6:
0x60: {  	_ = 	snop;
	(pc) =	sbr.rel @p0 .LBB2_10-.Ltmp6, $1  }
0x61: {  	_ =	sdelay $0x3  }
0x62: {  	p0 =	seq.s32 s29, $0x1  }
.Ltmp7:
0x63: {  	_ = 	snop;
	(pc) =	sbr.rel @!p0 .LBB2_8-.Ltmp7, $1  }
0x64: {  	_ =	sdelay $0x3  }
0x65: {  	p0 =	sgt.u32 s26, $0x7A  }
0x66: {  	s29 =	sand.u32 @!p0 $0x7C00, s28  }
0x67: {  	s30 =	sand.u32 @!p0 $0x380, s28;
	s29 =	sadd.s32 @!p0 s8, s29  }
0x68: {  	s29 =	sor.u32 @!p0 s30, s29  }
0x69: {  	s29 =	sshrl.u32 @!p0 s29, $0x3  }
0x6a: {  	s30 =	simm.s32 @!p0 $0x0;
	s29 =	sadd.s32 @!p0 s4, s29  }
0x6b: {  	[tilespmem:s30], [sflag:$0x1] =	stream.linear.gather @!p0 [hbm4b:s29+s30], $0x80, $0x38;
	[tilespmem:$0x7900] =	vst v63  }
.Ltmp8:
0x6c: {  	_ = 	snop;
	(pc) =	sbr.rel .LBB2_11-.Ltmp8, $4  }
0x6d: {  	_ =	swait.ge [sflag:s21], $0x80  }
0x6e: {  	[sflag:s21] =	ssyncset.done $0x0  }
0x6f: {  	s29 =	simm.s32 $0x3;
	[sflag:s21] =	ssyncadd.s32 $0xFFFFFF80  }
0x70: {  	[spmem:s1] =	stream.indirect.scatter.add.f32 [tilespmem:s24], [sflag:$0x3], $0x10, s20, s22, $0xb8;
	[tilespmem:$0x7900] =	vst v63  }
.LBB2_8:
0x71: {  	p0 =	sgt.u32 s26, $0x7A  }
0x72: {  	s29 =	sand.u32 @!p0 $0x7C00, s28  }
0x73: {  	s30 =	sand.u32 @!p0 $0x380, s28;
	s29 =	sadd.s32 @!p0 s8, s29  }
0x74: {  	s29 =	sor.u32 @!p0 s30, s29  }
0x75: {  	s29 =	sshrl.u32 @!p0 s29, $0x3  }
0x76: {  	s31 =	simm.s32 @!p0 $0x100;
	s30 =	simm.s32 @!p0 $0x0;
	s29 =	sadd.s32 @!p0 s4, s29  }
0x77: {  	[tilespmem:s31], [sflag:$0x1] =	stream.linear.gather @!p0 [hbm4b:s29+s30], $0x80, $0x38;
	[tilespmem:$0x7900] =	vst v63  }
.Ltmp9:
0x78: {  	_ = 	snop;
	(pc) =	sbr.rel .LBB2_11-.Ltmp9, $4  }
0x79: {  	_ =	swait.ge [sflag:s21], $0x80  }
0x7a: {  	[sflag:s21] =	ssyncset.done $0x0  }
0x7b: {  	s29 =	simm.s32 $0x3;
	[sflag:s21] =	ssyncadd.s32 $0xFFFFFF80  }
0x7c: {  	[spmem:s1] =	stream.indirect.scatter.add.f32 [tilespmem:s24], [sflag:$0x3], $0x10, s3, s22, $0xb8;
	[tilespmem:$0x7900] =	vst v63  }
.LBB2_13:
0x7d: {  	_ =	sfence.sel $0x180000  }
0x7e: {  	[bflag:$0x0] =	sbarrier.arrive $0xFFFF  }
0x7f: {  	p0 =	sne.s32 s2, $0x0;
	_ =	strace $0x90000047  }
0x80: {  	s0 =	sadd.s32 @!p0 $0x100000, s0;
	[bflag:$0x2] =	sbarrier.arrive $0xFFFF  }
0x81: {  	[sflag:s0] =	ssyncadd.tile.s32 @!p0 $0x1;
	_ =	shalt  }
.Lfunc_end2:
_tile_overlayer_lowered:
.L_overlay_start_2:
0x82: {  	(tag) =	ssettag $0x2  }
0x83: {  	s0 =	rddreg [dreg:$0x0];
	s2 =	stileid.u32  }
0x84: {  	s1 =	rddreg [dreg:$0x1];
	p0 =	sne.s32 s2, $0x0  }
0x85: {  	s3 =	rddreg [dreg:$0x2];
	[bflag:$0x3] =	sbarrier.arrive $0xFFFF;
	s2 =	simm.s32 @!p0 $0x1C02  }
0x86: {  	[timem:s3], [sflag:s2] =	dma.local @!p0 [hbm:s0], s1  }
0x87: {  	s0 =	simm.s32 @!p0 $0x2  }
0x88: {  	_ =	swait.ge @!p0 [sflag:s0], s1  }
0x89: {  	s1 =	ssub.s32 @!p0 $0x0, s1;
	[sflag:s0] =	ssyncset.done @!p0 $0x0  }
0x8a: {  	[sflag:s0] =	ssyncadd.s32 @!p0 s1  }
0x8b: {  	[bflag:$0x3] =	sbarrier.arrive $0xFFFF  }
0x8c: {  	_ =	shalt  }

// kernel: kernel.13.cloned.1.call-start
scs
__scs_entry_jumppad:
0x0: {  	(pc) =	sbr.rel $0x88, $3  }
0x1: {  	(tag) =	ssettag $0x0;
	lr =	simm.s32 $0x1  }
0x2: {  	[smem:$0x3F96] =	sst lr;
	_ =	strace $0xD0000000  }
0x3: {  	_ = 	snop  }
0x4: {  	_ = 	snop  }
0x5: {  	_ = 	snop  }
0x6: {  	_ = 	snop  }
0x7: {  	_ = 	snop  }
__scs_overlays_trampoline_lowered:
0x8: {  	[smem:$0x3FA5] =	sst s0  }
0x9: {  	[smem:$0x3FA6] =	sst s1  }
0xa: {  	[smem:$0x3FA7] =	sst s2  }
0xb: {  	[smem:$0x3FA8] =	sst s3  }
0xc: {  	[smem:$0x3FA9] =	sst s4  }
0xd: {  	[smem:$0x3FAA] =	sst s5  }
0xe: {  	[smem:$0x3FAB] =	sst s6  }
0xf: {  	[smem:$0x3FAC] =	sst s7  }
0x10: {  	[smem:$0x3FAD] =	sst s8  }
0x11: {  	[smem:$0x3FAE] =	sst s9;
	s0 =	simm.s32 @!p0 $0x0  }
0x12: {  	s1 =	sld [smem:$0x3F94];
	s0 =	simm.s32 @p0 $0x1  }
0x13: {  	[smem:$0x3FAF] =	sst s0;
	s0 =	simm.s32 @!p1 $0x0  }
0x14: {  	s2 =	sld [smem:$0x3F93];
	s0 =	simm.s32 @p1 $0x1  }
0x15: {  	[smem:$0x3FB0] =	sst s0;
	s0 =	simm.s32 @!p2 $0x0  }
0x16: {  	s3 =	sld [smem:$0x3FDB];
	s0 =	simm.s32 @p2 $0x1  }
0x17: {  	s4 =	simm.s32 $0x1BF5;
	[smem:$0x3FB2] =	sst s0  }
0x18: {  	s0 =	sld [smem:$0x3F95];
	_ =	swait.ge [sflag:s4], $0x0  }
0x19: {  	s7 =	sld [smem:$0x3F96]  }
0x1a: {  	s8 =	sadd.s32 $0xFFFFE003, lr  }
0x1b: {  	s9 =	sadd.s32 $0xFFFFFEF7, lr;
	s5 =	simm.s32 $0xFFFFFFFF;
	p2 =	slt.u32 s8, $0xFFFFF086  }
0x1c: {  	p1 =	slt.u32 s9, $0xF7A;
	s5 =	simm.s32 @!p2 $0x0  }
0x1d: {  	s5 =	simm.s32 @p1 $0x1;
	p0 =	seq.s32 s7, s2  }
0x1e: {  	s7 =	smul.u32 @!p0 $0xF7A, s2;
	p2 =	seq.s32 @!p0 s5, $0x0  }
0x1f: {  	s9 =	smul.u32 $0xF7A, s1;
	s8 =	simm.s32 @!p0 $0x1BF5;
	p2 =	por !p2, p0  }
0x20: {  	[sflag:s8] =	ssyncset.s32 @!p0 $0xFFFFF086;
	s6 =	sadd.s32 @!p0 s3, s7;
	s7 =	simm.s32 @!p0 $0x108  }
0x21: {  	s3 =	sadd.s32 s3, s9;
	s6 =	sadd.s32 @!p0 $0x88, s6;
	s7 =	simm.s32 @p2 $0x1082  }
0x22: {  	[simem:s7], [sflag:s8] =	dma.local @!p0 [hbm:s6], $0xF7A  }
0x23: {  	s9 =	sor.u32 $0xD0000000, s2;
	s6 =	simm.s32 $0x108;
	_ =	swait.ge @!p0 [sflag:s8], $0x0  }
0x24: {  	s3 =	sadd.s32 $0x88, s3;
	s6 =	simm.s32 @!p1 $0x1082;
	[sflag:s4] =	ssyncset.s32 $0xFFFFF086  }
0x25: {  	[simem:s6], [sflag:s4] =	dma.local [hbm:s3], $0xF7A  }
0x26: {  	[smem:$0x3F96] =	sst s1;
	(tag) =	ssettag s2;
	_ =	strace s9  }
0x27: {  	s1 =	sld [smem:$0x3FA6]  }
0x28: {  	s2 =	sld [smem:$0x3FA7]  }
0x29: {  	s4 =	sld [smem:$0x3FA9]  }
0x2a: {  	p0 =	seq.s32 s5, $0x0;
	s5 =	sld [smem:$0x3FAA]  }
0x2b: {  	s6 =	sld [smem:$0x3FAB]  }
0x2c: {  	s7 =	sld [smem:$0x3FAC]  }
0x2d: {  	s3 =	simm.s32 $0x108;
	s8 =	sld [smem:$0x3FAD]  }
0x2e: {  	s3 =	simm.s32 @!p0 $0x1082;
	s9 =	sld [smem:$0x3FAE]  }
0x2f: {  	lr =	sadd.s32 s0, s3;
	s0 =	sld [smem:$0x3FA5]  }
0x30: {  	s3 =	sld [smem:$0x3FA8]  }
0x31: {  	[smem:$0x3FB1] =	sst s10  }
0x32: {  	s10 =	sld [smem:$0x3FAF];
	_ =	sdelay $0x3  }
0x33: {  	p0 =	seq.s32 s10, $0x1;
	s10 =	sld [smem:$0x3FB1];
	_ =	sdelay $0x3  }
0x34: {  	[smem:$0x3FB1] =	sst s10  }
0x35: {  	s10 =	sld [smem:$0x3FB0];
	_ =	sdelay $0x3  }
0x36: {  	p1 =	seq.s32 s10, $0x1;
	s10 =	sld [smem:$0x3FB1];
	_ =	sdelay $0x3  }
0x37: {  	[smem:$0x3FB1] =	sst s10  }
0x38: {  	s10 =	sld [smem:$0x3FB2]  }
0x39: {  	_ = 	snop;
	(pc) =	sbr.ind lr, $3  }
0x3a: {  	_ = 	snop  }
0x3b: {  	_ = 	snop  }
0x3c: {  	p2 =	seq.s32 s10, $0x1;
	s10 =	sld [smem:$0x3FB1]  }
0x3d: {  	_ =	shalt  }
0x3e: {  	_ =	shalt  }
0x3f: {  	_ =	shalt  }
0x40: {  	_ =	shalt  }
0x41: {  	_ =	shalt  }
0x42: {  	_ =	shalt  }
0x43: {  	_ =	shalt  }
0x44: {  	_ =	shalt  }
0x45: {  	_ =	shalt  }
0x46: {  	_ =	shalt  }
0x47: {  	_ =	shalt  }
0x48: {  	_ =	shalt  }
0x49: {  	_ =	shalt  }
0x4a: {  	_ =	shalt  }
0x4b: {  	_ =	shalt  }
0x4c: {  	_ =	shalt  }
0x4d: {  	_ =	shalt  }
0x4e: {  	_ =	shalt  }
0x4f: {  	_ =	shalt  }
0x50: {  	_ =	shalt  }
0x51: {  	_ =	shalt  }
0x52: {  	_ =	shalt  }
0x53: {  	_ =	shalt  }
0x54: {  	_ =	shalt  }
0x55: {  	_ =	shalt  }
0x56: {  	_ =	shalt  }
0x57: {  	_ =	shalt  }
0x58: {  	_ =	shalt  }
0x59: {  	_ =	shalt  }
0x5a: {  	_ =	shalt  }
0x5b: {  	_ =	shalt  }
0x5c: {  	_ =	shalt  }
0x5d: {  	_ =	shalt  }
0x5e: {  	_ =	shalt  }
0x5f: {  	_ =	shalt  }
0x60: {  	_ =	shalt  }
0x61: {  	_ =	shalt  }
0x62: {  	_ =	shalt  }
0x63: {  	_ =	shalt  }
0x64: {  	_ =	shalt  }
0x65: {  	_ =	shalt  }
0x66: {  	_ =	shalt  }
0x67: {  	_ =	shalt  }
0x68: {  	_ =	shalt  }
0x69: {  	_ =	shalt  }
0x6a: {  	_ =	shalt  }
0x6b: {  	_ =	shalt  }
0x6c: {  	_ =	shalt  }
0x6d: {  	_ =	shalt  }
0x6e: {  	_ =	shalt  }
0x6f: {  	_ =	shalt  }
0x70: {  	_ =	shalt  }
0x71: {  	_ =	shalt  }
0x72: {  	_ =	shalt  }
0x73: {  	_ =	shalt  }
0x74: {  	_ =	shalt  }
0x75: {  	_ =	shalt  }
0x76: {  	_ =	shalt  }
0x77: {  	_ =	shalt  }
0x78: {  	_ =	shalt  }
0x79: {  	_ =	shalt  }
0x7a: {  	_ =	shalt  }
0x7b: {  	_ =	shalt  }
0x7c: {  	_ =	shalt  }
0x7d: {  	_ =	shalt  }
0x7e: {  	_ =	shalt  }
0x7f: {  	_ =	shalt  }
0x80: {  	_ =	shalt  }
0x81: {  	_ =	shalt  }
0x82: {  	_ =	shalt  }
0x83: {  	_ =	shalt  }
0x84: {  	_ =	shalt  }
0x85: {  	_ =	shalt  }
0x86: {  	_ =	shalt  }
0x87: {  	_ =	shalt  }
.Lfunc_end0:
.L_simem_size_0:
called_computation.1_lowered:
.L_overlay_start_0:
0x88: {  	s2 =	sld [smem:$0x3FD9]  }
0x89: {  	s3 =	sld [smem:$0x3FFE];
	_ =	sdelay $0x1  }
0x8a: {  	s1 =	srdreg.scid  }
0x8b: {  	s0 =	sand.u32 $0x1, s1  }
0x8c: {  	s16 =	sshll.u32 s0, $0xA;
	s2 =	sadd.s32 s3, s2  }
0x8d: {  	s2 =	sadd.s32 s2, s16  }
0x8e: {  	[smem:$0x3FBD] =	sst s2  }
0x8f: {  	_ = 	snop  }
0x90: {  	(tm) =	ssettm $0x1  }
0x91: {  	s17 =	sld [smem:$0x3FFB];
	_ =	sdelay $0x3  }
0x92: {  	_ =	strace s17  }
0x93: {  	s2 =	sld [smem:$0x3FFC];
	_ =	sdelay $0x3  }
0x94: {  	_ =	strace s2  }
0x95: {  	s2 =	sld [smem:$0x3FFD];
	_ =	sdelay $0x3  }
0x96: {  	_ =	strace s2  }
0x97: {  	_ =	strace $0x8FFFFFFF  }
0x98: {  	s18 =	sld [smem:$0x3FDB];
	_ =	sdelay $0x1  }
0x99: {  	s19 =	simm.s32 $_scs_section_size  }
0x9a: {  	s4 =	simm.s32 $_size__tile_overlayer_lowered;
	s5 =	simm.s32 $_tile_overlayer_lowered  }
0x9b: {  	s22 =	simm.s32 $0x1BFF;
	s21 =	sshll.u32 s5, $0x1;
	s2 =	sadd.s32 s19, s18  }
0x9c: {  	s6 =	simm.s32 $0x0;
	s20 =	sshll.u32 s4, $0x1;
	s4 =	sadd.s32 s21, s2  }
0x9d: {  	[timem:s6], [sflag:s22] =	dma.local [hbm:s4], s20  }
0x9e: {  	_ =	swait.ge [sflag:s22], s20  }
0x9f: {  	s3 =	ssub.s32 $0x0, s20;
	[sflag:s22] =	ssyncset.done $0x0  }
0xa0: {  	[sflag:s22] =	ssyncadd.s32 s3;
	_ =	sdelay $0x1  }
0xa1: {  	s23 =	simm.s32 $0x1B8B  }
0xa2: {  	_ =	swait.ge [sflag:s23], $0x1  }
0xa3: {  	[sflag:s23] =	ssyncset.done $0x0  }
0xa4: {  	s25 =	simm.s32 $0x1B8E;
	s24 =	sld [smem:$0x3FFE];
	[sflag:s23] =	ssyncadd.s32 $0xFFFFFFFF  }
0xa5: {  	s26 =	simm.s32 $execute0_lowered;
	[smem:$0x3FD2] =	sst s25  }
0xa6: {  	s4 =	sshll.u32 s26, $0x1;
	_ =	strace $0x80000049;
	[dreg:$0x1] =	wrdreg $0xFFFFFFFF  }
0xa7: {  	s28 =	simm.s32 $_size_execute0_lowered;
	s2 =	sadd.s32 s2, s4;
	[dreg:$0x0] =	wrdreg $0x0  }
0xa8: {  	s4 =	sshll.u32 s28, $0x1;
	[dreg:$0x2] =	wrdreg s2  }
0xa9: {  	[dreg:$0x3] =	wrdreg s4  }
0xaa: {  	[dreg:$0x4] =	wrdreg $0xC0  }
0xab: {  	_ =	task [dreg:s6], $0x5FFFF  }
0xac: {  	[dreg:$0x1] =	wrdreg $0xFFFFFFFF  }
0xad: {  	[dreg:$0x0] =	wrdreg $0x60  }
0xae: {  	[dreg:$0x2] =	wrdreg s24  }
0xaf: {  	[dreg:$0x3] =	wrdreg $0xA4000  }
0xb0: {  	[dreg:$0x4] =	wrdreg $0x9  }
0xb1: {  	_ =	task.clear_ibuf [dreg:s6], $0x5FFFF;
	_ =	strace $0x90000049  }
0xb2: {  	s29 =	simm.s32 $0x9;
	_ =	strace $0x8000004B  }
0xb3: {  	_ =	swait.ge [sflag:s29], $0x1  }
0xb4: {  	[sflag:s29] =	ssyncadd.s32 $0xFFFFFFFF  }
0xb5: {  	_ =	strace $0x9000004B  }
0xb6: {  	_ =	sfence  }
0xb7: {  	s30 =	sld [smem:$0x0];
	_ =	sdelay $0x2  }
0xb8: {  	s31 =	sshll.u32 s1, $0xD;
	s1 =	sshrl.u32 s1, $0x2  }
0xb9: {  	s3 =	sand.u32 $0x4000, s31;
	s1 =	sadd.s32 s1, s30  }
0xba: {  	s0 =	sor.u32 s3, s0;
	s1 =	sshll.u32 s1, $0x11  }
0xbb: {  	s0 =	sor.u32 s1, s0  }
0xbc: {  	s0 =	sadd.s32 $0x8F2B, s0  }
0xbd: {  	[sflag:s0] =	ssyncadd.remote.s32 $0x1  }
0xbe: {  	_ =	sfence.sel $0xFFFF  }
0xbf: {  	[dreg:$0x0] =	wrdreg $0xFFFFFFFF;
	(pc) =	sbr.abs _section_cstart, $3  }
0xc0: {  	[dreg:$0x1] =	wrdreg $0xFFFFFFFF  }
0xc1: {  	_ =	task.clear_ibuf [dreg:s6], $0x2FFFF;
	_ =	strace $0x9FFFFFFF  }
0xc2: {  	(tm) =	ssettm $0x7FFFFFFF  }
0xc3: {  	_ =	shalt  }
tec
execute0_lowered:
.L_overlay_start_1:
0x0: {  	(tag) =	ssettag $0x1  }
0x1: {  	s0 =	rddreg [dreg:$0x0]  }
0x2: {  	s2 =	rddreg [dreg:$0x1];
	s3 =	simm.s32 $0x0;
	s11 =	stileid.u32  }
0x3: {  	s1 =	srdreg.scid;
	s28 =	simm.s32 $0x80;
	s29 =	simm.s32 $0x280  }
0x4: {  	s30 =	simm.s32 $0x100;
	s31 =	simm.s32 $0x300;
	[smem:$0x7FF] =	sst s3  }
0x5: {  	s5 =	smul.u32 $0x4F000, s11;
	s1 =	sand.u32 $0x1, s1;
	s4 =	sadd.s32 $0x63200, s0  }
0x6: {  	s7 =	sadd.s32 $0x14200, s0;
	s10 =	sshll.u32 s11, $0xE;
	s26 =	smul.u32 $0x2780, s11  }
0x7: {  	s11 =	simm.s32 $0x2C00;
	_ =	strace $0x8000004A;
	s6 =	sshrl.u32 s5, $0x2  }
0x8: {  	s8 =	ssub.s32 $0x2, s1;
	s16 =	sshll.u32 s1, $0x12;
	s6 =	sadd.s32 s6, s2  }
0x9: {  	p0 =	seq.s32 s1, $0x1;
	s1 =	simm.s32 $0x73200;
	s14 =	sadd.s32 $0x2800, s6  }
0xa: {  	s5 =	sadd.s32 $0x4200, s0;
	s15 =	sadd.s32 $0x5000, s6;
	[dreg:$0x3] =	wrdreg s14  }
0xb: {  	s9 =	sshrl.u32 s8, $0x1;
	s12 =	sadd.s32 $0x7800, s6;
	[dreg:$0x4] =	wrdreg s15  }
0xc: {  	s1 =	simm.s32 @!p0 $0x3B400;
	s17 =	sadd.s32 $0xA000, s6;
	[dreg:$0x5] =	wrdreg s12  }
0xd: {  	s8 =	ssub.s32 s8, s9;
	s18 =	sadd.s32 $0xC800, s6;
	[dreg:$0x6] =	wrdreg s17  }
0xe: {  	s0 =	sadd.s32 s1, s0;
	s19 =	sadd.s32 $0xF000, s6;
	[dreg:$0x7] =	wrdreg s18  }
0xf: {  	s21 =	sadd.s32 $0x11800, s6;
	s12 =	sor.u32 s10, s16;
	[dreg:$0x8] =	wrdreg s19  }
0x10: {  	s1 =	simm.s32 $0x50;
	[dreg:$0x9] =	wrdreg s21;
	s20 =	sshrl.u32 s12, $0x3  }
0x11: {  	s14 =	simm.s32 $0x3;
	s15 =	simm.s32 $0x7C00;
	s22 =	sadd.s32 s4, s20  }
0x12: {  	s16 =	simm.s32 $0x0;
	s13 =	sadd.s32 s5, s20;
	[dreg:$0xa] =	wrdreg s22  }
0x13: {  	s23 =	sor.u32 $0x10, s20;
	s9 =	sor.u32 $0x20, s20;
	[dreg:$0xb] =	wrdreg s13  }
0x14: {  	s24 =	sadd.s32 s4, s23;
	s10 =	sadd.s32 s5, s23;
	s25 =	sadd.s32 s4, s9  }
.Ltmp0:
0x15: {  	s21 =	sadd.s32 s5, s9;
	s22 =	smax.u32 s8, $0x1;
	(pc) =	sbr.rel .LBB2_1-.Ltmp0, $4  }
0x16: {  	s23 =	sadd.s32 s0, s26;
	s26 =	simm.s32 $0x200;
	[dreg:$0xc] =	wrdreg s24  }
0x17: {  	s0 =	simm.s32 $0x2;
	s8 =	simm.s32 $0x1;
	[dreg:$0xd] =	wrdreg s10  }
0x18: {  	s9 =	simm.s32 $0x180;
	s13 =	simm.s32 $0x5400;
	[dreg:$0xe] =	wrdreg s25  }
0x19: {  	v0 =	vimm.f32 $0.0e+00;
	s24 =	simm.s32 $0x400;
	s25 =	simm.s32 $0x4;
	s10 =	simm.s32 $0x380  }
.LBB2_15:
0x1a: {  	[spmem:s2] =	stream.indirect.scatter.add.f32 [tilespmem:s11], [sflag:$0x3], $0x80, s29, s1, $0xb8;
	[tilespmem:$0x1E000] =	vst v63  }
.LBB2_28:
0x1b: {  	_ =	swait.ge [sflag:s14], $0x2800;
	s17 =	stileid.u32  }
0x1c: {  	s18 =	sshrl.u32 s6, $0x3;
	s16 =	sadd.s32 $0x1, s16;
	[sflag:s14] =	ssyncset.done $0x0  }
0x1d: {  	s17 =	sshll.u32 s17, $0x6;
	p0 =	sne.s32 s16, s22;
	[sflag:s14] =	ssyncadd.s32 $0xFFFFD800  }
.Ltmp1:
0x1e: {  	s17 =	sor.u32 $0x1C04, s17;
	[bflag:$0x0] =	sbarrier.arrive $0xFFFF;
	(pc) =	sbr.rel @!p0 .LBB2_29-.Ltmp1, $4  }
0x1f: {  	[hbm:s23], [sflag:s17] =	dma.local [spmem:s18], $0x2780  }
0x20: {  	_ =	swait.ge [sflag:s25], $0x2780  }
0x21: {  	[sflag:s25] =	ssyncset.done $0x0  }
0x22: {  	[sflag:s25] =	ssyncadd.s32 $0xFFFFD880  }
.LBB2_1:
0x23: {  	s17 =	simm.s32 $0x0;
	s18 =	simm.s32 $0x200  }
.LBB2_2:
0x24: {  	p0 =	sne.s32 s18, $0x9E00;
	[tilespmem:s17+$0x470] =	vst v0  }
0x25: {  	[tilespmem:s17+$0x400] =	vst v0  }
0x26: {  	[tilespmem:s17+$0x410] =	vst v0  }
.Ltmp2:
0x27: {  	[tilespmem:s17+$0x420] =	vst v0;
	(pc) =	sbr.rel @p0 .LBB2_2-.Ltmp2, $4  }
0x28: {  	[tilespmem:s17+$0x430] =	vst v0  }
0x29: {  	[tilespmem:s17+$0x440] =	vst v0  }
0x2a: {  	[tilespmem:s17+$0x450] =	vst v0  }
0x2b: {  	[tilespmem:s17+$0x460] =	vst v0;
	s17 =	sshra.s32 s18, $0x2;
	s18 =	sadd.s32 $0x200, s18  }
0x2c: {  	[tilespmem:s17+$0x470] =	vst v0  }
0x2d: {  	[tilespmem:s17+$0x400] =	vst v0  }
0x2e: {  	[tilespmem:s17+$0x410] =	vst v0  }
0x2f: {  	[tilespmem:s17+$0x420] =	vst v0  }
0x30: {  	[tilespmem:s17+$0x430] =	vst v0  }
0x31: {  	[tilespmem:s17+$0x440] =	vst v0  }
0x32: {  	[tilespmem:s17+$0x450] =	vst v0  }
0x33: {  	[tilespmem:s17+$0x460] =	vst v0  }
0x34: {  	[spmem:s6] =	stream.linear.scatter [tilespmem:s24], [sflag:$0x4], $0x2800, $0x38;
	[tilespmem:$0x1E000] =	vst v63  }
0x35: {  	_ =	swait.ge [sflag:s25], $0x2800  }
0x36: {  	[sflag:s25] =	ssyncset.done $0x0  }
0x37: {  	s18 =	rddreg [dreg:$0x3];
	[sflag:s25] =	ssyncadd.s32 $0xFFFFD800  }
0x38: {  	[spmem:s18] =	stream.linear.scatter [tilespmem:s24], [sflag:$0x4], $0x2800, $0x38;
	[tilespmem:$0x1E000] =	vst v63  }
0x39: {  	_ =	swait.ge [sflag:s25], $0x2800  }
0x3a: {  	[sflag:s25] =	ssyncset.done $0x0  }
0x3b: {  	s19 =	rddreg [dreg:$0x4];
	[sflag:s25] =	ssyncadd.s32 $0xFFFFD800  }
0x3c: {  	[spmem:s19] =	stream.linear.scatter [tilespmem:s24], [sflag:$0x4], $0x2800, $0x38;
	[tilespmem:$0x1E000] =	vst v63  }
0x3d: {  	_ =	swait.ge [sflag:s25], $0x2800  }
0x3e: {  	[sflag:s25] =	ssyncset.done $0x0  }
0x3f: {  	s20 =	rddreg [dreg:$0x5];
	[sflag:s25] =	ssyncadd.s32 $0xFFFFD800  }
0x40: {  	[spmem:s20] =	stream.linear.scatter [tilespmem:s24], [sflag:$0x4], $0x2800, $0x38;
	[tilespmem:$0x1E000] =	vst v63  }
0x41: {  	_ =	swait.ge [sflag:s25], $0x2800  }
0x42: {  	[sflag:s25] =	ssyncset.done $0x0  }
0x43: {  	s18 =	rddreg [dreg:$0x6];
	[sflag:s25] =	ssyncadd.s32 $0xFFFFD800  }
0x44: {  	[spmem:s18] =	stream.linear.scatter [tilespmem:s24], [sflag:$0x4], $0x2800, $0x38;
	[tilespmem:$0x1E000] =	vst v63  }
0x45: {  	_ =	swait.ge [sflag:s25], $0x2800  }
0x46: {  	[sflag:s25] =	ssyncset.done $0x0  }
0x47: {  	s19 =	rddreg [dreg:$0x7];
	[sflag:s25] =	ssyncadd.s32 $0xFFFFD800  }
0x48: {  	[spmem:s19] =	stream.linear.scatter [tilespmem:s24], [sflag:$0x4], $0x2800, $0x38;
	[tilespmem:$0x1E000] =	vst v63  }
0x49: {  	_ =	swait.ge [sflag:s25], $0x2800  }
0x4a: {  	[sflag:s25] =	ssyncset.done $0x0  }
0x4b: {  	s20 =	rddreg [dreg:$0x8];
	[sflag:s25] =	ssyncadd.s32 $0xFFFFD800  }
0x4c: {  	[spmem:s20] =	stream.linear.scatter [tilespmem:s24], [sflag:$0x4], $0x2800, $0x38;
	[tilespmem:$0x1E000] =	vst v63  }
0x4d: {  	_ =	swait.ge [sflag:s25], $0x2800  }
0x4e: {  	[sflag:s25] =	ssyncset.done $0x0  }
0x4f: {  	s18 =	rddreg [dreg:$0x9];
	[sflag:s25] =	ssyncadd.s32 $0xFFFFD800  }
0x50: {  	[spmem:s18] =	stream.linear.scatter [tilespmem:s24], [sflag:$0x4], $0x2400, $0x38;
	[tilespmem:$0x1E000] =	vst v63  }
0x51: {  	_ =	swait.ge [sflag:s25], $0x2400  }
0x52: {  	[sflag:s25] =	ssyncset.done $0x0  }
0x53: {  	[sflag:s25] =	ssyncadd.s32 $0xFFFFDC00  }
0x54: {  	[bflag:$0x0] =	sbarrier.arrive $0xFFFF  }
0x55: {  	s17 =	simm.s32 $0x0;
	s18 =	rddreg [dreg:$0xa]  }
0x56: {  	[tilespmem:s17], [sflag:$0x2] =	stream.linear.gather [hbm4b:s18+s17], $0x80, $0x38;
	[tilespmem:$0x1E000] =	vst v63  }
0x57: {  	s19 =	rddreg [dreg:$0xb]  }
0x58: {  	[tilespmem:s26], [sflag:$0x2] =	stream.linear.gather [hbm4b:s19+s17], $0x80, $0x38;
	[tilespmem:$0x1E000] =	vst v63  }
0x59: {  	s20 =	rddreg [dreg:$0xc]  }
0x5a: {  	[tilespmem:s28], [sflag:$0x2] =	stream.linear.gather [hbm4b:s20+s17], $0x80, $0x38;
	[tilespmem:$0x1E000] =	vst v63  }
0x5b: {  	s19 =	rddreg [dreg:$0xd]  }
0x5c: {  	[tilespmem:s29], [sflag:$0x2] =	stream.linear.gather [hbm4b:s19+s17], $0x80, $0x38;
	[tilespmem:$0x1E000] =	vst v63  }
0x5d: {  	s20 =	rddreg [dreg:$0xe]  }
0x5e: {  	[tilespmem:s30], [sflag:$0x2] =	stream.linear.gather [hbm4b:s20+s17], $0x80, $0x38;
	[tilespmem:$0x1E000] =	vst v63  }
0x5f: {  	_ = 	snop  }
0x60: {  	[tilespmem:s31], [sflag:$0x2] =	stream.linear.gather [hbm4b:s21+s17], $0x80, $0x38;
	[tilespmem:$0x1E000] =	vst v63  }
0x61: {  	_ =	swait.ge [sflag:s0], $0x80  }
0x62: {  	[sflag:s0] =	ssyncset.done $0x0  }
.Ltmp3:
0x63: {  	[sflag:s0] =	ssyncadd.s32 $0xFFFFFF80;
	(pc) =	sbr.rel .LBB2_4-.Ltmp3, $4  }
0x64: {  	_ =	swait.ge [sflag:s0], $0x80  }
0x65: {  	[sflag:s0] =	ssyncset.done $0x0  }
0x66: {  	s18 =	simm.s32 $0x180;
	[sflag:s0] =	ssyncadd.s32 $0xFFFFFF80  }
0x67: {  	[tilespmem:s24], [sflag:$0x1] =	stream.indirect.gather [hbm4b:s7+s1], $0x80, s17, s1, $0xb8;
	[tilespmem:$0x1E000] =	vst v63  }
.LBB2_12:
0x68: {  	s19 =	sand.u32 $0x7C00, s18  }
0x69: {  	s20 =	sand.u32 $0x380, s18;
	s19 =	sadd.s32 s12, s19  }
0x6a: {  	s19 =	sor.u32 s20, s19  }
0x6b: {  	s19 =	sshrl.u32 s19, $0x3  }
0x6c: {  	s20 =	sadd.s32 s4, s19  }
0x6d: {  	[tilespmem:s3], [sflag:$0x2] =	stream.linear.gather [hbm4b:s20+s3], $0x80, $0x38;
	[tilespmem:$0x1E000] =	vst v63  }
0x6e: {  	s19 =	sadd.s32 s5, s19  }
0x6f: {  	[tilespmem:s26], [sflag:$0x2] =	stream.linear.gather [hbm4b:s19+s3], $0x80, $0x38;
	[tilespmem:$0x1E000] =	vst v63  }
.LBB2_13:
0x70: {  	_ =	swait.ge [sflag:s0], $0x80  }
0x71: {  	[sflag:s0] =	ssyncset.done $0x0  }
0x72: {  	[sflag:s0] =	ssyncadd.s32 $0xFFFFFF80  }
0x73: {  	_ =	swait.ge [sflag:s0], $0x80  }
0x74: {  	[sflag:s0] =	ssyncset.done $0x0  }
0x75: {  	[sflag:s0] =	ssyncadd.s32 $0xFFFFFF80  }
0x76: {  	[tilespmem:s13], [sflag:$0x1] =	stream.indirect.gather [hbm4b:s7+s1], $0x80, s30, s1, $0xb8;
	[tilespmem:$0x1E000] =	vst v63  }
0x77: {  	_ = 	snop  }
0x78: {  	[spmem:s2] =	stream.indirect.scatter.add.f32 [tilespmem:s11], [sflag:$0x3], $0x80, s29, s1, $0xb8;
	[tilespmem:$0x1E000] =	vst v63  }
.LBB2_27:
0x79: {  	s17 =	sadd.s32 $0x1, s17  }
0x7a: {  	p0 =	sne.s32 s17, $0x7D  }
.Ltmp4:
0x7b: {  	_ = 	snop;
	(pc) =	sbr.rel @!p0 .LBB2_28-.Ltmp4, $2  }
0x7c: {  	_ =	sdelay $0x2  }
0x7d: {  	s18 =	sadd.s32 $0x80, s18  }
.LBB2_4:
0x7e: {  	s19 =	sand.u32 $0x3, s17  }
0x7f: {  	p0 =	sgt.s32 s19, $0x1  }
.Ltmp5:
0x80: {  	_ = 	snop;
	(pc) =	sbr.rel @p0 .LBB2_21-.Ltmp5, $4  }
0x81: {  	_ = 	snop  }
0x82: {  	_ =	swait.ge [sflag:s8], $0x2800  }
0x83: {  	[sflag:s8] =	ssyncset.done $0x0  }
0x84: {  	[sflag:s8] =	ssyncadd.s32 $0xFFFFD800  }
0x85: {  	p0 =	seq.s32 s19, $0x0  }
.Ltmp6:
0x86: {  	_ = 	snop;
	(pc) =	sbr.rel @!p0 .LBB2_11-.Ltmp6, $1  }
0x87: {  	_ =	sdelay $0x3  }
0x88: {  	p0 =	seq.s32 s17, $0x0  }
0x89: {  	p1 =	sgt.u32 @!p0 s17, $0x79  }
0x8a: {  	p1 =	por p0, !p1  }
.Ltmp7:
0x8b: {  	_ = 	snop;
	(pc) =	sbr.rel @!p1 .LBB2_8-.Ltmp7, $4  }
0x8c: {  	s19 =	simm.s32 @!p0 $0x3  }
0x8d: {  	_ =	swait.ge @!p0 [sflag:s19], $0x2800  }
0x8e: {  	[sflag:s19] =	ssyncset.done @!p0 $0x0  }
0x8f: {  	[sflag:s19] =	ssyncadd.s32 @!p0 $0xFFFFD800  }
0x90: {  	s19 =	sand.u32 $0x7C00, s18  }
0x91: {  	s20 =	sand.u32 $0x380, s18;
	s19 =	sadd.s32 s12, s19  }
0x92: {  	s19 =	sor.u32 s20, s19  }
.Ltmp8:
0x93: {  	s19 =	sshrl.u32 s19, $0x3;
	(pc) =	sbr.rel .LBB2_9-.Ltmp8, $4  }
0x94: {  	s20 =	sadd.s32 s4, s19  }
0x95: {  	[tilespmem:s9], [sflag:$0x2] =	stream.linear.gather [hbm4b:s20+s3], $0x80, $0x38;
	[tilespmem:$0x1E000] =	vst v63  }
0x96: {  	s19 =	sadd.s32 s5, s19  }
0x97: {  	[tilespmem:s10], [sflag:$0x2] =	stream.linear.gather [hbm4b:s19+s3], $0x80, $0x38;
	[tilespmem:$0x1E000] =	vst v63  }
.LBB2_21:
0x98: {  	p1 =	seq.s32 s19, $0x2  }
.Ltmp9:
0x99: {  	_ = 	snop;
	(pc) =	sbr.rel @!p1 .LBB2_22-.Ltmp9, $2  }
0x9a: {  	_ =	sdelay $0x2  }
0x9b: {  	p0 =	seq.s32 s17, $0x0  }
0x9c: {  	p1 =	sgt.u32 @!p0 s17, $0x79  }
0x9d: {  	p1 =	por p0, !p1  }
.Ltmp10:
0x9e: {  	_ = 	snop;
	(pc) =	sbr.rel @!p1 .LBB2_18-.Ltmp10, $4  }
0x9f: {  	s19 =	simm.s32 @!p0 $0x3  }
0xa0: {  	_ =	swait.ge @!p0 [sflag:s19], $0x2800  }
0xa1: {  	[sflag:s19] =	ssyncset.done @!p0 $0x0  }
0xa2: {  	[sflag:s19] =	ssyncadd.s32 @!p0 $0xFFFFD800  }
0xa3: {  	s19 =	sand.u32 $0x7C00, s18  }
0xa4: {  	s20 =	sand.u32 $0x380, s18;
	s19 =	sadd.s32 s12, s19  }
0xa5: {  	s19 =	sor.u32 s20, s19  }
.Ltmp11:
0xa6: {  	s19 =	sshrl.u32 s19, $0x3;
	(pc) =	sbr.rel .LBB2_19-.Ltmp11, $4  }
0xa7: {  	s20 =	sadd.s32 s4, s19  }
0xa8: {  	[tilespmem:s28], [sflag:$0x2] =	stream.linear.gather [hbm4b:s20+s3], $0x80, $0x38;
	[tilespmem:$0x1E000] =	vst v63  }
0xa9: {  	s19 =	sadd.s32 s5, s19  }
0xaa: {  	[tilespmem:s29], [sflag:$0x2] =	stream.linear.gather [hbm4b:s19+s3], $0x80, $0x38;
	[tilespmem:$0x1E000] =	vst v63  }
.LBB2_11:
0xab: {  	p0 =	seq.s32 s17, $0x0  }
0xac: {  	p1 =	sgt.u32 @!p0 s17, $0x79  }
0xad: {  	p1 =	por p0, !p1  }
.Ltmp12:
0xae: {  	_ = 	snop;
	(pc) =	sbr.rel @p1 .LBB2_12-.Ltmp12, $4  }
0xaf: {  	s19 =	simm.s32 @!p0 $0x3  }
0xb0: {  	_ =	swait.ge @!p0 [sflag:s19], $0x2800  }
0xb1: {  	[sflag:s19] =	ssyncset.done @!p0 $0x0  }
0xb2: {  	[sflag:s19] =	ssyncadd.s32 @!p0 $0xFFFFD800  }
0xb3: {  	p0 =	sne.s32 s17, $0x7C  }
.Ltmp13:
0xb4: {  	_ = 	snop;
	(pc) =	sbr.rel @p0 .LBB2_13-.Ltmp13, $4  }
.Ltmp14:
0xb5: {  	_ = 	snop;
	(pc) =	sbr.rel @!p0 .LBB2_15-.Ltmp14, $4  }
0xb6: {  	_ = 	snop  }
0xb7: {  	_ = 	snop  }
0xb8: {  	_ = 	snop  }
0xb9: {  	_ = 	snop  }
.LBB2_22:
0xba: {  	p1 =	sgt.u32 @!p0 s17, $0x79  }
0xbb: {  	p1 =	por p0, !p1  }
.Ltmp15:
0xbc: {  	_ = 	snop;
	(pc) =	sbr.rel @!p1 .LBB2_24-.Ltmp15, $4  }
0xbd: {  	s19 =	simm.s32 @!p0 $0x3  }
0xbe: {  	_ =	swait.ge @!p0 [sflag:s19], $0x2800  }
0xbf: {  	[sflag:s19] =	ssyncset.done @!p0 $0x0  }
0xc0: {  	[sflag:s19] =	ssyncadd.s32 @!p0 $0xFFFFD800  }
0xc1: {  	s19 =	sand.u32 $0x7C00, s18  }
0xc2: {  	s20 =	sand.u32 $0x380, s18;
	s19 =	sadd.s32 s12, s19  }
0xc3: {  	s19 =	sor.u32 s20, s19  }
.Ltmp16:
0xc4: {  	s19 =	sshrl.u32 s19, $0x3;
	(pc) =	sbr.rel .LBB2_25-.Ltmp16, $4  }
0xc5: {  	s20 =	sadd.s32 s4, s19  }
0xc6: {  	[tilespmem:s30], [sflag:$0x2] =	stream.linear.gather [hbm4b:s20+s3], $0x80, $0x38;
	[tilespmem:$0x1E000] =	vst v63  }
0xc7: {  	s19 =	sadd.s32 s5, s19  }
0xc8: {  	[tilespmem:s31], [sflag:$0x2] =	stream.linear.gather [hbm4b:s19+s3], $0x80, $0x38;
	[tilespmem:$0x1E000] =	vst v63  }
.LBB2_8:
0xc9: {  	p0 =	seq.s32 s17, $0x7C  }
.Ltmp17:
0xca: {  	_ = 	snop;
	(pc) =	sbr.rel @p0 .LBB2_10-.Ltmp17, $1  }
0xcb: {  	_ =	sdelay $0x3  }
.LBB2_9:
0xcc: {  	_ =	swait.ge [sflag:s0], $0x80  }
0xcd: {  	[sflag:s0] =	ssyncset.done $0x0  }
0xce: {  	[sflag:s0] =	ssyncadd.s32 $0xFFFFFF80  }
0xcf: {  	_ =	swait.ge [sflag:s0], $0x80  }
0xd0: {  	[sflag:s0] =	ssyncset.done $0x0  }
0xd1: {  	[sflag:s0] =	ssyncadd.s32 $0xFFFFFF80  }
0xd2: {  	[tilespmem:s11], [sflag:$0x1] =	stream.indirect.gather [hbm4b:s7+s1], $0x80, s28, s1, $0xb8;
	[tilespmem:$0x1E000] =	vst v63  }
.LBB2_10:
.Ltmp18:
0xd3: {  	(pc) =	sbr.rel .LBB2_27-.Ltmp18, $2  }
0xd4: {  	_ =	sdelay $0x2  }
0xd5: {  	[spmem:s2] =	stream.indirect.scatter.add.f32 [tilespmem:s24], [sflag:$0x3], $0x80, s26, s1, $0xb8;
	[tilespmem:$0x1E000] =	vst v63  }
.LBB2_18:
0xd6: {  	p0 =	seq.s32 s17, $0x7C  }
.Ltmp19:
0xd7: {  	_ = 	snop;
	(pc) =	sbr.rel @p0 .LBB2_20-.Ltmp19, $1  }
0xd8: {  	_ =	sdelay $0x3  }
.LBB2_19:
0xd9: {  	_ =	swait.ge [sflag:s0], $0x80  }
0xda: {  	[sflag:s0] =	ssyncset.done $0x0  }
0xdb: {  	[sflag:s0] =	ssyncadd.s32 $0xFFFFFF80  }
0xdc: {  	_ =	swait.ge [sflag:s0], $0x80  }
0xdd: {  	[sflag:s0] =	ssyncset.done $0x0  }
0xde: {  	[sflag:s0] =	ssyncadd.s32 $0xFFFFFF80  }
0xdf: {  	[tilespmem:s15], [sflag:$0x1] =	stream.indirect.gather [hbm4b:s7+s1], $0x80, s9, s1, $0xb8;
	[tilespmem:$0x1E000] =	vst v63  }
.LBB2_20:
.Ltmp20:
0xe0: {  	(pc) =	sbr.rel .LBB2_27-.Ltmp20, $2  }
0xe1: {  	_ =	sdelay $0x2  }
0xe2: {  	[spmem:s2] =	stream.indirect.scatter.add.f32 [tilespmem:s13], [sflag:$0x3], $0x80, s31, s1, $0xb8;
	[tilespmem:$0x1E000] =	vst v63  }
.LBB2_24:
0xe3: {  	p0 =	seq.s32 s17, $0x7C  }
.Ltmp21:
0xe4: {  	_ = 	snop;
	(pc) =	sbr.rel @p0 .LBB2_26-.Ltmp21, $1  }
0xe5: {  	_ =	sdelay $0x3  }
.LBB2_25:
0xe6: {  	_ =	swait.ge [sflag:s0], $0x80  }
0xe7: {  	[sflag:s0] =	ssyncset.done $0x0  }
0xe8: {  	[sflag:s0] =	ssyncadd.s32 $0xFFFFFF80  }
0xe9: {  	_ =	swait.ge [sflag:s0], $0x80  }
0xea: {  	[sflag:s0] =	ssyncset.done $0x0  }
0xeb: {  	[sflag:s0] =	ssyncadd.s32 $0xFFFFFF80  }
0xec: {  	[tilespmem:s24], [sflag:$0x1] =	stream.indirect.gather [hbm4b:s7+s1], $0x80, s3, s1, $0xb8;
	[tilespmem:$0x1E000] =	vst v63  }
.LBB2_26:
.Ltmp22:
0xed: {  	(pc) =	sbr.rel .LBB2_27-.Ltmp22, $2  }
0xee: {  	_ =	sdelay $0x2  }
0xef: {  	[spmem:s2] =	stream.indirect.scatter.add.f32 [tilespmem:s15], [sflag:$0x3], $0x80, s10, s1, $0xb8;
	[tilespmem:$0x1E000] =	vst v63  }
.LBB2_29:
0xf0: {  	_ =	sfence.sel $0x180000  }
0xf1: {  	[bflag:$0x0] =	sbarrier.arrive $0xFFFF  }
0xf2: {  	_ =	strace $0x9000004A  }
0xf3: {  	s0 =	stileid.u32;
	[bflag:$0x2] =	sbarrier.arrive $0xFFFF  }
0xf4: {  	p0 =	sne.s32 s0, $0x0;
	s0 =	rddreg [dreg:$0x2]  }
0xf5: {  	s0 =	sadd.s32 @!p0 $0x100000, s0  }
0xf6: {  	[sflag:s0] =	ssyncadd.tile.s32 @!p0 $0x1;
	_ =	shalt  }
.Lfunc_end2:
_tile_overlayer_lowered:
.L_overlay_start_2:
0xf7: {  	(tag) =	ssettag $0x2  }
0xf8: {  	s0 =	rddreg [dreg:$0x0];
	s2 =	stileid.u32  }
0xf9: {  	s1 =	rddreg [dreg:$0x1];
	p0 =	sne.s32 s2, $0x0  }
0xfa: {  	s3 =	rddreg [dreg:$0x2];
	[bflag:$0x3] =	sbarrier.arrive $0xFFFF;
	s2 =	simm.s32 @!p0 $0x1C04  }
0xfb: {  	[timem:s3], [sflag:s2] =	dma.local @!p0 [hbm:s0], s1  }
0xfc: {  	s0 =	simm.s32 @!p0 $0x4  }
0xfd: {  	_ =	swait.ge @!p0 [sflag:s0], s1  }
0xfe: {  	s1 =	ssub.s32 @!p0 $0x0, s1;
	[sflag:s0] =	ssyncset.done @!p0 $0x0  }
0xff: {  	[sflag:s0] =	ssyncadd.s32 @!p0 s1  }
0x100: {  	[bflag:$0x3] =	sbarrier.arrive $0xFFFF  }
0x101: {  	_ =	shalt  }

// kernel: kernel.16.cloned.1.call-start
scs
__scs_entry_jumppad:
0x0: {  	(pc) =	sbr.rel $0x88, $3  }
0x1: {  	(tag) =	ssettag $0x0;
	lr =	simm.s32 $0x1  }
0x2: {  	[smem:$0x3F96] =	sst lr;
	_ =	strace $0xD0000000  }
0x3: {  	_ = 	snop  }
0x4: {  	_ = 	snop  }
0x5: {  	_ = 	snop  }
0x6: {  	_ = 	snop  }
0x7: {  	_ = 	snop  }
__scs_overlays_trampoline_lowered:
0x8: {  	[smem:$0x3FA5] =	sst s0  }
0x9: {  	[smem:$0x3FA6] =	sst s1  }
0xa: {  	[smem:$0x3FA7] =	sst s2  }
0xb: {  	[smem:$0x3FA8] =	sst s3  }
0xc: {  	[smem:$0x3FA9] =	sst s4  }
0xd: {  	[smem:$0x3FAA] =	sst s5  }
0xe: {  	[smem:$0x3FAB] =	sst s6  }
0xf: {  	[smem:$0x3FAC] =	sst s7  }
0x10: {  	[smem:$0x3FAD] =	sst s8  }
0x11: {  	[smem:$0x3FAE] =	sst s9;
	s0 =	simm.s32 @!p0 $0x0  }
0x12: {  	s1 =	sld [smem:$0x3F94];
	s0 =	simm.s32 @p0 $0x1  }
0x13: {  	[smem:$0x3FAF] =	sst s0;
	s0 =	simm.s32 @!p1 $0x0  }
0x14: {  	s2 =	sld [smem:$0x3F93];
	s0 =	simm.s32 @p1 $0x1  }
0x15: {  	[smem:$0x3FB0] =	sst s0;
	s0 =	simm.s32 @!p2 $0x0  }
0x16: {  	s3 =	sld [smem:$0x3FDB];
	s0 =	simm.s32 @p2 $0x1  }
0x17: {  	s4 =	simm.s32 $0x1BF5;
	[smem:$0x3FB2] =	sst s0  }
0x18: {  	s0 =	sld [smem:$0x3F95];
	_ =	swait.ge [sflag:s4], $0x0  }
0x19: {  	s7 =	sld [smem:$0x3F96]  }
0x1a: {  	s8 =	sadd.s32 $0xFFFFE003, lr  }
0x1b: {  	s9 =	sadd.s32 $0xFFFFFEF7, lr;
	s5 =	simm.s32 $0xFFFFFFFF;
	p2 =	slt.u32 s8, $0xFFFFF086  }
0x1c: {  	p1 =	slt.u32 s9, $0xF7A;
	s5 =	simm.s32 @!p2 $0x0  }
0x1d: {  	s5 =	simm.s32 @p1 $0x1;
	p0 =	seq.s32 s7, s2  }
0x1e: {  	s7 =	smul.u32 @!p0 $0xF7A, s2;
	p2 =	seq.s32 @!p0 s5, $0x0  }
0x1f: {  	s9 =	smul.u32 $0xF7A, s1;
	s8 =	simm.s32 @!p0 $0x1BF5;
	p2 =	por !p2, p0  }
0x20: {  	[sflag:s8] =	ssyncset.s32 @!p0 $0xFFFFF086;
	s6 =	sadd.s32 @!p0 s3, s7;
	s7 =	simm.s32 @!p0 $0x108  }
0x21: {  	s3 =	sadd.s32 s3, s9;
	s6 =	sadd.s32 @!p0 $0x88, s6;
	s7 =	simm.s32 @p2 $0x1082  }
0x22: {  	[simem:s7], [sflag:s8] =	dma.local @!p0 [hbm:s6], $0xF7A  }
0x23: {  	s9 =	sor.u32 $0xD0000000, s2;
	s6 =	simm.s32 $0x108;
	_ =	swait.ge @!p0 [sflag:s8], $0x0  }
0x24: {  	s3 =	sadd.s32 $0x88, s3;
	s6 =	simm.s32 @!p1 $0x1082;
	[sflag:s4] =	ssyncset.s32 $0xFFFFF086  }
0x25: {  	[simem:s6], [sflag:s4] =	dma.local [hbm:s3], $0xF7A  }
0x26: {  	[smem:$0x3F96] =	sst s1;
	(tag) =	ssettag s2;
	_ =	strace s9  }
0x27: {  	s1 =	sld [smem:$0x3FA6]  }
0x28: {  	s2 =	sld [smem:$0x3FA7]  }
0x29: {  	s4 =	sld [smem:$0x3FA9]  }
0x2a: {  	p0 =	seq.s32 s5, $0x0;
	s5 =	sld [smem:$0x3FAA]  }
0x2b: {  	s6 =	sld [smem:$0x3FAB]  }
0x2c: {  	s7 =	sld [smem:$0x3FAC]  }
0x2d: {  	s3 =	simm.s32 $0x108;
	s8 =	sld [smem:$0x3FAD]  }
0x2e: {  	s3 =	simm.s32 @!p0 $0x1082;
	s9 =	sld [smem:$0x3FAE]  }
0x2f: {  	lr =	sadd.s32 s0, s3;
	s0 =	sld [smem:$0x3FA5]  }
0x30: {  	s3 =	sld [smem:$0x3FA8]  }
0x31: {  	[smem:$0x3FB1] =	sst s10  }
0x32: {  	s10 =	sld [smem:$0x3FAF];
	_ =	sdelay $0x3  }
0x33: {  	p0 =	seq.s32 s10, $0x1;
	s10 =	sld [smem:$0x3FB1];
	_ =	sdelay $0x3  }
0x34: {  	[smem:$0x3FB1] =	sst s10  }
0x35: {  	s10 =	sld [smem:$0x3FB0];
	_ =	sdelay $0x3  }
0x36: {  	p1 =	seq.s32 s10, $0x1;
	s10 =	sld [smem:$0x3FB1];
	_ =	sdelay $0x3  }
0x37: {  	[smem:$0x3FB1] =	sst s10  }
0x38: {  	s10 =	sld [smem:$0x3FB2]  }
0x39: {  	_ = 	snop;
	(pc) =	sbr.ind lr, $3  }
0x3a: {  	_ = 	snop  }
0x3b: {  	_ = 	snop  }
0x3c: {  	p2 =	seq.s32 s10, $0x1;
	s10 =	sld [smem:$0x3FB1]  }
0x3d: {  	_ =	shalt  }
0x3e: {  	_ =	shalt  }
0x3f: {  	_ =	shalt  }
0x40: {  	_ =	shalt  }
0x41: {  	_ =	shalt  }
0x42: {  	_ =	shalt  }
0x43: {  	_ =	shalt  }
0x44: {  	_ =	shalt  }
0x45: {  	_ =	shalt  }
0x46: {  	_ =	shalt  }
0x47: {  	_ =	shalt  }
0x48: {  	_ =	shalt  }
0x49: {  	_ =	shalt  }
0x4a: {  	_ =	shalt  }
0x4b: {  	_ =	shalt  }
0x4c: {  	_ =	shalt  }
0x4d: {  	_ =	shalt  }
0x4e: {  	_ =	shalt  }
0x4f: {  	_ =	shalt  }
0x50: {  	_ =	shalt  }
0x51: {  	_ =	shalt  }
0x52: {  	_ =	shalt  }
0x53: {  	_ =	shalt  }
0x54: {  	_ =	shalt  }
0x55: {  	_ =	shalt  }
0x56: {  	_ =	shalt  }
0x57: {  	_ =	shalt  }
0x58: {  	_ =	shalt  }
0x59: {  	_ =	shalt  }
0x5a: {  	_ =	shalt  }
0x5b: {  	_ =	shalt  }
0x5c: {  	_ =	shalt  }
0x5d: {  	_ =	shalt  }
0x5e: {  	_ =	shalt  }
0x5f: {  	_ =	shalt  }
0x60: {  	_ =	shalt  }
0x61: {  	_ =	shalt  }
0x62: {  	_ =	shalt  }
0x63: {  	_ =	shalt  }
0x64: {  	_ =	shalt  }
0x65: {  	_ =	shalt  }
0x66: {  	_ =	shalt  }
0x67: {  	_ =	shalt  }
0x68: {  	_ =	shalt  }
0x69: {  	_ =	shalt  }
0x6a: {  	_ =	shalt  }
0x6b: {  	_ =	shalt  }
0x6c: {  	_ =	shalt  }
0x6d: {  	_ =	shalt  }
0x6e: {  	_ =	shalt  }
0x6f: {  	_ =	shalt  }
0x70: {  	_ =	shalt  }
0x71: {  	_ =	shalt  }
0x72: {  	_ =	shalt  }
0x73: {  	_ =	shalt  }
0x74: {  	_ =	shalt  }
0x75: {  	_ =	shalt  }
0x76: {  	_ =	shalt  }
0x77: {  	_ =	shalt  }
0x78: {  	_ =	shalt  }
0x79: {  	_ =	shalt  }
0x7a: {  	_ =	shalt  }
0x7b: {  	_ =	shalt  }
0x7c: {  	_ =	shalt  }
0x7d: {  	_ =	shalt  }
0x7e: {  	_ =	shalt  }
0x7f: {  	_ =	shalt  }
0x80: {  	_ =	shalt  }
0x81: {  	_ =	shalt  }
0x82: {  	_ =	shalt  }
0x83: {  	_ =	shalt  }
0x84: {  	_ =	shalt  }
0x85: {  	_ =	shalt  }
0x86: {  	_ =	shalt  }
0x87: {  	_ =	shalt  }
.Lfunc_end0:
.L_simem_size_0:
called_computation.2_lowered:
.L_overlay_start_0:
0x88: {  	s2 =	sld [smem:$0x3FD9]  }
0x89: {  	s3 =	sld [smem:$0x3FFE];
	_ =	sdelay $0x1  }
0x8a: {  	s1 =	srdreg.scid  }
0x8b: {  	s0 =	sand.u32 $0x1, s1  }
0x8c: {  	s16 =	sshll.u32 s0, $0xA;
	s2 =	sadd.s32 s3, s2  }
0x8d: {  	s2 =	sadd.s32 s2, s16  }
0x8e: {  	[smem:$0x3FBD] =	sst s2  }
0x8f: {  	_ = 	snop  }
0x90: {  	(tm) =	ssettm $0x1  }
0x91: {  	s17 =	sld [smem:$0x3FFB];
	_ =	sdelay $0x3  }
0x92: {  	_ =	strace s17  }
0x93: {  	s2 =	sld [smem:$0x3FFC];
	_ =	sdelay $0x3  }
0x94: {  	_ =	strace s2  }
0x95: {  	s2 =	sld [smem:$0x3FFD];
	_ =	sdelay $0x3  }
0x96: {  	_ =	strace s2  }
0x97: {  	_ =	strace $0x8FFFFFFF  }
0x98: {  	s18 =	sld [smem:$0x3FDB];
	_ =	sdelay $0x1  }
0x99: {  	s19 =	simm.s32 $_scs_section_size  }
0x9a: {  	s4 =	simm.s32 $_size__tile_overlayer_lowered;
	s5 =	simm.s32 $_tile_overlayer_lowered  }
0x9b: {  	s22 =	simm.s32 $0x1BFF;
	s21 =	sshll.u32 s5, $0x1;
	s2 =	sadd.s32 s19, s18  }
0x9c: {  	s6 =	simm.s32 $0x0;
	s20 =	sshll.u32 s4, $0x1;
	s4 =	sadd.s32 s21, s2  }
0x9d: {  	[timem:s6], [sflag:s22] =	dma.local [hbm:s4], s20  }
0x9e: {  	_ =	swait.ge [sflag:s22], s20  }
0x9f: {  	s3 =	ssub.s32 $0x0, s20;
	[sflag:s22] =	ssyncset.done $0x0  }
0xa0: {  	[sflag:s22] =	ssyncadd.s32 s3;
	_ =	sdelay $0x1  }
0xa1: {  	s23 =	simm.s32 $0x1B8B  }
0xa2: {  	_ =	swait.ge [sflag:s23], $0x1  }
0xa3: {  	[sflag:s23] =	ssyncset.done $0x0  }
0xa4: {  	s25 =	simm.s32 $0x1B8E;
	s24 =	sld [smem:$0x3FFE];
	[sflag:s23] =	ssyncadd.s32 $0xFFFFFFFF  }
0xa5: {  	s26 =	simm.s32 $execute0_lowered;
	[smem:$0x3FD2] =	sst s25  }
0xa6: {  	s4 =	sshll.u32 s26, $0x1;
	_ =	strace $0x8000004C;
	[dreg:$0x1] =	wrdreg $0xFFFFFFFF  }
0xa7: {  	s28 =	simm.s32 $_size_execute0_lowered;
	s2 =	sadd.s32 s2, s4;
	[dreg:$0x0] =	wrdreg $0x0  }
0xa8: {  	s4 =	sshll.u32 s28, $0x1;
	[dreg:$0x2] =	wrdreg s2  }
0xa9: {  	[dreg:$0x3] =	wrdreg s4  }
0xaa: {  	[dreg:$0x4] =	wrdreg $0xC0  }
0xab: {  	_ =	task [dreg:s6], $0x5FFFF  }
0xac: {  	[dreg:$0x1] =	wrdreg $0xFFFFFFFF  }
0xad: {  	[dreg:$0x0] =	wrdreg $0x60  }
0xae: {  	[dreg:$0x2] =	wrdreg s24  }
0xaf: {  	[dreg:$0x3] =	wrdreg $0xA4000  }
0xb0: {  	[dreg:$0x4] =	wrdreg $0x9  }
0xb1: {  	_ =	task.clear_ibuf [dreg:s6], $0x5FFFF;
	_ =	strace $0x9000004C  }
0xb2: {  	s29 =	simm.s32 $0x9;
	_ =	strace $0x8000004E  }
0xb3: {  	_ =	swait.ge [sflag:s29], $0x1  }
0xb4: {  	[sflag:s29] =	ssyncadd.s32 $0xFFFFFFFF  }
0xb5: {  	_ =	strace $0x9000004E  }
0xb6: {  	_ =	sfence  }
0xb7: {  	s30 =	sld [smem:$0x0];
	_ =	sdelay $0x2  }
0xb8: {  	s31 =	sshll.u32 s1, $0xD;
	s1 =	sshrl.u32 s1, $0x2  }
0xb9: {  	s3 =	sand.u32 $0x4000, s31;
	s1 =	sadd.s32 s1, s30  }
0xba: {  	s0 =	sor.u32 s3, s0;
	s1 =	sshll.u32 s1, $0x11  }
0xbb: {  	s0 =	sor.u32 s1, s0  }
0xbc: {  	s0 =	sadd.s32 $0x8F2B, s0  }
0xbd: {  	[sflag:s0] =	ssyncadd.remote.s32 $0x1  }
0xbe: {  	_ =	sfence.sel $0xFFFF  }
0xbf: {  	[dreg:$0x0] =	wrdreg $0xFFFFFFFF;
	(pc) =	sbr.abs _section_cstart, $3  }
0xc0: {  	[dreg:$0x1] =	wrdreg $0xFFFFFFFF  }
0xc1: {  	_ =	task.clear_ibuf [dreg:s6], $0x2FFFF;
	_ =	strace $0x9FFFFFFF  }
0xc2: {  	(tm) =	ssettm $0x7FFFFFFF  }
0xc3: {  	_ =	shalt  }
tec
execute0_lowered:
.L_overlay_start_1:
0x0: {  	(tag) =	ssettag $0x1  }
0x1: {  	s0 =	rddreg [dreg:$0x0]  }
0x2: {  	s2 =	rddreg [dreg:$0x1];
	s3 =	simm.s32 $0x0;
	s11 =	stileid.u32  }
0x3: {  	s1 =	srdreg.scid;
	s28 =	simm.s32 $0x80;
	s29 =	simm.s32 $0x280  }
0x4: {  	s30 =	simm.s32 $0x100;
	s31 =	simm.s32 $0x300;
	[smem:$0x7FF] =	sst s3  }
0x5: {  	s5 =	smul.u32 $0x4F000, s11;
	s1 =	sand.u32 $0x1, s1;
	s4 =	sadd.s32 $0x63200, s0  }
0x6: {  	s7 =	sadd.s32 $0x14200, s0;
	s10 =	sshll.u32 s11, $0xE;
	s26 =	smul.u32 $0x2780, s11  }
0x7: {  	s11 =	simm.s32 $0x2C00;
	_ =	strace $0x8000004D;
	s6 =	sshrl.u32 s5, $0x2  }
0x8: {  	s8 =	ssub.s32 $0x2, s1;
	s16 =	sshll.u32 s1, $0x12;
	s6 =	sadd.s32 s6, s2  }
0x9: {  	p0 =	seq.s32 s1, $0x1;
	s1 =	simm.s32 $0x73200;
	s14 =	sadd.s32 $0x2800, s6  }
0xa: {  	s5 =	sadd.s32 $0x4200, s0;
	s15 =	sadd.s32 $0x5000, s6;
	[dreg:$0x3] =	wrdreg s14  }
0xb: {  	s9 =	sshrl.u32 s8, $0x1;
	s12 =	sadd.s32 $0x7800, s6;
	[dreg:$0x4] =	wrdreg s15  }
0xc: {  	s1 =	simm.s32 @!p0 $0x3B400;
	s17 =	sadd.s32 $0xA000, s6;
	[dreg:$0x5] =	wrdreg s12  }
0xd: {  	s8 =	ssub.s32 s8, s9;
	s18 =	sadd.s32 $0xC800, s6;
	[dreg:$0x6] =	wrdreg s17  }
0xe: {  	s0 =	sadd.s32 s1, s0;
	s19 =	sadd.s32 $0xF000, s6;
	[dreg:$0x7] =	wrdreg s18  }
0xf: {  	s21 =	sadd.s32 $0x11800, s6;
	s12 =	sor.u32 s10, s16;
	[dreg:$0x8] =	wrdreg s19  }
0x10: {  	s1 =	simm.s32 $0x50;
	[dreg:$0x9] =	wrdreg s21;
	s20 =	sshrl.u32 s12, $0x3  }
0x11: {  	s14 =	simm.s32 $0x3;
	s15 =	simm.s32 $0x7C00;
	s22 =	sadd.s32 s4, s20  }
0x12: {  	s16 =	simm.s32 $0x0;
	s13 =	sadd.s32 s5, s20;
	[dreg:$0xa] =	wrdreg s22  }
0x13: {  	s23 =	sor.u32 $0x10, s20;
	s9 =	sor.u32 $0x20, s20;
	[dreg:$0xb] =	wrdreg s13  }
0x14: {  	s24 =	sadd.s32 s4, s23;
	s10 =	sadd.s32 s5, s23;
	s25 =	sadd.s32 s4, s9  }
.Ltmp0:
0x15: {  	s21 =	sadd.s32 s5, s9;
	s22 =	smax.u32 s8, $0x1;
	(pc) =	sbr.rel .LBB2_1-.Ltmp0, $4  }
0x16: {  	s23 =	sadd.s32 s0, s26;
	s26 =	simm.s32 $0x200;
	[dreg:$0xc] =	wrdreg s24  }
0x17: {  	s0 =	simm.s32 $0x2;
	s8 =	simm.s32 $0x1;
	[dreg:$0xd] =	wrdreg s10  }
0x18: {  	s9 =	simm.s32 $0x180;
	s13 =	simm.s32 $0x5400;
	[dreg:$0xe] =	wrdreg s25  }
0x19: {  	v0 =	vimm.f32 $0.0e+00;
	s24 =	simm.s32 $0x400;
	s25 =	simm.s32 $0x4;
	s10 =	simm.s32 $0x380  }
.LBB2_15:
0x1a: {  	[spmem:s2] =	stream.indirect.scatter.add.f32 [tilespmem:s11], [sflag:$0x3], $0x80, s29, s1, $0xb8;
	[tilespmem:$0x1E000] =	vst v63  }
.LBB2_28:
0x1b: {  	_ =	swait.ge [sflag:s14], $0x2800;
	s17 =	stileid.u32  }
0x1c: {  	s18 =	sshrl.u32 s6, $0x3;
	s16 =	sadd.s32 $0x1, s16;
	[sflag:s14] =	ssyncset.done $0x0  }
0x1d: {  	s17 =	sshll.u32 s17, $0x6;
	p0 =	sne.s32 s16, s22;
	[sflag:s14] =	ssyncadd.s32 $0xFFFFD800  }
.Ltmp1:
0x1e: {  	s17 =	sor.u32 $0x1C04, s17;
	[bflag:$0x0] =	sbarrier.arrive $0xFFFF;
	(pc) =	sbr.rel @!p0 .LBB2_29-.Ltmp1, $4  }
0x1f: {  	[hbm:s23], [sflag:s17] =	dma.local [spmem:s18], $0x2780  }
0x20: {  	_ =	swait.ge [sflag:s25], $0x2780  }
0x21: {  	[sflag:s25] =	ssyncset.done $0x0  }
0x22: {  	[sflag:s25] =	ssyncadd.s32 $0xFFFFD880  }
.LBB2_1:
0x23: {  	s17 =	simm.s32 $0x0;
	s18 =	simm.s32 $0x200  }
.LBB2_2:
0x24: {  	p0 =	sne.s32 s18, $0x9E00;
	[tilespmem:s17+$0x470] =	vst v0  }
0x25: {  	[tilespmem:s17+$0x400] =	vst v0  }
0x26: {  	[tilespmem:s17+$0x410] =	vst v0  }
.Ltmp2:
0x27: {  	[tilespmem:s17+$0x420] =	vst v0;
	(pc) =	sbr.rel @p0 .LBB2_2-.Ltmp2, $4  }
0x28: {  	[tilespmem:s17+$0x430] =	vst v0  }
0x29: {  	[tilespmem:s17+$0x440] =	vst v0  }
0x2a: {  	[tilespmem:s17+$0x450] =	vst v0  }
0x2b: {  	[tilespmem:s17+$0x460] =	vst v0;
	s17 =	sshra.s32 s18, $0x2;
	s18 =	sadd.s32 $0x200, s18  }
0x2c: {  	[tilespmem:s17+$0x470] =	vst v0  }
0x2d: {  	[tilespmem:s17+$0x400] =	vst v0  }
0x2e: {  	[tilespmem:s17+$0x410] =	vst v0  }
0x2f: {  	[tilespmem:s17+$0x420] =	vst v0  }
0x30: {  	[tilespmem:s17+$0x430] =	vst v0  }
0x31: {  	[tilespmem:s17+$0x440] =	vst v0  }
0x32: {  	[tilespmem:s17+$0x450] =	vst v0  }
0x33: {  	[tilespmem:s17+$0x460] =	vst v0  }
0x34: {  	[spmem:s6] =	stream.linear.scatter [tilespmem:s24], [sflag:$0x4], $0x2800, $0x38;
	[tilespmem:$0x1E000] =	vst v63  }
0x35: {  	_ =	swait.ge [sflag:s25], $0x2800  }
0x36: {  	[sflag:s25] =	ssyncset.done $0x0  }
0x37: {  	s18 =	rddreg [dreg:$0x3];
	[sflag:s25] =	ssyncadd.s32 $0xFFFFD800  }
0x38: {  	[spmem:s18] =	stream.linear.scatter [tilespmem:s24], [sflag:$0x4], $0x2800, $0x38;
	[tilespmem:$0x1E000] =	vst v63  }
0x39: {  	_ =	swait.ge [sflag:s25], $0x2800  }
0x3a: {  	[sflag:s25] =	ssyncset.done $0x0  }
0x3b: {  	s19 =	rddreg [dreg:$0x4];
	[sflag:s25] =	ssyncadd.s32 $0xFFFFD800  }
0x3c: {  	[spmem:s19] =	stream.linear.scatter [tilespmem:s24], [sflag:$0x4], $0x2800, $0x38;
	[tilespmem:$0x1E000] =	vst v63  }
0x3d: {  	_ =	swait.ge [sflag:s25], $0x2800  }
0x3e: {  	[sflag:s25] =	ssyncset.done $0x0  }
0x3f: {  	s20 =	rddreg [dreg:$0x5];
	[sflag:s25] =	ssyncadd.s32 $0xFFFFD800  }
0x40: {  	[spmem:s20] =	stream.linear.scatter [tilespmem:s24], [sflag:$0x4], $0x2800, $0x38;
	[tilespmem:$0x1E000] =	vst v63  }
0x41: {  	_ =	swait.ge [sflag:s25], $0x2800  }
0x42: {  	[sflag:s25] =	ssyncset.done $0x0  }
0x43: {  	s18 =	rddreg [dreg:$0x6];
	[sflag:s25] =	ssyncadd.s32 $0xFFFFD800  }
0x44: {  	[spmem:s18] =	stream.linear.scatter [tilespmem:s24], [sflag:$0x4], $0x2800, $0x38;
	[tilespmem:$0x1E000] =	vst v63  }
0x45: {  	_ =	swait.ge [sflag:s25], $0x2800  }
0x46: {  	[sflag:s25] =	ssyncset.done $0x0  }
0x47: {  	s19 =	rddreg [dreg:$0x7];
	[sflag:s25] =	ssyncadd.s32 $0xFFFFD800  }
0x48: {  	[spmem:s19] =	stream.linear.scatter [tilespmem:s24], [sflag:$0x4], $0x2800, $0x38;
	[tilespmem:$0x1E000] =	vst v63  }
0x49: {  	_ =	swait.ge [sflag:s25], $0x2800  }
0x4a: {  	[sflag:s25] =	ssyncset.done $0x0  }
0x4b: {  	s20 =	rddreg [dreg:$0x8];
	[sflag:s25] =	ssyncadd.s32 $0xFFFFD800  }
0x4c: {  	[spmem:s20] =	stream.linear.scatter [tilespmem:s24], [sflag:$0x4], $0x2800, $0x38;
	[tilespmem:$0x1E000] =	vst v63  }
0x4d: {  	_ =	swait.ge [sflag:s25], $0x2800  }
0x4e: {  	[sflag:s25] =	ssyncset.done $0x0  }
0x4f: {  	s18 =	rddreg [dreg:$0x9];
	[sflag:s25] =	ssyncadd.s32 $0xFFFFD800  }
0x50: {  	[spmem:s18] =	stream.linear.scatter [tilespmem:s24], [sflag:$0x4], $0x2400, $0x38;
	[tilespmem:$0x1E000] =	vst v63  }
0x51: {  	_ =	swait.ge [sflag:s25], $0x2400  }
0x52: {  	[sflag:s25] =	ssyncset.done $0x0  }
0x53: {  	[sflag:s25] =	ssyncadd.s32 $0xFFFFDC00  }
0x54: {  	[bflag:$0x0] =	sbarrier.arrive $0xFFFF  }
0x55: {  	s17 =	simm.s32 $0x0;
	s18 =	rddreg [dreg:$0xa]  }
0x56: {  	[tilespmem:s17], [sflag:$0x2] =	stream.linear.gather [hbm4b:s18+s17], $0x80, $0x38;
	[tilespmem:$0x1E000] =	vst v63  }
0x57: {  	s19 =	rddreg [dreg:$0xb]  }
0x58: {  	[tilespmem:s26], [sflag:$0x2] =	stream.linear.gather [hbm4b:s19+s17], $0x80, $0x38;
	[tilespmem:$0x1E000] =	vst v63  }
0x59: {  	s20 =	rddreg [dreg:$0xc]  }
0x5a: {  	[tilespmem:s28], [sflag:$0x2] =	stream.linear.gather [hbm4b:s20+s17], $0x80, $0x38;
	[tilespmem:$0x1E000] =	vst v63  }
0x5b: {  	s19 =	rddreg [dreg:$0xd]  }
0x5c: {  	[tilespmem:s29], [sflag:$0x2] =	stream.linear.gather [hbm4b:s19+s17], $0x80, $0x38;
	[tilespmem:$0x1E000] =	vst v63  }
0x5d: {  	s20 =	rddreg [dreg:$0xe]  }
0x5e: {  	[tilespmem:s30], [sflag:$0x2] =	stream.linear.gather [hbm4b:s20+s17], $0x80, $0x38;
	[tilespmem:$0x1E000] =	vst v63  }
0x5f: {  	_ = 	snop  }
0x60: {  	[tilespmem:s31], [sflag:$0x2] =	stream.linear.gather [hbm4b:s21+s17], $0x80, $0x38;
	[tilespmem:$0x1E000] =	vst v63  }
0x61: {  	_ =	swait.ge [sflag:s0], $0x80  }
0x62: {  	[sflag:s0] =	ssyncset.done $0x0  }
.Ltmp3:
0x63: {  	[sflag:s0] =	ssyncadd.s32 $0xFFFFFF80;
	(pc) =	sbr.rel .LBB2_4-.Ltmp3, $4  }
0x64: {  	_ =	swait.ge [sflag:s0], $0x80  }
0x65: {  	[sflag:s0] =	ssyncset.done $0x0  }
0x66: {  	s18 =	simm.s32 $0x180;
	[sflag:s0] =	ssyncadd.s32 $0xFFFFFF80  }
0x67: {  	[tilespmem:s24], [sflag:$0x1] =	stream.indirect.gather [hbm4b:s7+s1], $0x80, s17, s1, $0xb8;
	[tilespmem:$0x1E000] =	vst v63  }
.LBB2_12:
0x68: {  	s19 =	sand.u32 $0x7C00, s18  }
0x69: {  	s20 =	sand.u32 $0x380, s18;
	s19 =	sadd.s32 s12, s19  }
0x6a: {  	s19 =	sor.u32 s20, s19  }
0x6b: {  	s19 =	sshrl.u32 s19, $0x3  }
0x6c: {  	s20 =	sadd.s32 s4, s19  }
0x6d: {  	[tilespmem:s3], [sflag:$0x2] =	stream.linear.gather [hbm4b:s20+s3], $0x80, $0x38;
	[tilespmem:$0x1E000] =	vst v63  }
0x6e: {  	s19 =	sadd.s32 s5, s19  }
0x6f: {  	[tilespmem:s26], [sflag:$0x2] =	stream.linear.gather [hbm4b:s19+s3], $0x80, $0x38;
	[tilespmem:$0x1E000] =	vst v63  }
.LBB2_13:
0x70: {  	_ =	swait.ge [sflag:s0], $0x80  }
0x71: {  	[sflag:s0] =	ssyncset.done $0x0  }
0x72: {  	[sflag:s0] =	ssyncadd.s32 $0xFFFFFF80  }
0x73: {  	_ =	swait.ge [sflag:s0], $0x80  }
0x74: {  	[sflag:s0] =	ssyncset.done $0x0  }
0x75: {  	[sflag:s0] =	ssyncadd.s32 $0xFFFFFF80  }
0x76: {  	[tilespmem:s13], [sflag:$0x1] =	stream.indirect.gather [hbm4b:s7+s1], $0x80, s30, s1, $0xb8;
	[tilespmem:$0x1E000] =	vst v63  }
0x77: {  	_ = 	snop  }
0x78: {  	[spmem:s2] =	stream.indirect.scatter.add.f32 [tilespmem:s11], [sflag:$0x3], $0x80, s29, s1, $0xb8;
	[tilespmem:$0x1E000] =	vst v63  }
.LBB2_27:
0x79: {  	s17 =	sadd.s32 $0x1, s17  }
0x7a: {  	p0 =	sne.s32 s17, $0x7D  }
.Ltmp4:
0x7b: {  	_ = 	snop;
	(pc) =	sbr.rel @!p0 .LBB2_28-.Ltmp4, $2  }
0x7c: {  	_ =	sdelay $0x2  }
0x7d: {  	s18 =	sadd.s32 $0x80, s18  }
.LBB2_4:
0x7e: {  	s19 =	sand.u32 $0x3, s17  }
0x7f: {  	p0 =	sgt.s32 s19, $0x1  }
.Ltmp5:
0x80: {  	_ = 	snop;
	(pc) =	sbr.rel @p0 .LBB2_21-.Ltmp5, $4  }
0x81: {  	_ = 	snop  }
0x82: {  	_ =	swait.ge [sflag:s8], $0x2800  }
0x83: {  	[sflag:s8] =	ssyncset.done $0x0  }
0x84: {  	[sflag:s8] =	ssyncadd.s32 $0xFFFFD800  }
0x85: {  	p0 =	seq.s32 s19, $0x0  }
.Ltmp6:
0x86: {  	_ = 	snop;
	(pc) =	sbr.rel @!p0 .LBB2_11-.Ltmp6, $1  }
0x87: {  	_ =	sdelay $0x3  }
0x88: {  	p0 =	seq.s32 s17, $0x0  }
0x89: {  	p1 =	sgt.u32 @!p0 s17, $0x79  }
0x8a: {  	p1 =	por p0, !p1  }
.Ltmp7:
0x8b: {  	_ = 	snop;
	(pc) =	sbr.rel @!p1 .LBB2_8-.Ltmp7, $4  }
0x8c: {  	s19 =	simm.s32 @!p0 $0x3  }
0x8d: {  	_ =	swait.ge @!p0 [sflag:s19], $0x2800  }
0x8e: {  	[sflag:s19] =	ssyncset.done @!p0 $0x0  }
0x8f: {  	[sflag:s19] =	ssyncadd.s32 @!p0 $0xFFFFD800  }
0x90: {  	s19 =	sand.u32 $0x7C00, s18  }
0x91: {  	s20 =	sand.u32 $0x380, s18;
	s19 =	sadd.s32 s12, s19  }
0x92: {  	s19 =	sor.u32 s20, s19  }
.Ltmp8:
0x93: {  	s19 =	sshrl.u32 s19, $0x3;
	(pc) =	sbr.rel .LBB2_9-.Ltmp8, $4  }
0x94: {  	s20 =	sadd.s32 s4, s19  }
0x95: {  	[tilespmem:s9], [sflag:$0x2] =	stream.linear.gather [hbm4b:s20+s3], $0x80, $0x38;
	[tilespmem:$0x1E000] =	vst v63  }
0x96: {  	s19 =	sadd.s32 s5, s19  }
0x97: {  	[tilespmem:s10], [sflag:$0x2] =	stream.linear.gather [hbm4b:s19+s3], $0x80, $0x38;
	[tilespmem:$0x1E000] =	vst v63  }
.LBB2_21:
0x98: {  	p1 =	seq.s32 s19, $0x2  }
.Ltmp9:
0x99: {  	_ = 	snop;
	(pc) =	sbr.rel @!p1 .LBB2_22-.Ltmp9, $2  }
0x9a: {  	_ =	sdelay $0x2  }
0x9b: {  	p0 =	seq.s32 s17, $0x0  }
0x9c: {  	p1 =	sgt.u32 @!p0 s17, $0x79  }
0x9d: {  	p1 =	por p0, !p1  }
.Ltmp10:
0x9e: {  	_ = 	snop;
	(pc) =	sbr.rel @!p1 .LBB2_18-.Ltmp10, $4  }
0x9f: {  	s19 =	simm.s32 @!p0 $0x3  }
0xa0: {  	_ =	swait.ge @!p0 [sflag:s19], $0x2800  }
0xa1: {  	[sflag:s19] =	ssyncset.done @!p0 $0x0  }
0xa2: {  	[sflag:s19] =	ssyncadd.s32 @!p0 $0xFFFFD800  }
0xa3: {  	s19 =	sand.u32 $0x7C00, s18  }
0xa4: {  	s20 =	sand.u32 $0x380, s18;
	s19 =	sadd.s32 s12, s19  }
0xa5: {  	s19 =	sor.u32 s20, s19  }
.Ltmp11:
0xa6: {  	s19 =	sshrl.u32 s19, $0x3;
	(pc) =	sbr.rel .LBB2_19-.Ltmp11, $4  }
0xa7: {  	s20 =	sadd.s32 s4, s19  }
0xa8: {  	[tilespmem:s28], [sflag:$0x2] =	stream.linear.gather [hbm4b:s20+s3], $0x80, $0x38;
	[tilespmem:$0x1E000] =	vst v63  }
0xa9: {  	s19 =	sadd.s32 s5, s19  }
0xaa: {  	[tilespmem:s29], [sflag:$0x2] =	stream.linear.gather [hbm4b:s19+s3], $0x80, $0x38;
	[tilespmem:$0x1E000] =	vst v63  }
.LBB2_11:
0xab: {  	p0 =	seq.s32 s17, $0x0  }
0xac: {  	p1 =	sgt.u32 @!p0 s17, $0x79  }
0xad: {  	p1 =	por p0, !p1  }
.Ltmp12:
0xae: {  	_ = 	snop;
	(pc) =	sbr.rel @p1 .LBB2_12-.Ltmp12, $4  }
0xaf: {  	s19 =	simm.s32 @!p0 $0x3  }
0xb0: {  	_ =	swait.ge @!p0 [sflag:s19], $0x2800  }
0xb1: {  	[sflag:s19] =	ssyncset.done @!p0 $0x0  }
0xb2: {  	[sflag:s19] =	ssyncadd.s32 @!p0 $0xFFFFD800  }
0xb3: {  	p0 =	sne.s32 s17, $0x7C  }
.Ltmp13:
0xb4: {  	_ = 	snop;
	(pc) =	sbr.rel @p0 .LBB2_13-.Ltmp13, $4  }
.Ltmp14:
0xb5: {  	_ = 	snop;
	(pc) =	sbr.rel @!p0 .LBB2_15-.Ltmp14, $4  }
0xb6: {  	_ = 	snop  }
0xb7: {  	_ = 	snop  }
0xb8: {  	_ = 	snop  }
0xb9: {  	_ = 	snop  }
.LBB2_22:
0xba: {  	p1 =	sgt.u32 @!p0 s17, $0x79  }
0xbb: {  	p1 =	por p0, !p1  }
.Ltmp15:
0xbc: {  	_ = 	snop;
	(pc) =	sbr.rel @!p1 .LBB2_24-.Ltmp15, $4  }
0xbd: {  	s19 =	simm.s32 @!p0 $0x3  }
0xbe: {  	_ =	swait.ge @!p0 [sflag:s19], $0x2800  }
0xbf: {  	[sflag:s19] =	ssyncset.done @!p0 $0x0  }
0xc0: {  	[sflag:s19] =	ssyncadd.s32 @!p0 $0xFFFFD800  }
0xc1: {  	s19 =	sand.u32 $0x7C00, s18  }
0xc2: {  	s20 =	sand.u32 $0x380, s18;
	s19 =	sadd.s32 s12, s19  }
0xc3: {  	s19 =	sor.u32 s20, s19  }
.Ltmp16:
0xc4: {  	s19 =	sshrl.u32 s19, $0x3;
	(pc) =	sbr.rel .LBB2_25-.Ltmp16, $4  }
0xc5: {  	s20 =	sadd.s32 s4, s19  }
0xc6: {  	[tilespmem:s30], [sflag:$0x2] =	stream.linear.gather [hbm4b:s20+s3], $0x80, $0x38;
	[tilespmem:$0x1E000] =	vst v63  }
0xc7: {  	s19 =	sadd.s32 s5, s19  }
0xc8: {  	[tilespmem:s31], [sflag:$0x2] =	stream.linear.gather [hbm4b:s19+s3], $0x80, $0x38;
	[tilespmem:$0x1E000] =	vst v63  }
.LBB2_8:
0xc9: {  	p0 =	seq.s32 s17, $0x7C  }
.Ltmp17:
0xca: {  	_ = 	snop;
	(pc) =	sbr.rel @p0 .LBB2_10-.Ltmp17, $1  }
0xcb: {  	_ =	sdelay $0x3  }
.LBB2_9:
0xcc: {  	_ =	swait.ge [sflag:s0], $0x80  }
0xcd: {  	[sflag:s0] =	ssyncset.done $0x0  }
0xce: {  	[sflag:s0] =	ssyncadd.s32 $0xFFFFFF80  }
0xcf: {  	_ =	swait.ge [sflag:s0], $0x80  }
0xd0: {  	[sflag:s0] =	ssyncset.done $0x0  }
0xd1: {  	[sflag:s0] =	ssyncadd.s32 $0xFFFFFF80  }
0xd2: {  	[tilespmem:s11], [sflag:$0x1] =	stream.indirect.gather [hbm4b:s7+s1], $0x80, s28, s1, $0xb8;
	[tilespmem:$0x1E000] =	vst v63  }
.LBB2_10:
.Ltmp18:
0xd3: {  	(pc) =	sbr.rel .LBB2_27-.Ltmp18, $2  }
0xd4: {  	_ =	sdelay $0x2  }
0xd5: {  	[spmem:s2] =	stream.indirect.scatter.add.f32 [tilespmem:s24], [sflag:$0x3], $0x80, s26, s1, $0xb8;
	[tilespmem:$0x1E000] =	vst v63  }
.LBB2_18:
0xd6: {  	p0 =	seq.s32 s17, $0x7C  }
.Ltmp19:
0xd7: {  	_ = 	snop;
	(pc) =	sbr.rel @p0 .LBB2_20-.Ltmp19, $1  }
0xd8: {  	_ =	sdelay $0x3  }
.LBB2_19:
0xd9: {  	_ =	swait.ge [sflag:s0], $0x80  }
0xda: {  	[sflag:s0] =	ssyncset.done $0x0  }
0xdb: {  	[sflag:s0] =	ssyncadd.s32 $0xFFFFFF80  }
0xdc: {  	_ =	swait.ge [sflag:s0], $0x80  }
0xdd: {  	[sflag:s0] =	ssyncset.done $0x0  }
0xde: {  	[sflag:s0] =	ssyncadd.s32 $0xFFFFFF80  }
0xdf: {  	[tilespmem:s15], [sflag:$0x1] =	stream.indirect.gather [hbm4b:s7+s1], $0x80, s9, s1, $0xb8;
	[tilespmem:$0x1E000] =	vst v63  }
.LBB2_20:
.Ltmp20:
0xe0: {  	(pc) =	sbr.rel .LBB2_27-.Ltmp20, $2  }
0xe1: {  	_ =	sdelay $0x2  }
0xe2: {  	[spmem:s2] =	stream.indirect.scatter.add.f32 [tilespmem:s13], [sflag:$0x3], $0x80, s31, s1, $0xb8;
	[tilespmem:$0x1E000] =	vst v63  }
.LBB2_24:
0xe3: {  	p0 =	seq.s32 s17, $0x7C  }
.Ltmp21:
0xe4: {  	_ = 	snop;
	(pc) =	sbr.rel @p0 .LBB2_26-.Ltmp21, $1  }
0xe5: {  	_ =	sdelay $0x3  }
.LBB2_25:
0xe6: {  	_ =	swait.ge [sflag:s0], $0x80  }
0xe7: {  	[sflag:s0] =	ssyncset.done $0x0  }
0xe8: {  	[sflag:s0] =	ssyncadd.s32 $0xFFFFFF80  }
0xe9: {  	_ =	swait.ge [sflag:s0], $0x80  }
0xea: {  	[sflag:s0] =	ssyncset.done $0x0  }
0xeb: {  	[sflag:s0] =	ssyncadd.s32 $0xFFFFFF80  }
0xec: {  	[tilespmem:s24], [sflag:$0x1] =	stream.indirect.gather [hbm4b:s7+s1], $0x80, s3, s1, $0xb8;
	[tilespmem:$0x1E000] =	vst v63  }
.LBB2_26:
.Ltmp22:
0xed: {  	(pc) =	sbr.rel .LBB2_27-.Ltmp22, $2  }
0xee: {  	_ =	sdelay $0x2  }
0xef: {  	[spmem:s2] =	stream.indirect.scatter.add.f32 [tilespmem:s15], [sflag:$0x3], $0x80, s10, s1, $0xb8;
	[tilespmem:$0x1E000] =	vst v63  }
.LBB2_29:
0xf0: {  	_ =	sfence.sel $0x180000  }
0xf1: {  	[bflag:$0x0] =	sbarrier.arrive $0xFFFF  }
0xf2: {  	_ =	strace $0x9000004D  }
0xf3: {  	s0 =	stileid.u32;
	[bflag:$0x2] =	sbarrier.arrive $0xFFFF  }
0xf4: {  	p0 =	sne.s32 s0, $0x0;
	s0 =	rddreg [dreg:$0x2]  }
0xf5: {  	s0 =	sadd.s32 @!p0 $0x100000, s0  }
0xf6: {  	[sflag:s0] =	ssyncadd.tile.s32 @!p0 $0x1;
	_ =	shalt  }
.Lfunc_end2:
_tile_overlayer_lowered:
.L_overlay_start_2:
0xf7: {  	(tag) =	ssettag $0x2  }
0xf8: {  	s0 =	rddreg [dreg:$0x0];
	s2 =	stileid.u32  }
0xf9: {  	s1 =	rddreg [dreg:$0x1];
	p0 =	sne.s32 s2, $0x0  }
0xfa: {  	s3 =	rddreg [dreg:$0x2];
	[bflag:$0x3] =	sbarrier.arrive $0xFFFF;
	s2 =	simm.s32 @!p0 $0x1C04  }
0xfb: {  	[timem:s3], [sflag:s2] =	dma.local @!p0 [hbm:s0], s1  }
0xfc: {  	s0 =	simm.s32 @!p0 $0x4  }
0xfd: {  	_ =	swait.ge @!p0 [sflag:s0], s1  }
0xfe: {  	s1 =	ssub.s32 @!p0 $0x0, s1;
	[sflag:s0] =	ssyncset.done @!p0 $0x0  }
0xff: {  	[sflag:s0] =	ssyncadd.s32 @!p0 s1  }
0x100: {  	[bflag:$0x3] =	sbarrier.arrive $0xFFFF  }
0x101: {  	_ =	shalt  }

// kernel: kernel.19.cloned.1.call-start
scs
__scs_entry_jumppad:
0x0: {  	(pc) =	sbr.rel $0x88, $3  }
0x1: {  	(tag) =	ssettag $0x0;
	lr =	simm.s32 $0x1  }
0x2: {  	[smem:$0x3F96] =	sst lr;
	_ =	strace $0xD0000000  }
0x3: {  	_ = 	snop  }
0x4: {  	_ = 	snop  }
0x5: {  	_ = 	snop  }
0x6: {  	_ = 	snop  }
0x7: {  	_ = 	snop  }
__scs_overlays_trampoline_lowered:
0x8: {  	[smem:$0x3FA5] =	sst s0  }
0x9: {  	[smem:$0x3FA6] =	sst s1  }
0xa: {  	[smem:$0x3FA7] =	sst s2  }
0xb: {  	[smem:$0x3FA8] =	sst s3  }
0xc: {  	[smem:$0x3FA9] =	sst s4  }
0xd: {  	[smem:$0x3FAA] =	sst s5  }
0xe: {  	[smem:$0x3FAB] =	sst s6  }
0xf: {  	[smem:$0x3FAC] =	sst s7  }
0x10: {  	[smem:$0x3FAD] =	sst s8  }
0x11: {  	[smem:$0x3FAE] =	sst s9;
	s0 =	simm.s32 @!p0 $0x0  }
0x12: {  	s1 =	sld [smem:$0x3F94];
	s0 =	simm.s32 @p0 $0x1  }
0x13: {  	[smem:$0x3FAF] =	sst s0;
	s0 =	simm.s32 @!p1 $0x0  }
0x14: {  	s2 =	sld [smem:$0x3F93];
	s0 =	simm.s32 @p1 $0x1  }
0x15: {  	[smem:$0x3FB0] =	sst s0;
	s0 =	simm.s32 @!p2 $0x0  }
0x16: {  	s3 =	sld [smem:$0x3FDB];
	s0 =	simm.s32 @p2 $0x1  }
0x17: {  	s4 =	simm.s32 $0x1BF5;
	[smem:$0x3FB2] =	sst s0  }
0x18: {  	s0 =	sld [smem:$0x3F95];
	_ =	swait.ge [sflag:s4], $0x0  }
0x19: {  	s7 =	sld [smem:$0x3F96]  }
0x1a: {  	s8 =	sadd.s32 $0xFFFFE003, lr  }
0x1b: {  	s9 =	sadd.s32 $0xFFFFFEF7, lr;
	s5 =	simm.s32 $0xFFFFFFFF;
	p2 =	slt.u32 s8, $0xFFFFF086  }
0x1c: {  	p1 =	slt.u32 s9, $0xF7A;
	s5 =	simm.s32 @!p2 $0x0  }
0x1d: {  	s5 =	simm.s32 @p1 $0x1;
	p0 =	seq.s32 s7, s2  }
0x1e: {  	s7 =	smul.u32 @!p0 $0xF7A, s2;
	p2 =	seq.s32 @!p0 s5, $0x0  }
0x1f: {  	s9 =	smul.u32 $0xF7A, s1;
	s8 =	simm.s32 @!p0 $0x1BF5;
	p2 =	por !p2, p0  }
0x20: {  	[sflag:s8] =	ssyncset.s32 @!p0 $0xFFFFF086;
	s6 =	sadd.s32 @!p0 s3, s7;
	s7 =	simm.s32 @!p0 $0x108  }
0x21: {  	s3 =	sadd.s32 s3, s9;
	s6 =	sadd.s32 @!p0 $0x88, s6;
	s7 =	simm.s32 @p2 $0x1082  }
0x22: {  	[simem:s7], [sflag:s8] =	dma.local @!p0 [hbm:s6], $0xF7A  }
0x23: {  	s9 =	sor.u32 $0xD0000000, s2;
	s6 =	simm.s32 $0x108;
	_ =	swait.ge @!p0 [sflag:s8], $0x0  }
0x24: {  	s3 =	sadd.s32 $0x88, s3;
	s6 =	simm.s32 @!p1 $0x1082;
	[sflag:s4] =	ssyncset.s32 $0xFFFFF086  }
0x25: {  	[simem:s6], [sflag:s4] =	dma.local [hbm:s3], $0xF7A  }
0x26: {  	[smem:$0x3F96] =	sst s1;
	(tag) =	ssettag s2;
	_ =	strace s9  }
0x27: {  	s1 =	sld [smem:$0x3FA6]  }
0x28: {  	s2 =	sld [smem:$0x3FA7]  }
0x29: {  	s4 =	sld [smem:$0x3FA9]  }
0x2a: {  	p0 =	seq.s32 s5, $0x0;
	s5 =	sld [smem:$0x3FAA]  }
0x2b: {  	s6 =	sld [smem:$0x3FAB]  }
0x2c: {  	s7 =	sld [smem:$0x3FAC]  }
0x2d: {  	s3 =	simm.s32 $0x108;
	s8 =	sld [smem:$0x3FAD]  }
0x2e: {  	s3 =	simm.s32 @!p0 $0x1082;
	s9 =	sld [smem:$0x3FAE]  }
0x2f: {  	lr =	sadd.s32 s0, s3;
	s0 =	sld [smem:$0x3FA5]  }
0x30: {  	s3 =	sld [smem:$0x3FA8]  }
0x31: {  	[smem:$0x3FB1] =	sst s10  }
0x32: {  	s10 =	sld [smem:$0x3FAF];
	_ =	sdelay $0x3  }
0x33: {  	p0 =	seq.s32 s10, $0x1;
	s10 =	sld [smem:$0x3FB1];
	_ =	sdelay $0x3  }
0x34: {  	[smem:$0x3FB1] =	sst s10  }
0x35: {  	s10 =	sld [smem:$0x3FB0];
	_ =	sdelay $0x3  }
0x36: {  	p1 =	seq.s32 s10, $0x1;
	s10 =	sld [smem:$0x3FB1];
	_ =	sdelay $0x3  }
0x37: {  	[smem:$0x3FB1] =	sst s10  }
0x38: {  	s10 =	sld [smem:$0x3FB2]  }
0x39: {  	_ = 	snop;
	(pc) =	sbr.ind lr, $3  }
0x3a: {  	_ = 	snop  }
0x3b: {  	_ = 	snop  }
0x3c: {  	p2 =	seq.s32 s10, $0x1;
	s10 =	sld [smem:$0x3FB1]  }
0x3d: {  	_ =	shalt  }
0x3e: {  	_ =	shalt  }
0x3f: {  	_ =	shalt  }
0x40: {  	_ =	shalt  }
0x41: {  	_ =	shalt  }
0x42: {  	_ =	shalt  }
0x43: {  	_ =	shalt  }
0x44: {  	_ =	shalt  }
0x45: {  	_ =	shalt  }
0x46: {  	_ =	shalt  }
0x47: {  	_ =	shalt  }
0x48: {  	_ =	shalt  }
0x49: {  	_ =	shalt  }
0x4a: {  	_ =	shalt  }
0x4b: {  	_ =	shalt  }
0x4c: {  	_ =	shalt  }
0x4d: {  	_ =	shalt  }
0x4e: {  	_ =	shalt  }
0x4f: {  	_ =	shalt  }
0x50: {  	_ =	shalt  }
0x51: {  	_ =	shalt  }
0x52: {  	_ =	shalt  }
0x53: {  	_ =	shalt  }
0x54: {  	_ =	shalt  }
0x55: {  	_ =	shalt  }
0x56: {  	_ =	shalt  }
0x57: {  	_ =	shalt  }
0x58: {  	_ =	shalt  }
0x59: {  	_ =	shalt  }
0x5a: {  	_ =	shalt  }
0x5b: {  	_ =	shalt  }
0x5c: {  	_ =	shalt  }
0x5d: {  	_ =	shalt  }
0x5e: {  	_ =	shalt  }
0x5f: {  	_ =	shalt  }
0x60: {  	_ =	shalt  }
0x61: {  	_ =	shalt  }
0x62: {  	_ =	shalt  }
0x63: {  	_ =	shalt  }
0x64: {  	_ =	shalt  }
0x65: {  	_ =	shalt  }
0x66: {  	_ =	shalt  }
0x67: {  	_ =	shalt  }
0x68: {  	_ =	shalt  }
0x69: {  	_ =	shalt  }
0x6a: {  	_ =	shalt  }
0x6b: {  	_ =	shalt  }
0x6c: {  	_ =	shalt  }
0x6d: {  	_ =	shalt  }
0x6e: {  	_ =	shalt  }
0x6f: {  	_ =	shalt  }
0x70: {  	_ =	shalt  }
0x71: {  	_ =	shalt  }
0x72: {  	_ =	shalt  }
0x73: {  	_ =	shalt  }
0x74: {  	_ =	shalt  }
0x75: {  	_ =	shalt  }
0x76: {  	_ =	shalt  }
0x77: {  	_ =	shalt  }
0x78: {  	_ =	shalt  }
0x79: {  	_ =	shalt  }
0x7a: {  	_ =	shalt  }
0x7b: {  	_ =	shalt  }
0x7c: {  	_ =	shalt  }
0x7d: {  	_ =	shalt  }
0x7e: {  	_ =	shalt  }
0x7f: {  	_ =	shalt  }
0x80: {  	_ =	shalt  }
0x81: {  	_ =	shalt  }
0x82: {  	_ =	shalt  }
0x83: {  	_ =	shalt  }
0x84: {  	_ =	shalt  }
0x85: {  	_ =	shalt  }
0x86: {  	_ =	shalt  }
0x87: {  	_ =	shalt  }
.Lfunc_end0:
.L_simem_size_0:
called_computation.3_lowered:
.L_overlay_start_0:
0x88: {  	s2 =	sld [smem:$0x3FD9]  }
0x89: {  	s3 =	sld [smem:$0x3FFE];
	_ =	sdelay $0x1  }
0x8a: {  	s1 =	srdreg.scid  }
0x8b: {  	s0 =	sand.u32 $0x1, s1  }
0x8c: {  	s16 =	sshll.u32 s0, $0xA;
	s2 =	sadd.s32 s3, s2  }
0x8d: {  	s2 =	sadd.s32 s2, s16  }
0x8e: {  	[smem:$0x3FBD] =	sst s2  }
0x8f: {  	_ = 	snop  }
0x90: {  	(tm) =	ssettm $0x1  }
0x91: {  	s17 =	sld [smem:$0x3FFB];
	_ =	sdelay $0x3  }
0x92: {  	_ =	strace s17  }
0x93: {  	s2 =	sld [smem:$0x3FFC];
	_ =	sdelay $0x3  }
0x94: {  	_ =	strace s2  }
0x95: {  	s2 =	sld [smem:$0x3FFD];
	_ =	sdelay $0x3  }
0x96: {  	_ =	strace s2  }
0x97: {  	_ =	strace $0x8FFFFFFF  }
0x98: {  	s18 =	sld [smem:$0x3FDB];
	_ =	sdelay $0x1  }
0x99: {  	s19 =	simm.s32 $_scs_section_size  }
0x9a: {  	s4 =	simm.s32 $_size__tile_overlayer_lowered;
	s5 =	simm.s32 $_tile_overlayer_lowered  }
0x9b: {  	s22 =	simm.s32 $0x1BFF;
	s21 =	sshll.u32 s5, $0x1;
	s2 =	sadd.s32 s19, s18  }
0x9c: {  	s6 =	simm.s32 $0x0;
	s20 =	sshll.u32 s4, $0x1;
	s4 =	sadd.s32 s21, s2  }
0x9d: {  	[timem:s6], [sflag:s22] =	dma.local [hbm:s4], s20  }
0x9e: {  	_ =	swait.ge [sflag:s22], s20  }
0x9f: {  	s3 =	ssub.s32 $0x0, s20;
	[sflag:s22] =	ssyncset.done $0x0  }
0xa0: {  	[sflag:s22] =	ssyncadd.s32 s3;
	_ =	sdelay $0x1  }
0xa1: {  	s23 =	simm.s32 $0x1B8B  }
0xa2: {  	_ =	swait.ge [sflag:s23], $0x1  }
0xa3: {  	[sflag:s23] =	ssyncset.done $0x0  }
0xa4: {  	s25 =	simm.s32 $0x1B8E;
	s24 =	sld [smem:$0x3FFE];
	[sflag:s23] =	ssyncadd.s32 $0xFFFFFFFF  }
0xa5: {  	s26 =	simm.s32 $execute0_lowered;
	[smem:$0x3FD2] =	sst s25  }
0xa6: {  	s4 =	sshll.u32 s26, $0x1;
	_ =	strace $0x8000004F;
	[dreg:$0x1] =	wrdreg $0xFFFFFFFF  }
0xa7: {  	s28 =	simm.s32 $_size_execute0_lowered;
	s2 =	sadd.s32 s2, s4;
	[dreg:$0x0] =	wrdreg $0x0  }
0xa8: {  	s4 =	sshll.u32 s28, $0x1;
	[dreg:$0x2] =	wrdreg s2  }
0xa9: {  	[dreg:$0x3] =	wrdreg s4  }
0xaa: {  	[dreg:$0x4] =	wrdreg $0xC0  }
0xab: {  	_ =	task [dreg:s6], $0x5FFFF  }
0xac: {  	[dreg:$0x1] =	wrdreg $0xFFFFFFFF  }
0xad: {  	[dreg:$0x0] =	wrdreg $0x60  }
0xae: {  	[dreg:$0x2] =	wrdreg s24  }
0xaf: {  	[dreg:$0x3] =	wrdreg $0xA4000  }
0xb0: {  	[dreg:$0x4] =	wrdreg $0x9  }
0xb1: {  	_ =	task.clear_ibuf [dreg:s6], $0x5FFFF;
	_ =	strace $0x9000004F  }
0xb2: {  	s29 =	simm.s32 $0x9;
	_ =	strace $0x80000051  }
0xb3: {  	_ =	swait.ge [sflag:s29], $0x1  }
0xb4: {  	[sflag:s29] =	ssyncadd.s32 $0xFFFFFFFF  }
0xb5: {  	_ =	strace $0x90000051  }
0xb6: {  	_ =	sfence  }
0xb7: {  	s30 =	sld [smem:$0x0];
	_ =	sdelay $0x2  }
0xb8: {  	s31 =	sshll.u32 s1, $0xD;
	s1 =	sshrl.u32 s1, $0x2  }
0xb9: {  	s3 =	sand.u32 $0x4000, s31;
	s1 =	sadd.s32 s1, s30  }
0xba: {  	s0 =	sor.u32 s3, s0;
	s1 =	sshll.u32 s1, $0x11  }
0xbb: {  	s0 =	sor.u32 s1, s0  }
0xbc: {  	s0 =	sadd.s32 $0x8F2B, s0  }
0xbd: {  	[sflag:s0] =	ssyncadd.remote.s32 $0x1  }
0xbe: {  	_ =	sfence.sel $0xFFFF  }
0xbf: {  	[dreg:$0x0] =	wrdreg $0xFFFFFFFF;
	(pc) =	sbr.abs _section_cstart, $3  }
0xc0: {  	[dreg:$0x1] =	wrdreg $0xFFFFFFFF  }
0xc1: {  	_ =	task.clear_ibuf [dreg:s6], $0x2FFFF;
	_ =	strace $0x9FFFFFFF  }
0xc2: {  	(tm) =	ssettm $0x7FFFFFFF  }
0xc3: {  	_ =	shalt  }
tec
execute0_lowered:
.L_overlay_start_1:
0x0: {  	(tag) =	ssettag $0x1  }
0x1: {  	s0 =	rddreg [dreg:$0x0]  }
0x2: {  	s2 =	rddreg [dreg:$0x1];
	s3 =	simm.s32 $0x0;
	s11 =	stileid.u32  }
0x3: {  	s1 =	srdreg.scid;
	s28 =	simm.s32 $0x80;
	s29 =	simm.s32 $0x280  }
0x4: {  	s30 =	simm.s32 $0x100;
	s31 =	simm.s32 $0x300;
	[smem:$0x7FF] =	sst s3  }
0x5: {  	s5 =	smul.u32 $0x4F000, s11;
	s1 =	sand.u32 $0x1, s1;
	s4 =	sadd.s32 $0x63200, s0  }
0x6: {  	s7 =	sadd.s32 $0x14200, s0;
	s10 =	sshll.u32 s11, $0xE;
	s26 =	smul.u32 $0x2780, s11  }
0x7: {  	s11 =	simm.s32 $0x2C00;
	_ =	strace $0x80000050;
	s6 =	sshrl.u32 s5, $0x2  }
0x8: {  	s8 =	ssub.s32 $0x2, s1;
	s16 =	sshll.u32 s1, $0x12;
	s6 =	sadd.s32 s6, s2  }
0x9: {  	p0 =	seq.s32 s1, $0x1;
	s1 =	simm.s32 $0x73200;
	s14 =	sadd.s32 $0x2800, s6  }
0xa: {  	s5 =	sadd.s32 $0x4200, s0;
	s15 =	sadd.s32 $0x5000, s6;
	[dreg:$0x3] =	wrdreg s14  }
0xb: {  	s9 =	sshrl.u32 s8, $0x1;
	s12 =	sadd.s32 $0x7800, s6;
	[dreg:$0x4] =	wrdreg s15  }
0xc: {  	s1 =	simm.s32 @!p0 $0x3B400;
	s17 =	sadd.s32 $0xA000, s6;
	[dreg:$0x5] =	wrdreg s12  }
0xd: {  	s8 =	ssub.s32 s8, s9;
	s18 =	sadd.s32 $0xC800, s6;
	[dreg:$0x6] =	wrdreg s17  }
0xe: {  	s0 =	sadd.s32 s1, s0;
	s19 =	sadd.s32 $0xF000, s6;
	[dreg:$0x7] =	wrdreg s18  }
0xf: {  	s21 =	sadd.s32 $0x11800, s6;
	s12 =	sor.u32 s10, s16;
	[dreg:$0x8] =	wrdreg s19  }
0x10: {  	s1 =	simm.s32 $0x50;
	[dreg:$0x9] =	wrdreg s21;
	s20 =	sshrl.u32 s12, $0x3  }
0x11: {  	s14 =	simm.s32 $0x3;
	s15 =	simm.s32 $0x7C00;
	s22 =	sadd.s32 s4, s20  }
0x12: {  	s16 =	simm.s32 $0x0;
	s13 =	sadd.s32 s5, s20;
	[dreg:$0xa] =	wrdreg s22  }
0x13: {  	s23 =	sor.u32 $0x10, s20;
	s9 =	sor.u32 $0x20, s20;
	[dreg:$0xb] =	wrdreg s13  }
0x14: {  	s24 =	sadd.s32 s4, s23;
	s10 =	sadd.s32 s5, s23;
	s25 =	sadd.s32 s4, s9  }
.Ltmp0:
0x15: {  	s21 =	sadd.s32 s5, s9;
	s22 =	smax.u32 s8, $0x1;
	(pc) =	sbr.rel .LBB2_1-.Ltmp0, $4  }
0x16: {  	s23 =	sadd.s32 s0, s26;
	s26 =	simm.s32 $0x200;
	[dreg:$0xc] =	wrdreg s24  }
0x17: {  	s0 =	simm.s32 $0x2;
	s8 =	simm.s32 $0x1;
	[dreg:$0xd] =	wrdreg s10  }
0x18: {  	s9 =	simm.s32 $0x180;
	s13 =	simm.s32 $0x5400;
	[dreg:$0xe] =	wrdreg s25  }
0x19: {  	v0 =	vimm.f32 $0.0e+00;
	s24 =	simm.s32 $0x400;
	s25 =	simm.s32 $0x4;
	s10 =	simm.s32 $0x380  }
.LBB2_15:
0x1a: {  	[spmem:s2] =	stream.indirect.scatter.add.f32 [tilespmem:s11], [sflag:$0x3], $0x80, s29, s1, $0xb8;
	[tilespmem:$0x1E000] =	vst v63  }
.LBB2_28:
0x1b: {  	_ =	swait.ge [sflag:s14], $0x2800;
	s17 =	stileid.u32  }
0x1c: {  	s18 =	sshrl.u32 s6, $0x3;
	s16 =	sadd.s32 $0x1, s16;
	[sflag:s14] =	ssyncset.done $0x0  }
0x1d: {  	s17 =	sshll.u32 s17, $0x6;
	p0 =	sne.s32 s16, s22;
	[sflag:s14] =	ssyncadd.s32 $0xFFFFD800  }
.Ltmp1:
0x1e: {  	s17 =	sor.u32 $0x1C04, s17;
	[bflag:$0x0] =	sbarrier.arrive $0xFFFF;
	(pc) =	sbr.rel @!p0 .LBB2_29-.Ltmp1, $4  }
0x1f: {  	[hbm:s23], [sflag:s17] =	dma.local [spmem:s18], $0x2780  }
0x20: {  	_ =	swait.ge [sflag:s25], $0x2780  }
0x21: {  	[sflag:s25] =	ssyncset.done $0x0  }
0x22: {  	[sflag:s25] =	ssyncadd.s32 $0xFFFFD880  }
.LBB2_1:
0x23: {  	s17 =	simm.s32 $0x0;
	s18 =	simm.s32 $0x200  }
.LBB2_2:
0x24: {  	p0 =	sne.s32 s18, $0x9E00;
	[tilespmem:s17+$0x470] =	vst v0  }
0x25: {  	[tilespmem:s17+$0x400] =	vst v0  }
0x26: {  	[tilespmem:s17+$0x410] =	vst v0  }
.Ltmp2:
0x27: {  	[tilespmem:s17+$0x420] =	vst v0;
	(pc) =	sbr.rel @p0 .LBB2_2-.Ltmp2, $4  }
0x28: {  	[tilespmem:s17+$0x430] =	vst v0  }
0x29: {  	[tilespmem:s17+$0x440] =	vst v0  }
0x2a: {  	[tilespmem:s17+$0x450] =	vst v0  }
0x2b: {  	[tilespmem:s17+$0x460] =	vst v0;
	s17 =	sshra.s32 s18, $0x2;
	s18 =	sadd.s32 $0x200, s18  }
0x2c: {  	[tilespmem:s17+$0x470] =	vst v0  }
0x2d: {  	[tilespmem:s17+$0x400] =	vst v0  }
0x2e: {  	[tilespmem:s17+$0x410] =	vst v0  }
0x2f: {  	[tilespmem:s17+$0x420] =	vst v0  }
0x30: {  	[tilespmem:s17+$0x430] =	vst v0  }
0x31: {  	[tilespmem:s17+$0x440] =	vst v0  }
0x32: {  	[tilespmem:s17+$0x450] =	vst v0  }
0x33: {  	[tilespmem:s17+$0x460] =	vst v0  }
0x34: {  	[spmem:s6] =	stream.linear.scatter [tilespmem:s24], [sflag:$0x4], $0x2800, $0x38;
	[tilespmem:$0x1E000] =	vst v63  }
0x35: {  	_ =	swait.ge [sflag:s25], $0x2800  }
0x36: {  	[sflag:s25] =	ssyncset.done $0x0  }
0x37: {  	s18 =	rddreg [dreg:$0x3];
	[sflag:s25] =	ssyncadd.s32 $0xFFFFD800  }
0x38: {  	[spmem:s18] =	stream.linear.scatter [tilespmem:s24], [sflag:$0x4], $0x2800, $0x38;
	[tilespmem:$0x1E000] =	vst v63  }
0x39: {  	_ =	swait.ge [sflag:s25], $0x2800  }
0x3a: {  	[sflag:s25] =	ssyncset.done $0x0  }
0x3b: {  	s19 =	rddreg [dreg:$0x4];
	[sflag:s25] =	ssyncadd.s32 $0xFFFFD800  }
0x3c: {  	[spmem:s19] =	stream.linear.scatter [tilespmem:s24], [sflag:$0x4], $0x2800, $0x38;
	[tilespmem:$0x1E000] =	vst v63  }
0x3d: {  	_ =	swait.ge [sflag:s25], $0x2800  }
0x3e: {  	[sflag:s25] =	ssyncset.done $0x0  }
0x3f: {  	s20 =	rddreg [dreg:$0x5];
	[sflag:s25] =	ssyncadd.s32 $0xFFFFD800  }
0x40: {  	[spmem:s20] =	stream.linear.scatter [tilespmem:s24], [sflag:$0x4], $0x2800, $0x38;
	[tilespmem:$0x1E000] =	vst v63  }
0x41: {  	_ =	swait.ge [sflag:s25], $0x2800  }
0x42: {  	[sflag:s25] =	ssyncset.done $0x0  }
0x43: {  	s18 =	rddreg [dreg:$0x6];
	[sflag:s25] =	ssyncadd.s32 $0xFFFFD800  }
0x44: {  	[spmem:s18] =	stream.linear.scatter [tilespmem:s24], [sflag:$0x4], $0x2800, $0x38;
	[tilespmem:$0x1E000] =	vst v63  }
0x45: {  	_ =	swait.ge [sflag:s25], $0x2800  }
0x46: {  	[sflag:s25] =	ssyncset.done $0x0  }
0x47: {  	s19 =	rddreg [dreg:$0x7];
	[sflag:s25] =	ssyncadd.s32 $0xFFFFD800  }
0x48: {  	[spmem:s19] =	stream.linear.scatter [tilespmem:s24], [sflag:$0x4], $0x2800, $0x38;
	[tilespmem:$0x1E000] =	vst v63  }
0x49: {  	_ =	swait.ge [sflag:s25], $0x2800  }
0x4a: {  	[sflag:s25] =	ssyncset.done $0x0  }
0x4b: {  	s20 =	rddreg [dreg:$0x8];
	[sflag:s25] =	ssyncadd.s32 $0xFFFFD800  }
0x4c: {  	[spmem:s20] =	stream.linear.scatter [tilespmem:s24], [sflag:$0x4], $0x2800, $0x38;
	[tilespmem:$0x1E000] =	vst v63  }
0x4d: {  	_ =	swait.ge [sflag:s25], $0x2800  }
0x4e: {  	[sflag:s25] =	ssyncset.done $0x0  }
0x4f: {  	s18 =	rddreg [dreg:$0x9];
	[sflag:s25] =	ssyncadd.s32 $0xFFFFD800  }
0x50: {  	[spmem:s18] =	stream.linear.scatter [tilespmem:s24], [sflag:$0x4], $0x2400, $0x38;
	[tilespmem:$0x1E000] =	vst v63  }
0x51: {  	_ =	swait.ge [sflag:s25], $0x2400  }
0x52: {  	[sflag:s25] =	ssyncset.done $0x0  }
0x53: {  	[sflag:s25] =	ssyncadd.s32 $0xFFFFDC00  }
0x54: {  	[bflag:$0x0] =	sbarrier.arrive $0xFFFF  }
0x55: {  	s17 =	simm.s32 $0x0;
	s18 =	rddreg [dreg:$0xa]  }
0x56: {  	[tilespmem:s17], [sflag:$0x2] =	stream.linear.gather [hbm4b:s18+s17], $0x80, $0x38;
	[tilespmem:$0x1E000] =	vst v63  }
0x57: {  	s19 =	rddreg [dreg:$0xb]  }
0x58: {  	[tilespmem:s26], [sflag:$0x2] =	stream.linear.gather [hbm4b:s19+s17], $0x80, $0x38;
	[tilespmem:$0x1E000] =	vst v63  }
0x59: {  	s20 =	rddreg [dreg:$0xc]  }
0x5a: {  	[tilespmem:s28], [sflag:$0x2] =	stream.linear.gather [hbm4b:s20+s17], $0x80, $0x38;
	[tilespmem:$0x1E000] =	vst v63  }
0x5b: {  	s19 =	rddreg [dreg:$0xd]  }
0x5c: {  	[tilespmem:s29], [sflag:$0x2] =	stream.linear.gather [hbm4b:s19+s17], $0x80, $0x38;
	[tilespmem:$0x1E000] =	vst v63  }
0x5d: {  	s20 =	rddreg [dreg:$0xe]  }
0x5e: {  	[tilespmem:s30], [sflag:$0x2] =	stream.linear.gather [hbm4b:s20+s17], $0x80, $0x38;
	[tilespmem:$0x1E000] =	vst v63  }
0x5f: {  	_ = 	snop  }
0x60: {  	[tilespmem:s31], [sflag:$0x2] =	stream.linear.gather [hbm4b:s21+s17], $0x80, $0x38;
	[tilespmem:$0x1E000] =	vst v63  }
0x61: {  	_ =	swait.ge [sflag:s0], $0x80  }
0x62: {  	[sflag:s0] =	ssyncset.done $0x0  }
.Ltmp3:
0x63: {  	[sflag:s0] =	ssyncadd.s32 $0xFFFFFF80;
	(pc) =	sbr.rel .LBB2_4-.Ltmp3, $4  }
0x64: {  	_ =	swait.ge [sflag:s0], $0x80  }
0x65: {  	[sflag:s0] =	ssyncset.done $0x0  }
0x66: {  	s18 =	simm.s32 $0x180;
	[sflag:s0] =	ssyncadd.s32 $0xFFFFFF80  }
0x67: {  	[tilespmem:s24], [sflag:$0x1] =	stream.indirect.gather [hbm4b:s7+s1], $0x80, s17, s1, $0xb8;
	[tilespmem:$0x1E000] =	vst v63  }
.LBB2_12:
0x68: {  	s19 =	sand.u32 $0x7C00, s18  }
0x69: {  	s20 =	sand.u32 $0x380, s18;
	s19 =	sadd.s32 s12, s19  }
0x6a: {  	s19 =	sor.u32 s20, s19  }
0x6b: {  	s19 =	sshrl.u32 s19, $0x3  }
0x6c: {  	s20 =	sadd.s32 s4, s19  }
0x6d: {  	[tilespmem:s3], [sflag:$0x2] =	stream.linear.gather [hbm4b:s20+s3], $0x80, $0x38;
	[tilespmem:$0x1E000] =	vst v63  }
0x6e: {  	s19 =	sadd.s32 s5, s19  }
0x6f: {  	[tilespmem:s26], [sflag:$0x2] =	stream.linear.gather [hbm4b:s19+s3], $0x80, $0x38;
	[tilespmem:$0x1E000] =	vst v63  }
.LBB2_13:
0x70: {  	_ =	swait.ge [sflag:s0], $0x80  }
0x71: {  	[sflag:s0] =	ssyncset.done $0x0  }
0x72: {  	[sflag:s0] =	ssyncadd.s32 $0xFFFFFF80  }
0x73: {  	_ =	swait.ge [sflag:s0], $0x80  }
0x74: {  	[sflag:s0] =	ssyncset.done $0x0  }
0x75: {  	[sflag:s0] =	ssyncadd.s32 $0xFFFFFF80  }
0x76: {  	[tilespmem:s13], [sflag:$0x1] =	stream.indirect.gather [hbm4b:s7+s1], $0x80, s30, s1, $0xb8;
	[tilespmem:$0x1E000] =	vst v63  }
0x77: {  	_ = 	snop  }
0x78: {  	[spmem:s2] =	stream.indirect.scatter.add.f32 [tilespmem:s11], [sflag:$0x3], $0x80, s29, s1, $0xb8;
	[tilespmem:$0x1E000] =	vst v63  }
.LBB2_27:
0x79: {  	s17 =	sadd.s32 $0x1, s17  }
0x7a: {  	p0 =	sne.s32 s17, $0x7D  }
.Ltmp4:
0x7b: {  	_ = 	snop;
	(pc) =	sbr.rel @!p0 .LBB2_28-.Ltmp4, $2  }
0x7c: {  	_ =	sdelay $0x2  }
0x7d: {  	s18 =	sadd.s32 $0x80, s18  }
.LBB2_4:
0x7e: {  	s19 =	sand.u32 $0x3, s17  }
0x7f: {  	p0 =	sgt.s32 s19, $0x1  }
.Ltmp5:
0x80: {  	_ = 	snop;
	(pc) =	sbr.rel @p0 .LBB2_21-.Ltmp5, $4  }
0x81: {  	_ = 	snop  }
0x82: {  	_ =	swait.ge [sflag:s8], $0x2800  }
0x83: {  	[sflag:s8] =	ssyncset.done $0x0  }
0x84: {  	[sflag:s8] =	ssyncadd.s32 $0xFFFFD800  }
0x85: {  	p0 =	seq.s32 s19, $0x0  }
.Ltmp6:
0x86: {  	_ = 	snop;
	(pc) =	sbr.rel @!p0 .LBB2_11-.Ltmp6, $1  }
0x87: {  	_ =	sdelay $0x3  }
0x88: {  	p0 =	seq.s32 s17, $0x0  }
0x89: {  	p1 =	sgt.u32 @!p0 s17, $0x79  }
0x8a: {  	p1 =	por p0, !p1  }
.Ltmp7:
0x8b: {  	_ = 	snop;
	(pc) =	sbr.rel @!p1 .LBB2_8-.Ltmp7, $4  }
0x8c: {  	s19 =	simm.s32 @!p0 $0x3  }
0x8d: {  	_ =	swait.ge @!p0 [sflag:s19], $0x2800  }
0x8e: {  	[sflag:s19] =	ssyncset.done @!p0 $0x0  }
0x8f: {  	[sflag:s19] =	ssyncadd.s32 @!p0 $0xFFFFD800  }
0x90: {  	s19 =	sand.u32 $0x7C00, s18  }
0x91: {  	s20 =	sand.u32 $0x380, s18;
	s19 =	sadd.s32 s12, s19  }
0x92: {  	s19 =	sor.u32 s20, s19  }
.Ltmp8:
0x93: {  	s19 =	sshrl.u32 s19, $0x3;
	(pc) =	sbr.rel .LBB2_9-.Ltmp8, $4  }
0x94: {  	s20 =	sadd.s32 s4, s19  }
0x95: {  	[tilespmem:s9], [sflag:$0x2] =	stream.linear.gather [hbm4b:s20+s3], $0x80, $0x38;
	[tilespmem:$0x1E000] =	vst v63  }
0x96: {  	s19 =	sadd.s32 s5, s19  }
0x97: {  	[tilespmem:s10], [sflag:$0x2] =	stream.linear.gather [hbm4b:s19+s3], $0x80, $0x38;
	[tilespmem:$0x1E000] =	vst v63  }
.LBB2_21:
0x98: {  	p1 =	seq.s32 s19, $0x2  }
.Ltmp9:
0x99: {  	_ = 	snop;
	(pc) =	sbr.rel @!p1 .LBB2_22-.Ltmp9, $2  }
0x9a: {  	_ =	sdelay $0x2  }
0x9b: {  	p0 =	seq.s32 s17, $0x0  }
0x9c: {  	p1 =	sgt.u32 @!p0 s17, $0x79  }
0x9d: {  	p1 =	por p0, !p1  }
.Ltmp10:
0x9e: {  	_ = 	snop;
	(pc) =	sbr.rel @!p1 .LBB2_18-.Ltmp10, $4  }
0x9f: {  	s19 =	simm.s32 @!p0 $0x3  }
0xa0: {  	_ =	swait.ge @!p0 [sflag:s19], $0x2800  }
0xa1: {  	[sflag:s19] =	ssyncset.done @!p0 $0x0  }
0xa2: {  	[sflag:s19] =	ssyncadd.s32 @!p0 $0xFFFFD800  }
0xa3: {  	s19 =	sand.u32 $0x7C00, s18  }
0xa4: {  	s20 =	sand.u32 $0x380, s18;
	s19 =	sadd.s32 s12, s19  }
0xa5: {  	s19 =	sor.u32 s20, s19  }
.Ltmp11:
0xa6: {  	s19 =	sshrl.u32 s19, $0x3;
	(pc) =	sbr.rel .LBB2_19-.Ltmp11, $4  }
0xa7: {  	s20 =	sadd.s32 s4, s19  }
0xa8: {  	[tilespmem:s28], [sflag:$0x2] =	stream.linear.gather [hbm4b:s20+s3], $0x80, $0x38;
	[tilespmem:$0x1E000] =	vst v63  }
0xa9: {  	s19 =	sadd.s32 s5, s19  }
0xaa: {  	[tilespmem:s29], [sflag:$0x2] =	stream.linear.gather [hbm4b:s19+s3], $0x80, $0x38;
	[tilespmem:$0x1E000] =	vst v63  }
.LBB2_11:
0xab: {  	p0 =	seq.s32 s17, $0x0  }
0xac: {  	p1 =	sgt.u32 @!p0 s17, $0x79  }
0xad: {  	p1 =	por p0, !p1  }
.Ltmp12:
0xae: {  	_ = 	snop;
	(pc) =	sbr.rel @p1 .LBB2_12-.Ltmp12, $4  }
0xaf: {  	s19 =	simm.s32 @!p0 $0x3  }
0xb0: {  	_ =	swait.ge @!p0 [sflag:s19], $0x2800  }
0xb1: {  	[sflag:s19] =	ssyncset.done @!p0 $0x0  }
0xb2: {  	[sflag:s19] =	ssyncadd.s32 @!p0 $0xFFFFD800  }
0xb3: {  	p0 =	sne.s32 s17, $0x7C  }
.Ltmp13:
0xb4: {  	_ = 	snop;
	(pc) =	sbr.rel @p0 .LBB2_13-.Ltmp13, $4  }
.Ltmp14:
0xb5: {  	_ = 	snop;
	(pc) =	sbr.rel @!p0 .LBB2_15-.Ltmp14, $4  }
0xb6: {  	_ = 	snop  }
0xb7: {  	_ = 	snop  }
0xb8: {  	_ = 	snop  }
0xb9: {  	_ = 	snop  }
.LBB2_22:
0xba: {  	p1 =	sgt.u32 @!p0 s17, $0x79  }
0xbb: {  	p1 =	por p0, !p1  }
.Ltmp15:
0xbc: {  	_ = 	snop;
	(pc) =	sbr.rel @!p1 .LBB2_24-.Ltmp15, $4  }
0xbd: {  	s19 =	simm.s32 @!p0 $0x3  }
0xbe: {  	_ =	swait.ge @!p0 [sflag:s19], $0x2800  }
0xbf: {  	[sflag:s19] =	ssyncset.done @!p0 $0x0  }
0xc0: {  	[sflag:s19] =	ssyncadd.s32 @!p0 $0xFFFFD800  }
0xc1: {  	s19 =	sand.u32 $0x7C00, s18  }
0xc2: {  	s20 =	sand.u32 $0x380, s18;
	s19 =	sadd.s32 s12, s19  }
0xc3: {  	s19 =	sor.u32 s20, s19  }
.Ltmp16:
0xc4: {  	s19 =	sshrl.u32 s19, $0x3;
	(pc) =	sbr.rel .LBB2_25-.Ltmp16, $4  }
0xc5: {  	s20 =	sadd.s32 s4, s19  }
0xc6: {  	[tilespmem:s30], [sflag:$0x2] =	stream.linear.gather [hbm4b:s20+s3], $0x80, $0x38;
	[tilespmem:$0x1E000] =	vst v63  }
0xc7: {  	s19 =	sadd.s32 s5, s19  }
0xc8: {  	[tilespmem:s31], [sflag:$0x2] =	stream.linear.gather [hbm4b:s19+s3], $0x80, $0x38;
	[tilespmem:$0x1E000] =	vst v63  }
.LBB2_8:
0xc9: {  	p0 =	seq.s32 s17, $0x7C  }
.Ltmp17:
0xca: {  	_ = 	snop;
	(pc) =	sbr.rel @p0 .LBB2_10-.Ltmp17, $1  }
0xcb: {  	_ =	sdelay $0x3  }
.LBB2_9:
0xcc: {  	_ =	swait.ge [sflag:s0], $0x80  }
0xcd: {  	[sflag:s0] =	ssyncset.done $0x0  }
0xce: {  	[sflag:s0] =	ssyncadd.s32 $0xFFFFFF80  }
0xcf: {  	_ =	swait.ge [sflag:s0], $0x80  }
0xd0: {  	[sflag:s0] =	ssyncset.done $0x0  }
0xd1: {  	[sflag:s0] =	ssyncadd.s32 $0xFFFFFF80  }
0xd2: {  	[tilespmem:s11], [sflag:$0x1] =	stream.indirect.gather [hbm4b:s7+s1], $0x80, s28, s1, $0xb8;
	[tilespmem:$0x1E000] =	vst v63  }
.LBB2_10:
.Ltmp18:
0xd3: {  	(pc) =	sbr.rel .LBB2_27-.Ltmp18, $2  }
0xd4: {  	_ =	sdelay $0x2  }
0xd5: {  	[spmem:s2] =	stream.indirect.scatter.add.f32 [tilespmem:s24], [sflag:$0x3], $0x80, s26, s1, $0xb8;
	[tilespmem:$0x1E000] =	vst v63  }
.LBB2_18:
0xd6: {  	p0 =	seq.s32 s17, $0x7C  }
.Ltmp19:
0xd7: {  	_ = 	snop;
	(pc) =	sbr.rel @p0 .LBB2_20-.Ltmp19, $1  }
0xd8: {  	_ =	sdelay $0x3  }
.LBB2_19:
0xd9: {  	_ =	swait.ge [sflag:s0], $0x80  }
0xda: {  	[sflag:s0] =	ssyncset.done $0x0  }
0xdb: {  	[sflag:s0] =	ssyncadd.s32 $0xFFFFFF80  }
0xdc: {  	_ =	swait.ge [sflag:s0], $0x80  }
0xdd: {  	[sflag:s0] =	ssyncset.done $0x0  }
0xde: {  	[sflag:s0] =	ssyncadd.s32 $0xFFFFFF80  }
0xdf: {  	[tilespmem:s15], [sflag:$0x1] =	stream.indirect.gather [hbm4b:s7+s1], $0x80, s9, s1, $0xb8;
	[tilespmem:$0x1E000] =	vst v63  }
.LBB2_20:
.Ltmp20:
0xe0: {  	(pc) =	sbr.rel .LBB2_27-.Ltmp20, $2  }
0xe1: {  	_ =	sdelay $0x2  }
0xe2: {  	[spmem:s2] =	stream.indirect.scatter.add.f32 [tilespmem:s13], [sflag:$0x3], $0x80, s31, s1, $0xb8;
	[tilespmem:$0x1E000] =	vst v63  }
.LBB2_24:
0xe3: {  	p0 =	seq.s32 s17, $0x7C  }
.Ltmp21:
0xe4: {  	_ = 	snop;
	(pc) =	sbr.rel @p0 .LBB2_26-.Ltmp21, $1  }
0xe5: {  	_ =	sdelay $0x3  }
.LBB2_25:
0xe6: {  	_ =	swait.ge [sflag:s0], $0x80  }
0xe7: {  	[sflag:s0] =	ssyncset.done $0x0  }
0xe8: {  	[sflag:s0] =	ssyncadd.s32 $0xFFFFFF80  }
0xe9: {  	_ =	swait.ge [sflag:s0], $0x80  }
0xea: {  	[sflag:s0] =	ssyncset.done $0x0  }
0xeb: {  	[sflag:s0] =	ssyncadd.s32 $0xFFFFFF80  }
0xec: {  	[tilespmem:s24], [sflag:$0x1] =	stream.indirect.gather [hbm4b:s7+s1], $0x80, s3, s1, $0xb8;
	[tilespmem:$0x1E000] =	vst v63  }
.LBB2_26:
.Ltmp22:
0xed: {  	(pc) =	sbr.rel .LBB2_27-.Ltmp22, $2  }
0xee: {  	_ =	sdelay $0x2  }
0xef: {  	[spmem:s2] =	stream.indirect.scatter.add.f32 [tilespmem:s15], [sflag:$0x3], $0x80, s10, s1, $0xb8;
	[tilespmem:$0x1E000] =	vst v63  }
.LBB2_29:
0xf0: {  	_ =	sfence.sel $0x180000  }
0xf1: {  	[bflag:$0x0] =	sbarrier.arrive $0xFFFF  }
0xf2: {  	_ =	strace $0x90000050  }
0xf3: {  	s0 =	stileid.u32;
	[bflag:$0x2] =	sbarrier.arrive $0xFFFF  }
0xf4: {  	p0 =	sne.s32 s0, $0x0;
	s0 =	rddreg [dreg:$0x2]  }
0xf5: {  	s0 =	sadd.s32 @!p0 $0x100000, s0  }
0xf6: {  	[sflag:s0] =	ssyncadd.tile.s32 @!p0 $0x1;
	_ =	shalt  }
.Lfunc_end2:
_tile_overlayer_lowered:
.L_overlay_start_2:
0xf7: {  	(tag) =	ssettag $0x2  }
0xf8: {  	s0 =	rddreg [dreg:$0x0];
	s2 =	stileid.u32  }
0xf9: {  	s1 =	rddreg [dreg:$0x1];
	p0 =	sne.s32 s2, $0x0  }
0xfa: {  	s3 =	rddreg [dreg:$0x2];
	[bflag:$0x3] =	sbarrier.arrive $0xFFFF;
	s2 =	simm.s32 @!p0 $0x1C04  }
0xfb: {  	[timem:s3], [sflag:s2] =	dma.local @!p0 [hbm:s0], s1  }
0xfc: {  	s0 =	simm.s32 @!p0 $0x4  }
0xfd: {  	_ =	swait.ge @!p0 [sflag:s0], s1  }
0xfe: {  	s1 =	ssub.s32 @!p0 $0x0, s1;
	[sflag:s0] =	ssyncset.done @!p0 $0x0  }
0xff: {  	[sflag:s0] =	ssyncadd.s32 @!p0 s1  }
0x100: {  	[bflag:$0x3] =	sbarrier.arrive $0xFFFF  }
0x101: {  	_ =	shalt  }

</sc_bundles>
